<compile_context>
chip_gen: v7x
topology: tpu7x:2x2x1
jax: 0.10.2.dev20260603
libtpu: 0.0.44.dev20260713+nightly
codegen_flags: <defaults>
</compile_context>

<pallas_src>
import functools

import jax
import jax.numpy as jnp
from jax import lax
from jax.experimental import pallas as pl
from jax.experimental.pallas import tpu as pltpu
from jax.experimental.pallas import tpu_sc as plsc

VOCAB = 1000000
DIM = 32
BATCH = 16384
HIST = 50
N = BATCH * HIST

ROW_W = 16
RPL = DIM // ROW_W
TAB_ROWS = VOCAB * RPL
OUT_ROWS = N * RPL

_info = plsc.get_sparse_core_info()
NC, NS = _info.num_cores, _info.num_subcores
NW = NC * NS
BPW = N // NW
CHUNK = 800
NBUF = 3
NCHUNK = BPW // CHUNK

_mesh = plsc.VectorSubcoreMesh(core_axis_name="c", subcore_axis_name="s")

@functools.partial(
    pl.kernel,
    out_type=jax.ShapeDtypeStruct((OUT_ROWS, ROW_W), jnp.float32),
    mesh=_mesh,
    scratch_types=[
        pltpu.VMEM((BPW,), jnp.int32),
        pltpu.VMEM((NBUF, RPL * CHUNK), jnp.int32),
        pltpu.VMEM((NBUF, RPL * CHUNK, ROW_W), jnp.float32),
        pltpu.SemaphoreType.DMA((NBUF,)),
        pltpu.SemaphoreType.DMA((NBUF,)),
    ],
    compiler_params=pltpu.CompilerParams(
        use_tc_tiling_on_sc=False, needs_layout_passes=False
    ),
)
def _gather_rows(idx_hbm, tab_hbm, out_hbm, idx_v, idx2_v, rows_v, sem_g, sem_o):
    wid = lax.axis_index("s") * NC + lax.axis_index("c")
    base = wid * BPW
    pltpu.sync_copy(idx_hbm.at[pl.ds(base, BPW)], idx_v)

    lanes = lax.iota(jnp.int32, 16)

    def build_idx2(i, b):
        slot = idx2_v.at[b]

        def body(j, carry):
            seg = idx_v[pl.ds(i * CHUNK + j * 16, 16)]
            two = seg * 2
            pos = (j * 16 + lanes) * 2
            plsc.store_scatter(slot, [pos], two)
            plsc.store_scatter(slot, [pos + 1], two + 1)
            return carry

        lax.fori_loop(0, CHUNK // 16, body, 0)

    def gather(i, b):
        build_idx2(i, b)
        return pltpu.async_copy(
            tab_hbm.at[idx2_v.at[b]],
            rows_v.at[b],
            sem_g.at[b],
        )

    def flush(i, b):
        return pltpu.async_copy(
            rows_v.at[b],
            out_hbm.at[pl.ds((base + i * CHUNK) * RPL, RPL * CHUNK)],
            sem_o.at[b],
        )

    in_g = [None] * NBUF
    in_o = [None] * NBUF
    for b in range(min(NBUF, NCHUNK)):
        in_g[b] = gather(b, b)
    for i in range(NCHUNK):
        b = i % NBUF
        in_g[b].wait()
        in_o[b] = flush(i, b)
        nxt = i + NBUF
        if nxt < NCHUNK:
            in_o[b].wait()
            in_g[b] = gather(nxt, b)
    for i in range(max(0, NCHUNK - NBUF), NCHUNK):
        in_o[i % NBUF].wait()


def kernel(x, embeddings):
    flat = x.reshape(N)
    tab = embeddings.reshape(TAB_ROWS, ROW_W)
    out = _gather_rows(flat, tab)
    return out.reshape(BATCH, HIST, DIM)

# --- scband reference (transcript-rebuilt; emitter-appended) ---
"""Pipeline reference for scband-embedding-54803782697049 (READ-ONLY COPY).

The authoritative reference and input builder live on the scoring server;
editing this copy changes nothing except your own understanding.
"""

import jax, jax.numpy as jnp
import numpy as np

VOCAB = 1000000
DIM = 32
BATCH = 16384
HIST = 50

def setup_inputs(seed: int = 0) -> dict:
    key = jax.random.key(seed)
    k_idx, k_tab = jax.random.split(key)
    x = jax.random.randint(k_idx, (BATCH, HIST), 0, VOCAB, dtype=jnp.int64 if jax.config.jax_enable_x64 else jnp.int32).astype(jnp.int32)
    # hk.Embed default init: truncated normal with stddev 1/sqrt(vocab_size); plain normal is a faithful stand-in
    embeddings = jax.random.normal(k_tab, (VOCAB, DIM), dtype=jnp.float32) * (1.0 / np.sqrt(VOCAB))
    return {"x": x, "embeddings": embeddings}

def reference(x, embeddings):
    # hk.Embed lookup: gather rows of the embedding table
    return jnp.take(embeddings, x, axis=0)

if __name__ == "__main__":
    import jax
    _d = setup_inputs()
    print(jax.jit(kernel)(*tuple(_d.values())))

</pallas_src>

<mosaic_0001>
#map = affine_map<(d0, d1) -> (0)>
#map1 = affine_map<(d0, d1) -> (0, 0)>
module attributes {stable_mosaic.version = 14 : i64} {
  func.func @_gather_rows(%arg0: i32, %arg1: i32, %arg2: memref<819200xi32, #tpu.memory_space<hbm>>, %arg3: memref<2000000x16xf32, #tpu.memory_space<hbm>>, %arg4: memref<1638400x16xf32, #tpu.memory_space<hbm>>, %arg5: memref<25600xi32, #tpu.memory_space<vmem>>, %arg6: memref<3x1600xi32, #tpu.memory_space<vmem>>, %arg7: memref<3x1600x16xf32, #tpu.memory_space<vmem>>, %arg8: memref<3x!tpu.dma_semaphore, #tpu.memory_space<semaphore_mem>>, %arg9: memref<3x!tpu.dma_semaphore, #tpu.memory_space<semaphore_mem>>) attributes {dimension_semantics = [#tpu.dimension_semantics<core_parallel>, #tpu.dimension_semantics<subcore_parallel>], iteration_bounds = array<i64: 2, 16>, scalar_prefetch = 0 : i64, scratch_operands = 5 : i64, tpu.core_type = #tpu.core_type<sc_vector_subcore>, window_params = [{transform_indices = #map}, {transform_indices = #map1}, {transform_indices = #map1}]} {
    %mul3A = arith.constant 2 : i32
    %mul3A_0 = arith.muli %arg1, %mul3A : i32
    %add3A = arith.addi %mul3A_0, %arg0 : i32
    %mul3A_1 = arith.constant 25600 : i32
    %mul3A_2 = arith.muli %add3A, %mul3A_1 : i32
    "tpu.region"() ({
      %run_scoped3A = tpu.sem_alloc : memref<!tpu.dma_semaphore, #tpu.memory_space<semaphore_mem>>
      %dma_start3A_2336 = tpu.memref_slice %arg2[%mul3A_2] : memref<819200xi32, #tpu.memory_space<hbm>> -> memref<25600xi32, #tpu.memory_space<hbm>>
      %dma_start3A_2337 = tpu.memref_slice %arg2[%mul3A_2] : memref<819200xi32, #tpu.memory_space<hbm>> -> memref<25600xi32, #tpu.memory_space<hbm>>
      tpu.enqueue_dma source(%dma_start3A_2337 : memref<25600xi32, #tpu.memory_space<hbm>>) target(%arg5 : memref<25600xi32, #tpu.memory_space<vmem>>) target_semaphore(%run_scoped3A : memref<!tpu.dma_semaphore, #tpu.memory_space<semaphore_mem>>)
      %dma_wait3A_2338 = tpu.memref_slice %arg2[%mul3A_2] : memref<819200xi32, #tpu.memory_space<hbm>> -> memref<25600xi32, #tpu.memory_space<hbm>>
      %dma_wait3A_2339 = tpu.memref_slice %arg2[%mul3A_2] : memref<819200xi32, #tpu.memory_space<hbm>> -> memref<25600xi32, #tpu.memory_space<hbm>>
      tpu.wait_dma2 semaphore(%run_scoped3A : memref<!tpu.dma_semaphore, #tpu.memory_space<semaphore_mem>>) src(%dma_wait3A_2339 : memref<25600xi32, #tpu.memory_space<hbm>>) dst(%arg5 : memref<25600xi32, #tpu.memory_space<vmem>>)
      tpu.yield
    }) : () -> ()
    %iota3A = tpu.iota {dimensions = array<i32: 0>} : vector<16xi32>
    %scan3A = arith.constant 0 : i32
    %scan3A_3 = arith.constant 0 : i32
    %scan3A_4 = arith.constant 0 : i32
    %scan3A_5 = arith.constant 50 : i32
    %scan3A_6 = arith.addi %scan3A_4, %scan3A_5 : i32
    %scan3A_7 = arith.constant 1 : i32
    scf.for %scan3A_2336 = %scan3A_4 to %scan3A_6 step %scan3A_7  : i32 {
      %mul3A_2337 = arith.constant 16 : i32
      %mul3A_2338 = arith.muli %scan3A_2336, %mul3A_2337 : i32
      %add3A_2339 = arith.constant 0 : i32
      %add3A_2340 = arith.addi %add3A_2339, %mul3A_2338 : i32
      %get3A = arith.index_cast %add3A_2340 : i32 to index
      %get3A_2341 = tpu.vector_load %arg5[%get3A] {strides = array<i32>} : memref<25600xi32, #tpu.memory_space<vmem>>, vector<16xi32>,
      %mul3A_2342 = arith.constant 2 : i32
      %mul3A_2343 = vector.broadcast %mul3A_2342 : i32 to vector<16xi32>
      %mul3A_2344 = arith.muli %get3A_2341, %mul3A_2343 : vector<16xi32>
      %mul3A_2345 = arith.constant 16 : i32
      %mul3A_2346 = arith.muli %scan3A_2336, %mul3A_2345 : i32
      %add3A_2347 = vector.broadcast %mul3A_2346 : i32 to vector<16xi32>
      %add3A_2348 = arith.addi %add3A_2347, %iota3A : vector<16xi32>
      %mul3A_2349 = arith.constant 2 : i32
      %mul3A_2350 = vector.broadcast %mul3A_2349 : i32 to vector<16xi32>
      %mul3A_2351 = arith.muli %add3A_2348, %mul3A_2350 : vector<16xi32>
      %scatter3A = arith.constant 0 : i32
      %scatter3A_2352 = tpu.memref_slice %arg6[%scan3A_3, %scatter3A] : memref<3x1600xi32, #tpu.memory_space<vmem>> -> memref<1x1600xi32, #tpu.memory_space<vmem>>
      %scatter3A_2353 = tpu.memref_squeeze %scatter3A_2352 : memref<1x1600xi32, #tpu.memory_space<vmem>> -> memref<1600xi32, #tpu.memory_space<vmem>>
      tpu.vector_store_idx %scatter3A_2353[%mul3A_2351], %mul3A_2344 : memref<1600xi32, #tpu.memory_space<vmem>>[vector<16xi32>], vector<16xi32>,
      %add3A_2354 = arith.constant 1 : i32
      %add3A_2355 = vector.broadcast %add3A_2354 : i32 to vector<16xi32>
      %add3A_2356 = arith.addi %mul3A_2351, %add3A_2355 : vector<16xi32>
      %add3A_2357 = arith.constant 1 : i32
      %add3A_2358 = vector.broadcast %add3A_2357 : i32 to vector<16xi32>
      %add3A_2359 = arith.addi %mul3A_2344, %add3A_2358 : vector<16xi32>
      %scatter3A_2360 = arith.constant 0 : i32
      %scatter3A_2361 = tpu.memref_slice %arg6[%scan3A_3, %scatter3A_2360] : memref<3x1600xi32, #tpu.memory_space<vmem>> -> memref<1x1600xi32, #tpu.memory_space<vmem>>
      %scatter3A_2362 = tpu.memref_squeeze %scatter3A_2361 : memref<1x1600xi32, #tpu.memory_space<vmem>> -> memref<1600xi32, #tpu.memory_space<vmem>>
      tpu.vector_store_idx %scatter3A_2362[%add3A_2356], %add3A_2359 : memref<1600xi32, #tpu.memory_space<vmem>>[vector<16xi32>], vector<16xi32>,
    }
    %scan3A_8 = arith.constant 50 : i32
    %dma_start3A = arith.constant 0 : i32
    %dma_start3A_9 = arith.constant 0 : i32
    %dma_start3A_10 = arith.constant 0 : i32
    %dma_start3A_11 = arith.constant 0 : i32
    %dma_start3A_12 = arith.constant 0 : i32
    %dma_start3A_13 = tpu.memref_slice %arg7[%dma_start3A_9, %dma_start3A_11, %dma_start3A_12] : memref<3x1600x16xf32, #tpu.memory_space<vmem>> -> memref<1x1600x16xf32, #tpu.memory_space<vmem>>
    %dma_start3A_14 = tpu.memref_squeeze %dma_start3A_13 : memref<1x1600x16xf32, #tpu.memory_space<vmem>> -> memref<1600x16xf32, #tpu.memory_space<vmem>>
    %dma_start3A_15 = arith.constant 0 : i32
    %dma_start3A_16 = tpu.memref_slice %arg6[%dma_start3A, %dma_start3A_15] : memref<3x1600xi32, #tpu.memory_space<vmem>> -> memref<1x1600xi32, #tpu.memory_space<vmem>>
    %dma_start3A_17 = tpu.memref_squeeze %dma_start3A_16 : memref<1x1600xi32, #tpu.memory_space<vmem>> -> memref<1600xi32, #tpu.memory_space<vmem>>
    %dma_start3A_18 = arith.constant 0 : i32
    %dma_start3A_19 = arith.constant 0 : i32
    %dma_start3A_20 = tpu.memref_slice %arg3[%dma_start3A_18, %dma_start3A_19] : memref<2000000x16xf32, #tpu.memory_space<hbm>> -> memref<2000000x16xf32, #tpu.memory_space<hbm>>
    %dma_start3A_21 = tpu.memref_slice %arg8[%dma_start3A_10] : memref<3x!tpu.dma_semaphore, #tpu.memory_space<semaphore_mem>> -> memref<1x!tpu.dma_semaphore, #tpu.memory_space<semaphore_mem>>
    %dma_start3A_22 = tpu.memref_squeeze %dma_start3A_21 : memref<1x!tpu.dma_semaphore, #tpu.memory_space<semaphore_mem>> -> memref<!tpu.dma_semaphore, #tpu.memory_space<semaphore_mem>>
    tpu.enqueue_indirect_dma source(%dma_start3A_20 : memref<2000000x16xf32, #tpu.memory_space<hbm>>) target(%dma_start3A_14 : memref<1600x16xf32, #tpu.memory_space<vmem>>) offsets(%dma_start3A_17 : memref<1600xi32, #tpu.memory_space<vmem>>) semaphore(%dma_start3A_22 : memref<!tpu.dma_semaphore, #tpu.memory_space<semaphore_mem>>)
    %scan3A_23 = arith.constant 0 : i32
    %scan3A_24 = arith.constant 1 : i32
    %scan3A_25 = arith.constant 0 : i32
    %scan3A_26 = arith.constant 50 : i32
    %scan3A_27 = arith.addi %scan3A_25, %scan3A_26 : i32
    %scan3A_28 = arith.constant 1 : i32
    scf.for %scan3A_2336 = %scan3A_25 to %scan3A_27 step %scan3A_28  : i32 {
      %mul3A_2337 = arith.constant 16 : i32
      %mul3A_2338 = arith.muli %scan3A_2336, %mul3A_2337 : i32
      %add3A_2339 = arith.constant 800 : i32
      %add3A_2340 = arith.addi %add3A_2339, %mul3A_2338 : i32
      %get3A = arith.index_cast %add3A_2340 : i32 to index
      %get3A_2341 = tpu.vector_load %arg5[%get3A] {strides = array<i32>} : memref<25600xi32, #tpu.memory_space<vmem>>, vector<16xi32>,
      %mul3A_2342 = arith.constant 2 : i32
      %mul3A_2343 = vector.broadcast %mul3A_2342 : i32 to vector<16xi32>
      %mul3A_2344 = arith.muli %get3A_2341, %mul3A_2343 : vector<16xi32>
      %mul3A_2345 = arith.constant 16 : i32
      %mul3A_2346 = arith.muli %scan3A_2336, %mul3A_2345 : i32
      %add3A_2347 = vector.broadcast %mul3A_2346 : i32 to vector<16xi32>
      %add3A_2348 = arith.addi %add3A_2347, %iota3A : vector<16xi32>
      %mul3A_2349 = arith.constant 2 : i32
      %mul3A_2350 = vector.broadcast %mul3A_2349 : i32 to vector<16xi32>
      %mul3A_2351 = arith.muli %add3A_2348, %mul3A_2350 : vector<16xi32>
      %scatter3A = arith.constant 0 : i32
      %scatter3A_2352 = tpu.memref_slice %arg6[%scan3A_24, %scatter3A] : memref<3x1600xi32, #tpu.memory_space<vmem>> -> memref<1x1600xi32, #tpu.memory_space<vmem>>
      %scatter3A_2353 = tpu.memref_squeeze %scatter3A_2352 : memref<1x1600xi32, #tpu.memory_space<vmem>> -> memref<1600xi32, #tpu.memory_space<vmem>>
      tpu.vector_store_idx %scatter3A_2353[%mul3A_2351], %mul3A_2344 : memref<1600xi32, #tpu.memory_space<vmem>>[vector<16xi32>], vector<16xi32>,
      %add3A_2354 = arith.constant 1 : i32
      %add3A_2355 = vector.broadcast %add3A_2354 : i32 to vector<16xi32>
      %add3A_2356 = arith.addi %mul3A_2351, %add3A_2355 : vector<16xi32>
      %add3A_2357 = arith.constant 1 : i32
      %add3A_2358 = vector.broadcast %add3A_2357 : i32 to vector<16xi32>
      %add3A_2359 = arith.addi %mul3A_2344, %add3A_2358 : vector<16xi32>
      %scatter3A_2360 = arith.constant 0 : i32
      %scatter3A_2361 = tpu.memref_slice %arg6[%scan3A_24, %scatter3A_2360] : memref<3x1600xi32, #tpu.memory_space<vmem>> -> memref<1x1600xi32, #tpu.memory_space<vmem>>
      %scatter3A_2362 = tpu.memref_squeeze %scatter3A_2361 : memref<1x1600xi32, #tpu.memory_space<vmem>> -> memref<1600xi32, #tpu.memory_space<vmem>>
      tpu.vector_store_idx %scatter3A_2362[%add3A_2356], %add3A_2359 : memref<1600xi32, #tpu.memory_space<vmem>>[vector<16xi32>], vector<16xi32>,
    }
    %scan3A_29 = arith.constant 50 : i32
    %dma_start3A_30 = arith.constant 1 : i32
    %dma_start3A_31 = arith.constant 1 : i32
    %dma_start3A_32 = arith.constant 1 : i32
    %dma_start3A_33 = arith.constant 0 : i32
    %dma_start3A_34 = arith.constant 0 : i32
    %dma_start3A_35 = tpu.memref_slice %arg7[%dma_start3A_31, %dma_start3A_33, %dma_start3A_34] : memref<3x1600x16xf32, #tpu.memory_space<vmem>> -> memref<1x1600x16xf32, #tpu.memory_space<vmem>>
    %dma_start3A_36 = tpu.memref_squeeze %dma_start3A_35 : memref<1x1600x16xf32, #tpu.memory_space<vmem>> -> memref<1600x16xf32, #tpu.memory_space<vmem>>
    %dma_start3A_37 = arith.constant 0 : i32
    %dma_start3A_38 = tpu.memref_slice %arg6[%dma_start3A_30, %dma_start3A_37] : memref<3x1600xi32, #tpu.memory_space<vmem>> -> memref<1x1600xi32, #tpu.memory_space<vmem>>
    %dma_start3A_39 = tpu.memref_squeeze %dma_start3A_38 : memref<1x1600xi32, #tpu.memory_space<vmem>> -> memref<1600xi32, #tpu.memory_space<vmem>>
    %dma_start3A_40 = arith.constant 0 : i32
    %dma_start3A_41 = arith.constant 0 : i32
    %dma_start3A_42 = tpu.memref_slice %arg3[%dma_start3A_40, %dma_start3A_41] : memref<2000000x16xf32, #tpu.memory_space<hbm>> -> memref<2000000x16xf32, #tpu.memory_space<hbm>>
    %dma_start3A_43 = tpu.memref_slice %arg8[%dma_start3A_32] : memref<3x!tpu.dma_semaphore, #tpu.memory_space<semaphore_mem>> -> memref<1x!tpu.dma_semaphore, #tpu.memory_space<semaphore_mem>>
    %dma_start3A_44 = tpu.memref_squeeze %dma_start3A_43 : memref<1x!tpu.dma_semaphore, #tpu.memory_space<semaphore_mem>> -> memref<!tpu.dma_semaphore, #tpu.memory_space<semaphore_mem>>
    tpu.enqueue_indirect_dma source(%dma_start3A_42 : memref<2000000x16xf32, #tpu.memory_space<hbm>>) target(%dma_start3A_36 : memref<1600x16xf32, #tpu.memory_space<vmem>>) offsets(%dma_start3A_39 : memref<1600xi32, #tpu.memory_space<vmem>>) semaphore(%dma_start3A_44 : memref<!tpu.dma_semaphore, #tpu.memory_space<semaphore_mem>>)
    %scan3A_45 = arith.constant 0 : i32
    %scan3A_46 = arith.constant 2 : i32
    %scan3A_47 = arith.constant 0 : i32
    %scan3A_48 = arith.constant 50 : i32
    %scan3A_49 = arith.addi %scan3A_47, %scan3A_48 : i32
    %scan3A_50 = arith.constant 1 : i32
    scf.for %scan3A_2336 = %scan3A_47 to %scan3A_49 step %scan3A_50  : i32 {
      %mul3A_2337 = arith.constant 16 : i32
      %mul3A_2338 = arith.muli %scan3A_2336, %mul3A_2337 : i32
      %add3A_2339 = arith.constant 1600 : i32
      %add3A_2340 = arith.addi %add3A_2339, %mul3A_2338 : i32
      %get3A = arith.index_cast %add3A_2340 : i32 to index
      %get3A_2341 = tpu.vector_load %arg5[%get3A] {strides = array<i32>} : memref<25600xi32, #tpu.memory_space<vmem>>, vector<16xi32>,
      %mul3A_2342 = arith.constant 2 : i32
      %mul3A_2343 = vector.broadcast %mul3A_2342 : i32 to vector<16xi32>
      %mul3A_2344 = arith.muli %get3A_2341, %mul3A_2343 : vector<16xi32>
      %mul3A_2345 = arith.constant 16 : i32
      %mul3A_2346 = arith.muli %scan3A_2336, %mul3A_2345 : i32
      %add3A_2347 = vector.broadcast %mul3A_2346 : i32 to vector<16xi32>
      %add3A_2348 = arith.addi %add3A_2347, %iota3A : vector<16xi32>
      %mul3A_2349 = arith.constant 2 : i32
      %mul3A_2350 = vector.broadcast %mul3A_2349 : i32 to vector<16xi32>
      %mul3A_2351 = arith.muli %add3A_2348, %mul3A_2350 : vector<16xi32>
      %scatter3A = arith.constant 0 : i32
      %scatter3A_2352 = tpu.memref_slice %arg6[%scan3A_46, %scatter3A] : memref<3x1600xi32, #tpu.memory_space<vmem>> -> memref<1x1600xi32, #tpu.memory_space<vmem>>
      %scatter3A_2353 = tpu.memref_squeeze %scatter3A_2352 : memref<1x1600xi32, #tpu.memory_space<vmem>> -> memref<1600xi32, #tpu.memory_space<vmem>>
      tpu.vector_store_idx %scatter3A_2353[%mul3A_2351], %mul3A_2344 : memref<1600xi32, #tpu.memory_space<vmem>>[vector<16xi32>], vector<16xi32>,
      %add3A_2354 = arith.constant 1 : i32
      %add3A_2355 = vector.broadcast %add3A_2354 : i32 to vector<16xi32>
      %add3A_2356 = arith.addi %mul3A_2351, %add3A_2355 : vector<16xi32>
      %add3A_2357 = arith.constant 1 : i32
      %add3A_2358 = vector.broadcast %add3A_2357 : i32 to vector<16xi32>
      %add3A_2359 = arith.addi %mul3A_2344, %add3A_2358 : vector<16xi32>
      %scatter3A_2360 = arith.constant 0 : i32
      %scatter3A_2361 = tpu.memref_slice %arg6[%scan3A_46, %scatter3A_2360] : memref<3x1600xi32, #tpu.memory_space<vmem>> -> memref<1x1600xi32, #tpu.memory_space<vmem>>
      %scatter3A_2362 = tpu.memref_squeeze %scatter3A_2361 : memref<1x1600xi32, #tpu.memory_space<vmem>> -> memref<1600xi32, #tpu.memory_space<vmem>>
      tpu.vector_store_idx %scatter3A_2362[%add3A_2356], %add3A_2359 : memref<1600xi32, #tpu.memory_space<vmem>>[vector<16xi32>], vector<16xi32>,
    }
    %scan3A_51 = arith.constant 50 : i32
    %dma_start3A_52 = arith.constant 2 : i32
    %dma_start3A_53 = arith.constant 2 : i32
    %dma_start3A_54 = arith.constant 2 : i32
    %dma_start3A_55 = arith.constant 0 : i32
    %dma_start3A_56 = arith.constant 0 : i32
    %dma_start3A_57 = tpu.memref_slice %arg7[%dma_start3A_53, %dma_start3A_55, %dma_start3A_56] : memref<3x1600x16xf32, #tpu.memory_space<vmem>> -> memref<1x1600x16xf32, #tpu.memory_space<vmem>>
    %dma_start3A_58 = tpu.memref_squeeze %dma_start3A_57 : memref<1x1600x16xf32, #tpu.memory_space<vmem>> -> memref<1600x16xf32, #tpu.memory_space<vmem>>
    %dma_start3A_59 = arith.constant 0 : i32
    %dma_start3A_60 = tpu.memref_slice %arg6[%dma_start3A_52, %dma_start3A_59] : memref<3x1600xi32, #tpu.memory_space<vmem>> -> memref<1x1600xi32, #tpu.memory_space<vmem>>
    %dma_start3A_61 = tpu.memref_squeeze %dma_start3A_60 : memref<1x1600xi32, #tpu.memory_space<vmem>> -> memref<1600xi32, #tpu.memory_space<vmem>>
    %dma_start3A_62 = arith.constant 0 : i32
    %dma_start3A_63 = arith.constant 0 : i32
    %dma_start3A_64 = tpu.memref_slice %arg3[%dma_start3A_62, %dma_start3A_63] : memref<2000000x16xf32, #tpu.memory_space<hbm>> -> memref<2000000x16xf32, #tpu.memory_space<hbm>>
    %dma_start3A_65 = tpu.memref_slice %arg8[%dma_start3A_54] : memref<3x!tpu.dma_semaphore, #tpu.memory_space<semaphore_mem>> -> memref<1x!tpu.dma_semaphore, #tpu.memory_space<semaphore_mem>>
    %dma_start3A_66 = tpu.memref_squeeze %dma_start3A_65 : memref<1x!tpu.dma_semaphore, #tpu.memory_space<semaphore_mem>> -> memref<!tpu.dma_semaphore, #tpu.memory_space<semaphore_mem>>
    tpu.enqueue_indirect_dma source(%dma_start3A_64 : memref<2000000x16xf32, #tpu.memory_space<hbm>>) target(%dma_start3A_58 : memref<1600x16xf32, #tpu.memory_space<vmem>>) offsets(%dma_start3A_61 : memref<1600xi32, #tpu.memory_space<vmem>>) semaphore(%dma_start3A_66 : memref<!tpu.dma_semaphore, #tpu.memory_space<semaphore_mem>>)
    %dma_wait3A = arith.constant 0 : i32
    %dma_wait3A_67 = arith.constant 0 : i32
    %dma_wait3A_68 = arith.constant 0 : i32
    %dma_wait3A_69 = arith.constant 0 : i32
    %dma_wait3A_70 = arith.constant 0 : i32
    %dma_wait3A_71 = tpu.memref_slice %arg7[%dma_wait3A_67, %dma_wait3A_69, %dma_wait3A_70] : memref<3x1600x16xf32, #tpu.memory_space<vmem>> -> memref<1x1600x16xf32, #tpu.memory_space<vmem>>
    %dma_wait3A_72 = tpu.memref_squeeze %dma_wait3A_71 : memref<1x1600x16xf32, #tpu.memory_space<vmem>> -> memref<1600x16xf32, #tpu.memory_space<vmem>>
    %dma_wait3A_73 = arith.constant 0 : i32
    %dma_wait3A_74 = tpu.memref_slice %arg6[%dma_wait3A, %dma_wait3A_73] : memref<3x1600xi32, #tpu.memory_space<vmem>> -> memref<1x1600xi32, #tpu.memory_space<vmem>>
    %dma_wait3A_75 = tpu.memref_squeeze %dma_wait3A_74 : memref<1x1600xi32, #tpu.memory_space<vmem>> -> memref<1600xi32, #tpu.memory_space<vmem>>
    %dma_wait3A_76 = arith.constant 0 : i32
    %dma_wait3A_77 = arith.constant 0 : i32
    %dma_wait3A_78 = tpu.memref_slice %arg3[%dma_wait3A_76, %dma_wait3A_77] : memref<2000000x16xf32, #tpu.memory_space<hbm>> -> memref<2000000x16xf32, #tpu.memory_space<hbm>>
    %dma_wait3A_79 = tpu.memref_slice %arg8[%dma_wait3A_68] : memref<3x!tpu.dma_semaphore, #tpu.memory_space<semaphore_mem>> -> memref<1x!tpu.dma_semaphore, #tpu.memory_space<semaphore_mem>>
    %dma_wait3A_80 = tpu.memref_squeeze %dma_wait3A_79 : memref<1x!tpu.dma_semaphore, #tpu.memory_space<semaphore_mem>> -> memref<!tpu.dma_semaphore, #tpu.memory_space<semaphore_mem>>
    tpu.wait_indirect_dma semaphore(%dma_wait3A_80 : memref<!tpu.dma_semaphore, #tpu.memory_space<semaphore_mem>>) src(%dma_wait3A_78 : memref<2000000x16xf32, #tpu.memory_space<hbm>>) dst(%dma_wait3A_72 : memref<1600x16xf32, #tpu.memory_space<vmem>>)
    %add3A_81 = arith.constant 0 : i32
    %add3A_82 = arith.addi %mul3A_2, %add3A_81 : i32
    %mul3A_83 = arith.constant 2 : i32
    %mul3A_84 = arith.muli %add3A_82, %mul3A_83 : i32
    %dma_start3A_85 = arith.constant 0 : i32
    %dma_start3A_86 = arith.constant 0 : i32
    %dma_start3A_87 = arith.constant 0 : i32
    %dma_start3A_88 = arith.constant 0 : i32
    %dma_start3A_89 = tpu.memref_slice %arg7[%dma_start3A_85, %dma_start3A_87, %dma_start3A_88] : memref<3x1600x16xf32, #tpu.memory_space<vmem>> -> memref<1x1600x16xf32, #tpu.memory_space<vmem>>
    %dma_start3A_90 = tpu.memref_squeeze %dma_start3A_89 : memref<1x1600x16xf32, #tpu.memory_space<vmem>> -> memref<1600x16xf32, #tpu.memory_space<vmem>>
    %dma_start3A_91 = arith.constant 0 : i32
    %dma_start3A_92 = tpu.memref_slice %arg4[%mul3A_84, %dma_start3A_91] : memref<1638400x16xf32, #tpu.memory_space<hbm>> -> memref<1600x16xf32, #tpu.memory_space<hbm>>
    %dma_start3A_93 = tpu.memref_slice %arg9[%dma_start3A_86] : memref<3x!tpu.dma_semaphore, #tpu.memory_space<semaphore_mem>> -> memref<1x!tpu.dma_semaphore, #tpu.memory_space<semaphore_mem>>
    %dma_start3A_94 = tpu.memref_squeeze %dma_start3A_93 : memref<1x!tpu.dma_semaphore, #tpu.memory_space<semaphore_mem>> -> memref<!tpu.dma_semaphore, #tpu.memory_space<semaphore_mem>>
    %dma_start3A_95 = arith.constant 0 : i32
    %dma_start3A_96 = tpu.memref_slice %arg4[%mul3A_84, %dma_start3A_95] : memref<1638400x16xf32, #tpu.memory_space<hbm>> -> memref<1600x16xf32, #tpu.memory_space<hbm>>
    %dma_start3A_97 = arith.constant 0 : i32
    %dma_start3A_98 = arith.constant 0 : i32
    %dma_start3A_99 = tpu.memref_slice %arg7[%dma_start3A_85, %dma_start3A_97, %dma_start3A_98] : memref<3x1600x16xf32, #tpu.memory_space<vmem>> -> memref<1x1600x16xf32, #tpu.memory_space<vmem>>
    %dma_start3A_100 = tpu.memref_squeeze %dma_start3A_99 : memref<1x1600x16xf32, #tpu.memory_space<vmem>> -> memref<1600x16xf32, #tpu.memory_space<vmem>>
    tpu.enqueue_dma source(%dma_start3A_100 : memref<1600x16xf32, #tpu.memory_space<vmem>>) target(%dma_start3A_96 : memref<1600x16xf32, #tpu.memory_space<hbm>>) target_semaphore(%dma_start3A_94 : memref<!tpu.dma_semaphore, #tpu.memory_space<semaphore_mem>>)
    %dma_wait3A_101 = arith.constant 0 : i32
    %dma_wait3A_102 = arith.constant 0 : i32
    %dma_wait3A_103 = arith.constant 0 : i32
    %dma_wait3A_104 = arith.constant 0 : i32
    %dma_wait3A_105 = tpu.memref_slice %arg7[%dma_wait3A_101, %dma_wait3A_103, %dma_wait3A_104] : memref<3x1600x16xf32, #tpu.memory_space<vmem>> -> memref<1x1600x16xf32, #tpu.memory_space<vmem>>
    %dma_wait3A_106 = tpu.memref_squeeze %dma_wait3A_105 : memref<1x1600x16xf32, #tpu.memory_space<vmem>> -> memref<1600x16xf32, #tpu.memory_space<vmem>>
    %dma_wait3A_107 = arith.constant 0 : i32
    %dma_wait3A_108 = tpu.memref_slice %arg4[%mul3A_84, %dma_wait3A_107] : memref<1638400x16xf32, #tpu.memory_space<hbm>> -> memref<1600x16xf32, #tpu.memory_space<hbm>>
    %dma_wait3A_109 = tpu.memref_slice %arg9[%dma_wait3A_102] : memref<3x!tpu.dma_semaphore, #tpu.memory_space<semaphore_mem>> -> memref<1x!tpu.dma_semaphore, #tpu.memory_space<semaphore_mem>>
    %dma_wait3A_110 = tpu.memref_squeeze %dma_wait3A_109 : memref<1x!tpu.dma_semaphore, #tpu.memory_space<semaphore_mem>> -> memref<!tpu.dma_semaphore, #tpu.memory_space<semaphore_mem>>
    %dma_wait3A_111 = arith.constant 0 : i32
    %dma_wait3A_112 = tpu.memref_slice %arg4[%mul3A_84, %dma_wait3A_111] : memref<1638400x16xf32, #tpu.memory_space<hbm>> -> memref<1600x16xf32, #tpu.memory_space<hbm>>
    %dma_wait3A_113 = arith.constant 0 : i32
    %dma_wait3A_114 = arith.constant 0 : i32
    %dma_wait3A_115 = tpu.memref_slice %arg7[%dma_wait3A_101, %dma_wait3A_113, %dma_wait3A_114] : memref<3x1600x16xf32, #tpu.memory_space<vmem>> -> memref<1x1600x16xf32, #tpu.memory_space<vmem>>
    %dma_wait3A_116 = tpu.memref_squeeze %dma_wait3A_115 : memref<1x1600x16xf32, #tpu.memory_space<vmem>> -> memref<1600x16xf32, #tpu.memory_space<vmem>>
    tpu.wait_dma2 semaphore(%dma_wait3A_110 : memref<!tpu.dma_semaphore, #tpu.memory_space<semaphore_mem>>) src(%dma_wait3A_116 : memref<1600x16xf32, #tpu.memory_space<vmem>>) dst(%dma_wait3A_112 : memref<1600x16xf32, #tpu.memory_space<hbm>>)
    %scan3A_117 = arith.constant 0 : i32
    %scan3A_118 = arith.constant 0 : i32
    %scan3A_119 = arith.constant 0 : i32
    %scan3A_120 = arith.constant 50 : i32
    %scan3A_121 = arith.addi %scan3A_119, %scan3A_120 : i32
    %scan3A_122 = arith.constant 1 : i32
    scf.for %scan3A_2336 = %scan3A_119 to %scan3A_121 step %scan3A_122  : i32 {
      %mul3A_2337 = arith.constant 16 : i32
      %mul3A_2338 = arith.muli %scan3A_2336, %mul3A_2337 : i32
      %add3A_2339 = arith.constant 2400 : i32
      %add3A_2340 = arith.addi %add3A_2339, %mul3A_2338 : i32
      %get3A = arith.index_cast %add3A_2340 : i32 to index
      %get3A_2341 = tpu.vector_load %arg5[%get3A] {strides = array<i32>} : memref<25600xi32, #tpu.memory_space<vmem>>, vector<16xi32>,
      %mul3A_2342 = arith.constant 2 : i32
      %mul3A_2343 = vector.broadcast %mul3A_2342 : i32 to vector<16xi32>
      %mul3A_2344 = arith.muli %get3A_2341, %mul3A_2343 : vector<16xi32>
      %mul3A_2345 = arith.constant 16 : i32
      %mul3A_2346 = arith.muli %scan3A_2336, %mul3A_2345 : i32
      %add3A_2347 = vector.broadcast %mul3A_2346 : i32 to vector<16xi32>
      %add3A_2348 = arith.addi %add3A_2347, %iota3A : vector<16xi32>
      %mul3A_2349 = arith.constant 2 : i32
      %mul3A_2350 = vector.broadcast %mul3A_2349 : i32 to vector<16xi32>
      %mul3A_2351 = arith.muli %add3A_2348, %mul3A_2350 : vector<16xi32>
      %scatter3A = arith.constant 0 : i32
      %scatter3A_2352 = tpu.memref_slice %arg6[%scan3A_118, %scatter3A] : memref<3x1600xi32, #tpu.memory_space<vmem>> -> memref<1x1600xi32, #tpu.memory_space<vmem>>
      %scatter3A_2353 = tpu.memref_squeeze %scatter3A_2352 : memref<1x1600xi32, #tpu.memory_space<vmem>> -> memref<1600xi32, #tpu.memory_space<vmem>>
      tpu.vector_store_idx %scatter3A_2353[%mul3A_2351], %mul3A_2344 : memref<1600xi32, #tpu.memory_space<vmem>>[vector<16xi32>], vector<16xi32>,
      %add3A_2354 = arith.constant 1 : i32
      %add3A_2355 = vector.broadcast %add3A_2354 : i32 to vector<16xi32>
      %add3A_2356 = arith.addi %mul3A_2351, %add3A_2355 : vector<16xi32>
      %add3A_2357 = arith.constant 1 : i32
      %add3A_2358 = vector.broadcast %add3A_2357 : i32 to vector<16xi32>
      %add3A_2359 = arith.addi %mul3A_2344, %add3A_2358 : vector<16xi32>
      %scatter3A_2360 = arith.constant 0 : i32
      %scatter3A_2361 = tpu.memref_slice %arg6[%scan3A_118, %scatter3A_2360] : memref<3x1600xi32, #tpu.memory_space<vmem>> -> memref<1x1600xi32, #tpu.memory_space<vmem>>
      %scatter3A_2362 = tpu.memref_squeeze %scatter3A_2361 : memref<1x1600xi32, #tpu.memory_space<vmem>> -> memref<1600xi32, #tpu.memory_space<vmem>>
      tpu.vector_store_idx %scatter3A_2362[%add3A_2356], %add3A_2359 : memref<1600xi32, #tpu.memory_space<vmem>>[vector<16xi32>], vector<16xi32>,
    }
    %scan3A_123 = arith.constant 50 : i32
    %dma_start3A_124 = arith.constant 0 : i32
    %dma_start3A_125 = arith.constant 0 : i32
    %dma_start3A_126 = arith.constant 0 : i32
    %dma_start3A_127 = arith.constant 0 : i32
    %dma_start3A_128 = arith.constant 0 : i32
    %dma_start3A_129 = tpu.memref_slice %arg7[%dma_start3A_125, %dma_start3A_127, %dma_start3A_128] : memref<3x1600x16xf32, #tpu.memory_space<vmem>> -> memref<1x1600x16xf32, #tpu.memory_space<vmem>>
    %dma_start3A_130 = tpu.memref_squeeze %dma_start3A_129 : memref<1x1600x16xf32, #tpu.memory_space<vmem>> -> memref<1600x16xf32, #tpu.memory_space<vmem>>
    %dma_start3A_131 = arith.constant 0 : i32
    %dma_start3A_132 = tpu.memref_slice %arg6[%dma_start3A_124, %dma_start3A_131] : memref<3x1600xi32, #tpu.memory_space<vmem>> -> memref<1x1600xi32, #tpu.memory_space<vmem>>
    %dma_start3A_133 = tpu.memref_squeeze %dma_start3A_132 : memref<1x1600xi32, #tpu.memory_space<vmem>> -> memref<1600xi32, #tpu.memory_space<vmem>>
    %dma_start3A_134 = arith.constant 0 : i32
    %dma_start3A_135 = arith.constant 0 : i32
    %dma_start3A_136 = tpu.memref_slice %arg3[%dma_start3A_134, %dma_start3A_135] : memref<2000000x16xf32, #tpu.memory_space<hbm>> -> memref<2000000x16xf32, #tpu.memory_space<hbm>>
    %dma_start3A_137 = tpu.memref_slice %arg8[%dma_start3A_126] : memref<3x!tpu.dma_semaphore, #tpu.memory_space<semaphore_mem>> -> memref<1x!tpu.dma_semaphore, #tpu.memory_space<semaphore_mem>>
    %dma_start3A_138 = tpu.memref_squeeze %dma_start3A_137 : memref<1x!tpu.dma_semaphore, #tpu.memory_space<semaphore_mem>> -> memref<!tpu.dma_semaphore, #tpu.memory_space<semaphore_mem>>
    tpu.enqueue_indirect_dma source(%dma_start3A_136 : memref<2000000x16xf32, #tpu.memory_space<hbm>>) target(%dma_start3A_130 : memref<1600x16xf32, #tpu.memory_space<vmem>>) offsets(%dma_start3A_133 : memref<1600xi32, #tpu.memory_space<vmem>>) semaphore(%dma_start3A_138 : memref<!tpu.dma_semaphore, #tpu.memory_space<semaphore_mem>>)
    %dma_wait3A_139 = arith.constant 1 : i32
    %dma_wait3A_140 = arith.constant 1 : i32
    %dma_wait3A_141 = arith.constant 1 : i32
    %dma_wait3A_142 = arith.constant 0 : i32
    %dma_wait3A_143 = arith.constant 0 : i32
    %dma_wait3A_144 = tpu.memref_slice %arg7[%dma_wait3A_140, %dma_wait3A_142, %dma_wait3A_143] : memref<3x1600x16xf32, #tpu.memory_space<vmem>> -> memref<1x1600x16xf32, #tpu.memory_space<vmem>>
    %dma_wait3A_145 = tpu.memref_squeeze %dma_wait3A_144 : memref<1x1600x16xf32, #tpu.memory_space<vmem>> -> memref<1600x16xf32, #tpu.memory_space<vmem>>
    %dma_wait3A_146 = arith.constant 0 : i32
    %dma_wait3A_147 = tpu.memref_slice %arg6[%dma_wait3A_139, %dma_wait3A_146] : memref<3x1600xi32, #tpu.memory_space<vmem>> -> memref<1x1600xi32, #tpu.memory_space<vmem>>
    %dma_wait3A_148 = tpu.memref_squeeze %dma_wait3A_147 : memref<1x1600xi32, #tpu.memory_space<vmem>> -> memref<1600xi32, #tpu.memory_space<vmem>>
    %dma_wait3A_149 = arith.constant 0 : i32
    %dma_wait3A_150 = arith.constant 0 : i32
    %dma_wait3A_151 = tpu.memref_slice %arg3[%dma_wait3A_149, %dma_wait3A_150] : memref<2000000x16xf32, #tpu.memory_space<hbm>> -> memref<2000000x16xf32, #tpu.memory_space<hbm>>
    %dma_wait3A_152 = tpu.memref_slice %arg8[%dma_wait3A_141] : memref<3x!tpu.dma_semaphore, #tpu.memory_space<semaphore_mem>> -> memref<1x!tpu.dma_semaphore, #tpu.memory_space<semaphore_mem>>
    %dma_wait3A_153 = tpu.memref_squeeze %dma_wait3A_152 : memref<1x!tpu.dma_semaphore, #tpu.memory_space<semaphore_mem>> -> memref<!tpu.dma_semaphore, #tpu.memory_space<semaphore_mem>>
    tpu.wait_indirect_dma semaphore(%dma_wait3A_153 : memref<!tpu.dma_semaphore, #tpu.memory_space<semaphore_mem>>) src(%dma_wait3A_151 : memref<2000000x16xf32, #tpu.memory_space<hbm>>) dst(%dma_wait3A_145 : memref<1600x16xf32, #tpu.memory_space<vmem>>)
    %add3A_154 = arith.constant 800 : i32
    %add3A_155 = arith.addi %mul3A_2, %add3A_154 : i32
    %mul3A_156 = arith.constant 2 : i32
    %mul3A_157 = arith.muli %add3A_155, %mul3A_156 : i32
    %dma_start3A_158 = arith.constant 1 : i32
    %dma_start3A_159 = arith.constant 1 : i32
    %dma_start3A_160 = arith.constant 0 : i32
    %dma_start3A_161 = arith.constant 0 : i32
    %dma_start3A_162 = tpu.memref_slice %arg7[%dma_start3A_158, %dma_start3A_160, %dma_start3A_161] : memref<3x1600x16xf32, #tpu.memory_space<vmem>> -> memref<1x1600x16xf32, #tpu.memory_space<vmem>>
    %dma_start3A_163 = tpu.memref_squeeze %dma_start3A_162 : memref<1x1600x16xf32, #tpu.memory_space<vmem>> -> memref<1600x16xf32, #tpu.memory_space<vmem>>
    %dma_start3A_164 = arith.constant 0 : i32
    %dma_start3A_165 = tpu.memref_slice %arg4[%mul3A_157, %dma_start3A_164] : memref<1638400x16xf32, #tpu.memory_space<hbm>> -> memref<1600x16xf32, #tpu.memory_space<hbm>>
    %dma_start3A_166 = tpu.memref_slice %arg9[%dma_start3A_159] : memref<3x!tpu.dma_semaphore, #tpu.memory_space<semaphore_mem>> -> memref<1x!tpu.dma_semaphore, #tpu.memory_space<semaphore_mem>>
    %dma_start3A_167 = tpu.memref_squeeze %dma_start3A_166 : memref<1x!tpu.dma_semaphore, #tpu.memory_space<semaphore_mem>> -> memref<!tpu.dma_semaphore, #tpu.memory_space<semaphore_mem>>
    %dma_start3A_168 = arith.constant 0 : i32
    %dma_start3A_169 = tpu.memref_slice %arg4[%mul3A_157, %dma_start3A_168] : memref<1638400x16xf32, #tpu.memory_space<hbm>> -> memref<1600x16xf32, #tpu.memory_space<hbm>>
    %dma_start3A_170 = arith.constant 0 : i32
    %dma_start3A_171 = arith.constant 0 : i32
    %dma_start3A_172 = tpu.memref_slice %arg7[%dma_start3A_158, %dma_start3A_170, %dma_start3A_171] : memref<3x1600x16xf32, #tpu.memory_space<vmem>> -> memref<1x1600x16xf32, #tpu.memory_space<vmem>>
    %dma_start3A_173 = tpu.memref_squeeze %dma_start3A_172 : memref<1x1600x16xf32, #tpu.memory_space<vmem>> -> memref<1600x16xf32, #tpu.memory_space<vmem>>
    tpu.enqueue_dma source(%dma_start3A_173 : memref<1600x16xf32, #tpu.memory_space<vmem>>) target(%dma_start3A_169 : memref<1600x16xf32, #tpu.memory_space<hbm>>) target_semaphore(%dma_start3A_167 : memref<!tpu.dma_semaphore, #tpu.memory_space<semaphore_mem>>)
    %dma_wait3A_174 = arith.constant 1 : i32
    %dma_wait3A_175 = arith.constant 1 : i32
    %dma_wait3A_176 = arith.constant 0 : i32
    %dma_wait3A_177 = arith.constant 0 : i32
    %dma_wait3A_178 = tpu.memref_slice %arg7[%dma_wait3A_174, %dma_wait3A_176, %dma_wait3A_177] : memref<3x1600x16xf32, #tpu.memory_space<vmem>> -> memref<1x1600x16xf32, #tpu.memory_space<vmem>>
    %dma_wait3A_179 = tpu.memref_squeeze %dma_wait3A_178 : memref<1x1600x16xf32, #tpu.memory_space<vmem>> -> memref<1600x16xf32, #tpu.memory_space<vmem>>
    %dma_wait3A_180 = arith.constant 0 : i32
    %dma_wait3A_181 = tpu.memref_slice %arg4[%mul3A_157, %dma_wait3A_180] : memref<1638400x16xf32, #tpu.memory_space<hbm>> -> memref<1600x16xf32, #tpu.memory_space<hbm>>
    %dma_wait3A_182 = tpu.memref_slice %arg9[%dma_wait3A_175] : memref<3x!tpu.dma_semaphore, #tpu.memory_space<semaphore_mem>> -> memref<1x!tpu.dma_semaphore, #tpu.memory_space<semaphore_mem>>
    %dma_wait3A_183 = tpu.memref_squeeze %dma_wait3A_182 : memref<1x!tpu.dma_semaphore, #tpu.memory_space<semaphore_mem>> -> memref<!tpu.dma_semaphore, #tpu.memory_space<semaphore_mem>>
    %dma_wait3A_184 = arith.constant 0 : i32
    %dma_wait3A_185 = tpu.memref_slice %arg4[%mul3A_157, %dma_wait3A_184] : memref<1638400x16xf32, #tpu.memory_space<hbm>> -> memref<1600x16xf32, #tpu.memory_space<hbm>>
    %dma_wait3A_186 = arith.constant 0 : i32
    %dma_wait3A_187 = arith.constant 0 : i32
    %dma_wait3A_188 = tpu.memref_slice %arg7[%dma_wait3A_174, %dma_wait3A_186, %dma_wait3A_187] : memref<3x1600x16xf32, #tpu.memory_space<vmem>> -> memref<1x1600x16xf32, #tpu.memory_space<vmem>>
    %dma_wait3A_189 = tpu.memref_squeeze %dma_wait3A_188 : memref<1x1600x16xf32, #tpu.memory_space<vmem>> -> memref<1600x16xf32, #tpu.memory_space<vmem>>
    tpu.wait_dma2 semaphore(%dma_wait3A_183 : memref<!tpu.dma_semaphore, #tpu.memory_space<semaphore_mem>>) src(%dma_wait3A_189 : memref<1600x16xf32, #tpu.memory_space<vmem>>) dst(%dma_wait3A_185 : memref<1600x16xf32, #tpu.memory_space<hbm>>)
    %scan3A_190 = arith.constant 0 : i32
    %scan3A_191 = arith.constant 1 : i32
    %scan3A_192 = arith.constant 0 : i32
    %scan3A_193 = arith.constant 50 : i32
    %scan3A_194 = arith.addi %scan3A_192, %scan3A_193 : i32
    %scan3A_195 = arith.constant 1 : i32
    scf.for %scan3A_2336 = %scan3A_192 to %scan3A_194 step %scan3A_195  : i32 {
      %mul3A_2337 = arith.constant 16 : i32
      %mul3A_2338 = arith.muli %scan3A_2336, %mul3A_2337 : i32
      %add3A_2339 = arith.constant 3200 : i32
      %add3A_2340 = arith.addi %add3A_2339, %mul3A_2338 : i32
      %get3A = arith.index_cast %add3A_2340 : i32 to index
      %get3A_2341 = tpu.vector_load %arg5[%get3A] {strides = array<i32>} : memref<25600xi32, #tpu.memory_space<vmem>>, vector<16xi32>,
      %mul3A_2342 = arith.constant 2 : i32
      %mul3A_2343 = vector.broadcast %mul3A_2342 : i32 to vector<16xi32>
      %mul3A_2344 = arith.muli %get3A_2341, %mul3A_2343 : vector<16xi32>
      %mul3A_2345 = arith.constant 16 : i32
      %mul3A_2346 = arith.muli %scan3A_2336, %mul3A_2345 : i32
      %add3A_2347 = vector.broadcast %mul3A_2346 : i32 to vector<16xi32>
      %add3A_2348 = arith.addi %add3A_2347, %iota3A : vector<16xi32>
      %mul3A_2349 = arith.constant 2 : i32
      %mul3A_2350 = vector.broadcast %mul3A_2349 : i32 to vector<16xi32>
      %mul3A_2351 = arith.muli %add3A_2348, %mul3A_2350 : vector<16xi32>
      %scatter3A = arith.constant 0 : i32
      %scatter3A_2352 = tpu.memref_slice %arg6[%scan3A_191, %scatter3A] : memref<3x1600xi32, #tpu.memory_space<vmem>> -> memref<1x1600xi32, #tpu.memory_space<vmem>>
      %scatter3A_2353 = tpu.memref_squeeze %scatter3A_2352 : memref<1x1600xi32, #tpu.memory_space<vmem>> -> memref<1600xi32, #tpu.memory_space<vmem>>
      tpu.vector_store_idx %scatter3A_2353[%mul3A_2351], %mul3A_2344 : memref<1600xi32, #tpu.memory_space<vmem>>[vector<16xi32>], vector<16xi32>,
      %add3A_2354 = arith.constant 1 : i32
      %add3A_2355 = vector.broadcast %add3A_2354 : i32 to vector<16xi32>
      %add3A_2356 = arith.addi %mul3A_2351, %add3A_2355 : vector<16xi32>
      %add3A_2357 = arith.constant 1 : i32
      %add3A_2358 = vector.broadcast %add3A_2357 : i32 to vector<16xi32>
      %add3A_2359 = arith.addi %mul3A_2344, %add3A_2358 : vector<16xi32>
      %scatter3A_2360 = arith.constant 0 : i32
      %scatter3A_2361 = tpu.memref_slice %arg6[%scan3A_191, %scatter3A_2360] : memref<3x1600xi32, #tpu.memory_space<vmem>> -> memref<1x1600xi32, #tpu.memory_space<vmem>>
      %scatter3A_2362 = tpu.memref_squeeze %scatter3A_2361 : memref<1x1600xi32, #tpu.memory_space<vmem>> -> memref<1600xi32, #tpu.memory_space<vmem>>
      tpu.vector_store_idx %scatter3A_2362[%add3A_2356], %add3A_2359 : memref<1600xi32, #tpu.memory_space<vmem>>[vector<16xi32>], vector<16xi32>,
    }
    %scan3A_196 = arith.constant 50 : i32
    %dma_start3A_197 = arith.constant 1 : i32
    %dma_start3A_198 = arith.constant 1 : i32
    %dma_start3A_199 = arith.constant 1 : i32
    %dma_start3A_200 = arith.constant 0 : i32
    %dma_start3A_201 = arith.constant 0 : i32
    %dma_start3A_202 = tpu.memref_slice %arg7[%dma_start3A_198, %dma_start3A_200, %dma_start3A_201] : memref<3x1600x16xf32, #tpu.memory_space<vmem>> -> memref<1x1600x16xf32, #tpu.memory_space<vmem>>
    %dma_start3A_203 = tpu.memref_squeeze %dma_start3A_202 : memref<1x1600x16xf32, #tpu.memory_space<vmem>> -> memref<1600x16xf32, #tpu.memory_space<vmem>>
    %dma_start3A_204 = arith.constant 0 : i32
    %dma_start3A_205 = tpu.memref_slice %arg6[%dma_start3A_197, %dma_start3A_204] : memref<3x1600xi32, #tpu.memory_space<vmem>> -> memref<1x1600xi32, #tpu.memory_space<vmem>>
    %dma_start3A_206 = tpu.memref_squeeze %dma_start3A_205 : memref<1x1600xi32, #tpu.memory_space<vmem>> -> memref<1600xi32, #tpu.memory_space<vmem>>
    %dma_start3A_207 = arith.constant 0 : i32
    %dma_start3A_208 = arith.constant 0 : i32
    %dma_start3A_209 = tpu.memref_slice %arg3[%dma_start3A_207, %dma_start3A_208] : memref<2000000x16xf32, #tpu.memory_space<hbm>> -> memref<2000000x16xf32, #tpu.memory_space<hbm>>
    %dma_start3A_210 = tpu.memref_slice %arg8[%dma_start3A_199] : memref<3x!tpu.dma_semaphore, #tpu.memory_space<semaphore_mem>> -> memref<1x!tpu.dma_semaphore, #tpu.memory_space<semaphore_mem>>
    %dma_start3A_211 = tpu.memref_squeeze %dma_start3A_210 : memref<1x!tpu.dma_semaphore, #tpu.memory_space<semaphore_mem>> -> memref<!tpu.dma_semaphore, #tpu.memory_space<semaphore_mem>>
    tpu.enqueue_indirect_dma source(%dma_start3A_209 : memref<2000000x16xf32, #tpu.memory_space<hbm>>) target(%dma_start3A_203 : memref<1600x16xf32, #tpu.memory_space<vmem>>) offsets(%dma_start3A_206 : memref<1600xi32, #tpu.memory_space<vmem>>) semaphore(%dma_start3A_211 : memref<!tpu.dma_semaphore, #tpu.memory_space<semaphore_mem>>)
    %dma_wait3A_212 = arith.constant 2 : i32
    %dma_wait3A_213 = arith.constant 2 : i32
    %dma_wait3A_214 = arith.constant 2 : i32
    %dma_wait3A_215 = arith.constant 0 : i32
    %dma_wait3A_216 = arith.constant 0 : i32
    %dma_wait3A_217 = tpu.memref_slice %arg7[%dma_wait3A_213, %dma_wait3A_215, %dma_wait3A_216] : memref<3x1600x16xf32, #tpu.memory_space<vmem>> -> memref<1x1600x16xf32, #tpu.memory_space<vmem>>
    %dma_wait3A_218 = tpu.memref_squeeze %dma_wait3A_217 : memref<1x1600x16xf32, #tpu.memory_space<vmem>> -> memref<1600x16xf32, #tpu.memory_space<vmem>>
    %dma_wait3A_219 = arith.constant 0 : i32
    %dma_wait3A_220 = tpu.memref_slice %arg6[%dma_wait3A_212, %dma_wait3A_219] : memref<3x1600xi32, #tpu.memory_space<vmem>> -> memref<1x1600xi32, #tpu.memory_space<vmem>>
    %dma_wait3A_221 = tpu.memref_squeeze %dma_wait3A_220 : memref<1x1600xi32, #tpu.memory_space<vmem>> -> memref<1600xi32, #tpu.memory_space<vmem>>
    %dma_wait3A_222 = arith.constant 0 : i32
    %dma_wait3A_223 = arith.constant 0 : i32
    %dma_wait3A_224 = tpu.memref_slice %arg3[%dma_wait3A_222, %dma_wait3A_223] : memref<2000000x16xf32, #tpu.memory_space<hbm>> -> memref<2000000x16xf32, #tpu.memory_space<hbm>>
    %dma_wait3A_225 = tpu.memref_slice %arg8[%dma_wait3A_214] : memref<3x!tpu.dma_semaphore, #tpu.memory_space<semaphore_mem>> -> memref<1x!tpu.dma_semaphore, #tpu.memory_space<semaphore_mem>>
    %dma_wait3A_226 = tpu.memref_squeeze %dma_wait3A_225 : memref<1x!tpu.dma_semaphore, #tpu.memory_space<semaphore_mem>> -> memref<!tpu.dma_semaphore, #tpu.memory_space<semaphore_mem>>
    tpu.wait_indirect_dma semaphore(%dma_wait3A_226 : memref<!tpu.dma_semaphore, #tpu.memory_space<semaphore_mem>>) src(%dma_wait3A_224 : memref<2000000x16xf32, #tpu.memory_space<hbm>>) dst(%dma_wait3A_218 : memref<1600x16xf32, #tpu.memory_space<vmem>>)
    %add3A_227 = arith.constant 1600 : i32
    %add3A_228 = arith.addi %mul3A_2, %add3A_227 : i32
    %mul3A_229 = arith.constant 2 : i32
    %mul3A_230 = arith.muli %add3A_228, %mul3A_229 : i32
    %dma_start3A_231 = arith.constant 2 : i32
    %dma_start3A_232 = arith.constant 2 : i32
    %dma_start3A_233 = arith.constant 0 : i32
    %dma_start3A_234 = arith.constant 0 : i32
    %dma_start3A_235 = tpu.memref_slice %arg7[%dma_start3A_231, %dma_start3A_233, %dma_start3A_234] : memref<3x1600x16xf32, #tpu.memory_space<vmem>> -> memref<1x1600x16xf32, #tpu.memory_space<vmem>>
    %dma_start3A_236 = tpu.memref_squeeze %dma_start3A_235 : memref<1x1600x16xf32, #tpu.memory_space<vmem>> -> memref<1600x16xf32, #tpu.memory_space<vmem>>
    %dma_start3A_237 = arith.constant 0 : i32
    %dma_start3A_238 = tpu.memref_slice %arg4[%mul3A_230, %dma_start3A_237] : memref<1638400x16xf32, #tpu.memory_space<hbm>> -> memref<1600x16xf32, #tpu.memory_space<hbm>>
    %dma_start3A_239 = tpu.memref_slice %arg9[%dma_start3A_232] : memref<3x!tpu.dma_semaphore, #tpu.memory_space<semaphore_mem>> -> memref<1x!tpu.dma_semaphore, #tpu.memory_space<semaphore_mem>>
    %dma_start3A_240 = tpu.memref_squeeze %dma_start3A_239 : memref<1x!tpu.dma_semaphore, #tpu.memory_space<semaphore_mem>> -> memref<!tpu.dma_semaphore, #tpu.memory_space<semaphore_mem>>
    %dma_start3A_241 = arith.constant 0 : i32
    %dma_start3A_242 = tpu.memref_slice %arg4[%mul3A_230, %dma_start3A_241] : memref<1638400x16xf32, #tpu.memory_space<hbm>> -> memref<1600x16xf32, #tpu.memory_space<hbm>>
    %dma_start3A_243 = arith.constant 0 : i32
    %dma_start3A_244 = arith.constant 0 : i32
    %dma_start3A_245 = tpu.memref_slice %arg7[%dma_start3A_231, %dma_start3A_243, %dma_start3A_244] : memref<3x1600x16xf32, #tpu.memory_space<vmem>> -> memref<1x1600x16xf32, #tpu.memory_space<vmem>>
    %dma_start3A_246 = tpu.memref_squeeze %dma_start3A_245 : memref<1x1600x16xf32, #tpu.memory_space<vmem>> -> memref<1600x16xf32, #tpu.memory_space<vmem>>
    tpu.enqueue_dma source(%dma_start3A_246 : memref<1600x16xf32, #tpu.memory_space<vmem>>) target(%dma_start3A_242 : memref<1600x16xf32, #tpu.memory_space<hbm>>) target_semaphore(%dma_start3A_240 : memref<!tpu.dma_semaphore, #tpu.memory_space<semaphore_mem>>)
    %dma_wait3A_247 = arith.constant 2 : i32
    %dma_wait3A_248 = arith.constant 2 : i32
    %dma_wait3A_249 = arith.constant 0 : i32
    %dma_wait3A_250 = arith.constant 0 : i32
    %dma_wait3A_251 = tpu.memref_slice %arg7[%dma_wait3A_247, %dma_wait3A_249, %dma_wait3A_250] : memref<3x1600x16xf32, #tpu.memory_space<vmem>> -> memref<1x1600x16xf32, #tpu.memory_space<vmem>>
    %dma_wait3A_252 = tpu.memref_squeeze %dma_wait3A_251 : memref<1x1600x16xf32, #tpu.memory_space<vmem>> -> memref<1600x16xf32, #tpu.memory_space<vmem>>
    %dma_wait3A_253 = arith.constant 0 : i32
    %dma_wait3A_254 = tpu.memref_slice %arg4[%mul3A_230, %dma_wait3A_253] : memref<1638400x16xf32, #tpu.memory_space<hbm>> -> memref<1600x16xf32, #tpu.memory_space<hbm>>
    %dma_wait3A_255 = tpu.memref_slice %arg9[%dma_wait3A_248] : memref<3x!tpu.dma_semaphore, #tpu.memory_space<semaphore_mem>> -> memref<1x!tpu.dma_semaphore, #tpu.memory_space<semaphore_mem>>
    %dma_wait3A_256 = tpu.memref_squeeze %dma_wait3A_255 : memref<1x!tpu.dma_semaphore, #tpu.memory_space<semaphore_mem>> -> memref<!tpu.dma_semaphore, #tpu.memory_space<semaphore_mem>>
    %dma_wait3A_257 = arith.constant 0 : i32
    %dma_wait3A_258 = tpu.memref_slice %arg4[%mul3A_230, %dma_wait3A_257] : memref<1638400x16xf32, #tpu.memory_space<hbm>> -> memref<1600x16xf32, #tpu.memory_space<hbm>>
    %dma_wait3A_259 = arith.constant 0 : i32
    %dma_wait3A_260 = arith.constant 0 : i32
    %dma_wait3A_261 = tpu.memref_slice %arg7[%dma_wait3A_247, %dma_wait3A_259, %dma_wait3A_260] : memref<3x1600x16xf32, #tpu.memory_space<vmem>> -> memref<1x1600x16xf32, #tpu.memory_space<vmem>>
    %dma_wait3A_262 = tpu.memref_squeeze %dma_wait3A_261 : memref<1x1600x16xf32, #tpu.memory_space<vmem>> -> memref<1600x16xf32, #tpu.memory_space<vmem>>
    tpu.wait_dma2 semaphore(%dma_wait3A_256 : memref<!tpu.dma_semaphore, #tpu.memory_space<semaphore_mem>>) src(%dma_wait3A_262 : memref<1600x16xf32, #tpu.memory_space<vmem>>) dst(%dma_wait3A_258 : memref<1600x16xf32, #tpu.memory_space<hbm>>)
    %scan3A_263 = arith.constant 0 : i32
    %scan3A_264 = arith.constant 2 : i32
    %scan3A_265 = arith.constant 0 : i32
    %scan3A_266 = arith.constant 50 : i32
    %scan3A_267 = arith.addi %scan3A_265, %scan3A_266 : i32
    %scan3A_268 = arith.constant 1 : i32
    scf.for %scan3A_2336 = %scan3A_265 to %scan3A_267 step %scan3A_268  : i32 {
      %mul3A_2337 = arith.constant 16 : i32
      %mul3A_2338 = arith.muli %scan3A_2336, %mul3A_2337 : i32
      %add3A_2339 = arith.constant 4000 : i32
      %add3A_2340 = arith.addi %add3A_2339, %mul3A_2338 : i32
      %get3A = arith.index_cast %add3A_2340 : i32 to index
      %get3A_2341 = tpu.vector_load %arg5[%get3A] {strides = array<i32>} : memref<25600xi32, #tpu.memory_space<vmem>>, vector<16xi32>,
      %mul3A_2342 = arith.constant 2 : i32
      %mul3A_2343 = vector.broadcast %mul3A_2342 : i32 to vector<16xi32>
      %mul3A_2344 = arith.muli %get3A_2341, %mul3A_2343 : vector<16xi32>
      %mul3A_2345 = arith.constant 16 : i32
      %mul3A_2346 = arith.muli %scan3A_2336, %mul3A_2345 : i32
      %add3A_2347 = vector.broadcast %mul3A_2346 : i32 to vector<16xi32>
      %add3A_2348 = arith.addi %add3A_2347, %iota3A : vector<16xi32>
      %mul3A_2349 = arith.constant 2 : i32
      %mul3A_2350 = vector.broadcast %mul3A_2349 : i32 to vector<16xi32>
      %mul3A_2351 = arith.muli %add3A_2348, %mul3A_2350 : vector<16xi32>
      %scatter3A = arith.constant 0 : i32
      %scatter3A_2352 = tpu.memref_slice %arg6[%scan3A_264, %scatter3A] : memref<3x1600xi32, #tpu.memory_space<vmem>> -> memref<1x1600xi32, #tpu.memory_space<vmem>>
      %scatter3A_2353 = tpu.memref_squeeze %scatter3A_2352 : memref<1x1600xi32, #tpu.memory_space<vmem>> -> memref<1600xi32, #tpu.memory_space<vmem>>
      tpu.vector_store_idx %scatter3A_2353[%mul3A_2351], %mul3A_2344 : memref<1600xi32, #tpu.memory_space<vmem>>[vector<16xi32>], vector<16xi32>,
      %add3A_2354 = arith.constant 1 : i32
      %add3A_2355 = vector.broadcast %add3A_2354 : i32 to vector<16xi32>
      %add3A_2356 = arith.addi %mul3A_2351, %add3A_2355 : vector<16xi32>
      %add3A_2357 = arith.constant 1 : i32
      %add3A_2358 = vector.broadcast %add3A_2357 : i32 to vector<16xi32>
      %add3A_2359 = arith.addi %mul3A_2344, %add3A_2358 : vector<16xi32>
      %scatter3A_2360 = arith.constant 0 : i32
      %scatter3A_2361 = tpu.memref_slice %arg6[%scan3A_264, %scatter3A_2360] : memref<3x1600xi32, #tpu.memory_space<vmem>> -> memref<1x1600xi32, #tpu.memory_space<vmem>>
      %scatter3A_2362 = tpu.memref_squeeze %scatter3A_2361 : memref<1x1600xi32, #tpu.memory_space<vmem>> -> memref<1600xi32, #tpu.memory_space<vmem>>
      tpu.vector_store_idx %scatter3A_2362[%add3A_2356], %add3A_2359 : memref<1600xi32, #tpu.memory_space<vmem>>[vector<16xi32>], vector<16xi32>,
    }
    %scan3A_269 = arith.constant 50 : i32
    %dma_start3A_270 = arith.constant 2 : i32
    %dma_start3A_271 = arith.constant 2 : i32
    %dma_start3A_272 = arith.constant 2 : i32
    %dma_start3A_273 = arith.constant 0 : i32
    %dma_start3A_274 = arith.constant 0 : i32
    %dma_start3A_275 = tpu.memref_slice %arg7[%dma_start3A_271, %dma_start3A_273, %dma_start3A_274] : memref<3x1600x16xf32, #tpu.memory_space<vmem>> -> memref<1x1600x16xf32, #tpu.memory_space<vmem>>
    %dma_start3A_276 = tpu.memref_squeeze %dma_start3A_275 : memref<1x1600x16xf32, #tpu.memory_space<vmem>> -> memref<1600x16xf32, #tpu.memory_space<vmem>>
    %dma_start3A_277 = arith.constant 0 : i32
    %dma_start3A_278 = tpu.memref_slice %arg6[%dma_start3A_270, %dma_start3A_277] : memref<3x1600xi32, #tpu.memory_space<vmem>> -> memref<1x1600xi32, #tpu.memory_space<vmem>>
    %dma_start3A_279 = tpu.memref_squeeze %dma_start3A_278 : memref<1x1600xi32, #tpu.memory_space<vmem>> -> memref<1600xi32, #tpu.memory_space<vmem>>
    %dma_start3A_280 = arith.constant 0 : i32
    %dma_start3A_281 = arith.constant 0 : i32
    %dma_start3A_282 = tpu.memref_slice %arg3[%dma_start3A_280, %dma_start3A_281] : memref<2000000x16xf32, #tpu.memory_space<hbm>> -> memref<2000000x16xf32, #tpu.memory_space<hbm>>
    %dma_start3A_283 = tpu.memref_slice %arg8[%dma_start3A_272] : memref<3x!tpu.dma_semaphore, #tpu.memory_space<semaphore_mem>> -> memref<1x!tpu.dma_semaphore, #tpu.memory_space<semaphore_mem>>
    %dma_start3A_284 = tpu.memref_squeeze %dma_start3A_283 : memref<1x!tpu.dma_semaphore, #tpu.memory_space<semaphore_mem>> -> memref<!tpu.dma_semaphore, #tpu.memory_space<semaphore_mem>>
    tpu.enqueue_indirect_dma source(%dma_start3A_282 : memref<2000000x16xf32, #tpu.memory_space<hbm>>) target(%dma_start3A_276 : memref<1600x16xf32, #tpu.memory_space<vmem>>) offsets(%dma_start3A_279 : memref<1600xi32, #tpu.memory_space<vmem>>) semaphore(%dma_start3A_284 : memref<!tpu.dma_semaphore, #tpu.memory_space<semaphore_mem>>)
    %dma_wait3A_285 = arith.constant 0 : i32
    %dma_wait3A_286 = arith.constant 0 : i32
    %dma_wait3A_287 = arith.constant 0 : i32
    %dma_wait3A_288 = arith.constant 0 : i32
    %dma_wait3A_289 = arith.constant 0 : i32
    %dma_wait3A_290 = tpu.memref_slice %arg7[%dma_wait3A_286, %dma_wait3A_288, %dma_wait3A_289] : memref<3x1600x16xf32, #tpu.memory_space<vmem>> -> memref<1x1600x16xf32, #tpu.memory_space<vmem>>
    %dma_wait3A_291 = tpu.memref_squeeze %dma_wait3A_290 : memref<1x1600x16xf32, #tpu.memory_space<vmem>> -> memref<1600x16xf32, #tpu.memory_space<vmem>>
    %dma_wait3A_292 = arith.constant 0 : i32
    %dma_wait3A_293 = tpu.memref_slice %arg6[%dma_wait3A_285, %dma_wait3A_292] : memref<3x1600xi32, #tpu.memory_space<vmem>> -> memref<1x1600xi32, #tpu.memory_space<vmem>>
    %dma_wait3A_294 = tpu.memref_squeeze %dma_wait3A_293 : memref<1x1600xi32, #tpu.memory_space<vmem>> -> memref<1600xi32, #tpu.memory_space<vmem>>
    %dma_wait3A_295 = arith.constant 0 : i32
    %dma_wait3A_296 = arith.constant 0 : i32
    %dma_wait3A_297 = tpu.memref_slice %arg3[%dma_wait3A_295, %dma_wait3A_296] : memref<2000000x16xf32, #tpu.memory_space<hbm>> -> memref<2000000x16xf32, #tpu.memory_space<hbm>>
    %dma_wait3A_298 = tpu.memref_slice %arg8[%dma_wait3A_287] : memref<3x!tpu.dma_semaphore, #tpu.memory_space<semaphore_mem>> -> memref<1x!tpu.dma_semaphore, #tpu.memory_space<semaphore_mem>>
    %dma_wait3A_299 = tpu.memref_squeeze %dma_wait3A_298 : memref<1x!tpu.dma_semaphore, #tpu.memory_space<semaphore_mem>> -> memref<!tpu.dma_semaphore, #tpu.memory_space<semaphore_mem>>
    tpu.wait_indirect_dma semaphore(%dma_wait3A_299 : memref<!tpu.dma_semaphore, #tpu.memory_space<semaphore_mem>>) src(%dma_wait3A_297 : memref<2000000x16xf32, #tpu.memory_space<hbm>>) dst(%dma_wait3A_291 : memref<1600x16xf32, #tpu.memory_space<vmem>>)
    %add3A_300 = arith.constant 2400 : i32
    %add3A_301 = arith.addi %mul3A_2, %add3A_300 : i32
    %mul3A_302 = arith.constant 2 : i32
    %mul3A_303 = arith.muli %add3A_301, %mul3A_302 : i32
    %dma_start3A_304 = arith.constant 0 : i32
    %dma_start3A_305 = arith.constant 0 : i32
    %dma_start3A_306 = arith.constant 0 : i32
    %dma_start3A_307 = arith.constant 0 : i32
    %dma_start3A_308 = tpu.memref_slice %arg7[%dma_start3A_304, %dma_start3A_306, %dma_start3A_307] : memref<3x1600x16xf32, #tpu.memory_space<vmem>> -> memref<1x1600x16xf32, #tpu.memory_space<vmem>>
    %dma_start3A_309 = tpu.memref_squeeze %dma_start3A_308 : memref<1x1600x16xf32, #tpu.memory_space<vmem>> -> memref<1600x16xf32, #tpu.memory_space<vmem>>
    %dma_start3A_310 = arith.constant 0 : i32
    %dma_start3A_311 = tpu.memref_slice %arg4[%mul3A_303, %dma_start3A_310] : memref<1638400x16xf32, #tpu.memory_space<hbm>> -> memref<1600x16xf32, #tpu.memory_space<hbm>>
    %dma_start3A_312 = tpu.memref_slice %arg9[%dma_start3A_305] : memref<3x!tpu.dma_semaphore, #tpu.memory_space<semaphore_mem>> -> memref<1x!tpu.dma_semaphore, #tpu.memory_space<semaphore_mem>>
    %dma_start3A_313 = tpu.memref_squeeze %dma_start3A_312 : memref<1x!tpu.dma_semaphore, #tpu.memory_space<semaphore_mem>> -> memref<!tpu.dma_semaphore, #tpu.memory_space<semaphore_mem>>
    %dma_start3A_314 = arith.constant 0 : i32
    %dma_start3A_315 = tpu.memref_slice %arg4[%mul3A_303, %dma_start3A_314] : memref<1638400x16xf32, #tpu.memory_space<hbm>> -> memref<1600x16xf32, #tpu.memory_space<hbm>>
    %dma_start3A_316 = arith.constant 0 : i32
    %dma_start3A_317 = arith.constant 0 : i32
    %dma_start3A_318 = tpu.memref_slice %arg7[%dma_start3A_304, %dma_start3A_316, %dma_start3A_317] : memref<3x1600x16xf32, #tpu.memory_space<vmem>> -> memref<1x1600x16xf32, #tpu.memory_space<vmem>>
    %dma_start3A_319 = tpu.memref_squeeze %dma_start3A_318 : memref<1x1600x16xf32, #tpu.memory_space<vmem>> -> memref<1600x16xf32, #tpu.memory_space<vmem>>
    tpu.enqueue_dma source(%dma_start3A_319 : memref<1600x16xf32, #tpu.memory_space<vmem>>) target(%dma_start3A_315 : memref<1600x16xf32, #tpu.memory_space<hbm>>) target_semaphore(%dma_start3A_313 : memref<!tpu.dma_semaphore, #tpu.memory_space<semaphore_mem>>)
    %dma_wait3A_320 = arith.constant 0 : i32
    %dma_wait3A_321 = arith.constant 0 : i32
    %dma_wait3A_322 = arith.constant 0 : i32
    %dma_wait3A_323 = arith.constant 0 : i32
    %dma_wait3A_324 = tpu.memref_slice %arg7[%dma_wait3A_320, %dma_wait3A_322, %dma_wait3A_323] : memref<3x1600x16xf32, #tpu.memory_space<vmem>> -> memref<1x1600x16xf32, #tpu.memory_space<vmem>>
    %dma_wait3A_325 = tpu.memref_squeeze %dma_wait3A_324 : memref<1x1600x16xf32, #tpu.memory_space<vmem>> -> memref<1600x16xf32, #tpu.memory_space<vmem>>
    %dma_wait3A_326 = arith.constant 0 : i32
    %dma_wait3A_327 = tpu.memref_slice %arg4[%mul3A_303, %dma_wait3A_326] : memref<1638400x16xf32, #tpu.memory_space<hbm>> -> memref<1600x16xf32, #tpu.memory_space<hbm>>
    %dma_wait3A_328 = tpu.memref_slice %arg9[%dma_wait3A_321] : memref<3x!tpu.dma_semaphore, #tpu.memory_space<semaphore_mem>> -> memref<1x!tpu.dma_semaphore, #tpu.memory_space<semaphore_mem>>
    %dma_wait3A_329 = tpu.memref_squeeze %dma_wait3A_328 : memref<1x!tpu.dma_semaphore, #tpu.memory_space<semaphore_mem>> -> memref<!tpu.dma_semaphore, #tpu.memory_space<semaphore_mem>>
    %dma_wait3A_330 = arith.constant 0 : i32
    %dma_wait3A_331 = tpu.memref_slice %arg4[%mul3A_303, %dma_wait3A_330] : memref<1638400x16xf32, #tpu.memory_space<hbm>> -> memref<1600x16xf32, #tpu.memory_space<hbm>>
    %dma_wait3A_332 = arith.constant 0 : i32
    %dma_wait3A_333 = arith.constant 0 : i32
    %dma_wait3A_334 = tpu.memref_slice %arg7[%dma_wait3A_320, %dma_wait3A_332, %dma_wait3A_333] : memref<3x1600x16xf32, #tpu.memory_space<vmem>> -> memref<1x1600x16xf32, #tpu.memory_space<vmem>>
    %dma_wait3A_335 = tpu.memref_squeeze %dma_wait3A_334 : memref<1x1600x16xf32, #tpu.memory_space<vmem>> -> memref<1600x16xf32, #tpu.memory_space<vmem>>
    tpu.wait_dma2 semaphore(%dma_wait3A_329 : memref<!tpu.dma_semaphore, #tpu.memory_space<semaphore_mem>>) src(%dma_wait3A_335 : memref<1600x16xf32, #tpu.memory_space<vmem>>) dst(%dma_wait3A_331 : memref<1600x16xf32, #tpu.memory_space<hbm>>)
    %scan3A_336 = arith.constant 0 : i32
    %scan3A_337 = arith.constant 0 : i32
    %scan3A_338 = arith.constant 0 : i32
    %scan3A_339 = arith.constant 50 : i32
    %scan3A_340 = arith.addi %scan3A_338, %scan3A_339 : i32
    %scan3A_341 = arith.constant 1 : i32
    scf.for %scan3A_2336 = %scan3A_338 to %scan3A_340 step %scan3A_341  : i32 {
      %mul3A_2337 = arith.constant 16 : i32
      %mul3A_2338 = arith.muli %scan3A_2336, %mul3A_2337 : i32
      %add3A_2339 = arith.constant 4800 : i32
      %add3A_2340 = arith.addi %add3A_2339, %mul3A_2338 : i32
      %get3A = arith.index_cast %add3A_2340 : i32 to index
      %get3A_2341 = tpu.vector_load %arg5[%get3A] {strides = array<i32>} : memref<25600xi32, #tpu.memory_space<vmem>>, vector<16xi32>,
      %mul3A_2342 = arith.constant 2 : i32
      %mul3A_2343 = vector.broadcast %mul3A_2342 : i32 to vector<16xi32>
      %mul3A_2344 = arith.muli %get3A_2341, %mul3A_2343 : vector<16xi32>
      %mul3A_2345 = arith.constant 16 : i32
      %mul3A_2346 = arith.muli %scan3A_2336, %mul3A_2345 : i32
      %add3A_2347 = vector.broadcast %mul3A_2346 : i32 to vector<16xi32>
      %add3A_2348 = arith.addi %add3A_2347, %iota3A : vector<16xi32>
      %mul3A_2349 = arith.constant 2 : i32
      %mul3A_2350 = vector.broadcast %mul3A_2349 : i32 to vector<16xi32>
      %mul3A_2351 = arith.muli %add3A_2348, %mul3A_2350 : vector<16xi32>
      %scatter3A = arith.constant 0 : i32
      %scatter3A_2352 = tpu.memref_slice %arg6[%scan3A_337, %scatter3A] : memref<3x1600xi32, #tpu.memory_space<vmem>> -> memref<1x1600xi32, #tpu.memory_space<vmem>>
      %scatter3A_2353 = tpu.memref_squeeze %scatter3A_2352 : memref<1x1600xi32, #tpu.memory_space<vmem>> -> memref<1600xi32, #tpu.memory_space<vmem>>
      tpu.vector_store_idx %scatter3A_2353[%mul3A_2351], %mul3A_2344 : memref<1600xi32, #tpu.memory_space<vmem>>[vector<16xi32>], vector<16xi32>,
      %add3A_2354 = arith.constant 1 : i32
      %add3A_2355 = vector.broadcast %add3A_2354 : i32 to vector<16xi32>
      %add3A_2356 = arith.addi %mul3A_2351, %add3A_2355 : vector<16xi32>
      %add3A_2357 = arith.constant 1 : i32
      %add3A_2358 = vector.broadcast %add3A_2357 : i32 to vector<16xi32>
      %add3A_2359 = arith.addi %mul3A_2344, %add3A_2358 : vector<16xi32>
      %scatter3A_2360 = arith.constant 0 : i32
      %scatter3A_2361 = tpu.memref_slice %arg6[%scan3A_337, %scatter3A_2360] : memref<3x1600xi32, #tpu.memory_space<vmem>> -> memref<1x1600xi32, #tpu.memory_space<vmem>>
      %scatter3A_2362 = tpu.memref_squeeze %scatter3A_2361 : memref<1x1600xi32, #tpu.memory_space<vmem>> -> memref<1600xi32, #tpu.memory_space<vmem>>
      tpu.vector_store_idx %scatter3A_2362[%add3A_2356], %add3A_2359 : memref<1600xi32, #tpu.memory_space<vmem>>[vector<16xi32>], vector<16xi32>,
    }
    %scan3A_342 = arith.constant 50 : i32
    %dma_start3A_343 = arith.constant 0 : i32
    %dma_start3A_344 = arith.constant 0 : i32
    %dma_start3A_345 = arith.constant 0 : i32
    %dma_start3A_346 = arith.constant 0 : i32
    %dma_start3A_347 = arith.constant 0 : i32
    %dma_start3A_348 = tpu.memref_slice %arg7[%dma_start3A_344, %dma_start3A_346, %dma_start3A_347] : memref<3x1600x16xf32, #tpu.memory_space<vmem>> -> memref<1x1600x16xf32, #tpu.memory_space<vmem>>
    %dma_start3A_349 = tpu.memref_squeeze %dma_start3A_348 : memref<1x1600x16xf32, #tpu.memory_space<vmem>> -> memref<1600x16xf32, #tpu.memory_space<vmem>>
    %dma_start3A_350 = arith.constant 0 : i32
    %dma_start3A_351 = tpu.memref_slice %arg6[%dma_start3A_343, %dma_start3A_350] : memref<3x1600xi32, #tpu.memory_space<vmem>> -> memref<1x1600xi32, #tpu.memory_space<vmem>>
    %dma_start3A_352 = tpu.memref_squeeze %dma_start3A_351 : memref<1x1600xi32, #tpu.memory_space<vmem>> -> memref<1600xi32, #tpu.memory_space<vmem>>
    %dma_start3A_353 = arith.constant 0 : i32
    %dma_start3A_354 = arith.constant 0 : i32
    %dma_start3A_355 = tpu.memref_slice %arg3[%dma_start3A_353, %dma_start3A_354] : memref<2000000x16xf32, #tpu.memory_space<hbm>> -> memref<2000000x16xf32, #tpu.memory_space<hbm>>
    %dma_start3A_356 = tpu.memref_slice %arg8[%dma_start3A_345] : memref<3x!tpu.dma_semaphore, #tpu.memory_space<semaphore_mem>> -> memref<1x!tpu.dma_semaphore, #tpu.memory_space<semaphore_mem>>
    %dma_start3A_357 = tpu.memref_squeeze %dma_start3A_356 : memref<1x!tpu.dma_semaphore, #tpu.memory_space<semaphore_mem>> -> memref<!tpu.dma_semaphore, #tpu.memory_space<semaphore_mem>>
    tpu.enqueue_indirect_dma source(%dma_start3A_355 : memref<2000000x16xf32, #tpu.memory_space<hbm>>) target(%dma_start3A_349 : memref<1600x16xf32, #tpu.memory_space<vmem>>) offsets(%dma_start3A_352 : memref<1600xi32, #tpu.memory_space<vmem>>) semaphore(%dma_start3A_357 : memref<!tpu.dma_semaphore, #tpu.memory_space<semaphore_mem>>)
    %dma_wait3A_358 = arith.constant 1 : i32
    %dma_wait3A_359 = arith.constant 1 : i32
    %dma_wait3A_360 = arith.constant 1 : i32
    %dma_wait3A_361 = arith.constant 0 : i32
    %dma_wait3A_362 = arith.constant 0 : i32
    %dma_wait3A_363 = tpu.memref_slice %arg7[%dma_wait3A_359, %dma_wait3A_361, %dma_wait3A_362] : memref<3x1600x16xf32, #tpu.memory_space<vmem>> -> memref<1x1600x16xf32, #tpu.memory_space<vmem>>
    %dma_wait3A_364 = tpu.memref_squeeze %dma_wait3A_363 : memref<1x1600x16xf32, #tpu.memory_space<vmem>> -> memref<1600x16xf32, #tpu.memory_space<vmem>>
    %dma_wait3A_365 = arith.constant 0 : i32
    %dma_wait3A_366 = tpu.memref_slice %arg6[%dma_wait3A_358, %dma_wait3A_365] : memref<3x1600xi32, #tpu.memory_space<vmem>> -> memref<1x1600xi32, #tpu.memory_space<vmem>>
    %dma_wait3A_367 = tpu.memref_squeeze %dma_wait3A_366 : memref<1x1600xi32, #tpu.memory_space<vmem>> -> memref<1600xi32, #tpu.memory_space<vmem>>
    %dma_wait3A_368 = arith.constant 0 : i32
    %dma_wait3A_369 = arith.constant 0 : i32
    %dma_wait3A_370 = tpu.memref_slice %arg3[%dma_wait3A_368, %dma_wait3A_369] : memref<2000000x16xf32, #tpu.memory_space<hbm>> -> memref<2000000x16xf32, #tpu.memory_space<hbm>>
    %dma_wait3A_371 = tpu.memref_slice %arg8[%dma_wait3A_360] : memref<3x!tpu.dma_semaphore, #tpu.memory_space<semaphore_mem>> -> memref<1x!tpu.dma_semaphore, #tpu.memory_space<semaphore_mem>>
    %dma_wait3A_372 = tpu.memref_squeeze %dma_wait3A_371 : memref<1x!tpu.dma_semaphore, #tpu.memory_space<semaphore_mem>> -> memref<!tpu.dma_semaphore, #tpu.memory_space<semaphore_mem>>
    tpu.wait_indirect_dma semaphore(%dma_wait3A_372 : memref<!tpu.dma_semaphore, #tpu.memory_space<semaphore_mem>>) src(%dma_wait3A_370 : memref<2000000x16xf32, #tpu.memory_space<hbm>>) dst(%dma_wait3A_364 : memref<1600x16xf32, #tpu.memory_space<vmem>>)
    %add3A_373 = arith.constant 3200 : i32
    %add3A_374 = arith.addi %mul3A_2, %add3A_373 : i32
    %mul3A_375 = arith.constant 2 : i32
    %mul3A_376 = arith.muli %add3A_374, %mul3A_375 : i32
    %dma_start3A_377 = arith.constant 1 : i32
    %dma_start3A_378 = arith.constant 1 : i32
    %dma_start3A_379 = arith.constant 0 : i32
    %dma_start3A_380 = arith.constant 0 : i32
    %dma_start3A_381 = tpu.memref_slice %arg7[%dma_start3A_377, %dma_start3A_379, %dma_start3A_380] : memref<3x1600x16xf32, #tpu.memory_space<vmem>> -> memref<1x1600x16xf32, #tpu.memory_space<vmem>>
    %dma_start3A_382 = tpu.memref_squeeze %dma_start3A_381 : memref<1x1600x16xf32, #tpu.memory_space<vmem>> -> memref<1600x16xf32, #tpu.memory_space<vmem>>
    %dma_start3A_383 = arith.constant 0 : i32
    %dma_start3A_384 = tpu.memref_slice %arg4[%mul3A_376, %dma_start3A_383] : memref<1638400x16xf32, #tpu.memory_space<hbm>> -> memref<1600x16xf32, #tpu.memory_space<hbm>>
    %dma_start3A_385 = tpu.memref_slice %arg9[%dma_start3A_378] : memref<3x!tpu.dma_semaphore, #tpu.memory_space<semaphore_mem>> -> memref<1x!tpu.dma_semaphore, #tpu.memory_space<semaphore_mem>>
    %dma_start3A_386 = tpu.memref_squeeze %dma_start3A_385 : memref<1x!tpu.dma_semaphore, #tpu.memory_space<semaphore_mem>> -> memref<!tpu.dma_semaphore, #tpu.memory_space<semaphore_mem>>
    %dma_start3A_387 = arith.constant 0 : i32
    %dma_start3A_388 = tpu.memref_slice %arg4[%mul3A_376, %dma_start3A_387] : memref<1638400x16xf32, #tpu.memory_space<hbm>> -> memref<1600x16xf32, #tpu.memory_space<hbm>>
    %dma_start3A_389 = arith.constant 0 : i32
    %dma_start3A_390 = arith.constant 0 : i32
    %dma_start3A_391 = tpu.memref_slice %arg7[%dma_start3A_377, %dma_start3A_389, %dma_start3A_390] : memref<3x1600x16xf32, #tpu.memory_space<vmem>> -> memref<1x1600x16xf32, #tpu.memory_space<vmem>>
    %dma_start3A_392 = tpu.memref_squeeze %dma_start3A_391 : memref<1x1600x16xf32, #tpu.memory_space<vmem>> -> memref<1600x16xf32, #tpu.memory_space<vmem>>
    tpu.enqueue_dma source(%dma_start3A_392 : memref<1600x16xf32, #tpu.memory_space<vmem>>) target(%dma_start3A_388 : memref<1600x16xf32, #tpu.memory_space<hbm>>) target_semaphore(%dma_start3A_386 : memref<!tpu.dma_semaphore, #tpu.memory_space<semaphore_mem>>)
    %dma_wait3A_393 = arith.constant 1 : i32
    %dma_wait3A_394 = arith.constant 1 : i32
    %dma_wait3A_395 = arith.constant 0 : i32
    %dma_wait3A_396 = arith.constant 0 : i32
    %dma_wait3A_397 = tpu.memref_slice %arg7[%dma_wait3A_393, %dma_wait3A_395, %dma_wait3A_396] : memref<3x1600x16xf32, #tpu.memory_space<vmem>> -> memref<1x1600x16xf32, #tpu.memory_space<vmem>>
    %dma_wait3A_398 = tpu.memref_squeeze %dma_wait3A_397 : memref<1x1600x16xf32, #tpu.memory_space<vmem>> -> memref<1600x16xf32, #tpu.memory_space<vmem>>
    %dma_wait3A_399 = arith.constant 0 : i32
    %dma_wait3A_400 = tpu.memref_slice %arg4[%mul3A_376, %dma_wait3A_399] : memref<1638400x16xf32, #tpu.memory_space<hbm>> -> memref<1600x16xf32, #tpu.memory_space<hbm>>
    %dma_wait3A_401 = tpu.memref_slice %arg9[%dma_wait3A_394] : memref<3x!tpu.dma_semaphore, #tpu.memory_space<semaphore_mem>> -> memref<1x!tpu.dma_semaphore, #tpu.memory_space<semaphore_mem>>
    %dma_wait3A_402 = tpu.memref_squeeze %dma_wait3A_401 : memref<1x!tpu.dma_semaphore, #tpu.memory_space<semaphore_mem>> -> memref<!tpu.dma_semaphore, #tpu.memory_space<semaphore_mem>>
    %dma_wait3A_403 = arith.constant 0 : i32
    %dma_wait3A_404 = tpu.memref_slice %arg4[%mul3A_376, %dma_wait3A_403] : memref<1638400x16xf32, #tpu.memory_space<hbm>> -> memref<1600x16xf32, #tpu.memory_space<hbm>>
    %dma_wait3A_405 = arith.constant 0 : i32
    %dma_wait3A_406 = arith.constant 0 : i32
    %dma_wait3A_407 = tpu.memref_slice %arg7[%dma_wait3A_393, %dma_wait3A_405, %dma_wait3A_406] : memref<3x1600x16xf32, #tpu.memory_space<vmem>> -> memref<1x1600x16xf32, #tpu.memory_space<vmem>>
    %dma_wait3A_408 = tpu.memref_squeeze %dma_wait3A_407 : memref<1x1600x16xf32, #tpu.memory_space<vmem>> -> memref<1600x16xf32, #tpu.memory_space<vmem>>
    tpu.wait_dma2 semaphore(%dma_wait3A_402 : memref<!tpu.dma_semaphore, #tpu.memory_space<semaphore_mem>>) src(%dma_wait3A_408 : memref<1600x16xf32, #tpu.memory_space<vmem>>) dst(%dma_wait3A_404 : memref<1600x16xf32, #tpu.memory_space<hbm>>)
    %scan3A_409 = arith.constant 0 : i32
    %scan3A_410 = arith.constant 1 : i32
    %scan3A_411 = arith.constant 0 : i32
    %scan3A_412 = arith.constant 50 : i32
    %scan3A_413 = arith.addi %scan3A_411, %scan3A_412 : i32
    %scan3A_414 = arith.constant 1 : i32
    scf.for %scan3A_2336 = %scan3A_411 to %scan3A_413 step %scan3A_414  : i32 {
      %mul3A_2337 = arith.constant 16 : i32
      %mul3A_2338 = arith.muli %scan3A_2336, %mul3A_2337 : i32
      %add3A_2339 = arith.constant 5600 : i32
      %add3A_2340 = arith.addi %add3A_2339, %mul3A_2338 : i32
      %get3A = arith.index_cast %add3A_2340 : i32 to index
      %get3A_2341 = tpu.vector_load %arg5[%get3A] {strides = array<i32>} : memref<25600xi32, #tpu.memory_space<vmem>>, vector<16xi32>,
      %mul3A_2342 = arith.constant 2 : i32
      %mul3A_2343 = vector.broadcast %mul3A_2342 : i32 to vector<16xi32>
      %mul3A_2344 = arith.muli %get3A_2341, %mul3A_2343 : vector<16xi32>
      %mul3A_2345 = arith.constant 16 : i32
      %mul3A_2346 = arith.muli %scan3A_2336, %mul3A_2345 : i32
      %add3A_2347 = vector.broadcast %mul3A_2346 : i32 to vector<16xi32>
      %add3A_2348 = arith.addi %add3A_2347, %iota3A : vector<16xi32>
      %mul3A_2349 = arith.constant 2 : i32
      %mul3A_2350 = vector.broadcast %mul3A_2349 : i32 to vector<16xi32>
      %mul3A_2351 = arith.muli %add3A_2348, %mul3A_2350 : vector<16xi32>
      %scatter3A = arith.constant 0 : i32
      %scatter3A_2352 = tpu.memref_slice %arg6[%scan3A_410, %scatter3A] : memref<3x1600xi32, #tpu.memory_space<vmem>> -> memref<1x1600xi32, #tpu.memory_space<vmem>>
      %scatter3A_2353 = tpu.memref_squeeze %scatter3A_2352 : memref<1x1600xi32, #tpu.memory_space<vmem>> -> memref<1600xi32, #tpu.memory_space<vmem>>
      tpu.vector_store_idx %scatter3A_2353[%mul3A_2351], %mul3A_2344 : memref<1600xi32, #tpu.memory_space<vmem>>[vector<16xi32>], vector<16xi32>,
      %add3A_2354 = arith.constant 1 : i32
      %add3A_2355 = vector.broadcast %add3A_2354 : i32 to vector<16xi32>
      %add3A_2356 = arith.addi %mul3A_2351, %add3A_2355 : vector<16xi32>
      %add3A_2357 = arith.constant 1 : i32
      %add3A_2358 = vector.broadcast %add3A_2357 : i32 to vector<16xi32>
      %add3A_2359 = arith.addi %mul3A_2344, %add3A_2358 : vector<16xi32>
      %scatter3A_2360 = arith.constant 0 : i32
      %scatter3A_2361 = tpu.memref_slice %arg6[%scan3A_410, %scatter3A_2360] : memref<3x1600xi32, #tpu.memory_space<vmem>> -> memref<1x1600xi32, #tpu.memory_space<vmem>>
      %scatter3A_2362 = tpu.memref_squeeze %scatter3A_2361 : memref<1x1600xi32, #tpu.memory_space<vmem>> -> memref<1600xi32, #tpu.memory_space<vmem>>
      tpu.vector_store_idx %scatter3A_2362[%add3A_2356], %add3A_2359 : memref<1600xi32, #tpu.memory_space<vmem>>[vector<16xi32>], vector<16xi32>,
    }
    %scan3A_415 = arith.constant 50 : i32
    %dma_start3A_416 = arith.constant 1 : i32
    %dma_start3A_417 = arith.constant 1 : i32
    %dma_start3A_418 = arith.constant 1 : i32
    %dma_start3A_419 = arith.constant 0 : i32
    %dma_start3A_420 = arith.constant 0 : i32
    %dma_start3A_421 = tpu.memref_slice %arg7[%dma_start3A_417, %dma_start3A_419, %dma_start3A_420] : memref<3x1600x16xf32, #tpu.memory_space<vmem>> -> memref<1x1600x16xf32, #tpu.memory_space<vmem>>
    %dma_start3A_422 = tpu.memref_squeeze %dma_start3A_421 : memref<1x1600x16xf32, #tpu.memory_space<vmem>> -> memref<1600x16xf32, #tpu.memory_space<vmem>>
    %dma_start3A_423 = arith.constant 0 : i32
    %dma_start3A_424 = tpu.memref_slice %arg6[%dma_start3A_416, %dma_start3A_423] : memref<3x1600xi32, #tpu.memory_space<vmem>> -> memref<1x1600xi32, #tpu.memory_space<vmem>>
    %dma_start3A_425 = tpu.memref_squeeze %dma_start3A_424 : memref<1x1600xi32, #tpu.memory_space<vmem>> -> memref<1600xi32, #tpu.memory_space<vmem>>
    %dma_start3A_426 = arith.constant 0 : i32
    %dma_start3A_427 = arith.constant 0 : i32
    %dma_start3A_428 = tpu.memref_slice %arg3[%dma_start3A_426, %dma_start3A_427] : memref<2000000x16xf32, #tpu.memory_space<hbm>> -> memref<2000000x16xf32, #tpu.memory_space<hbm>>
    %dma_start3A_429 = tpu.memref_slice %arg8[%dma_start3A_418] : memref<3x!tpu.dma_semaphore, #tpu.memory_space<semaphore_mem>> -> memref<1x!tpu.dma_semaphore, #tpu.memory_space<semaphore_mem>>
    %dma_start3A_430 = tpu.memref_squeeze %dma_start3A_429 : memref<1x!tpu.dma_semaphore, #tpu.memory_space<semaphore_mem>> -> memref<!tpu.dma_semaphore, #tpu.memory_space<semaphore_mem>>
    tpu.enqueue_indirect_dma source(%dma_start3A_428 : memref<2000000x16xf32, #tpu.memory_space<hbm>>) target(%dma_start3A_422 : memref<1600x16xf32, #tpu.memory_space<vmem>>) offsets(%dma_start3A_425 : memref<1600xi32, #tpu.memory_space<vmem>>) semaphore(%dma_start3A_430 : memref<!tpu.dma_semaphore, #tpu.memory_space<semaphore_mem>>)
    %dma_wait3A_431 = arith.constant 2 : i32
    %dma_wait3A_432 = arith.constant 2 : i32
    %dma_wait3A_433 = arith.constant 2 : i32
    %dma_wait3A_434 = arith.constant 0 : i32
    %dma_wait3A_435 = arith.constant 0 : i32
    %dma_wait3A_436 = tpu.memref_slice %arg7[%dma_wait3A_432, %dma_wait3A_434, %dma_wait3A_435] : memref<3x1600x16xf32, #tpu.memory_space<vmem>> -> memref<1x1600x16xf32, #tpu.memory_space<vmem>>
    %dma_wait3A_437 = tpu.memref_squeeze %dma_wait3A_436 : memref<1x1600x16xf32, #tpu.memory_space<vmem>> -> memref<1600x16xf32, #tpu.memory_space<vmem>>
    %dma_wait3A_438 = arith.constant 0 : i32
    %dma_wait3A_439 = tpu.memref_slice %arg6[%dma_wait3A_431, %dma_wait3A_438] : memref<3x1600xi32, #tpu.memory_space<vmem>> -> memref<1x1600xi32, #tpu.memory_space<vmem>>
    %dma_wait3A_440 = tpu.memref_squeeze %dma_wait3A_439 : memref<1x1600xi32, #tpu.memory_space<vmem>> -> memref<1600xi32, #tpu.memory_space<vmem>>
    %dma_wait3A_441 = arith.constant 0 : i32
    %dma_wait3A_442 = arith.constant 0 : i32
    %dma_wait3A_443 = tpu.memref_slice %arg3[%dma_wait3A_441, %dma_wait3A_442] : memref<2000000x16xf32, #tpu.memory_space<hbm>> -> memref<2000000x16xf32, #tpu.memory_space<hbm>>
    %dma_wait3A_444 = tpu.memref_slice %arg8[%dma_wait3A_433] : memref<3x!tpu.dma_semaphore, #tpu.memory_space<semaphore_mem>> -> memref<1x!tpu.dma_semaphore, #tpu.memory_space<semaphore_mem>>
    %dma_wait3A_445 = tpu.memref_squeeze %dma_wait3A_444 : memref<1x!tpu.dma_semaphore, #tpu.memory_space<semaphore_mem>> -> memref<!tpu.dma_semaphore, #tpu.memory_space<semaphore_mem>>
    tpu.wait_indirect_dma semaphore(%dma_wait3A_445 : memref<!tpu.dma_semaphore, #tpu.memory_space<semaphore_mem>>) src(%dma_wait3A_443 : memref<2000000x16xf32, #tpu.memory_space<hbm>>) dst(%dma_wait3A_437 : memref<1600x16xf32, #tpu.memory_space<vmem>>)
    %add3A_446 = arith.constant 4000 : i32
    %add3A_447 = arith.addi %mul3A_2, %add3A_446 : i32
    %mul3A_448 = arith.constant 2 : i32
    %mul3A_449 = arith.muli %add3A_447, %mul3A_448 : i32
    %dma_start3A_450 = arith.constant 2 : i32
    %dma_start3A_451 = arith.constant 2 : i32
    %dma_start3A_452 = arith.constant 0 : i32
    %dma_start3A_453 = arith.constant 0 : i32
    %dma_start3A_454 = tpu.memref_slice %arg7[%dma_start3A_450, %dma_start3A_452, %dma_start3A_453] : memref<3x1600x16xf32, #tpu.memory_space<vmem>> -> memref<1x1600x16xf32, #tpu.memory_space<vmem>>
    %dma_start3A_455 = tpu.memref_squeeze %dma_start3A_454 : memref<1x1600x16xf32, #tpu.memory_space<vmem>> -> memref<1600x16xf32, #tpu.memory_space<vmem>>
    %dma_start3A_456 = arith.constant 0 : i32
    %dma_start3A_457 = tpu.memref_slice %arg4[%mul3A_449, %dma_start3A_456] : memref<1638400x16xf32, #tpu.memory_space<hbm>> -> memref<1600x16xf32, #tpu.memory_space<hbm>>
    %dma_start3A_458 = tpu.memref_slice %arg9[%dma_start3A_451] : memref<3x!tpu.dma_semaphore, #tpu.memory_space<semaphore_mem>> -> memref<1x!tpu.dma_semaphore, #tpu.memory_space<semaphore_mem>>
    %dma_start3A_459 = tpu.memref_squeeze %dma_start3A_458 : memref<1x!tpu.dma_semaphore, #tpu.memory_space<semaphore_mem>> -> memref<!tpu.dma_semaphore, #tpu.memory_space<semaphore_mem>>
    %dma_start3A_460 = arith.constant 0 : i32
    %dma_start3A_461 = tpu.memref_slice %arg4[%mul3A_449, %dma_start3A_460] : memref<1638400x16xf32, #tpu.memory_space<hbm>> -> memref<1600x16xf32, #tpu.memory_space<hbm>>
    %dma_start3A_462 = arith.constant 0 : i32
    %dma_start3A_463 = arith.constant 0 : i32
    %dma_start3A_464 = tpu.memref_slice %arg7[%dma_start3A_450, %dma_start3A_462, %dma_start3A_463] : memref<3x1600x16xf32, #tpu.memory_space<vmem>> -> memref<1x1600x16xf32, #tpu.memory_space<vmem>>
    %dma_start3A_465 = tpu.memref_squeeze %dma_start3A_464 : memref<1x1600x16xf32, #tpu.memory_space<vmem>> -> memref<1600x16xf32, #tpu.memory_space<vmem>>
    tpu.enqueue_dma source(%dma_start3A_465 : memref<1600x16xf32, #tpu.memory_space<vmem>>) target(%dma_start3A_461 : memref<1600x16xf32, #tpu.memory_space<hbm>>) target_semaphore(%dma_start3A_459 : memref<!tpu.dma_semaphore, #tpu.memory_space<semaphore_mem>>)
    %dma_wait3A_466 = arith.constant 2 : i32
    %dma_wait3A_467 = arith.constant 2 : i32
    %dma_wait3A_468 = arith.constant 0 : i32
    %dma_wait3A_469 = arith.constant 0 : i32
    %dma_wait3A_470 = tpu.memref_slice %arg7[%dma_wait3A_466, %dma_wait3A_468, %dma_wait3A_469] : memref<3x1600x16xf32, #tpu.memory_space<vmem>> -> memref<1x1600x16xf32, #tpu.memory_space<vmem>>
    %dma_wait3A_471 = tpu.memref_squeeze %dma_wait3A_470 : memref<1x1600x16xf32, #tpu.memory_space<vmem>> -> memref<1600x16xf32, #tpu.memory_space<vmem>>
    %dma_wait3A_472 = arith.constant 0 : i32
    %dma_wait3A_473 = tpu.memref_slice %arg4[%mul3A_449, %dma_wait3A_472] : memref<1638400x16xf32, #tpu.memory_space<hbm>> -> memref<1600x16xf32, #tpu.memory_space<hbm>>
    %dma_wait3A_474 = tpu.memref_slice %arg9[%dma_wait3A_467] : memref<3x!tpu.dma_semaphore, #tpu.memory_space<semaphore_mem>> -> memref<1x!tpu.dma_semaphore, #tpu.memory_space<semaphore_mem>>
    %dma_wait3A_475 = tpu.memref_squeeze %dma_wait3A_474 : memref<1x!tpu.dma_semaphore, #tpu.memory_space<semaphore_mem>> -> memref<!tpu.dma_semaphore, #tpu.memory_space<semaphore_mem>>
    %dma_wait3A_476 = arith.constant 0 : i32
    %dma_wait3A_477 = tpu.memref_slice %arg4[%mul3A_449, %dma_wait3A_476] : memref<1638400x16xf32, #tpu.memory_space<hbm>> -> memref<1600x16xf32, #tpu.memory_space<hbm>>
    %dma_wait3A_478 = arith.constant 0 : i32
    %dma_wait3A_479 = arith.constant 0 : i32
    %dma_wait3A_480 = tpu.memref_slice %arg7[%dma_wait3A_466, %dma_wait3A_478, %dma_wait3A_479] : memref<3x1600x16xf32, #tpu.memory_space<vmem>> -> memref<1x1600x16xf32, #tpu.memory_space<vmem>>
    %dma_wait3A_481 = tpu.memref_squeeze %dma_wait3A_480 : memref<1x1600x16xf32, #tpu.memory_space<vmem>> -> memref<1600x16xf32, #tpu.memory_space<vmem>>
    tpu.wait_dma2 semaphore(%dma_wait3A_475 : memref<!tpu.dma_semaphore, #tpu.memory_space<semaphore_mem>>) src(%dma_wait3A_481 : memref<1600x16xf32, #tpu.memory_space<vmem>>) dst(%dma_wait3A_477 : memref<1600x16xf32, #tpu.memory_space<hbm>>)
    %scan3A_482 = arith.constant 0 : i32
    %scan3A_483 = arith.constant 2 : i32
    %scan3A_484 = arith.constant 0 : i32
    %scan3A_485 = arith.constant 50 : i32
    %scan3A_486 = arith.addi %scan3A_484, %scan3A_485 : i32
    %scan3A_487 = arith.constant 1 : i32
    scf.for %scan3A_2336 = %scan3A_484 to %scan3A_486 step %scan3A_487  : i32 {
      %mul3A_2337 = arith.constant 16 : i32
      %mul3A_2338 = arith.muli %scan3A_2336, %mul3A_2337 : i32
      %add3A_2339 = arith.constant 6400 : i32
      %add3A_2340 = arith.addi %add3A_2339, %mul3A_2338 : i32
      %get3A = arith.index_cast %add3A_2340 : i32 to index
      %get3A_2341 = tpu.vector_load %arg5[%get3A] {strides = array<i32>} : memref<25600xi32, #tpu.memory_space<vmem>>, vector<16xi32>,
      %mul3A_2342 = arith.constant 2 : i32
      %mul3A_2343 = vector.broadcast %mul3A_2342 : i32 to vector<16xi32>
      %mul3A_2344 = arith.muli %get3A_2341, %mul3A_2343 : vector<16xi32>
      %mul3A_2345 = arith.constant 16 : i32
      %mul3A_2346 = arith.muli %scan3A_2336, %mul3A_2345 : i32
      %add3A_2347 = vector.broadcast %mul3A_2346 : i32 to vector<16xi32>
      %add3A_2348 = arith.addi %add3A_2347, %iota3A : vector<16xi32>
      %mul3A_2349 = arith.constant 2 : i32
      %mul3A_2350 = vector.broadcast %mul3A_2349 : i32 to vector<16xi32>
      %mul3A_2351 = arith.muli %add3A_2348, %mul3A_2350 : vector<16xi32>
      %scatter3A = arith.constant 0 : i32
      %scatter3A_2352 = tpu.memref_slice %arg6[%scan3A_483, %scatter3A] : memref<3x1600xi32, #tpu.memory_space<vmem>> -> memref<1x1600xi32, #tpu.memory_space<vmem>>
      %scatter3A_2353 = tpu.memref_squeeze %scatter3A_2352 : memref<1x1600xi32, #tpu.memory_space<vmem>> -> memref<1600xi32, #tpu.memory_space<vmem>>
      tpu.vector_store_idx %scatter3A_2353[%mul3A_2351], %mul3A_2344 : memref<1600xi32, #tpu.memory_space<vmem>>[vector<16xi32>], vector<16xi32>,
      %add3A_2354 = arith.constant 1 : i32
      %add3A_2355 = vector.broadcast %add3A_2354 : i32 to vector<16xi32>
      %add3A_2356 = arith.addi %mul3A_2351, %add3A_2355 : vector<16xi32>
      %add3A_2357 = arith.constant 1 : i32
      %add3A_2358 = vector.broadcast %add3A_2357 : i32 to vector<16xi32>
      %add3A_2359 = arith.addi %mul3A_2344, %add3A_2358 : vector<16xi32>
      %scatter3A_2360 = arith.constant 0 : i32
      %scatter3A_2361 = tpu.memref_slice %arg6[%scan3A_483, %scatter3A_2360] : memref<3x1600xi32, #tpu.memory_space<vmem>> -> memref<1x1600xi32, #tpu.memory_space<vmem>>
      %scatter3A_2362 = tpu.memref_squeeze %scatter3A_2361 : memref<1x1600xi32, #tpu.memory_space<vmem>> -> memref<1600xi32, #tpu.memory_space<vmem>>
      tpu.vector_store_idx %scatter3A_2362[%add3A_2356], %add3A_2359 : memref<1600xi32, #tpu.memory_space<vmem>>[vector<16xi32>], vector<16xi32>,
    }
    %scan3A_488 = arith.constant 50 : i32
    %dma_start3A_489 = arith.constant 2 : i32
    %dma_start3A_490 = arith.constant 2 : i32
    %dma_start3A_491 = arith.constant 2 : i32
    %dma_start3A_492 = arith.constant 0 : i32
    %dma_start3A_493 = arith.constant 0 : i32
    %dma_start3A_494 = tpu.memref_slice %arg7[%dma_start3A_490, %dma_start3A_492, %dma_start3A_493] : memref<3x1600x16xf32, #tpu.memory_space<vmem>> -> memref<1x1600x16xf32, #tpu.memory_space<vmem>>
    %dma_start3A_495 = tpu.memref_squeeze %dma_start3A_494 : memref<1x1600x16xf32, #tpu.memory_space<vmem>> -> memref<1600x16xf32, #tpu.memory_space<vmem>>
    %dma_start3A_496 = arith.constant 0 : i32
    %dma_start3A_497 = tpu.memref_slice %arg6[%dma_start3A_489, %dma_start3A_496] : memref<3x1600xi32, #tpu.memory_space<vmem>> -> memref<1x1600xi32, #tpu.memory_space<vmem>>
    %dma_start3A_498 = tpu.memref_squeeze %dma_start3A_497 : memref<1x1600xi32, #tpu.memory_space<vmem>> -> memref<1600xi32, #tpu.memory_space<vmem>>
    %dma_start3A_499 = arith.constant 0 : i32
    %dma_start3A_500 = arith.constant 0 : i32
    %dma_start3A_501 = tpu.memref_slice %arg3[%dma_start3A_499, %dma_start3A_500] : memref<2000000x16xf32, #tpu.memory_space<hbm>> -> memref<2000000x16xf32, #tpu.memory_space<hbm>>
    %dma_start3A_502 = tpu.memref_slice %arg8[%dma_start3A_491] : memref<3x!tpu.dma_semaphore, #tpu.memory_space<semaphore_mem>> -> memref<1x!tpu.dma_semaphore, #tpu.memory_space<semaphore_mem>>
    %dma_start3A_503 = tpu.memref_squeeze %dma_start3A_502 : memref<1x!tpu.dma_semaphore, #tpu.memory_space<semaphore_mem>> -> memref<!tpu.dma_semaphore, #tpu.memory_space<semaphore_mem>>
    tpu.enqueue_indirect_dma source(%dma_start3A_501 : memref<2000000x16xf32, #tpu.memory_space<hbm>>) target(%dma_start3A_495 : memref<1600x16xf32, #tpu.memory_space<vmem>>) offsets(%dma_start3A_498 : memref<1600xi32, #tpu.memory_space<vmem>>) semaphore(%dma_start3A_503 : memref<!tpu.dma_semaphore, #tpu.memory_space<semaphore_mem>>)
    %dma_wait3A_504 = arith.constant 0 : i32
    %dma_wait3A_505 = arith.constant 0 : i32
    %dma_wait3A_506 = arith.constant 0 : i32
    %dma_wait3A_507 = arith.constant 0 : i32
    %dma_wait3A_508 = arith.constant 0 : i32
    %dma_wait3A_509 = tpu.memref_slice %arg7[%dma_wait3A_505, %dma_wait3A_507, %dma_wait3A_508] : memref<3x1600x16xf32, #tpu.memory_space<vmem>> -> memref<1x1600x16xf32, #tpu.memory_space<vmem>>
    %dma_wait3A_510 = tpu.memref_squeeze %dma_wait3A_509 : memref<1x1600x16xf32, #tpu.memory_space<vmem>> -> memref<1600x16xf32, #tpu.memory_space<vmem>>
    %dma_wait3A_511 = arith.constant 0 : i32
    %dma_wait3A_512 = tpu.memref_slice %arg6[%dma_wait3A_504, %dma_wait3A_511] : memref<3x1600xi32, #tpu.memory_space<vmem>> -> memref<1x1600xi32, #tpu.memory_space<vmem>>
    %dma_wait3A_513 = tpu.memref_squeeze %dma_wait3A_512 : memref<1x1600xi32, #tpu.memory_space<vmem>> -> memref<1600xi32, #tpu.memory_space<vmem>>
    %dma_wait3A_514 = arith.constant 0 : i32
    %dma_wait3A_515 = arith.constant 0 : i32
    %dma_wait3A_516 = tpu.memref_slice %arg3[%dma_wait3A_514, %dma_wait3A_515] : memref<2000000x16xf32, #tpu.memory_space<hbm>> -> memref<2000000x16xf32, #tpu.memory_space<hbm>>
    %dma_wait3A_517 = tpu.memref_slice %arg8[%dma_wait3A_506] : memref<3x!tpu.dma_semaphore, #tpu.memory_space<semaphore_mem>> -> memref<1x!tpu.dma_semaphore, #tpu.memory_space<semaphore_mem>>
    %dma_wait3A_518 = tpu.memref_squeeze %dma_wait3A_517 : memref<1x!tpu.dma_semaphore, #tpu.memory_space<semaphore_mem>> -> memref<!tpu.dma_semaphore, #tpu.memory_space<semaphore_mem>>
    tpu.wait_indirect_dma semaphore(%dma_wait3A_518 : memref<!tpu.dma_semaphore, #tpu.memory_space<semaphore_mem>>) src(%dma_wait3A_516 : memref<2000000x16xf32, #tpu.memory_space<hbm>>) dst(%dma_wait3A_510 : memref<1600x16xf32, #tpu.memory_space<vmem>>)
    %add3A_519 = arith.constant 4800 : i32
    %add3A_520 = arith.addi %mul3A_2, %add3A_519 : i32
    %mul3A_521 = arith.constant 2 : i32
    %mul3A_522 = arith.muli %add3A_520, %mul3A_521 : i32
    %dma_start3A_523 = arith.constant 0 : i32
    %dma_start3A_524 = arith.constant 0 : i32
    %dma_start3A_525 = arith.constant 0 : i32
    %dma_start3A_526 = arith.constant 0 : i32
    %dma_start3A_527 = tpu.memref_slice %arg7[%dma_start3A_523, %dma_start3A_525, %dma_start3A_526] : memref<3x1600x16xf32, #tpu.memory_space<vmem>> -> memref<1x1600x16xf32, #tpu.memory_space<vmem>>
    %dma_start3A_528 = tpu.memref_squeeze %dma_start3A_527 : memref<1x1600x16xf32, #tpu.memory_space<vmem>> -> memref<1600x16xf32, #tpu.memory_space<vmem>>
    %dma_start3A_529 = arith.constant 0 : i32
    %dma_start3A_530 = tpu.memref_slice %arg4[%mul3A_522, %dma_start3A_529] : memref<1638400x16xf32, #tpu.memory_space<hbm>> -> memref<1600x16xf32, #tpu.memory_space<hbm>>
    %dma_start3A_531 = tpu.memref_slice %arg9[%dma_start3A_524] : memref<3x!tpu.dma_semaphore, #tpu.memory_space<semaphore_mem>> -> memref<1x!tpu.dma_semaphore, #tpu.memory_space<semaphore_mem>>
    %dma_start3A_532 = tpu.memref_squeeze %dma_start3A_531 : memref<1x!tpu.dma_semaphore, #tpu.memory_space<semaphore_mem>> -> memref<!tpu.dma_semaphore, #tpu.memory_space<semaphore_mem>>
    %dma_start3A_533 = arith.constant 0 : i32
    %dma_start3A_534 = tpu.memref_slice %arg4[%mul3A_522, %dma_start3A_533] : memref<1638400x16xf32, #tpu.memory_space<hbm>> -> memref<1600x16xf32, #tpu.memory_space<hbm>>
    %dma_start3A_535 = arith.constant 0 : i32
    %dma_start3A_536 = arith.constant 0 : i32
    %dma_start3A_537 = tpu.memref_slice %arg7[%dma_start3A_523, %dma_start3A_535, %dma_start3A_536] : memref<3x1600x16xf32, #tpu.memory_space<vmem>> -> memref<1x1600x16xf32, #tpu.memory_space<vmem>>
    %dma_start3A_538 = tpu.memref_squeeze %dma_start3A_537 : memref<1x1600x16xf32, #tpu.memory_space<vmem>> -> memref<1600x16xf32, #tpu.memory_space<vmem>>
    tpu.enqueue_dma source(%dma_start3A_538 : memref<1600x16xf32, #tpu.memory_space<vmem>>) target(%dma_start3A_534 : memref<1600x16xf32, #tpu.memory_space<hbm>>) target_semaphore(%dma_start3A_532 : memref<!tpu.dma_semaphore, #tpu.memory_space<semaphore_mem>>)
    %dma_wait3A_539 = arith.constant 0 : i32
    %dma_wait3A_540 = arith.constant 0 : i32
    %dma_wait3A_541 = arith.constant 0 : i32
    %dma_wait3A_542 = arith.constant 0 : i32
    %dma_wait3A_543 = tpu.memref_slice %arg7[%dma_wait3A_539, %dma_wait3A_541, %dma_wait3A_542] : memref<3x1600x16xf32, #tpu.memory_space<vmem>> -> memref<1x1600x16xf32, #tpu.memory_space<vmem>>
    %dma_wait3A_544 = tpu.memref_squeeze %dma_wait3A_543 : memref<1x1600x16xf32, #tpu.memory_space<vmem>> -> memref<1600x16xf32, #tpu.memory_space<vmem>>
    %dma_wait3A_545 = arith.constant 0 : i32
    %dma_wait3A_546 = tpu.memref_slice %arg4[%mul3A_522, %dma_wait3A_545] : memref<1638400x16xf32, #tpu.memory_space<hbm>> -> memref<1600x16xf32, #tpu.memory_space<hbm>>
    %dma_wait3A_547 = tpu.memref_slice %arg9[%dma_wait3A_540] : memref<3x!tpu.dma_semaphore, #tpu.memory_space<semaphore_mem>> -> memref<1x!tpu.dma_semaphore, #tpu.memory_space<semaphore_mem>>
    %dma_wait3A_548 = tpu.memref_squeeze %dma_wait3A_547 : memref<1x!tpu.dma_semaphore, #tpu.memory_space<semaphore_mem>> -> memref<!tpu.dma_semaphore, #tpu.memory_space<semaphore_mem>>
    %dma_wait3A_549 = arith.constant 0 : i32
    %dma_wait3A_550 = tpu.memref_slice %arg4[%mul3A_522, %dma_wait3A_549] : memref<1638400x16xf32, #tpu.memory_space<hbm>> -> memref<1600x16xf32, #tpu.memory_space<hbm>>
    %dma_wait3A_551 = arith.constant 0 : i32
    %dma_wait3A_552 = arith.constant 0 : i32
    %dma_wait3A_553 = tpu.memref_slice %arg7[%dma_wait3A_539, %dma_wait3A_551, %dma_wait3A_552] : memref<3x1600x16xf32, #tpu.memory_space<vmem>> -> memref<1x1600x16xf32, #tpu.memory_space<vmem>>
    %dma_wait3A_554 = tpu.memref_squeeze %dma_wait3A_553 : memref<1x1600x16xf32, #tpu.memory_space<vmem>> -> memref<1600x16xf32, #tpu.memory_space<vmem>>
    tpu.wait_dma2 semaphore(%dma_wait3A_548 : memref<!tpu.dma_semaphore, #tpu.memory_space<semaphore_mem>>) src(%dma_wait3A_554 : memref<1600x16xf32, #tpu.memory_space<vmem>>) dst(%dma_wait3A_550 : memref<1600x16xf32, #tpu.memory_space<hbm>>)
    %scan3A_555 = arith.constant 0 : i32
    %scan3A_556 = arith.constant 0 : i32
    %scan3A_557 = arith.constant 0 : i32
    %scan3A_558 = arith.constant 50 : i32
    %scan3A_559 = arith.addi %scan3A_557, %scan3A_558 : i32
    %scan3A_560 = arith.constant 1 : i32
    scf.for %scan3A_2336 = %scan3A_557 to %scan3A_559 step %scan3A_560  : i32 {
      %mul3A_2337 = arith.constant 16 : i32
      %mul3A_2338 = arith.muli %scan3A_2336, %mul3A_2337 : i32
      %add3A_2339 = arith.constant 7200 : i32
      %add3A_2340 = arith.addi %add3A_2339, %mul3A_2338 : i32
      %get3A = arith.index_cast %add3A_2340 : i32 to index
      %get3A_2341 = tpu.vector_load %arg5[%get3A] {strides = array<i32>} : memref<25600xi32, #tpu.memory_space<vmem>>, vector<16xi32>,
      %mul3A_2342 = arith.constant 2 : i32
      %mul3A_2343 = vector.broadcast %mul3A_2342 : i32 to vector<16xi32>
      %mul3A_2344 = arith.muli %get3A_2341, %mul3A_2343 : vector<16xi32>
      %mul3A_2345 = arith.constant 16 : i32
      %mul3A_2346 = arith.muli %scan3A_2336, %mul3A_2345 : i32
      %add3A_2347 = vector.broadcast %mul3A_2346 : i32 to vector<16xi32>
      %add3A_2348 = arith.addi %add3A_2347, %iota3A : vector<16xi32>
      %mul3A_2349 = arith.constant 2 : i32
      %mul3A_2350 = vector.broadcast %mul3A_2349 : i32 to vector<16xi32>
      %mul3A_2351 = arith.muli %add3A_2348, %mul3A_2350 : vector<16xi32>
      %scatter3A = arith.constant 0 : i32
      %scatter3A_2352 = tpu.memref_slice %arg6[%scan3A_556, %scatter3A] : memref<3x1600xi32, #tpu.memory_space<vmem>> -> memref<1x1600xi32, #tpu.memory_space<vmem>>
      %scatter3A_2353 = tpu.memref_squeeze %scatter3A_2352 : memref<1x1600xi32, #tpu.memory_space<vmem>> -> memref<1600xi32, #tpu.memory_space<vmem>>
      tpu.vector_store_idx %scatter3A_2353[%mul3A_2351], %mul3A_2344 : memref<1600xi32, #tpu.memory_space<vmem>>[vector<16xi32>], vector<16xi32>,
      %add3A_2354 = arith.constant 1 : i32
      %add3A_2355 = vector.broadcast %add3A_2354 : i32 to vector<16xi32>
      %add3A_2356 = arith.addi %mul3A_2351, %add3A_2355 : vector<16xi32>
      %add3A_2357 = arith.constant 1 : i32
      %add3A_2358 = vector.broadcast %add3A_2357 : i32 to vector<16xi32>
      %add3A_2359 = arith.addi %mul3A_2344, %add3A_2358 : vector<16xi32>
      %scatter3A_2360 = arith.constant 0 : i32
      %scatter3A_2361 = tpu.memref_slice %arg6[%scan3A_556, %scatter3A_2360] : memref<3x1600xi32, #tpu.memory_space<vmem>> -> memref<1x1600xi32, #tpu.memory_space<vmem>>
      %scatter3A_2362 = tpu.memref_squeeze %scatter3A_2361 : memref<1x1600xi32, #tpu.memory_space<vmem>> -> memref<1600xi32, #tpu.memory_space<vmem>>
      tpu.vector_store_idx %scatter3A_2362[%add3A_2356], %add3A_2359 : memref<1600xi32, #tpu.memory_space<vmem>>[vector<16xi32>], vector<16xi32>,
    }
    %scan3A_561 = arith.constant 50 : i32
    %dma_start3A_562 = arith.constant 0 : i32
    %dma_start3A_563 = arith.constant 0 : i32
    %dma_start3A_564 = arith.constant 0 : i32
    %dma_start3A_565 = arith.constant 0 : i32
    %dma_start3A_566 = arith.constant 0 : i32
    %dma_start3A_567 = tpu.memref_slice %arg7[%dma_start3A_563, %dma_start3A_565, %dma_start3A_566] : memref<3x1600x16xf32, #tpu.memory_space<vmem>> -> memref<1x1600x16xf32, #tpu.memory_space<vmem>>
    %dma_start3A_568 = tpu.memref_squeeze %dma_start3A_567 : memref<1x1600x16xf32, #tpu.memory_space<vmem>> -> memref<1600x16xf32, #tpu.memory_space<vmem>>
    %dma_start3A_569 = arith.constant 0 : i32
    %dma_start3A_570 = tpu.memref_slice %arg6[%dma_start3A_562, %dma_start3A_569] : memref<3x1600xi32, #tpu.memory_space<vmem>> -> memref<1x1600xi32, #tpu.memory_space<vmem>>
    %dma_start3A_571 = tpu.memref_squeeze %dma_start3A_570 : memref<1x1600xi32, #tpu.memory_space<vmem>> -> memref<1600xi32, #tpu.memory_space<vmem>>
    %dma_start3A_572 = arith.constant 0 : i32
    %dma_start3A_573 = arith.constant 0 : i32
    %dma_start3A_574 = tpu.memref_slice %arg3[%dma_start3A_572, %dma_start3A_573] : memref<2000000x16xf32, #tpu.memory_space<hbm>> -> memref<2000000x16xf32, #tpu.memory_space<hbm>>
    %dma_start3A_575 = tpu.memref_slice %arg8[%dma_start3A_564] : memref<3x!tpu.dma_semaphore, #tpu.memory_space<semaphore_mem>> -> memref<1x!tpu.dma_semaphore, #tpu.memory_space<semaphore_mem>>
    %dma_start3A_576 = tpu.memref_squeeze %dma_start3A_575 : memref<1x!tpu.dma_semaphore, #tpu.memory_space<semaphore_mem>> -> memref<!tpu.dma_semaphore, #tpu.memory_space<semaphore_mem>>
    tpu.enqueue_indirect_dma source(%dma_start3A_574 : memref<2000000x16xf32, #tpu.memory_space<hbm>>) target(%dma_start3A_568 : memref<1600x16xf32, #tpu.memory_space<vmem>>) offsets(%dma_start3A_571 : memref<1600xi32, #tpu.memory_space<vmem>>) semaphore(%dma_start3A_576 : memref<!tpu.dma_semaphore, #tpu.memory_space<semaphore_mem>>)
    %dma_wait3A_577 = arith.constant 1 : i32
    %dma_wait3A_578 = arith.constant 1 : i32
    %dma_wait3A_579 = arith.constant 1 : i32
    %dma_wait3A_580 = arith.constant 0 : i32
    %dma_wait3A_581 = arith.constant 0 : i32
    %dma_wait3A_582 = tpu.memref_slice %arg7[%dma_wait3A_578, %dma_wait3A_580, %dma_wait3A_581] : memref<3x1600x16xf32, #tpu.memory_space<vmem>> -> memref<1x1600x16xf32, #tpu.memory_space<vmem>>
    %dma_wait3A_583 = tpu.memref_squeeze %dma_wait3A_582 : memref<1x1600x16xf32, #tpu.memory_space<vmem>> -> memref<1600x16xf32, #tpu.memory_space<vmem>>
    %dma_wait3A_584 = arith.constant 0 : i32
    %dma_wait3A_585 = tpu.memref_slice %arg6[%dma_wait3A_577, %dma_wait3A_584] : memref<3x1600xi32, #tpu.memory_space<vmem>> -> memref<1x1600xi32, #tpu.memory_space<vmem>>
    %dma_wait3A_586 = tpu.memref_squeeze %dma_wait3A_585 : memref<1x1600xi32, #tpu.memory_space<vmem>> -> memref<1600xi32, #tpu.memory_space<vmem>>
    %dma_wait3A_587 = arith.constant 0 : i32
    %dma_wait3A_588 = arith.constant 0 : i32
    %dma_wait3A_589 = tpu.memref_slice %arg3[%dma_wait3A_587, %dma_wait3A_588] : memref<2000000x16xf32, #tpu.memory_space<hbm>> -> memref<2000000x16xf32, #tpu.memory_space<hbm>>
    %dma_wait3A_590 = tpu.memref_slice %arg8[%dma_wait3A_579] : memref<3x!tpu.dma_semaphore, #tpu.memory_space<semaphore_mem>> -> memref<1x!tpu.dma_semaphore, #tpu.memory_space<semaphore_mem>>
    %dma_wait3A_591 = tpu.memref_squeeze %dma_wait3A_590 : memref<1x!tpu.dma_semaphore, #tpu.memory_space<semaphore_mem>> -> memref<!tpu.dma_semaphore, #tpu.memory_space<semaphore_mem>>
    tpu.wait_indirect_dma semaphore(%dma_wait3A_591 : memref<!tpu.dma_semaphore, #tpu.memory_space<semaphore_mem>>) src(%dma_wait3A_589 : memref<2000000x16xf32, #tpu.memory_space<hbm>>) dst(%dma_wait3A_583 : memref<1600x16xf32, #tpu.memory_space<vmem>>)
    %add3A_592 = arith.constant 5600 : i32
    %add3A_593 = arith.addi %mul3A_2, %add3A_592 : i32
    %mul3A_594 = arith.constant 2 : i32
    %mul3A_595 = arith.muli %add3A_593, %mul3A_594 : i32
    %dma_start3A_596 = arith.constant 1 : i32
    %dma_start3A_597 = arith.constant 1 : i32
    %dma_start3A_598 = arith.constant 0 : i32
    %dma_start3A_599 = arith.constant 0 : i32
    %dma_start3A_600 = tpu.memref_slice %arg7[%dma_start3A_596, %dma_start3A_598, %dma_start3A_599] : memref<3x1600x16xf32, #tpu.memory_space<vmem>> -> memref<1x1600x16xf32, #tpu.memory_space<vmem>>
    %dma_start3A_601 = tpu.memref_squeeze %dma_start3A_600 : memref<1x1600x16xf32, #tpu.memory_space<vmem>> -> memref<1600x16xf32, #tpu.memory_space<vmem>>
    %dma_start3A_602 = arith.constant 0 : i32
    %dma_start3A_603 = tpu.memref_slice %arg4[%mul3A_595, %dma_start3A_602] : memref<1638400x16xf32, #tpu.memory_space<hbm>> -> memref<1600x16xf32, #tpu.memory_space<hbm>>
    %dma_start3A_604 = tpu.memref_slice %arg9[%dma_start3A_597] : memref<3x!tpu.dma_semaphore, #tpu.memory_space<semaphore_mem>> -> memref<1x!tpu.dma_semaphore, #tpu.memory_space<semaphore_mem>>
    %dma_start3A_605 = tpu.memref_squeeze %dma_start3A_604 : memref<1x!tpu.dma_semaphore, #tpu.memory_space<semaphore_mem>> -> memref<!tpu.dma_semaphore, #tpu.memory_space<semaphore_mem>>
    %dma_start3A_606 = arith.constant 0 : i32
    %dma_start3A_607 = tpu.memref_slice %arg4[%mul3A_595, %dma_start3A_606] : memref<1638400x16xf32, #tpu.memory_space<hbm>> -> memref<1600x16xf32, #tpu.memory_space<hbm>>
    %dma_start3A_608 = arith.constant 0 : i32
    %dma_start3A_609 = arith.constant 0 : i32
    %dma_start3A_610 = tpu.memref_slice %arg7[%dma_start3A_596, %dma_start3A_608, %dma_start3A_609] : memref<3x1600x16xf32, #tpu.memory_space<vmem>> -> memref<1x1600x16xf32, #tpu.memory_space<vmem>>
    %dma_start3A_611 = tpu.memref_squeeze %dma_start3A_610 : memref<1x1600x16xf32, #tpu.memory_space<vmem>> -> memref<1600x16xf32, #tpu.memory_space<vmem>>
    tpu.enqueue_dma source(%dma_start3A_611 : memref<1600x16xf32, #tpu.memory_space<vmem>>) target(%dma_start3A_607 : memref<1600x16xf32, #tpu.memory_space<hbm>>) target_semaphore(%dma_start3A_605 : memref<!tpu.dma_semaphore, #tpu.memory_space<semaphore_mem>>)
    %dma_wait3A_612 = arith.constant 1 : i32
    %dma_wait3A_613 = arith.constant 1 : i32
    %dma_wait3A_614 = arith.constant 0 : i32
    %dma_wait3A_615 = arith.constant 0 : i32
    %dma_wait3A_616 = tpu.memref_slice %arg7[%dma_wait3A_612, %dma_wait3A_614, %dma_wait3A_615] : memref<3x1600x16xf32, #tpu.memory_space<vmem>> -> memref<1x1600x16xf32, #tpu.memory_space<vmem>>
    %dma_wait3A_617 = tpu.memref_squeeze %dma_wait3A_616 : memref<1x1600x16xf32, #tpu.memory_space<vmem>> -> memref<1600x16xf32, #tpu.memory_space<vmem>>
    %dma_wait3A_618 = arith.constant 0 : i32
    %dma_wait3A_619 = tpu.memref_slice %arg4[%mul3A_595, %dma_wait3A_618] : memref<1638400x16xf32, #tpu.memory_space<hbm>> -> memref<1600x16xf32, #tpu.memory_space<hbm>>
    %dma_wait3A_620 = tpu.memref_slice %arg9[%dma_wait3A_613] : memref<3x!tpu.dma_semaphore, #tpu.memory_space<semaphore_mem>> -> memref<1x!tpu.dma_semaphore, #tpu.memory_space<semaphore_mem>>
    %dma_wait3A_621 = tpu.memref_squeeze %dma_wait3A_620 : memref<1x!tpu.dma_semaphore, #tpu.memory_space<semaphore_mem>> -> memref<!tpu.dma_semaphore, #tpu.memory_space<semaphore_mem>>
    %dma_wait3A_622 = arith.constant 0 : i32
    %dma_wait3A_623 = tpu.memref_slice %arg4[%mul3A_595, %dma_wait3A_622] : memref<1638400x16xf32, #tpu.memory_space<hbm>> -> memref<1600x16xf32, #tpu.memory_space<hbm>>
    %dma_wait3A_624 = arith.constant 0 : i32
    %dma_wait3A_625 = arith.constant 0 : i32
    %dma_wait3A_626 = tpu.memref_slice %arg7[%dma_wait3A_612, %dma_wait3A_624, %dma_wait3A_625] : memref<3x1600x16xf32, #tpu.memory_space<vmem>> -> memref<1x1600x16xf32, #tpu.memory_space<vmem>>
    %dma_wait3A_627 = tpu.memref_squeeze %dma_wait3A_626 : memref<1x1600x16xf32, #tpu.memory_space<vmem>> -> memref<1600x16xf32, #tpu.memory_space<vmem>>
    tpu.wait_dma2 semaphore(%dma_wait3A_621 : memref<!tpu.dma_semaphore, #tpu.memory_space<semaphore_mem>>) src(%dma_wait3A_627 : memref<1600x16xf32, #tpu.memory_space<vmem>>) dst(%dma_wait3A_623 : memref<1600x16xf32, #tpu.memory_space<hbm>>)
    %scan3A_628 = arith.constant 0 : i32
    %scan3A_629 = arith.constant 1 : i32
    %scan3A_630 = arith.constant 0 : i32
    %scan3A_631 = arith.constant 50 : i32
    %scan3A_632 = arith.addi %scan3A_630, %scan3A_631 : i32
    %scan3A_633 = arith.constant 1 : i32
    scf.for %scan3A_2336 = %scan3A_630 to %scan3A_632 step %scan3A_633  : i32 {
      %mul3A_2337 = arith.constant 16 : i32
      %mul3A_2338 = arith.muli %scan3A_2336, %mul3A_2337 : i32
      %add3A_2339 = arith.constant 8000 : i32
      %add3A_2340 = arith.addi %add3A_2339, %mul3A_2338 : i32
      %get3A = arith.index_cast %add3A_2340 : i32 to index
      %get3A_2341 = tpu.vector_load %arg5[%get3A] {strides = array<i32>} : memref<25600xi32, #tpu.memory_space<vmem>>, vector<16xi32>,
      %mul3A_2342 = arith.constant 2 : i32
      %mul3A_2343 = vector.broadcast %mul3A_2342 : i32 to vector<16xi32>
      %mul3A_2344 = arith.muli %get3A_2341, %mul3A_2343 : vector<16xi32>
      %mul3A_2345 = arith.constant 16 : i32
      %mul3A_2346 = arith.muli %scan3A_2336, %mul3A_2345 : i32
      %add3A_2347 = vector.broadcast %mul3A_2346 : i32 to vector<16xi32>
      %add3A_2348 = arith.addi %add3A_2347, %iota3A : vector<16xi32>
      %mul3A_2349 = arith.constant 2 : i32
      %mul3A_2350 = vector.broadcast %mul3A_2349 : i32 to vector<16xi32>
      %mul3A_2351 = arith.muli %add3A_2348, %mul3A_2350 : vector<16xi32>
      %scatter3A = arith.constant 0 : i32
      %scatter3A_2352 = tpu.memref_slice %arg6[%scan3A_629, %scatter3A] : memref<3x1600xi32, #tpu.memory_space<vmem>> -> memref<1x1600xi32, #tpu.memory_space<vmem>>
      %scatter3A_2353 = tpu.memref_squeeze %scatter3A_2352 : memref<1x1600xi32, #tpu.memory_space<vmem>> -> memref<1600xi32, #tpu.memory_space<vmem>>
      tpu.vector_store_idx %scatter3A_2353[%mul3A_2351], %mul3A_2344 : memref<1600xi32, #tpu.memory_space<vmem>>[vector<16xi32>], vector<16xi32>,
      %add3A_2354 = arith.constant 1 : i32
      %add3A_2355 = vector.broadcast %add3A_2354 : i32 to vector<16xi32>
      %add3A_2356 = arith.addi %mul3A_2351, %add3A_2355 : vector<16xi32>
      %add3A_2357 = arith.constant 1 : i32
      %add3A_2358 = vector.broadcast %add3A_2357 : i32 to vector<16xi32>
      %add3A_2359 = arith.addi %mul3A_2344, %add3A_2358 : vector<16xi32>
      %scatter3A_2360 = arith.constant 0 : i32
      %scatter3A_2361 = tpu.memref_slice %arg6[%scan3A_629, %scatter3A_2360] : memref<3x1600xi32, #tpu.memory_space<vmem>> -> memref<1x1600xi32, #tpu.memory_space<vmem>>
      %scatter3A_2362 = tpu.memref_squeeze %scatter3A_2361 : memref<1x1600xi32, #tpu.memory_space<vmem>> -> memref<1600xi32, #tpu.memory_space<vmem>>
      tpu.vector_store_idx %scatter3A_2362[%add3A_2356], %add3A_2359 : memref<1600xi32, #tpu.memory_space<vmem>>[vector<16xi32>], vector<16xi32>,
    }
    %scan3A_634 = arith.constant 50 : i32
    %dma_start3A_635 = arith.constant 1 : i32
    %dma_start3A_636 = arith.constant 1 : i32
    %dma_start3A_637 = arith.constant 1 : i32
    %dma_start3A_638 = arith.constant 0 : i32
    %dma_start3A_639 = arith.constant 0 : i32
    %dma_start3A_640 = tpu.memref_slice %arg7[%dma_start3A_636, %dma_start3A_638, %dma_start3A_639] : memref<3x1600x16xf32, #tpu.memory_space<vmem>> -> memref<1x1600x16xf32, #tpu.memory_space<vmem>>
    %dma_start3A_641 = tpu.memref_squeeze %dma_start3A_640 : memref<1x1600x16xf32, #tpu.memory_space<vmem>> -> memref<1600x16xf32, #tpu.memory_space<vmem>>
    %dma_start3A_642 = arith.constant 0 : i32
    %dma_start3A_643 = tpu.memref_slice %arg6[%dma_start3A_635, %dma_start3A_642] : memref<3x1600xi32, #tpu.memory_space<vmem>> -> memref<1x1600xi32, #tpu.memory_space<vmem>>
    %dma_start3A_644 = tpu.memref_squeeze %dma_start3A_643 : memref<1x1600xi32, #tpu.memory_space<vmem>> -> memref<1600xi32, #tpu.memory_space<vmem>>
    %dma_start3A_645 = arith.constant 0 : i32
    %dma_start3A_646 = arith.constant 0 : i32
    %dma_start3A_647 = tpu.memref_slice %arg3[%dma_start3A_645, %dma_start3A_646] : memref<2000000x16xf32, #tpu.memory_space<hbm>> -> memref<2000000x16xf32, #tpu.memory_space<hbm>>
    %dma_start3A_648 = tpu.memref_slice %arg8[%dma_start3A_637] : memref<3x!tpu.dma_semaphore, #tpu.memory_space<semaphore_mem>> -> memref<1x!tpu.dma_semaphore, #tpu.memory_space<semaphore_mem>>
    %dma_start3A_649 = tpu.memref_squeeze %dma_start3A_648 : memref<1x!tpu.dma_semaphore, #tpu.memory_space<semaphore_mem>> -> memref<!tpu.dma_semaphore, #tpu.memory_space<semaphore_mem>>
    tpu.enqueue_indirect_dma source(%dma_start3A_647 : memref<2000000x16xf32, #tpu.memory_space<hbm>>) target(%dma_start3A_641 : memref<1600x16xf32, #tpu.memory_space<vmem>>) offsets(%dma_start3A_644 : memref<1600xi32, #tpu.memory_space<vmem>>) semaphore(%dma_start3A_649 : memref<!tpu.dma_semaphore, #tpu.memory_space<semaphore_mem>>)
    %dma_wait3A_650 = arith.constant 2 : i32
    %dma_wait3A_651 = arith.constant 2 : i32
    %dma_wait3A_652 = arith.constant 2 : i32
    %dma_wait3A_653 = arith.constant 0 : i32
    %dma_wait3A_654 = arith.constant 0 : i32
    %dma_wait3A_655 = tpu.memref_slice %arg7[%dma_wait3A_651, %dma_wait3A_653, %dma_wait3A_654] : memref<3x1600x16xf32, #tpu.memory_space<vmem>> -> memref<1x1600x16xf32, #tpu.memory_space<vmem>>
    %dma_wait3A_656 = tpu.memref_squeeze %dma_wait3A_655 : memref<1x1600x16xf32, #tpu.memory_space<vmem>> -> memref<1600x16xf32, #tpu.memory_space<vmem>>
    %dma_wait3A_657 = arith.constant 0 : i32
    %dma_wait3A_658 = tpu.memref_slice %arg6[%dma_wait3A_650, %dma_wait3A_657] : memref<3x1600xi32, #tpu.memory_space<vmem>> -> memref<1x1600xi32, #tpu.memory_space<vmem>>
    %dma_wait3A_659 = tpu.memref_squeeze %dma_wait3A_658 : memref<1x1600xi32, #tpu.memory_space<vmem>> -> memref<1600xi32, #tpu.memory_space<vmem>>
    %dma_wait3A_660 = arith.constant 0 : i32
    %dma_wait3A_661 = arith.constant 0 : i32
    %dma_wait3A_662 = tpu.memref_slice %arg3[%dma_wait3A_660, %dma_wait3A_661] : memref<2000000x16xf32, #tpu.memory_space<hbm>> -> memref<2000000x16xf32, #tpu.memory_space<hbm>>
    %dma_wait3A_663 = tpu.memref_slice %arg8[%dma_wait3A_652] : memref<3x!tpu.dma_semaphore, #tpu.memory_space<semaphore_mem>> -> memref<1x!tpu.dma_semaphore, #tpu.memory_space<semaphore_mem>>
    %dma_wait3A_664 = tpu.memref_squeeze %dma_wait3A_663 : memref<1x!tpu.dma_semaphore, #tpu.memory_space<semaphore_mem>> -> memref<!tpu.dma_semaphore, #tpu.memory_space<semaphore_mem>>
    tpu.wait_indirect_dma semaphore(%dma_wait3A_664 : memref<!tpu.dma_semaphore, #tpu.memory_space<semaphore_mem>>) src(%dma_wait3A_662 : memref<2000000x16xf32, #tpu.memory_space<hbm>>) dst(%dma_wait3A_656 : memref<1600x16xf32, #tpu.memory_space<vmem>>)
    %add3A_665 = arith.constant 6400 : i32
    %add3A_666 = arith.addi %mul3A_2, %add3A_665 : i32
    %mul3A_667 = arith.constant 2 : i32
    %mul3A_668 = arith.muli %add3A_666, %mul3A_667 : i32
    %dma_start3A_669 = arith.constant 2 : i32
    %dma_start3A_670 = arith.constant 2 : i32
    %dma_start3A_671 = arith.constant 0 : i32
    %dma_start3A_672 = arith.constant 0 : i32
    %dma_start3A_673 = tpu.memref_slice %arg7[%dma_start3A_669, %dma_start3A_671, %dma_start3A_672] : memref<3x1600x16xf32, #tpu.memory_space<vmem>> -> memref<1x1600x16xf32, #tpu.memory_space<vmem>>
    %dma_start3A_674 = tpu.memref_squeeze %dma_start3A_673 : memref<1x1600x16xf32, #tpu.memory_space<vmem>> -> memref<1600x16xf32, #tpu.memory_space<vmem>>
    %dma_start3A_675 = arith.constant 0 : i32
    %dma_start3A_676 = tpu.memref_slice %arg4[%mul3A_668, %dma_start3A_675] : memref<1638400x16xf32, #tpu.memory_space<hbm>> -> memref<1600x16xf32, #tpu.memory_space<hbm>>
    %dma_start3A_677 = tpu.memref_slice %arg9[%dma_start3A_670] : memref<3x!tpu.dma_semaphore, #tpu.memory_space<semaphore_mem>> -> memref<1x!tpu.dma_semaphore, #tpu.memory_space<semaphore_mem>>
    %dma_start3A_678 = tpu.memref_squeeze %dma_start3A_677 : memref<1x!tpu.dma_semaphore, #tpu.memory_space<semaphore_mem>> -> memref<!tpu.dma_semaphore, #tpu.memory_space<semaphore_mem>>
    %dma_start3A_679 = arith.constant 0 : i32
    %dma_start3A_680 = tpu.memref_slice %arg4[%mul3A_668, %dma_start3A_679] : memref<1638400x16xf32, #tpu.memory_space<hbm>> -> memref<1600x16xf32, #tpu.memory_space<hbm>>
    %dma_start3A_681 = arith.constant 0 : i32
    %dma_start3A_682 = arith.constant 0 : i32
    %dma_start3A_683 = tpu.memref_slice %arg7[%dma_start3A_669, %dma_start3A_681, %dma_start3A_682] : memref<3x1600x16xf32, #tpu.memory_space<vmem>> -> memref<1x1600x16xf32, #tpu.memory_space<vmem>>
    %dma_start3A_684 = tpu.memref_squeeze %dma_start3A_683 : memref<1x1600x16xf32, #tpu.memory_space<vmem>> -> memref<1600x16xf32, #tpu.memory_space<vmem>>
    tpu.enqueue_dma source(%dma_start3A_684 : memref<1600x16xf32, #tpu.memory_space<vmem>>) target(%dma_start3A_680 : memref<1600x16xf32, #tpu.memory_space<hbm>>) target_semaphore(%dma_start3A_678 : memref<!tpu.dma_semaphore, #tpu.memory_space<semaphore_mem>>)
    %dma_wait3A_685 = arith.constant 2 : i32
    %dma_wait3A_686 = arith.constant 2 : i32
    %dma_wait3A_687 = arith.constant 0 : i32
    %dma_wait3A_688 = arith.constant 0 : i32
    %dma_wait3A_689 = tpu.memref_slice %arg7[%dma_wait3A_685, %dma_wait3A_687, %dma_wait3A_688] : memref<3x1600x16xf32, #tpu.memory_space<vmem>> -> memref<1x1600x16xf32, #tpu.memory_space<vmem>>
    %dma_wait3A_690 = tpu.memref_squeeze %dma_wait3A_689 : memref<1x1600x16xf32, #tpu.memory_space<vmem>> -> memref<1600x16xf32, #tpu.memory_space<vmem>>
    %dma_wait3A_691 = arith.constant 0 : i32
    %dma_wait3A_692 = tpu.memref_slice %arg4[%mul3A_668, %dma_wait3A_691] : memref<1638400x16xf32, #tpu.memory_space<hbm>> -> memref<1600x16xf32, #tpu.memory_space<hbm>>
    %dma_wait3A_693 = tpu.memref_slice %arg9[%dma_wait3A_686] : memref<3x!tpu.dma_semaphore, #tpu.memory_space<semaphore_mem>> -> memref<1x!tpu.dma_semaphore, #tpu.memory_space<semaphore_mem>>
    %dma_wait3A_694 = tpu.memref_squeeze %dma_wait3A_693 : memref<1x!tpu.dma_semaphore, #tpu.memory_space<semaphore_mem>> -> memref<!tpu.dma_semaphore, #tpu.memory_space<semaphore_mem>>
    %dma_wait3A_695 = arith.constant 0 : i32
    %dma_wait3A_696 = tpu.memref_slice %arg4[%mul3A_668, %dma_wait3A_695] : memref<1638400x16xf32, #tpu.memory_space<hbm>> -> memref<1600x16xf32, #tpu.memory_space<hbm>>
    %dma_wait3A_697 = arith.constant 0 : i32
    %dma_wait3A_698 = arith.constant 0 : i32
    %dma_wait3A_699 = tpu.memref_slice %arg7[%dma_wait3A_685, %dma_wait3A_697, %dma_wait3A_698] : memref<3x1600x16xf32, #tpu.memory_space<vmem>> -> memref<1x1600x16xf32, #tpu.memory_space<vmem>>
    %dma_wait3A_700 = tpu.memref_squeeze %dma_wait3A_699 : memref<1x1600x16xf32, #tpu.memory_space<vmem>> -> memref<1600x16xf32, #tpu.memory_space<vmem>>
    tpu.wait_dma2 semaphore(%dma_wait3A_694 : memref<!tpu.dma_semaphore, #tpu.memory_space<semaphore_mem>>) src(%dma_wait3A_700 : memref<1600x16xf32, #tpu.memory_space<vmem>>) dst(%dma_wait3A_696 : memref<1600x16xf32, #tpu.memory_space<hbm>>)
    %scan3A_701 = arith.constant 0 : i32
    %scan3A_702 = arith.constant 2 : i32
    %scan3A_703 = arith.constant 0 : i32
    %scan3A_704 = arith.constant 50 : i32
    %scan3A_705 = arith.addi %scan3A_703, %scan3A_704 : i32
    %scan3A_706 = arith.constant 1 : i32
    scf.for %scan3A_2336 = %scan3A_703 to %scan3A_705 step %scan3A_706  : i32 {
      %mul3A_2337 = arith.constant 16 : i32
      %mul3A_2338 = arith.muli %scan3A_2336, %mul3A_2337 : i32
      %add3A_2339 = arith.constant 8800 : i32
      %add3A_2340 = arith.addi %add3A_2339, %mul3A_2338 : i32
      %get3A = arith.index_cast %add3A_2340 : i32 to index
      %get3A_2341 = tpu.vector_load %arg5[%get3A] {strides = array<i32>} : memref<25600xi32, #tpu.memory_space<vmem>>, vector<16xi32>,
      %mul3A_2342 = arith.constant 2 : i32
      %mul3A_2343 = vector.broadcast %mul3A_2342 : i32 to vector<16xi32>
      %mul3A_2344 = arith.muli %get3A_2341, %mul3A_2343 : vector<16xi32>
      %mul3A_2345 = arith.constant 16 : i32
      %mul3A_2346 = arith.muli %scan3A_2336, %mul3A_2345 : i32
      %add3A_2347 = vector.broadcast %mul3A_2346 : i32 to vector<16xi32>
      %add3A_2348 = arith.addi %add3A_2347, %iota3A : vector<16xi32>
      %mul3A_2349 = arith.constant 2 : i32
      %mul3A_2350 = vector.broadcast %mul3A_2349 : i32 to vector<16xi32>
      %mul3A_2351 = arith.muli %add3A_2348, %mul3A_2350 : vector<16xi32>
      %scatter3A = arith.constant 0 : i32
      %scatter3A_2352 = tpu.memref_slice %arg6[%scan3A_702, %scatter3A] : memref<3x1600xi32, #tpu.memory_space<vmem>> -> memref<1x1600xi32, #tpu.memory_space<vmem>>
      %scatter3A_2353 = tpu.memref_squeeze %scatter3A_2352 : memref<1x1600xi32, #tpu.memory_space<vmem>> -> memref<1600xi32, #tpu.memory_space<vmem>>
      tpu.vector_store_idx %scatter3A_2353[%mul3A_2351], %mul3A_2344 : memref<1600xi32, #tpu.memory_space<vmem>>[vector<16xi32>], vector<16xi32>,
      %add3A_2354 = arith.constant 1 : i32
      %add3A_2355 = vector.broadcast %add3A_2354 : i32 to vector<16xi32>
      %add3A_2356 = arith.addi %mul3A_2351, %add3A_2355 : vector<16xi32>
      %add3A_2357 = arith.constant 1 : i32
      %add3A_2358 = vector.broadcast %add3A_2357 : i32 to vector<16xi32>
      %add3A_2359 = arith.addi %mul3A_2344, %add3A_2358 : vector<16xi32>
      %scatter3A_2360 = arith.constant 0 : i32
      %scatter3A_2361 = tpu.memref_slice %arg6[%scan3A_702, %scatter3A_2360] : memref<3x1600xi32, #tpu.memory_space<vmem>> -> memref<1x1600xi32, #tpu.memory_space<vmem>>
      %scatter3A_2362 = tpu.memref_squeeze %scatter3A_2361 : memref<1x1600xi32, #tpu.memory_space<vmem>> -> memref<1600xi32, #tpu.memory_space<vmem>>
      tpu.vector_store_idx %scatter3A_2362[%add3A_2356], %add3A_2359 : memref<1600xi32, #tpu.memory_space<vmem>>[vector<16xi32>], vector<16xi32>,
    }
    %scan3A_707 = arith.constant 50 : i32
    %dma_start3A_708 = arith.constant 2 : i32
    %dma_start3A_709 = arith.constant 2 : i32
    %dma_start3A_710 = arith.constant 2 : i32
    %dma_start3A_711 = arith.constant 0 : i32
    %dma_start3A_712 = arith.constant 0 : i32
    %dma_start3A_713 = tpu.memref_slice %arg7[%dma_start3A_709, %dma_start3A_711, %dma_start3A_712] : memref<3x1600x16xf32, #tpu.memory_space<vmem>> -> memref<1x1600x16xf32, #tpu.memory_space<vmem>>
    %dma_start3A_714 = tpu.memref_squeeze %dma_start3A_713 : memref<1x1600x16xf32, #tpu.memory_space<vmem>> -> memref<1600x16xf32, #tpu.memory_space<vmem>>
    %dma_start3A_715 = arith.constant 0 : i32
    %dma_start3A_716 = tpu.memref_slice %arg6[%dma_start3A_708, %dma_start3A_715] : memref<3x1600xi32, #tpu.memory_space<vmem>> -> memref<1x1600xi32, #tpu.memory_space<vmem>>
    %dma_start3A_717 = tpu.memref_squeeze %dma_start3A_716 : memref<1x1600xi32, #tpu.memory_space<vmem>> -> memref<1600xi32, #tpu.memory_space<vmem>>
    %dma_start3A_718 = arith.constant 0 : i32
    %dma_start3A_719 = arith.constant 0 : i32
    %dma_start3A_720 = tpu.memref_slice %arg3[%dma_start3A_718, %dma_start3A_719] : memref<2000000x16xf32, #tpu.memory_space<hbm>> -> memref<2000000x16xf32, #tpu.memory_space<hbm>>
    %dma_start3A_721 = tpu.memref_slice %arg8[%dma_start3A_710] : memref<3x!tpu.dma_semaphore, #tpu.memory_space<semaphore_mem>> -> memref<1x!tpu.dma_semaphore, #tpu.memory_space<semaphore_mem>>
    %dma_start3A_722 = tpu.memref_squeeze %dma_start3A_721 : memref<1x!tpu.dma_semaphore, #tpu.memory_space<semaphore_mem>> -> memref<!tpu.dma_semaphore, #tpu.memory_space<semaphore_mem>>
    tpu.enqueue_indirect_dma source(%dma_start3A_720 : memref<2000000x16xf32, #tpu.memory_space<hbm>>) target(%dma_start3A_714 : memref<1600x16xf32, #tpu.memory_space<vmem>>) offsets(%dma_start3A_717 : memref<1600xi32, #tpu.memory_space<vmem>>) semaphore(%dma_start3A_722 : memref<!tpu.dma_semaphore, #tpu.memory_space<semaphore_mem>>)
    %dma_wait3A_723 = arith.constant 0 : i32
    %dma_wait3A_724 = arith.constant 0 : i32
    %dma_wait3A_725 = arith.constant 0 : i32
    %dma_wait3A_726 = arith.constant 0 : i32
    %dma_wait3A_727 = arith.constant 0 : i32
    %dma_wait3A_728 = tpu.memref_slice %arg7[%dma_wait3A_724, %dma_wait3A_726, %dma_wait3A_727] : memref<3x1600x16xf32, #tpu.memory_space<vmem>> -> memref<1x1600x16xf32, #tpu.memory_space<vmem>>
    %dma_wait3A_729 = tpu.memref_squeeze %dma_wait3A_728 : memref<1x1600x16xf32, #tpu.memory_space<vmem>> -> memref<1600x16xf32, #tpu.memory_space<vmem>>
    %dma_wait3A_730 = arith.constant 0 : i32
    %dma_wait3A_731 = tpu.memref_slice %arg6[%dma_wait3A_723, %dma_wait3A_730] : memref<3x1600xi32, #tpu.memory_space<vmem>> -> memref<1x1600xi32, #tpu.memory_space<vmem>>
    %dma_wait3A_732 = tpu.memref_squeeze %dma_wait3A_731 : memref<1x1600xi32, #tpu.memory_space<vmem>> -> memref<1600xi32, #tpu.memory_space<vmem>>
    %dma_wait3A_733 = arith.constant 0 : i32
    %dma_wait3A_734 = arith.constant 0 : i32
    %dma_wait3A_735 = tpu.memref_slice %arg3[%dma_wait3A_733, %dma_wait3A_734] : memref<2000000x16xf32, #tpu.memory_space<hbm>> -> memref<2000000x16xf32, #tpu.memory_space<hbm>>
    %dma_wait3A_736 = tpu.memref_slice %arg8[%dma_wait3A_725] : memref<3x!tpu.dma_semaphore, #tpu.memory_space<semaphore_mem>> -> memref<1x!tpu.dma_semaphore, #tpu.memory_space<semaphore_mem>>
    %dma_wait3A_737 = tpu.memref_squeeze %dma_wait3A_736 : memref<1x!tpu.dma_semaphore, #tpu.memory_space<semaphore_mem>> -> memref<!tpu.dma_semaphore, #tpu.memory_space<semaphore_mem>>
    tpu.wait_indirect_dma semaphore(%dma_wait3A_737 : memref<!tpu.dma_semaphore, #tpu.memory_space<semaphore_mem>>) src(%dma_wait3A_735 : memref<2000000x16xf32, #tpu.memory_space<hbm>>) dst(%dma_wait3A_729 : memref<1600x16xf32, #tpu.memory_space<vmem>>)
    %add3A_738 = arith.constant 7200 : i32
    %add3A_739 = arith.addi %mul3A_2, %add3A_738 : i32
    %mul3A_740 = arith.constant 2 : i32
    %mul3A_741 = arith.muli %add3A_739, %mul3A_740 : i32
    %dma_start3A_742 = arith.constant 0 : i32
    %dma_start3A_743 = arith.constant 0 : i32
    %dma_start3A_744 = arith.constant 0 : i32
    %dma_start3A_745 = arith.constant 0 : i32
    %dma_start3A_746 = tpu.memref_slice %arg7[%dma_start3A_742, %dma_start3A_744, %dma_start3A_745] : memref<3x1600x16xf32, #tpu.memory_space<vmem>> -> memref<1x1600x16xf32, #tpu.memory_space<vmem>>
    %dma_start3A_747 = tpu.memref_squeeze %dma_start3A_746 : memref<1x1600x16xf32, #tpu.memory_space<vmem>> -> memref<1600x16xf32, #tpu.memory_space<vmem>>
    %dma_start3A_748 = arith.constant 0 : i32
    %dma_start3A_749 = tpu.memref_slice %arg4[%mul3A_741, %dma_start3A_748] : memref<1638400x16xf32, #tpu.memory_space<hbm>> -> memref<1600x16xf32, #tpu.memory_space<hbm>>
    %dma_start3A_750 = tpu.memref_slice %arg9[%dma_start3A_743] : memref<3x!tpu.dma_semaphore, #tpu.memory_space<semaphore_mem>> -> memref<1x!tpu.dma_semaphore, #tpu.memory_space<semaphore_mem>>
    %dma_start3A_751 = tpu.memref_squeeze %dma_start3A_750 : memref<1x!tpu.dma_semaphore, #tpu.memory_space<semaphore_mem>> -> memref<!tpu.dma_semaphore, #tpu.memory_space<semaphore_mem>>
    %dma_start3A_752 = arith.constant 0 : i32
    %dma_start3A_753 = tpu.memref_slice %arg4[%mul3A_741, %dma_start3A_752] : memref<1638400x16xf32, #tpu.memory_space<hbm>> -> memref<1600x16xf32, #tpu.memory_space<hbm>>
    %dma_start3A_754 = arith.constant 0 : i32
    %dma_start3A_755 = arith.constant 0 : i32
    %dma_start3A_756 = tpu.memref_slice %arg7[%dma_start3A_742, %dma_start3A_754, %dma_start3A_755] : memref<3x1600x16xf32, #tpu.memory_space<vmem>> -> memref<1x1600x16xf32, #tpu.memory_space<vmem>>
    %dma_start3A_757 = tpu.memref_squeeze %dma_start3A_756 : memref<1x1600x16xf32, #tpu.memory_space<vmem>> -> memref<1600x16xf32, #tpu.memory_space<vmem>>
    tpu.enqueue_dma source(%dma_start3A_757 : memref<1600x16xf32, #tpu.memory_space<vmem>>) target(%dma_start3A_753 : memref<1600x16xf32, #tpu.memory_space<hbm>>) target_semaphore(%dma_start3A_751 : memref<!tpu.dma_semaphore, #tpu.memory_space<semaphore_mem>>)
    %dma_wait3A_758 = arith.constant 0 : i32
    %dma_wait3A_759 = arith.constant 0 : i32
    %dma_wait3A_760 = arith.constant 0 : i32
    %dma_wait3A_761 = arith.constant 0 : i32
    %dma_wait3A_762 = tpu.memref_slice %arg7[%dma_wait3A_758, %dma_wait3A_760, %dma_wait3A_761] : memref<3x1600x16xf32, #tpu.memory_space<vmem>> -> memref<1x1600x16xf32, #tpu.memory_space<vmem>>
    %dma_wait3A_763 = tpu.memref_squeeze %dma_wait3A_762 : memref<1x1600x16xf32, #tpu.memory_space<vmem>> -> memref<1600x16xf32, #tpu.memory_space<vmem>>
    %dma_wait3A_764 = arith.constant 0 : i32
    %dma_wait3A_765 = tpu.memref_slice %arg4[%mul3A_741, %dma_wait3A_764] : memref<1638400x16xf32, #tpu.memory_space<hbm>> -> memref<1600x16xf32, #tpu.memory_space<hbm>>
    %dma_wait3A_766 = tpu.memref_slice %arg9[%dma_wait3A_759] : memref<3x!tpu.dma_semaphore, #tpu.memory_space<semaphore_mem>> -> memref<1x!tpu.dma_semaphore, #tpu.memory_space<semaphore_mem>>
    %dma_wait3A_767 = tpu.memref_squeeze %dma_wait3A_766 : memref<1x!tpu.dma_semaphore, #tpu.memory_space<semaphore_mem>> -> memref<!tpu.dma_semaphore, #tpu.memory_space<semaphore_mem>>
    %dma_wait3A_768 = arith.constant 0 : i32
    %dma_wait3A_769 = tpu.memref_slice %arg4[%mul3A_741, %dma_wait3A_768] : memref<1638400x16xf32, #tpu.memory_space<hbm>> -> memref<1600x16xf32, #tpu.memory_space<hbm>>
    %dma_wait3A_770 = arith.constant 0 : i32
    %dma_wait3A_771 = arith.constant 0 : i32
    %dma_wait3A_772 = tpu.memref_slice %arg7[%dma_wait3A_758, %dma_wait3A_770, %dma_wait3A_771] : memref<3x1600x16xf32, #tpu.memory_space<vmem>> -> memref<1x1600x16xf32, #tpu.memory_space<vmem>>
    %dma_wait3A_773 = tpu.memref_squeeze %dma_wait3A_772 : memref<1x1600x16xf32, #tpu.memory_space<vmem>> -> memref<1600x16xf32, #tpu.memory_space<vmem>>
    tpu.wait_dma2 semaphore(%dma_wait3A_767 : memref<!tpu.dma_semaphore, #tpu.memory_space<semaphore_mem>>) src(%dma_wait3A_773 : memref<1600x16xf32, #tpu.memory_space<vmem>>) dst(%dma_wait3A_769 : memref<1600x16xf32, #tpu.memory_space<hbm>>)
    %scan3A_774 = arith.constant 0 : i32
    %scan3A_775 = arith.constant 0 : i32
    %scan3A_776 = arith.constant 0 : i32
    %scan3A_777 = arith.constant 50 : i32
    %scan3A_778 = arith.addi %scan3A_776, %scan3A_777 : i32
    %scan3A_779 = arith.constant 1 : i32
    scf.for %scan3A_2336 = %scan3A_776 to %scan3A_778 step %scan3A_779  : i32 {
      %mul3A_2337 = arith.constant 16 : i32
      %mul3A_2338 = arith.muli %scan3A_2336, %mul3A_2337 : i32
      %add3A_2339 = arith.constant 9600 : i32
      %add3A_2340 = arith.addi %add3A_2339, %mul3A_2338 : i32
      %get3A = arith.index_cast %add3A_2340 : i32 to index
      %get3A_2341 = tpu.vector_load %arg5[%get3A] {strides = array<i32>} : memref<25600xi32, #tpu.memory_space<vmem>>, vector<16xi32>,
      %mul3A_2342 = arith.constant 2 : i32
      %mul3A_2343 = vector.broadcast %mul3A_2342 : i32 to vector<16xi32>
      %mul3A_2344 = arith.muli %get3A_2341, %mul3A_2343 : vector<16xi32>
      %mul3A_2345 = arith.constant 16 : i32
      %mul3A_2346 = arith.muli %scan3A_2336, %mul3A_2345 : i32
      %add3A_2347 = vector.broadcast %mul3A_2346 : i32 to vector<16xi32>
      %add3A_2348 = arith.addi %add3A_2347, %iota3A : vector<16xi32>
      %mul3A_2349 = arith.constant 2 : i32
      %mul3A_2350 = vector.broadcast %mul3A_2349 : i32 to vector<16xi32>
      %mul3A_2351 = arith.muli %add3A_2348, %mul3A_2350 : vector<16xi32>
      %scatter3A = arith.constant 0 : i32
      %scatter3A_2352 = tpu.memref_slice %arg6[%scan3A_775, %scatter3A] : memref<3x1600xi32, #tpu.memory_space<vmem>> -> memref<1x1600xi32, #tpu.memory_space<vmem>>
      %scatter3A_2353 = tpu.memref_squeeze %scatter3A_2352 : memref<1x1600xi32, #tpu.memory_space<vmem>> -> memref<1600xi32, #tpu.memory_space<vmem>>
      tpu.vector_store_idx %scatter3A_2353[%mul3A_2351], %mul3A_2344 : memref<1600xi32, #tpu.memory_space<vmem>>[vector<16xi32>], vector<16xi32>,
      %add3A_2354 = arith.constant 1 : i32
      %add3A_2355 = vector.broadcast %add3A_2354 : i32 to vector<16xi32>
      %add3A_2356 = arith.addi %mul3A_2351, %add3A_2355 : vector<16xi32>
      %add3A_2357 = arith.constant 1 : i32
      %add3A_2358 = vector.broadcast %add3A_2357 : i32 to vector<16xi32>
      %add3A_2359 = arith.addi %mul3A_2344, %add3A_2358 : vector<16xi32>
      %scatter3A_2360 = arith.constant 0 : i32
      %scatter3A_2361 = tpu.memref_slice %arg6[%scan3A_775, %scatter3A_2360] : memref<3x1600xi32, #tpu.memory_space<vmem>> -> memref<1x1600xi32, #tpu.memory_space<vmem>>
      %scatter3A_2362 = tpu.memref_squeeze %scatter3A_2361 : memref<1x1600xi32, #tpu.memory_space<vmem>> -> memref<1600xi32, #tpu.memory_space<vmem>>
      tpu.vector_store_idx %scatter3A_2362[%add3A_2356], %add3A_2359 : memref<1600xi32, #tpu.memory_space<vmem>>[vector<16xi32>], vector<16xi32>,
    }
    %scan3A_780 = arith.constant 50 : i32
    %dma_start3A_781 = arith.constant 0 : i32
    %dma_start3A_782 = arith.constant 0 : i32
    %dma_start3A_783 = arith.constant 0 : i32
    %dma_start3A_784 = arith.constant 0 : i32
    %dma_start3A_785 = arith.constant 0 : i32
    %dma_start3A_786 = tpu.memref_slice %arg7[%dma_start3A_782, %dma_start3A_784, %dma_start3A_785] : memref<3x1600x16xf32, #tpu.memory_space<vmem>> -> memref<1x1600x16xf32, #tpu.memory_space<vmem>>
    %dma_start3A_787 = tpu.memref_squeeze %dma_start3A_786 : memref<1x1600x16xf32, #tpu.memory_space<vmem>> -> memref<1600x16xf32, #tpu.memory_space<vmem>>
    %dma_start3A_788 = arith.constant 0 : i32
    %dma_start3A_789 = tpu.memref_slice %arg6[%dma_start3A_781, %dma_start3A_788] : memref<3x1600xi32, #tpu.memory_space<vmem>> -> memref<1x1600xi32, #tpu.memory_space<vmem>>
    %dma_start3A_790 = tpu.memref_squeeze %dma_start3A_789 : memref<1x1600xi32, #tpu.memory_space<vmem>> -> memref<1600xi32, #tpu.memory_space<vmem>>
    %dma_start3A_791 = arith.constant 0 : i32
    %dma_start3A_792 = arith.constant 0 : i32
    %dma_start3A_793 = tpu.memref_slice %arg3[%dma_start3A_791, %dma_start3A_792] : memref<2000000x16xf32, #tpu.memory_space<hbm>> -> memref<2000000x16xf32, #tpu.memory_space<hbm>>
    %dma_start3A_794 = tpu.memref_slice %arg8[%dma_start3A_783] : memref<3x!tpu.dma_semaphore, #tpu.memory_space<semaphore_mem>> -> memref<1x!tpu.dma_semaphore, #tpu.memory_space<semaphore_mem>>
    %dma_start3A_795 = tpu.memref_squeeze %dma_start3A_794 : memref<1x!tpu.dma_semaphore, #tpu.memory_space<semaphore_mem>> -> memref<!tpu.dma_semaphore, #tpu.memory_space<semaphore_mem>>
    tpu.enqueue_indirect_dma source(%dma_start3A_793 : memref<2000000x16xf32, #tpu.memory_space<hbm>>) target(%dma_start3A_787 : memref<1600x16xf32, #tpu.memory_space<vmem>>) offsets(%dma_start3A_790 : memref<1600xi32, #tpu.memory_space<vmem>>) semaphore(%dma_start3A_795 : memref<!tpu.dma_semaphore, #tpu.memory_space<semaphore_mem>>)
    %dma_wait3A_796 = arith.constant 1 : i32
    %dma_wait3A_797 = arith.constant 1 : i32
    %dma_wait3A_798 = arith.constant 1 : i32
    %dma_wait3A_799 = arith.constant 0 : i32
    %dma_wait3A_800 = arith.constant 0 : i32
    %dma_wait3A_801 = tpu.memref_slice %arg7[%dma_wait3A_797, %dma_wait3A_799, %dma_wait3A_800] : memref<3x1600x16xf32, #tpu.memory_space<vmem>> -> memref<1x1600x16xf32, #tpu.memory_space<vmem>>
    %dma_wait3A_802 = tpu.memref_squeeze %dma_wait3A_801 : memref<1x1600x16xf32, #tpu.memory_space<vmem>> -> memref<1600x16xf32, #tpu.memory_space<vmem>>
    %dma_wait3A_803 = arith.constant 0 : i32
    %dma_wait3A_804 = tpu.memref_slice %arg6[%dma_wait3A_796, %dma_wait3A_803] : memref<3x1600xi32, #tpu.memory_space<vmem>> -> memref<1x1600xi32, #tpu.memory_space<vmem>>
    %dma_wait3A_805 = tpu.memref_squeeze %dma_wait3A_804 : memref<1x1600xi32, #tpu.memory_space<vmem>> -> memref<1600xi32, #tpu.memory_space<vmem>>
    %dma_wait3A_806 = arith.constant 0 : i32
    %dma_wait3A_807 = arith.constant 0 : i32
    %dma_wait3A_808 = tpu.memref_slice %arg3[%dma_wait3A_806, %dma_wait3A_807] : memref<2000000x16xf32, #tpu.memory_space<hbm>> -> memref<2000000x16xf32, #tpu.memory_space<hbm>>
    %dma_wait3A_809 = tpu.memref_slice %arg8[%dma_wait3A_798] : memref<3x!tpu.dma_semaphore, #tpu.memory_space<semaphore_mem>> -> memref<1x!tpu.dma_semaphore, #tpu.memory_space<semaphore_mem>>
    %dma_wait3A_810 = tpu.memref_squeeze %dma_wait3A_809 : memref<1x!tpu.dma_semaphore, #tpu.memory_space<semaphore_mem>> -> memref<!tpu.dma_semaphore, #tpu.memory_space<semaphore_mem>>
    tpu.wait_indirect_dma semaphore(%dma_wait3A_810 : memref<!tpu.dma_semaphore, #tpu.memory_space<semaphore_mem>>) src(%dma_wait3A_808 : memref<2000000x16xf32, #tpu.memory_space<hbm>>) dst(%dma_wait3A_802 : memref<1600x16xf32, #tpu.memory_space<vmem>>)
    %add3A_811 = arith.constant 8000 : i32
    %add3A_812 = arith.addi %mul3A_2, %add3A_811 : i32
    %mul3A_813 = arith.constant 2 : i32
    %mul3A_814 = arith.muli %add3A_812, %mul3A_813 : i32
    %dma_start3A_815 = arith.constant 1 : i32
    %dma_start3A_816 = arith.constant 1 : i32
    %dma_start3A_817 = arith.constant 0 : i32
    %dma_start3A_818 = arith.constant 0 : i32
    %dma_start3A_819 = tpu.memref_slice %arg7[%dma_start3A_815, %dma_start3A_817, %dma_start3A_818] : memref<3x1600x16xf32, #tpu.memory_space<vmem>> -> memref<1x1600x16xf32, #tpu.memory_space<vmem>>
    %dma_start3A_820 = tpu.memref_squeeze %dma_start3A_819 : memref<1x1600x16xf32, #tpu.memory_space<vmem>> -> memref<1600x16xf32, #tpu.memory_space<vmem>>
    %dma_start3A_821 = arith.constant 0 : i32
    %dma_start3A_822 = tpu.memref_slice %arg4[%mul3A_814, %dma_start3A_821] : memref<1638400x16xf32, #tpu.memory_space<hbm>> -> memref<1600x16xf32, #tpu.memory_space<hbm>>
    %dma_start3A_823 = tpu.memref_slice %arg9[%dma_start3A_816] : memref<3x!tpu.dma_semaphore, #tpu.memory_space<semaphore_mem>> -> memref<1x!tpu.dma_semaphore, #tpu.memory_space<semaphore_mem>>
    %dma_start3A_824 = tpu.memref_squeeze %dma_start3A_823 : memref<1x!tpu.dma_semaphore, #tpu.memory_space<semaphore_mem>> -> memref<!tpu.dma_semaphore, #tpu.memory_space<semaphore_mem>>
    %dma_start3A_825 = arith.constant 0 : i32
    %dma_start3A_826 = tpu.memref_slice %arg4[%mul3A_814, %dma_start3A_825] : memref<1638400x16xf32, #tpu.memory_space<hbm>> -> memref<1600x16xf32, #tpu.memory_space<hbm>>
    %dma_start3A_827 = arith.constant 0 : i32
    %dma_start3A_828 = arith.constant 0 : i32
    %dma_start3A_829 = tpu.memref_slice %arg7[%dma_start3A_815, %dma_start3A_827, %dma_start3A_828] : memref<3x1600x16xf32, #tpu.memory_space<vmem>> -> memref<1x1600x16xf32, #tpu.memory_space<vmem>>
    %dma_start3A_830 = tpu.memref_squeeze %dma_start3A_829 : memref<1x1600x16xf32, #tpu.memory_space<vmem>> -> memref<1600x16xf32, #tpu.memory_space<vmem>>
    tpu.enqueue_dma source(%dma_start3A_830 : memref<1600x16xf32, #tpu.memory_space<vmem>>) target(%dma_start3A_826 : memref<1600x16xf32, #tpu.memory_space<hbm>>) target_semaphore(%dma_start3A_824 : memref<!tpu.dma_semaphore, #tpu.memory_space<semaphore_mem>>)
    %dma_wait3A_831 = arith.constant 1 : i32
    %dma_wait3A_832 = arith.constant 1 : i32
    %dma_wait3A_833 = arith.constant 0 : i32
    %dma_wait3A_834 = arith.constant 0 : i32
    %dma_wait3A_835 = tpu.memref_slice %arg7[%dma_wait3A_831, %dma_wait3A_833, %dma_wait3A_834] : memref<3x1600x16xf32, #tpu.memory_space<vmem>> -> memref<1x1600x16xf32, #tpu.memory_space<vmem>>
    %dma_wait3A_836 = tpu.memref_squeeze %dma_wait3A_835 : memref<1x1600x16xf32, #tpu.memory_space<vmem>> -> memref<1600x16xf32, #tpu.memory_space<vmem>>
    %dma_wait3A_837 = arith.constant 0 : i32
    %dma_wait3A_838 = tpu.memref_slice %arg4[%mul3A_814, %dma_wait3A_837] : memref<1638400x16xf32, #tpu.memory_space<hbm>> -> memref<1600x16xf32, #tpu.memory_space<hbm>>
    %dma_wait3A_839 = tpu.memref_slice %arg9[%dma_wait3A_832] : memref<3x!tpu.dma_semaphore, #tpu.memory_space<semaphore_mem>> -> memref<1x!tpu.dma_semaphore, #tpu.memory_space<semaphore_mem>>
    %dma_wait3A_840 = tpu.memref_squeeze %dma_wait3A_839 : memref<1x!tpu.dma_semaphore, #tpu.memory_space<semaphore_mem>> -> memref<!tpu.dma_semaphore, #tpu.memory_space<semaphore_mem>>
    %dma_wait3A_841 = arith.constant 0 : i32
    %dma_wait3A_842 = tpu.memref_slice %arg4[%mul3A_814, %dma_wait3A_841] : memref<1638400x16xf32, #tpu.memory_space<hbm>> -> memref<1600x16xf32, #tpu.memory_space<hbm>>
    %dma_wait3A_843 = arith.constant 0 : i32
    %dma_wait3A_844 = arith.constant 0 : i32
    %dma_wait3A_845 = tpu.memref_slice %arg7[%dma_wait3A_831, %dma_wait3A_843, %dma_wait3A_844] : memref<3x1600x16xf32, #tpu.memory_space<vmem>> -> memref<1x1600x16xf32, #tpu.memory_space<vmem>>
    %dma_wait3A_846 = tpu.memref_squeeze %dma_wait3A_845 : memref<1x1600x16xf32, #tpu.memory_space<vmem>> -> memref<1600x16xf32, #tpu.memory_space<vmem>>
    tpu.wait_dma2 semaphore(%dma_wait3A_840 : memref<!tpu.dma_semaphore, #tpu.memory_space<semaphore_mem>>) src(%dma_wait3A_846 : memref<1600x16xf32, #tpu.memory_space<vmem>>) dst(%dma_wait3A_842 : memref<1600x16xf32, #tpu.memory_space<hbm>>)
    %scan3A_847 = arith.constant 0 : i32
    %scan3A_848 = arith.constant 1 : i32
    %scan3A_849 = arith.constant 0 : i32
    %scan3A_850 = arith.constant 50 : i32
    %scan3A_851 = arith.addi %scan3A_849, %scan3A_850 : i32
    %scan3A_852 = arith.constant 1 : i32
    scf.for %scan3A_2336 = %scan3A_849 to %scan3A_851 step %scan3A_852  : i32 {
      %mul3A_2337 = arith.constant 16 : i32
      %mul3A_2338 = arith.muli %scan3A_2336, %mul3A_2337 : i32
      %add3A_2339 = arith.constant 10400 : i32
      %add3A_2340 = arith.addi %add3A_2339, %mul3A_2338 : i32
      %get3A = arith.index_cast %add3A_2340 : i32 to index
      %get3A_2341 = tpu.vector_load %arg5[%get3A] {strides = array<i32>} : memref<25600xi32, #tpu.memory_space<vmem>>, vector<16xi32>,
      %mul3A_2342 = arith.constant 2 : i32
      %mul3A_2343 = vector.broadcast %mul3A_2342 : i32 to vector<16xi32>
      %mul3A_2344 = arith.muli %get3A_2341, %mul3A_2343 : vector<16xi32>
      %mul3A_2345 = arith.constant 16 : i32
      %mul3A_2346 = arith.muli %scan3A_2336, %mul3A_2345 : i32
      %add3A_2347 = vector.broadcast %mul3A_2346 : i32 to vector<16xi32>
      %add3A_2348 = arith.addi %add3A_2347, %iota3A : vector<16xi32>
      %mul3A_2349 = arith.constant 2 : i32
      %mul3A_2350 = vector.broadcast %mul3A_2349 : i32 to vector<16xi32>
      %mul3A_2351 = arith.muli %add3A_2348, %mul3A_2350 : vector<16xi32>
      %scatter3A = arith.constant 0 : i32
      %scatter3A_2352 = tpu.memref_slice %arg6[%scan3A_848, %scatter3A] : memref<3x1600xi32, #tpu.memory_space<vmem>> -> memref<1x1600xi32, #tpu.memory_space<vmem>>
      %scatter3A_2353 = tpu.memref_squeeze %scatter3A_2352 : memref<1x1600xi32, #tpu.memory_space<vmem>> -> memref<1600xi32, #tpu.memory_space<vmem>>
      tpu.vector_store_idx %scatter3A_2353[%mul3A_2351], %mul3A_2344 : memref<1600xi32, #tpu.memory_space<vmem>>[vector<16xi32>], vector<16xi32>,
      %add3A_2354 = arith.constant 1 : i32
      %add3A_2355 = vector.broadcast %add3A_2354 : i32 to vector<16xi32>
      %add3A_2356 = arith.addi %mul3A_2351, %add3A_2355 : vector<16xi32>
      %add3A_2357 = arith.constant 1 : i32
      %add3A_2358 = vector.broadcast %add3A_2357 : i32 to vector<16xi32>
      %add3A_2359 = arith.addi %mul3A_2344, %add3A_2358 : vector<16xi32>
      %scatter3A_2360 = arith.constant 0 : i32
      %scatter3A_2361 = tpu.memref_slice %arg6[%scan3A_848, %scatter3A_2360] : memref<3x1600xi32, #tpu.memory_space<vmem>> -> memref<1x1600xi32, #tpu.memory_space<vmem>>
      %scatter3A_2362 = tpu.memref_squeeze %scatter3A_2361 : memref<1x1600xi32, #tpu.memory_space<vmem>> -> memref<1600xi32, #tpu.memory_space<vmem>>
      tpu.vector_store_idx %scatter3A_2362[%add3A_2356], %add3A_2359 : memref<1600xi32, #tpu.memory_space<vmem>>[vector<16xi32>], vector<16xi32>,
    }
    %scan3A_853 = arith.constant 50 : i32
    %dma_start3A_854 = arith.constant 1 : i32
    %dma_start3A_855 = arith.constant 1 : i32
    %dma_start3A_856 = arith.constant 1 : i32
    %dma_start3A_857 = arith.constant 0 : i32
    %dma_start3A_858 = arith.constant 0 : i32
    %dma_start3A_859 = tpu.memref_slice %arg7[%dma_start3A_855, %dma_start3A_857, %dma_start3A_858] : memref<3x1600x16xf32, #tpu.memory_space<vmem>> -> memref<1x1600x16xf32, #tpu.memory_space<vmem>>
    %dma_start3A_860 = tpu.memref_squeeze %dma_start3A_859 : memref<1x1600x16xf32, #tpu.memory_space<vmem>> -> memref<1600x16xf32, #tpu.memory_space<vmem>>
    %dma_start3A_861 = arith.constant 0 : i32
    %dma_start3A_862 = tpu.memref_slice %arg6[%dma_start3A_854, %dma_start3A_861] : memref<3x1600xi32, #tpu.memory_space<vmem>> -> memref<1x1600xi32, #tpu.memory_space<vmem>>
    %dma_start3A_863 = tpu.memref_squeeze %dma_start3A_862 : memref<1x1600xi32, #tpu.memory_space<vmem>> -> memref<1600xi32, #tpu.memory_space<vmem>>
    %dma_start3A_864 = arith.constant 0 : i32
    %dma_start3A_865 = arith.constant 0 : i32
    %dma_start3A_866 = tpu.memref_slice %arg3[%dma_start3A_864, %dma_start3A_865] : memref<2000000x16xf32, #tpu.memory_space<hbm>> -> memref<2000000x16xf32, #tpu.memory_space<hbm>>
    %dma_start3A_867 = tpu.memref_slice %arg8[%dma_start3A_856] : memref<3x!tpu.dma_semaphore, #tpu.memory_space<semaphore_mem>> -> memref<1x!tpu.dma_semaphore, #tpu.memory_space<semaphore_mem>>
    %dma_start3A_868 = tpu.memref_squeeze %dma_start3A_867 : memref<1x!tpu.dma_semaphore, #tpu.memory_space<semaphore_mem>> -> memref<!tpu.dma_semaphore, #tpu.memory_space<semaphore_mem>>
    tpu.enqueue_indirect_dma source(%dma_start3A_866 : memref<2000000x16xf32, #tpu.memory_space<hbm>>) target(%dma_start3A_860 : memref<1600x16xf32, #tpu.memory_space<vmem>>) offsets(%dma_start3A_863 : memref<1600xi32, #tpu.memory_space<vmem>>) semaphore(%dma_start3A_868 : memref<!tpu.dma_semaphore, #tpu.memory_space<semaphore_mem>>)
    %dma_wait3A_869 = arith.constant 2 : i32
    %dma_wait3A_870 = arith.constant 2 : i32
    %dma_wait3A_871 = arith.constant 2 : i32
    %dma_wait3A_872 = arith.constant 0 : i32
    %dma_wait3A_873 = arith.constant 0 : i32
    %dma_wait3A_874 = tpu.memref_slice %arg7[%dma_wait3A_870, %dma_wait3A_872, %dma_wait3A_873] : memref<3x1600x16xf32, #tpu.memory_space<vmem>> -> memref<1x1600x16xf32, #tpu.memory_space<vmem>>
    %dma_wait3A_875 = tpu.memref_squeeze %dma_wait3A_874 : memref<1x1600x16xf32, #tpu.memory_space<vmem>> -> memref<1600x16xf32, #tpu.memory_space<vmem>>
    %dma_wait3A_876 = arith.constant 0 : i32
    %dma_wait3A_877 = tpu.memref_slice %arg6[%dma_wait3A_869, %dma_wait3A_876] : memref<3x1600xi32, #tpu.memory_space<vmem>> -> memref<1x1600xi32, #tpu.memory_space<vmem>>
    %dma_wait3A_878 = tpu.memref_squeeze %dma_wait3A_877 : memref<1x1600xi32, #tpu.memory_space<vmem>> -> memref<1600xi32, #tpu.memory_space<vmem>>
    %dma_wait3A_879 = arith.constant 0 : i32
    %dma_wait3A_880 = arith.constant 0 : i32
    %dma_wait3A_881 = tpu.memref_slice %arg3[%dma_wait3A_879, %dma_wait3A_880] : memref<2000000x16xf32, #tpu.memory_space<hbm>> -> memref<2000000x16xf32, #tpu.memory_space<hbm>>
    %dma_wait3A_882 = tpu.memref_slice %arg8[%dma_wait3A_871] : memref<3x!tpu.dma_semaphore, #tpu.memory_space<semaphore_mem>> -> memref<1x!tpu.dma_semaphore, #tpu.memory_space<semaphore_mem>>
    %dma_wait3A_883 = tpu.memref_squeeze %dma_wait3A_882 : memref<1x!tpu.dma_semaphore, #tpu.memory_space<semaphore_mem>> -> memref<!tpu.dma_semaphore, #tpu.memory_space<semaphore_mem>>
    tpu.wait_indirect_dma semaphore(%dma_wait3A_883 : memref<!tpu.dma_semaphore, #tpu.memory_space<semaphore_mem>>) src(%dma_wait3A_881 : memref<2000000x16xf32, #tpu.memory_space<hbm>>) dst(%dma_wait3A_875 : memref<1600x16xf32, #tpu.memory_space<vmem>>)
    %add3A_884 = arith.constant 8800 : i32
    %add3A_885 = arith.addi %mul3A_2, %add3A_884 : i32
    %mul3A_886 = arith.constant 2 : i32
    %mul3A_887 = arith.muli %add3A_885, %mul3A_886 : i32
    %dma_start3A_888 = arith.constant 2 : i32
    %dma_start3A_889 = arith.constant 2 : i32
    %dma_start3A_890 = arith.constant 0 : i32
    %dma_start3A_891 = arith.constant 0 : i32
    %dma_start3A_892 = tpu.memref_slice %arg7[%dma_start3A_888, %dma_start3A_890, %dma_start3A_891] : memref<3x1600x16xf32, #tpu.memory_space<vmem>> -> memref<1x1600x16xf32, #tpu.memory_space<vmem>>
    %dma_start3A_893 = tpu.memref_squeeze %dma_start3A_892 : memref<1x1600x16xf32, #tpu.memory_space<vmem>> -> memref<1600x16xf32, #tpu.memory_space<vmem>>
    %dma_start3A_894 = arith.constant 0 : i32
    %dma_start3A_895 = tpu.memref_slice %arg4[%mul3A_887, %dma_start3A_894] : memref<1638400x16xf32, #tpu.memory_space<hbm>> -> memref<1600x16xf32, #tpu.memory_space<hbm>>
    %dma_start3A_896 = tpu.memref_slice %arg9[%dma_start3A_889] : memref<3x!tpu.dma_semaphore, #tpu.memory_space<semaphore_mem>> -> memref<1x!tpu.dma_semaphore, #tpu.memory_space<semaphore_mem>>
    %dma_start3A_897 = tpu.memref_squeeze %dma_start3A_896 : memref<1x!tpu.dma_semaphore, #tpu.memory_space<semaphore_mem>> -> memref<!tpu.dma_semaphore, #tpu.memory_space<semaphore_mem>>
    %dma_start3A_898 = arith.constant 0 : i32
    %dma_start3A_899 = tpu.memref_slice %arg4[%mul3A_887, %dma_start3A_898] : memref<1638400x16xf32, #tpu.memory_space<hbm>> -> memref<1600x16xf32, #tpu.memory_space<hbm>>
    %dma_start3A_900 = arith.constant 0 : i32
    %dma_start3A_901 = arith.constant 0 : i32
    %dma_start3A_902 = tpu.memref_slice %arg7[%dma_start3A_888, %dma_start3A_900, %dma_start3A_901] : memref<3x1600x16xf32, #tpu.memory_space<vmem>> -> memref<1x1600x16xf32, #tpu.memory_space<vmem>>
    %dma_start3A_903 = tpu.memref_squeeze %dma_start3A_902 : memref<1x1600x16xf32, #tpu.memory_space<vmem>> -> memref<1600x16xf32, #tpu.memory_space<vmem>>
    tpu.enqueue_dma source(%dma_start3A_903 : memref<1600x16xf32, #tpu.memory_space<vmem>>) target(%dma_start3A_899 : memref<1600x16xf32, #tpu.memory_space<hbm>>) target_semaphore(%dma_start3A_897 : memref<!tpu.dma_semaphore, #tpu.memory_space<semaphore_mem>>)
    %dma_wait3A_904 = arith.constant 2 : i32
    %dma_wait3A_905 = arith.constant 2 : i32
    %dma_wait3A_906 = arith.constant 0 : i32
    %dma_wait3A_907 = arith.constant 0 : i32
    %dma_wait3A_908 = tpu.memref_slice %arg7[%dma_wait3A_904, %dma_wait3A_906, %dma_wait3A_907] : memref<3x1600x16xf32, #tpu.memory_space<vmem>> -> memref<1x1600x16xf32, #tpu.memory_space<vmem>>
    %dma_wait3A_909 = tpu.memref_squeeze %dma_wait3A_908 : memref<1x1600x16xf32, #tpu.memory_space<vmem>> -> memref<1600x16xf32, #tpu.memory_space<vmem>>
    %dma_wait3A_910 = arith.constant 0 : i32
    %dma_wait3A_911 = tpu.memref_slice %arg4[%mul3A_887, %dma_wait3A_910] : memref<1638400x16xf32, #tpu.memory_space<hbm>> -> memref<1600x16xf32, #tpu.memory_space<hbm>>
    %dma_wait3A_912 = tpu.memref_slice %arg9[%dma_wait3A_905] : memref<3x!tpu.dma_semaphore, #tpu.memory_space<semaphore_mem>> -> memref<1x!tpu.dma_semaphore, #tpu.memory_space<semaphore_mem>>
    %dma_wait3A_913 = tpu.memref_squeeze %dma_wait3A_912 : memref<1x!tpu.dma_semaphore, #tpu.memory_space<semaphore_mem>> -> memref<!tpu.dma_semaphore, #tpu.memory_space<semaphore_mem>>
    %dma_wait3A_914 = arith.constant 0 : i32
    %dma_wait3A_915 = tpu.memref_slice %arg4[%mul3A_887, %dma_wait3A_914] : memref<1638400x16xf32, #tpu.memory_space<hbm>> -> memref<1600x16xf32, #tpu.memory_space<hbm>>
    %dma_wait3A_916 = arith.constant 0 : i32
    %dma_wait3A_917 = arith.constant 0 : i32
    %dma_wait3A_918 = tpu.memref_slice %arg7[%dma_wait3A_904, %dma_wait3A_916, %dma_wait3A_917] : memref<3x1600x16xf32, #tpu.memory_space<vmem>> -> memref<1x1600x16xf32, #tpu.memory_space<vmem>>
    %dma_wait3A_919 = tpu.memref_squeeze %dma_wait3A_918 : memref<1x1600x16xf32, #tpu.memory_space<vmem>> -> memref<1600x16xf32, #tpu.memory_space<vmem>>
    tpu.wait_dma2 semaphore(%dma_wait3A_913 : memref<!tpu.dma_semaphore, #tpu.memory_space<semaphore_mem>>) src(%dma_wait3A_919 : memref<1600x16xf32, #tpu.memory_space<vmem>>) dst(%dma_wait3A_915 : memref<1600x16xf32, #tpu.memory_space<hbm>>)
    %scan3A_920 = arith.constant 0 : i32
    %scan3A_921 = arith.constant 2 : i32
    %scan3A_922 = arith.constant 0 : i32
    %scan3A_923 = arith.constant 50 : i32
    %scan3A_924 = arith.addi %scan3A_922, %scan3A_923 : i32
    %scan3A_925 = arith.constant 1 : i32
    scf.for %scan3A_2336 = %scan3A_922 to %scan3A_924 step %scan3A_925  : i32 {
      %mul3A_2337 = arith.constant 16 : i32
      %mul3A_2338 = arith.muli %scan3A_2336, %mul3A_2337 : i32
      %add3A_2339 = arith.constant 11200 : i32
      %add3A_2340 = arith.addi %add3A_2339, %mul3A_2338 : i32
      %get3A = arith.index_cast %add3A_2340 : i32 to index
      %get3A_2341 = tpu.vector_load %arg5[%get3A] {strides = array<i32>} : memref<25600xi32, #tpu.memory_space<vmem>>, vector<16xi32>,
      %mul3A_2342 = arith.constant 2 : i32
      %mul3A_2343 = vector.broadcast %mul3A_2342 : i32 to vector<16xi32>
      %mul3A_2344 = arith.muli %get3A_2341, %mul3A_2343 : vector<16xi32>
      %mul3A_2345 = arith.constant 16 : i32
      %mul3A_2346 = arith.muli %scan3A_2336, %mul3A_2345 : i32
      %add3A_2347 = vector.broadcast %mul3A_2346 : i32 to vector<16xi32>
      %add3A_2348 = arith.addi %add3A_2347, %iota3A : vector<16xi32>
      %mul3A_2349 = arith.constant 2 : i32
      %mul3A_2350 = vector.broadcast %mul3A_2349 : i32 to vector<16xi32>
      %mul3A_2351 = arith.muli %add3A_2348, %mul3A_2350 : vector<16xi32>
      %scatter3A = arith.constant 0 : i32
      %scatter3A_2352 = tpu.memref_slice %arg6[%scan3A_921, %scatter3A] : memref<3x1600xi32, #tpu.memory_space<vmem>> -> memref<1x1600xi32, #tpu.memory_space<vmem>>
      %scatter3A_2353 = tpu.memref_squeeze %scatter3A_2352 : memref<1x1600xi32, #tpu.memory_space<vmem>> -> memref<1600xi32, #tpu.memory_space<vmem>>
      tpu.vector_store_idx %scatter3A_2353[%mul3A_2351], %mul3A_2344 : memref<1600xi32, #tpu.memory_space<vmem>>[vector<16xi32>], vector<16xi32>,
      %add3A_2354 = arith.constant 1 : i32
      %add3A_2355 = vector.broadcast %add3A_2354 : i32 to vector<16xi32>
      %add3A_2356 = arith.addi %mul3A_2351, %add3A_2355 : vector<16xi32>
      %add3A_2357 = arith.constant 1 : i32
      %add3A_2358 = vector.broadcast %add3A_2357 : i32 to vector<16xi32>
      %add3A_2359 = arith.addi %mul3A_2344, %add3A_2358 : vector<16xi32>
      %scatter3A_2360 = arith.constant 0 : i32
      %scatter3A_2361 = tpu.memref_slice %arg6[%scan3A_921, %scatter3A_2360] : memref<3x1600xi32, #tpu.memory_space<vmem>> -> memref<1x1600xi32, #tpu.memory_space<vmem>>
      %scatter3A_2362 = tpu.memref_squeeze %scatter3A_2361 : memref<1x1600xi32, #tpu.memory_space<vmem>> -> memref<1600xi32, #tpu.memory_space<vmem>>
      tpu.vector_store_idx %scatter3A_2362[%add3A_2356], %add3A_2359 : memref<1600xi32, #tpu.memory_space<vmem>>[vector<16xi32>], vector<16xi32>,
    }
    %scan3A_926 = arith.constant 50 : i32
    %dma_start3A_927 = arith.constant 2 : i32
    %dma_start3A_928 = arith.constant 2 : i32
    %dma_start3A_929 = arith.constant 2 : i32
    %dma_start3A_930 = arith.constant 0 : i32
    %dma_start3A_931 = arith.constant 0 : i32
    %dma_start3A_932 = tpu.memref_slice %arg7[%dma_start3A_928, %dma_start3A_930, %dma_start3A_931] : memref<3x1600x16xf32, #tpu.memory_space<vmem>> -> memref<1x1600x16xf32, #tpu.memory_space<vmem>>
    %dma_start3A_933 = tpu.memref_squeeze %dma_start3A_932 : memref<1x1600x16xf32, #tpu.memory_space<vmem>> -> memref<1600x16xf32, #tpu.memory_space<vmem>>
    %dma_start3A_934 = arith.constant 0 : i32
    %dma_start3A_935 = tpu.memref_slice %arg6[%dma_start3A_927, %dma_start3A_934] : memref<3x1600xi32, #tpu.memory_space<vmem>> -> memref<1x1600xi32, #tpu.memory_space<vmem>>
    %dma_start3A_936 = tpu.memref_squeeze %dma_start3A_935 : memref<1x1600xi32, #tpu.memory_space<vmem>> -> memref<1600xi32, #tpu.memory_space<vmem>>
    %dma_start3A_937 = arith.constant 0 : i32
    %dma_start3A_938 = arith.constant 0 : i32
    %dma_start3A_939 = tpu.memref_slice %arg3[%dma_start3A_937, %dma_start3A_938] : memref<2000000x16xf32, #tpu.memory_space<hbm>> -> memref<2000000x16xf32, #tpu.memory_space<hbm>>
    %dma_start3A_940 = tpu.memref_slice %arg8[%dma_start3A_929] : memref<3x!tpu.dma_semaphore, #tpu.memory_space<semaphore_mem>> -> memref<1x!tpu.dma_semaphore, #tpu.memory_space<semaphore_mem>>
    %dma_start3A_941 = tpu.memref_squeeze %dma_start3A_940 : memref<1x!tpu.dma_semaphore, #tpu.memory_space<semaphore_mem>> -> memref<!tpu.dma_semaphore, #tpu.memory_space<semaphore_mem>>
    tpu.enqueue_indirect_dma source(%dma_start3A_939 : memref<2000000x16xf32, #tpu.memory_space<hbm>>) target(%dma_start3A_933 : memref<1600x16xf32, #tpu.memory_space<vmem>>) offsets(%dma_start3A_936 : memref<1600xi32, #tpu.memory_space<vmem>>) semaphore(%dma_start3A_941 : memref<!tpu.dma_semaphore, #tpu.memory_space<semaphore_mem>>)
    %dma_wait3A_942 = arith.constant 0 : i32
    %dma_wait3A_943 = arith.constant 0 : i32
    %dma_wait3A_944 = arith.constant 0 : i32
    %dma_wait3A_945 = arith.constant 0 : i32
    %dma_wait3A_946 = arith.constant 0 : i32
    %dma_wait3A_947 = tpu.memref_slice %arg7[%dma_wait3A_943, %dma_wait3A_945, %dma_wait3A_946] : memref<3x1600x16xf32, #tpu.memory_space<vmem>> -> memref<1x1600x16xf32, #tpu.memory_space<vmem>>
    %dma_wait3A_948 = tpu.memref_squeeze %dma_wait3A_947 : memref<1x1600x16xf32, #tpu.memory_space<vmem>> -> memref<1600x16xf32, #tpu.memory_space<vmem>>
    %dma_wait3A_949 = arith.constant 0 : i32
    %dma_wait3A_950 = tpu.memref_slice %arg6[%dma_wait3A_942, %dma_wait3A_949] : memref<3x1600xi32, #tpu.memory_space<vmem>> -> memref<1x1600xi32, #tpu.memory_space<vmem>>
    %dma_wait3A_951 = tpu.memref_squeeze %dma_wait3A_950 : memref<1x1600xi32, #tpu.memory_space<vmem>> -> memref<1600xi32, #tpu.memory_space<vmem>>
    %dma_wait3A_952 = arith.constant 0 : i32
    %dma_wait3A_953 = arith.constant 0 : i32
    %dma_wait3A_954 = tpu.memref_slice %arg3[%dma_wait3A_952, %dma_wait3A_953] : memref<2000000x16xf32, #tpu.memory_space<hbm>> -> memref<2000000x16xf32, #tpu.memory_space<hbm>>
    %dma_wait3A_955 = tpu.memref_slice %arg8[%dma_wait3A_944] : memref<3x!tpu.dma_semaphore, #tpu.memory_space<semaphore_mem>> -> memref<1x!tpu.dma_semaphore, #tpu.memory_space<semaphore_mem>>
    %dma_wait3A_956 = tpu.memref_squeeze %dma_wait3A_955 : memref<1x!tpu.dma_semaphore, #tpu.memory_space<semaphore_mem>> -> memref<!tpu.dma_semaphore, #tpu.memory_space<semaphore_mem>>
    tpu.wait_indirect_dma semaphore(%dma_wait3A_956 : memref<!tpu.dma_semaphore, #tpu.memory_space<semaphore_mem>>) src(%dma_wait3A_954 : memref<2000000x16xf32, #tpu.memory_space<hbm>>) dst(%dma_wait3A_948 : memref<1600x16xf32, #tpu.memory_space<vmem>>)
    %add3A_957 = arith.constant 9600 : i32
    %add3A_958 = arith.addi %mul3A_2, %add3A_957 : i32
    %mul3A_959 = arith.constant 2 : i32
    %mul3A_960 = arith.muli %add3A_958, %mul3A_959 : i32
    %dma_start3A_961 = arith.constant 0 : i32
    %dma_start3A_962 = arith.constant 0 : i32
    %dma_start3A_963 = arith.constant 0 : i32
    %dma_start3A_964 = arith.constant 0 : i32
    %dma_start3A_965 = tpu.memref_slice %arg7[%dma_start3A_961, %dma_start3A_963, %dma_start3A_964] : memref<3x1600x16xf32, #tpu.memory_space<vmem>> -> memref<1x1600x16xf32, #tpu.memory_space<vmem>>
    %dma_start3A_966 = tpu.memref_squeeze %dma_start3A_965 : memref<1x1600x16xf32, #tpu.memory_space<vmem>> -> memref<1600x16xf32, #tpu.memory_space<vmem>>
    %dma_start3A_967 = arith.constant 0 : i32
    %dma_start3A_968 = tpu.memref_slice %arg4[%mul3A_960, %dma_start3A_967] : memref<1638400x16xf32, #tpu.memory_space<hbm>> -> memref<1600x16xf32, #tpu.memory_space<hbm>>
    %dma_start3A_969 = tpu.memref_slice %arg9[%dma_start3A_962] : memref<3x!tpu.dma_semaphore, #tpu.memory_space<semaphore_mem>> -> memref<1x!tpu.dma_semaphore, #tpu.memory_space<semaphore_mem>>
    %dma_start3A_970 = tpu.memref_squeeze %dma_start3A_969 : memref<1x!tpu.dma_semaphore, #tpu.memory_space<semaphore_mem>> -> memref<!tpu.dma_semaphore, #tpu.memory_space<semaphore_mem>>
    %dma_start3A_971 = arith.constant 0 : i32
    %dma_start3A_972 = tpu.memref_slice %arg4[%mul3A_960, %dma_start3A_971] : memref<1638400x16xf32, #tpu.memory_space<hbm>> -> memref<1600x16xf32, #tpu.memory_space<hbm>>
    %dma_start3A_973 = arith.constant 0 : i32
    %dma_start3A_974 = arith.constant 0 : i32
    %dma_start3A_975 = tpu.memref_slice %arg7[%dma_start3A_961, %dma_start3A_973, %dma_start3A_974] : memref<3x1600x16xf32, #tpu.memory_space<vmem>> -> memref<1x1600x16xf32, #tpu.memory_space<vmem>>
    %dma_start3A_976 = tpu.memref_squeeze %dma_start3A_975 : memref<1x1600x16xf32, #tpu.memory_space<vmem>> -> memref<1600x16xf32, #tpu.memory_space<vmem>>
    tpu.enqueue_dma source(%dma_start3A_976 : memref<1600x16xf32, #tpu.memory_space<vmem>>) target(%dma_start3A_972 : memref<1600x16xf32, #tpu.memory_space<hbm>>) target_semaphore(%dma_start3A_970 : memref<!tpu.dma_semaphore, #tpu.memory_space<semaphore_mem>>)
    %dma_wait3A_977 = arith.constant 0 : i32
    %dma_wait3A_978 = arith.constant 0 : i32
    %dma_wait3A_979 = arith.constant 0 : i32
    %dma_wait3A_980 = arith.constant 0 : i32
    %dma_wait3A_981 = tpu.memref_slice %arg7[%dma_wait3A_977, %dma_wait3A_979, %dma_wait3A_980] : memref<3x1600x16xf32, #tpu.memory_space<vmem>> -> memref<1x1600x16xf32, #tpu.memory_space<vmem>>
    %dma_wait3A_982 = tpu.memref_squeeze %dma_wait3A_981 : memref<1x1600x16xf32, #tpu.memory_space<vmem>> -> memref<1600x16xf32, #tpu.memory_space<vmem>>
    %dma_wait3A_983 = arith.constant 0 : i32
    %dma_wait3A_984 = tpu.memref_slice %arg4[%mul3A_960, %dma_wait3A_983] : memref<1638400x16xf32, #tpu.memory_space<hbm>> -> memref<1600x16xf32, #tpu.memory_space<hbm>>
    %dma_wait3A_985 = tpu.memref_slice %arg9[%dma_wait3A_978] : memref<3x!tpu.dma_semaphore, #tpu.memory_space<semaphore_mem>> -> memref<1x!tpu.dma_semaphore, #tpu.memory_space<semaphore_mem>>
    %dma_wait3A_986 = tpu.memref_squeeze %dma_wait3A_985 : memref<1x!tpu.dma_semaphore, #tpu.memory_space<semaphore_mem>> -> memref<!tpu.dma_semaphore, #tpu.memory_space<semaphore_mem>>
    %dma_wait3A_987 = arith.constant 0 : i32
    %dma_wait3A_988 = tpu.memref_slice %arg4[%mul3A_960, %dma_wait3A_987] : memref<1638400x16xf32, #tpu.memory_space<hbm>> -> memref<1600x16xf32, #tpu.memory_space<hbm>>
    %dma_wait3A_989 = arith.constant 0 : i32
    %dma_wait3A_990 = arith.constant 0 : i32
    %dma_wait3A_991 = tpu.memref_slice %arg7[%dma_wait3A_977, %dma_wait3A_989, %dma_wait3A_990] : memref<3x1600x16xf32, #tpu.memory_space<vmem>> -> memref<1x1600x16xf32, #tpu.memory_space<vmem>>
    %dma_wait3A_992 = tpu.memref_squeeze %dma_wait3A_991 : memref<1x1600x16xf32, #tpu.memory_space<vmem>> -> memref<1600x16xf32, #tpu.memory_space<vmem>>
    tpu.wait_dma2 semaphore(%dma_wait3A_986 : memref<!tpu.dma_semaphore, #tpu.memory_space<semaphore_mem>>) src(%dma_wait3A_992 : memref<1600x16xf32, #tpu.memory_space<vmem>>) dst(%dma_wait3A_988 : memref<1600x16xf32, #tpu.memory_space<hbm>>)
    %scan3A_993 = arith.constant 0 : i32
    %scan3A_994 = arith.constant 0 : i32
    %scan3A_995 = arith.constant 0 : i32
    %scan3A_996 = arith.constant 50 : i32
    %scan3A_997 = arith.addi %scan3A_995, %scan3A_996 : i32
    %scan3A_998 = arith.constant 1 : i32
    scf.for %scan3A_2336 = %scan3A_995 to %scan3A_997 step %scan3A_998  : i32 {
      %mul3A_2337 = arith.constant 16 : i32
      %mul3A_2338 = arith.muli %scan3A_2336, %mul3A_2337 : i32
      %add3A_2339 = arith.constant 12000 : i32
      %add3A_2340 = arith.addi %add3A_2339, %mul3A_2338 : i32
      %get3A = arith.index_cast %add3A_2340 : i32 to index
      %get3A_2341 = tpu.vector_load %arg5[%get3A] {strides = array<i32>} : memref<25600xi32, #tpu.memory_space<vmem>>, vector<16xi32>,
      %mul3A_2342 = arith.constant 2 : i32
      %mul3A_2343 = vector.broadcast %mul3A_2342 : i32 to vector<16xi32>
      %mul3A_2344 = arith.muli %get3A_2341, %mul3A_2343 : vector<16xi32>
      %mul3A_2345 = arith.constant 16 : i32
      %mul3A_2346 = arith.muli %scan3A_2336, %mul3A_2345 : i32
      %add3A_2347 = vector.broadcast %mul3A_2346 : i32 to vector<16xi32>
      %add3A_2348 = arith.addi %add3A_2347, %iota3A : vector<16xi32>
      %mul3A_2349 = arith.constant 2 : i32
      %mul3A_2350 = vector.broadcast %mul3A_2349 : i32 to vector<16xi32>
      %mul3A_2351 = arith.muli %add3A_2348, %mul3A_2350 : vector<16xi32>
      %scatter3A = arith.constant 0 : i32
      %scatter3A_2352 = tpu.memref_slice %arg6[%scan3A_994, %scatter3A] : memref<3x1600xi32, #tpu.memory_space<vmem>> -> memref<1x1600xi32, #tpu.memory_space<vmem>>
      %scatter3A_2353 = tpu.memref_squeeze %scatter3A_2352 : memref<1x1600xi32, #tpu.memory_space<vmem>> -> memref<1600xi32, #tpu.memory_space<vmem>>
      tpu.vector_store_idx %scatter3A_2353[%mul3A_2351], %mul3A_2344 : memref<1600xi32, #tpu.memory_space<vmem>>[vector<16xi32>], vector<16xi32>,
      %add3A_2354 = arith.constant 1 : i32
      %add3A_2355 = vector.broadcast %add3A_2354 : i32 to vector<16xi32>
      %add3A_2356 = arith.addi %mul3A_2351, %add3A_2355 : vector<16xi32>
      %add3A_2357 = arith.constant 1 : i32
      %add3A_2358 = vector.broadcast %add3A_2357 : i32 to vector<16xi32>
      %add3A_2359 = arith.addi %mul3A_2344, %add3A_2358 : vector<16xi32>
      %scatter3A_2360 = arith.constant 0 : i32
      %scatter3A_2361 = tpu.memref_slice %arg6[%scan3A_994, %scatter3A_2360] : memref<3x1600xi32, #tpu.memory_space<vmem>> -> memref<1x1600xi32, #tpu.memory_space<vmem>>
      %scatter3A_2362 = tpu.memref_squeeze %scatter3A_2361 : memref<1x1600xi32, #tpu.memory_space<vmem>> -> memref<1600xi32, #tpu.memory_space<vmem>>
      tpu.vector_store_idx %scatter3A_2362[%add3A_2356], %add3A_2359 : memref<1600xi32, #tpu.memory_space<vmem>>[vector<16xi32>], vector<16xi32>,
    }
    %scan3A_999 = arith.constant 50 : i32
    %dma_start3A_1000 = arith.constant 0 : i32
    %dma_start3A_1001 = arith.constant 0 : i32
    %dma_start3A_1002 = arith.constant 0 : i32
    %dma_start3A_1003 = arith.constant 0 : i32
    %dma_start3A_1004 = arith.constant 0 : i32
    %dma_start3A_1005 = tpu.memref_slice %arg7[%dma_start3A_1001, %dma_start3A_1003, %dma_start3A_1004] : memref<3x1600x16xf32, #tpu.memory_space<vmem>> -> memref<1x1600x16xf32, #tpu.memory_space<vmem>>
    %dma_start3A_1006 = tpu.memref_squeeze %dma_start3A_1005 : memref<1x1600x16xf32, #tpu.memory_space<vmem>> -> memref<1600x16xf32, #tpu.memory_space<vmem>>
    %dma_start3A_1007 = arith.constant 0 : i32
    %dma_start3A_1008 = tpu.memref_slice %arg6[%dma_start3A_1000, %dma_start3A_1007] : memref<3x1600xi32, #tpu.memory_space<vmem>> -> memref<1x1600xi32, #tpu.memory_space<vmem>>
    %dma_start3A_1009 = tpu.memref_squeeze %dma_start3A_1008 : memref<1x1600xi32, #tpu.memory_space<vmem>> -> memref<1600xi32, #tpu.memory_space<vmem>>
    %dma_start3A_1010 = arith.constant 0 : i32
    %dma_start3A_1011 = arith.constant 0 : i32
    %dma_start3A_1012 = tpu.memref_slice %arg3[%dma_start3A_1010, %dma_start3A_1011] : memref<2000000x16xf32, #tpu.memory_space<hbm>> -> memref<2000000x16xf32, #tpu.memory_space<hbm>>
    %dma_start3A_1013 = tpu.memref_slice %arg8[%dma_start3A_1002] : memref<3x!tpu.dma_semaphore, #tpu.memory_space<semaphore_mem>> -> memref<1x!tpu.dma_semaphore, #tpu.memory_space<semaphore_mem>>
    %dma_start3A_1014 = tpu.memref_squeeze %dma_start3A_1013 : memref<1x!tpu.dma_semaphore, #tpu.memory_space<semaphore_mem>> -> memref<!tpu.dma_semaphore, #tpu.memory_space<semaphore_mem>>
    tpu.enqueue_indirect_dma source(%dma_start3A_1012 : memref<2000000x16xf32, #tpu.memory_space<hbm>>) target(%dma_start3A_1006 : memref<1600x16xf32, #tpu.memory_space<vmem>>) offsets(%dma_start3A_1009 : memref<1600xi32, #tpu.memory_space<vmem>>) semaphore(%dma_start3A_1014 : memref<!tpu.dma_semaphore, #tpu.memory_space<semaphore_mem>>)
    %dma_wait3A_1015 = arith.constant 1 : i32
    %dma_wait3A_1016 = arith.constant 1 : i32
    %dma_wait3A_1017 = arith.constant 1 : i32
    %dma_wait3A_1018 = arith.constant 0 : i32
    %dma_wait3A_1019 = arith.constant 0 : i32
    %dma_wait3A_1020 = tpu.memref_slice %arg7[%dma_wait3A_1016, %dma_wait3A_1018, %dma_wait3A_1019] : memref<3x1600x16xf32, #tpu.memory_space<vmem>> -> memref<1x1600x16xf32, #tpu.memory_space<vmem>>
    %dma_wait3A_1021 = tpu.memref_squeeze %dma_wait3A_1020 : memref<1x1600x16xf32, #tpu.memory_space<vmem>> -> memref<1600x16xf32, #tpu.memory_space<vmem>>
    %dma_wait3A_1022 = arith.constant 0 : i32
    %dma_wait3A_1023 = tpu.memref_slice %arg6[%dma_wait3A_1015, %dma_wait3A_1022] : memref<3x1600xi32, #tpu.memory_space<vmem>> -> memref<1x1600xi32, #tpu.memory_space<vmem>>
    %dma_wait3A_1024 = tpu.memref_squeeze %dma_wait3A_1023 : memref<1x1600xi32, #tpu.memory_space<vmem>> -> memref<1600xi32, #tpu.memory_space<vmem>>
    %dma_wait3A_1025 = arith.constant 0 : i32
    %dma_wait3A_1026 = arith.constant 0 : i32
    %dma_wait3A_1027 = tpu.memref_slice %arg3[%dma_wait3A_1025, %dma_wait3A_1026] : memref<2000000x16xf32, #tpu.memory_space<hbm>> -> memref<2000000x16xf32, #tpu.memory_space<hbm>>
    %dma_wait3A_1028 = tpu.memref_slice %arg8[%dma_wait3A_1017] : memref<3x!tpu.dma_semaphore, #tpu.memory_space<semaphore_mem>> -> memref<1x!tpu.dma_semaphore, #tpu.memory_space<semaphore_mem>>
    %dma_wait3A_1029 = tpu.memref_squeeze %dma_wait3A_1028 : memref<1x!tpu.dma_semaphore, #tpu.memory_space<semaphore_mem>> -> memref<!tpu.dma_semaphore, #tpu.memory_space<semaphore_mem>>
    tpu.wait_indirect_dma semaphore(%dma_wait3A_1029 : memref<!tpu.dma_semaphore, #tpu.memory_space<semaphore_mem>>) src(%dma_wait3A_1027 : memref<2000000x16xf32, #tpu.memory_space<hbm>>) dst(%dma_wait3A_1021 : memref<1600x16xf32, #tpu.memory_space<vmem>>)
    %add3A_1030 = arith.constant 10400 : i32
    %add3A_1031 = arith.addi %mul3A_2, %add3A_1030 : i32
    %mul3A_1032 = arith.constant 2 : i32
    %mul3A_1033 = arith.muli %add3A_1031, %mul3A_1032 : i32
    %dma_start3A_1034 = arith.constant 1 : i32
    %dma_start3A_1035 = arith.constant 1 : i32
    %dma_start3A_1036 = arith.constant 0 : i32
    %dma_start3A_1037 = arith.constant 0 : i32
    %dma_start3A_1038 = tpu.memref_slice %arg7[%dma_start3A_1034, %dma_start3A_1036, %dma_start3A_1037] : memref<3x1600x16xf32, #tpu.memory_space<vmem>> -> memref<1x1600x16xf32, #tpu.memory_space<vmem>>
    %dma_start3A_1039 = tpu.memref_squeeze %dma_start3A_1038 : memref<1x1600x16xf32, #tpu.memory_space<vmem>> -> memref<1600x16xf32, #tpu.memory_space<vmem>>
    %dma_start3A_1040 = arith.constant 0 : i32
    %dma_start3A_1041 = tpu.memref_slice %arg4[%mul3A_1033, %dma_start3A_1040] : memref<1638400x16xf32, #tpu.memory_space<hbm>> -> memref<1600x16xf32, #tpu.memory_space<hbm>>
    %dma_start3A_1042 = tpu.memref_slice %arg9[%dma_start3A_1035] : memref<3x!tpu.dma_semaphore, #tpu.memory_space<semaphore_mem>> -> memref<1x!tpu.dma_semaphore, #tpu.memory_space<semaphore_mem>>
    %dma_start3A_1043 = tpu.memref_squeeze %dma_start3A_1042 : memref<1x!tpu.dma_semaphore, #tpu.memory_space<semaphore_mem>> -> memref<!tpu.dma_semaphore, #tpu.memory_space<semaphore_mem>>
    %dma_start3A_1044 = arith.constant 0 : i32
    %dma_start3A_1045 = tpu.memref_slice %arg4[%mul3A_1033, %dma_start3A_1044] : memref<1638400x16xf32, #tpu.memory_space<hbm>> -> memref<1600x16xf32, #tpu.memory_space<hbm>>
    %dma_start3A_1046 = arith.constant 0 : i32
    %dma_start3A_1047 = arith.constant 0 : i32
    %dma_start3A_1048 = tpu.memref_slice %arg7[%dma_start3A_1034, %dma_start3A_1046, %dma_start3A_1047] : memref<3x1600x16xf32, #tpu.memory_space<vmem>> -> memref<1x1600x16xf32, #tpu.memory_space<vmem>>
    %dma_start3A_1049 = tpu.memref_squeeze %dma_start3A_1048 : memref<1x1600x16xf32, #tpu.memory_space<vmem>> -> memref<1600x16xf32, #tpu.memory_space<vmem>>
    tpu.enqueue_dma source(%dma_start3A_1049 : memref<1600x16xf32, #tpu.memory_space<vmem>>) target(%dma_start3A_1045 : memref<1600x16xf32, #tpu.memory_space<hbm>>) target_semaphore(%dma_start3A_1043 : memref<!tpu.dma_semaphore, #tpu.memory_space<semaphore_mem>>)
    %dma_wait3A_1050 = arith.constant 1 : i32
    %dma_wait3A_1051 = arith.constant 1 : i32
    %dma_wait3A_1052 = arith.constant 0 : i32
    %dma_wait3A_1053 = arith.constant 0 : i32
    %dma_wait3A_1054 = tpu.memref_slice %arg7[%dma_wait3A_1050, %dma_wait3A_1052, %dma_wait3A_1053] : memref<3x1600x16xf32, #tpu.memory_space<vmem>> -> memref<1x1600x16xf32, #tpu.memory_space<vmem>>
    %dma_wait3A_1055 = tpu.memref_squeeze %dma_wait3A_1054 : memref<1x1600x16xf32, #tpu.memory_space<vmem>> -> memref<1600x16xf32, #tpu.memory_space<vmem>>
    %dma_wait3A_1056 = arith.constant 0 : i32
    %dma_wait3A_1057 = tpu.memref_slice %arg4[%mul3A_1033, %dma_wait3A_1056] : memref<1638400x16xf32, #tpu.memory_space<hbm>> -> memref<1600x16xf32, #tpu.memory_space<hbm>>
    %dma_wait3A_1058 = tpu.memref_slice %arg9[%dma_wait3A_1051] : memref<3x!tpu.dma_semaphore, #tpu.memory_space<semaphore_mem>> -> memref<1x!tpu.dma_semaphore, #tpu.memory_space<semaphore_mem>>
    %dma_wait3A_1059 = tpu.memref_squeeze %dma_wait3A_1058 : memref<1x!tpu.dma_semaphore, #tpu.memory_space<semaphore_mem>> -> memref<!tpu.dma_semaphore, #tpu.memory_space<semaphore_mem>>
    %dma_wait3A_1060 = arith.constant 0 : i32
    %dma_wait3A_1061 = tpu.memref_slice %arg4[%mul3A_1033, %dma_wait3A_1060] : memref<1638400x16xf32, #tpu.memory_space<hbm>> -> memref<1600x16xf32, #tpu.memory_space<hbm>>
    %dma_wait3A_1062 = arith.constant 0 : i32
    %dma_wait3A_1063 = arith.constant 0 : i32
    %dma_wait3A_1064 = tpu.memref_slice %arg7[%dma_wait3A_1050, %dma_wait3A_1062, %dma_wait3A_1063] : memref<3x1600x16xf32, #tpu.memory_space<vmem>> -> memref<1x1600x16xf32, #tpu.memory_space<vmem>>
    %dma_wait3A_1065 = tpu.memref_squeeze %dma_wait3A_1064 : memref<1x1600x16xf32, #tpu.memory_space<vmem>> -> memref<1600x16xf32, #tpu.memory_space<vmem>>
    tpu.wait_dma2 semaphore(%dma_wait3A_1059 : memref<!tpu.dma_semaphore, #tpu.memory_space<semaphore_mem>>) src(%dma_wait3A_1065 : memref<1600x16xf32, #tpu.memory_space<vmem>>) dst(%dma_wait3A_1061 : memref<1600x16xf32, #tpu.memory_space<hbm>>)
    %scan3A_1066 = arith.constant 0 : i32
    %scan3A_1067 = arith.constant 1 : i32
    %scan3A_1068 = arith.constant 0 : i32
    %scan3A_1069 = arith.constant 50 : i32
    %scan3A_1070 = arith.addi %scan3A_1068, %scan3A_1069 : i32
    %scan3A_1071 = arith.constant 1 : i32
    scf.for %scan3A_2336 = %scan3A_1068 to %scan3A_1070 step %scan3A_1071  : i32 {
      %mul3A_2337 = arith.constant 16 : i32
      %mul3A_2338 = arith.muli %scan3A_2336, %mul3A_2337 : i32
      %add3A_2339 = arith.constant 12800 : i32
      %add3A_2340 = arith.addi %add3A_2339, %mul3A_2338 : i32
      %get3A = arith.index_cast %add3A_2340 : i32 to index
      %get3A_2341 = tpu.vector_load %arg5[%get3A] {strides = array<i32>} : memref<25600xi32, #tpu.memory_space<vmem>>, vector<16xi32>,
      %mul3A_2342 = arith.constant 2 : i32
      %mul3A_2343 = vector.broadcast %mul3A_2342 : i32 to vector<16xi32>
      %mul3A_2344 = arith.muli %get3A_2341, %mul3A_2343 : vector<16xi32>
      %mul3A_2345 = arith.constant 16 : i32
      %mul3A_2346 = arith.muli %scan3A_2336, %mul3A_2345 : i32
      %add3A_2347 = vector.broadcast %mul3A_2346 : i32 to vector<16xi32>
      %add3A_2348 = arith.addi %add3A_2347, %iota3A : vector<16xi32>
      %mul3A_2349 = arith.constant 2 : i32
      %mul3A_2350 = vector.broadcast %mul3A_2349 : i32 to vector<16xi32>
      %mul3A_2351 = arith.muli %add3A_2348, %mul3A_2350 : vector<16xi32>
      %scatter3A = arith.constant 0 : i32
      %scatter3A_2352 = tpu.memref_slice %arg6[%scan3A_1067, %scatter3A] : memref<3x1600xi32, #tpu.memory_space<vmem>> -> memref<1x1600xi32, #tpu.memory_space<vmem>>
      %scatter3A_2353 = tpu.memref_squeeze %scatter3A_2352 : memref<1x1600xi32, #tpu.memory_space<vmem>> -> memref<1600xi32, #tpu.memory_space<vmem>>
      tpu.vector_store_idx %scatter3A_2353[%mul3A_2351], %mul3A_2344 : memref<1600xi32, #tpu.memory_space<vmem>>[vector<16xi32>], vector<16xi32>,
      %add3A_2354 = arith.constant 1 : i32
      %add3A_2355 = vector.broadcast %add3A_2354 : i32 to vector<16xi32>
      %add3A_2356 = arith.addi %mul3A_2351, %add3A_2355 : vector<16xi32>
      %add3A_2357 = arith.constant 1 : i32
      %add3A_2358 = vector.broadcast %add3A_2357 : i32 to vector<16xi32>
      %add3A_2359 = arith.addi %mul3A_2344, %add3A_2358 : vector<16xi32>
      %scatter3A_2360 = arith.constant 0 : i32
      %scatter3A_2361 = tpu.memref_slice %arg6[%scan3A_1067, %scatter3A_2360] : memref<3x1600xi32, #tpu.memory_space<vmem>> -> memref<1x1600xi32, #tpu.memory_space<vmem>>
      %scatter3A_2362 = tpu.memref_squeeze %scatter3A_2361 : memref<1x1600xi32, #tpu.memory_space<vmem>> -> memref<1600xi32, #tpu.memory_space<vmem>>
      tpu.vector_store_idx %scatter3A_2362[%add3A_2356], %add3A_2359 : memref<1600xi32, #tpu.memory_space<vmem>>[vector<16xi32>], vector<16xi32>,
    }
    %scan3A_1072 = arith.constant 50 : i32
    %dma_start3A_1073 = arith.constant 1 : i32
    %dma_start3A_1074 = arith.constant 1 : i32
    %dma_start3A_1075 = arith.constant 1 : i32
    %dma_start3A_1076 = arith.constant 0 : i32
    %dma_start3A_1077 = arith.constant 0 : i32
    %dma_start3A_1078 = tpu.memref_slice %arg7[%dma_start3A_1074, %dma_start3A_1076, %dma_start3A_1077] : memref<3x1600x16xf32, #tpu.memory_space<vmem>> -> memref<1x1600x16xf32, #tpu.memory_space<vmem>>
    %dma_start3A_1079 = tpu.memref_squeeze %dma_start3A_1078 : memref<1x1600x16xf32, #tpu.memory_space<vmem>> -> memref<1600x16xf32, #tpu.memory_space<vmem>>
    %dma_start3A_1080 = arith.constant 0 : i32
    %dma_start3A_1081 = tpu.memref_slice %arg6[%dma_start3A_1073, %dma_start3A_1080] : memref<3x1600xi32, #tpu.memory_space<vmem>> -> memref<1x1600xi32, #tpu.memory_space<vmem>>
    %dma_start3A_1082 = tpu.memref_squeeze %dma_start3A_1081 : memref<1x1600xi32, #tpu.memory_space<vmem>> -> memref<1600xi32, #tpu.memory_space<vmem>>
    %dma_start3A_1083 = arith.constant 0 : i32
    %dma_start3A_1084 = arith.constant 0 : i32
    %dma_start3A_1085 = tpu.memref_slice %arg3[%dma_start3A_1083, %dma_start3A_1084] : memref<2000000x16xf32, #tpu.memory_space<hbm>> -> memref<2000000x16xf32, #tpu.memory_space<hbm>>
    %dma_start3A_1086 = tpu.memref_slice %arg8[%dma_start3A_1075] : memref<3x!tpu.dma_semaphore, #tpu.memory_space<semaphore_mem>> -> memref<1x!tpu.dma_semaphore, #tpu.memory_space<semaphore_mem>>
    %dma_start3A_1087 = tpu.memref_squeeze %dma_start3A_1086 : memref<1x!tpu.dma_semaphore, #tpu.memory_space<semaphore_mem>> -> memref<!tpu.dma_semaphore, #tpu.memory_space<semaphore_mem>>
    tpu.enqueue_indirect_dma source(%dma_start3A_1085 : memref<2000000x16xf32, #tpu.memory_space<hbm>>) target(%dma_start3A_1079 : memref<1600x16xf32, #tpu.memory_space<vmem>>) offsets(%dma_start3A_1082 : memref<1600xi32, #tpu.memory_space<vmem>>) semaphore(%dma_start3A_1087 : memref<!tpu.dma_semaphore, #tpu.memory_space<semaphore_mem>>)
    %dma_wait3A_1088 = arith.constant 2 : i32
    %dma_wait3A_1089 = arith.constant 2 : i32
    %dma_wait3A_1090 = arith.constant 2 : i32
    %dma_wait3A_1091 = arith.constant 0 : i32
    %dma_wait3A_1092 = arith.constant 0 : i32
    %dma_wait3A_1093 = tpu.memref_slice %arg7[%dma_wait3A_1089, %dma_wait3A_1091, %dma_wait3A_1092] : memref<3x1600x16xf32, #tpu.memory_space<vmem>> -> memref<1x1600x16xf32, #tpu.memory_space<vmem>>
    %dma_wait3A_1094 = tpu.memref_squeeze %dma_wait3A_1093 : memref<1x1600x16xf32, #tpu.memory_space<vmem>> -> memref<1600x16xf32, #tpu.memory_space<vmem>>
    %dma_wait3A_1095 = arith.constant 0 : i32
    %dma_wait3A_1096 = tpu.memref_slice %arg6[%dma_wait3A_1088, %dma_wait3A_1095] : memref<3x1600xi32, #tpu.memory_space<vmem>> -> memref<1x1600xi32, #tpu.memory_space<vmem>>
    %dma_wait3A_1097 = tpu.memref_squeeze %dma_wait3A_1096 : memref<1x1600xi32, #tpu.memory_space<vmem>> -> memref<1600xi32, #tpu.memory_space<vmem>>
    %dma_wait3A_1098 = arith.constant 0 : i32
    %dma_wait3A_1099 = arith.constant 0 : i32
    %dma_wait3A_1100 = tpu.memref_slice %arg3[%dma_wait3A_1098, %dma_wait3A_1099] : memref<2000000x16xf32, #tpu.memory_space<hbm>> -> memref<2000000x16xf32, #tpu.memory_space<hbm>>
    %dma_wait3A_1101 = tpu.memref_slice %arg8[%dma_wait3A_1090] : memref<3x!tpu.dma_semaphore, #tpu.memory_space<semaphore_mem>> -> memref<1x!tpu.dma_semaphore, #tpu.memory_space<semaphore_mem>>
    %dma_wait3A_1102 = tpu.memref_squeeze %dma_wait3A_1101 : memref<1x!tpu.dma_semaphore, #tpu.memory_space<semaphore_mem>> -> memref<!tpu.dma_semaphore, #tpu.memory_space<semaphore_mem>>
    tpu.wait_indirect_dma semaphore(%dma_wait3A_1102 : memref<!tpu.dma_semaphore, #tpu.memory_space<semaphore_mem>>) src(%dma_wait3A_1100 : memref<2000000x16xf32, #tpu.memory_space<hbm>>) dst(%dma_wait3A_1094 : memref<1600x16xf32, #tpu.memory_space<vmem>>)
    %add3A_1103 = arith.constant 11200 : i32
    %add3A_1104 = arith.addi %mul3A_2, %add3A_1103 : i32
    %mul3A_1105 = arith.constant 2 : i32
    %mul3A_1106 = arith.muli %add3A_1104, %mul3A_1105 : i32
    %dma_start3A_1107 = arith.constant 2 : i32
    %dma_start3A_1108 = arith.constant 2 : i32
    %dma_start3A_1109 = arith.constant 0 : i32
    %dma_start3A_1110 = arith.constant 0 : i32
    %dma_start3A_1111 = tpu.memref_slice %arg7[%dma_start3A_1107, %dma_start3A_1109, %dma_start3A_1110] : memref<3x1600x16xf32, #tpu.memory_space<vmem>> -> memref<1x1600x16xf32, #tpu.memory_space<vmem>>
    %dma_start3A_1112 = tpu.memref_squeeze %dma_start3A_1111 : memref<1x1600x16xf32, #tpu.memory_space<vmem>> -> memref<1600x16xf32, #tpu.memory_space<vmem>>
    %dma_start3A_1113 = arith.constant 0 : i32
    %dma_start3A_1114 = tpu.memref_slice %arg4[%mul3A_1106, %dma_start3A_1113] : memref<1638400x16xf32, #tpu.memory_space<hbm>> -> memref<1600x16xf32, #tpu.memory_space<hbm>>
    %dma_start3A_1115 = tpu.memref_slice %arg9[%dma_start3A_1108] : memref<3x!tpu.dma_semaphore, #tpu.memory_space<semaphore_mem>> -> memref<1x!tpu.dma_semaphore, #tpu.memory_space<semaphore_mem>>
    %dma_start3A_1116 = tpu.memref_squeeze %dma_start3A_1115 : memref<1x!tpu.dma_semaphore, #tpu.memory_space<semaphore_mem>> -> memref<!tpu.dma_semaphore, #tpu.memory_space<semaphore_mem>>
    %dma_start3A_1117 = arith.constant 0 : i32
    %dma_start3A_1118 = tpu.memref_slice %arg4[%mul3A_1106, %dma_start3A_1117] : memref<1638400x16xf32, #tpu.memory_space<hbm>> -> memref<1600x16xf32, #tpu.memory_space<hbm>>
    %dma_start3A_1119 = arith.constant 0 : i32
    %dma_start3A_1120 = arith.constant 0 : i32
    %dma_start3A_1121 = tpu.memref_slice %arg7[%dma_start3A_1107, %dma_start3A_1119, %dma_start3A_1120] : memref<3x1600x16xf32, #tpu.memory_space<vmem>> -> memref<1x1600x16xf32, #tpu.memory_space<vmem>>
    %dma_start3A_1122 = tpu.memref_squeeze %dma_start3A_1121 : memref<1x1600x16xf32, #tpu.memory_space<vmem>> -> memref<1600x16xf32, #tpu.memory_space<vmem>>
    tpu.enqueue_dma source(%dma_start3A_1122 : memref<1600x16xf32, #tpu.memory_space<vmem>>) target(%dma_start3A_1118 : memref<1600x16xf32, #tpu.memory_space<hbm>>) target_semaphore(%dma_start3A_1116 : memref<!tpu.dma_semaphore, #tpu.memory_space<semaphore_mem>>)
    %dma_wait3A_1123 = arith.constant 2 : i32
    %dma_wait3A_1124 = arith.constant 2 : i32
    %dma_wait3A_1125 = arith.constant 0 : i32
    %dma_wait3A_1126 = arith.constant 0 : i32
    %dma_wait3A_1127 = tpu.memref_slice %arg7[%dma_wait3A_1123, %dma_wait3A_1125, %dma_wait3A_1126] : memref<3x1600x16xf32, #tpu.memory_space<vmem>> -> memref<1x1600x16xf32, #tpu.memory_space<vmem>>
    %dma_wait3A_1128 = tpu.memref_squeeze %dma_wait3A_1127 : memref<1x1600x16xf32, #tpu.memory_space<vmem>> -> memref<1600x16xf32, #tpu.memory_space<vmem>>
    %dma_wait3A_1129 = arith.constant 0 : i32
    %dma_wait3A_1130 = tpu.memref_slice %arg4[%mul3A_1106, %dma_wait3A_1129] : memref<1638400x16xf32, #tpu.memory_space<hbm>> -> memref<1600x16xf32, #tpu.memory_space<hbm>>
    %dma_wait3A_1131 = tpu.memref_slice %arg9[%dma_wait3A_1124] : memref<3x!tpu.dma_semaphore, #tpu.memory_space<semaphore_mem>> -> memref<1x!tpu.dma_semaphore, #tpu.memory_space<semaphore_mem>>
    %dma_wait3A_1132 = tpu.memref_squeeze %dma_wait3A_1131 : memref<1x!tpu.dma_semaphore, #tpu.memory_space<semaphore_mem>> -> memref<!tpu.dma_semaphore, #tpu.memory_space<semaphore_mem>>
    %dma_wait3A_1133 = arith.constant 0 : i32
    %dma_wait3A_1134 = tpu.memref_slice %arg4[%mul3A_1106, %dma_wait3A_1133] : memref<1638400x16xf32, #tpu.memory_space<hbm>> -> memref<1600x16xf32, #tpu.memory_space<hbm>>
    %dma_wait3A_1135 = arith.constant 0 : i32
    %dma_wait3A_1136 = arith.constant 0 : i32
    %dma_wait3A_1137 = tpu.memref_slice %arg7[%dma_wait3A_1123, %dma_wait3A_1135, %dma_wait3A_1136] : memref<3x1600x16xf32, #tpu.memory_space<vmem>> -> memref<1x1600x16xf32, #tpu.memory_space<vmem>>
    %dma_wait3A_1138 = tpu.memref_squeeze %dma_wait3A_1137 : memref<1x1600x16xf32, #tpu.memory_space<vmem>> -> memref<1600x16xf32, #tpu.memory_space<vmem>>
    tpu.wait_dma2 semaphore(%dma_wait3A_1132 : memref<!tpu.dma_semaphore, #tpu.memory_space<semaphore_mem>>) src(%dma_wait3A_1138 : memref<1600x16xf32, #tpu.memory_space<vmem>>) dst(%dma_wait3A_1134 : memref<1600x16xf32, #tpu.memory_space<hbm>>)
    %scan3A_1139 = arith.constant 0 : i32
    %scan3A_1140 = arith.constant 2 : i32
    %scan3A_1141 = arith.constant 0 : i32
    %scan3A_1142 = arith.constant 50 : i32
    %scan3A_1143 = arith.addi %scan3A_1141, %scan3A_1142 : i32
    %scan3A_1144 = arith.constant 1 : i32
    scf.for %scan3A_2336 = %scan3A_1141 to %scan3A_1143 step %scan3A_1144  : i32 {
      %mul3A_2337 = arith.constant 16 : i32
      %mul3A_2338 = arith.muli %scan3A_2336, %mul3A_2337 : i32
      %add3A_2339 = arith.constant 13600 : i32
      %add3A_2340 = arith.addi %add3A_2339, %mul3A_2338 : i32
      %get3A = arith.index_cast %add3A_2340 : i32 to index
      %get3A_2341 = tpu.vector_load %arg5[%get3A] {strides = array<i32>} : memref<25600xi32, #tpu.memory_space<vmem>>, vector<16xi32>,
      %mul3A_2342 = arith.constant 2 : i32
      %mul3A_2343 = vector.broadcast %mul3A_2342 : i32 to vector<16xi32>
      %mul3A_2344 = arith.muli %get3A_2341, %mul3A_2343 : vector<16xi32>
      %mul3A_2345 = arith.constant 16 : i32
      %mul3A_2346 = arith.muli %scan3A_2336, %mul3A_2345 : i32
      %add3A_2347 = vector.broadcast %mul3A_2346 : i32 to vector<16xi32>
      %add3A_2348 = arith.addi %add3A_2347, %iota3A : vector<16xi32>
      %mul3A_2349 = arith.constant 2 : i32
      %mul3A_2350 = vector.broadcast %mul3A_2349 : i32 to vector<16xi32>
      %mul3A_2351 = arith.muli %add3A_2348, %mul3A_2350 : vector<16xi32>
      %scatter3A = arith.constant 0 : i32
      %scatter3A_2352 = tpu.memref_slice %arg6[%scan3A_1140, %scatter3A] : memref<3x1600xi32, #tpu.memory_space<vmem>> -> memref<1x1600xi32, #tpu.memory_space<vmem>>
      %scatter3A_2353 = tpu.memref_squeeze %scatter3A_2352 : memref<1x1600xi32, #tpu.memory_space<vmem>> -> memref<1600xi32, #tpu.memory_space<vmem>>
      tpu.vector_store_idx %scatter3A_2353[%mul3A_2351], %mul3A_2344 : memref<1600xi32, #tpu.memory_space<vmem>>[vector<16xi32>], vector<16xi32>,
      %add3A_2354 = arith.constant 1 : i32
      %add3A_2355 = vector.broadcast %add3A_2354 : i32 to vector<16xi32>
      %add3A_2356 = arith.addi %mul3A_2351, %add3A_2355 : vector<16xi32>
      %add3A_2357 = arith.constant 1 : i32
      %add3A_2358 = vector.broadcast %add3A_2357 : i32 to vector<16xi32>
      %add3A_2359 = arith.addi %mul3A_2344, %add3A_2358 : vector<16xi32>
      %scatter3A_2360 = arith.constant 0 : i32
      %scatter3A_2361 = tpu.memref_slice %arg6[%scan3A_1140, %scatter3A_2360] : memref<3x1600xi32, #tpu.memory_space<vmem>> -> memref<1x1600xi32, #tpu.memory_space<vmem>>
      %scatter3A_2362 = tpu.memref_squeeze %scatter3A_2361 : memref<1x1600xi32, #tpu.memory_space<vmem>> -> memref<1600xi32, #tpu.memory_space<vmem>>
      tpu.vector_store_idx %scatter3A_2362[%add3A_2356], %add3A_2359 : memref<1600xi32, #tpu.memory_space<vmem>>[vector<16xi32>], vector<16xi32>,
    }
    %scan3A_1145 = arith.constant 50 : i32
    %dma_start3A_1146 = arith.constant 2 : i32
    %dma_start3A_1147 = arith.constant 2 : i32
    %dma_start3A_1148 = arith.constant 2 : i32
    %dma_start3A_1149 = arith.constant 0 : i32
    %dma_start3A_1150 = arith.constant 0 : i32
    %dma_start3A_1151 = tpu.memref_slice %arg7[%dma_start3A_1147, %dma_start3A_1149, %dma_start3A_1150] : memref<3x1600x16xf32, #tpu.memory_space<vmem>> -> memref<1x1600x16xf32, #tpu.memory_space<vmem>>
    %dma_start3A_1152 = tpu.memref_squeeze %dma_start3A_1151 : memref<1x1600x16xf32, #tpu.memory_space<vmem>> -> memref<1600x16xf32, #tpu.memory_space<vmem>>
    %dma_start3A_1153 = arith.constant 0 : i32
    %dma_start3A_1154 = tpu.memref_slice %arg6[%dma_start3A_1146, %dma_start3A_1153] : memref<3x1600xi32, #tpu.memory_space<vmem>> -> memref<1x1600xi32, #tpu.memory_space<vmem>>
    %dma_start3A_1155 = tpu.memref_squeeze %dma_start3A_1154 : memref<1x1600xi32, #tpu.memory_space<vmem>> -> memref<1600xi32, #tpu.memory_space<vmem>>
    %dma_start3A_1156 = arith.constant 0 : i32
    %dma_start3A_1157 = arith.constant 0 : i32
    %dma_start3A_1158 = tpu.memref_slice %arg3[%dma_start3A_1156, %dma_start3A_1157] : memref<2000000x16xf32, #tpu.memory_space<hbm>> -> memref<2000000x16xf32, #tpu.memory_space<hbm>>
    %dma_start3A_1159 = tpu.memref_slice %arg8[%dma_start3A_1148] : memref<3x!tpu.dma_semaphore, #tpu.memory_space<semaphore_mem>> -> memref<1x!tpu.dma_semaphore, #tpu.memory_space<semaphore_mem>>
    %dma_start3A_1160 = tpu.memref_squeeze %dma_start3A_1159 : memref<1x!tpu.dma_semaphore, #tpu.memory_space<semaphore_mem>> -> memref<!tpu.dma_semaphore, #tpu.memory_space<semaphore_mem>>
    tpu.enqueue_indirect_dma source(%dma_start3A_1158 : memref<2000000x16xf32, #tpu.memory_space<hbm>>) target(%dma_start3A_1152 : memref<1600x16xf32, #tpu.memory_space<vmem>>) offsets(%dma_start3A_1155 : memref<1600xi32, #tpu.memory_space<vmem>>) semaphore(%dma_start3A_1160 : memref<!tpu.dma_semaphore, #tpu.memory_space<semaphore_mem>>)
    %dma_wait3A_1161 = arith.constant 0 : i32
    %dma_wait3A_1162 = arith.constant 0 : i32
    %dma_wait3A_1163 = arith.constant 0 : i32
    %dma_wait3A_1164 = arith.constant 0 : i32
    %dma_wait3A_1165 = arith.constant 0 : i32
    %dma_wait3A_1166 = tpu.memref_slice %arg7[%dma_wait3A_1162, %dma_wait3A_1164, %dma_wait3A_1165] : memref<3x1600x16xf32, #tpu.memory_space<vmem>> -> memref<1x1600x16xf32, #tpu.memory_space<vmem>>
    %dma_wait3A_1167 = tpu.memref_squeeze %dma_wait3A_1166 : memref<1x1600x16xf32, #tpu.memory_space<vmem>> -> memref<1600x16xf32, #tpu.memory_space<vmem>>
    %dma_wait3A_1168 = arith.constant 0 : i32
    %dma_wait3A_1169 = tpu.memref_slice %arg6[%dma_wait3A_1161, %dma_wait3A_1168] : memref<3x1600xi32, #tpu.memory_space<vmem>> -> memref<1x1600xi32, #tpu.memory_space<vmem>>
    %dma_wait3A_1170 = tpu.memref_squeeze %dma_wait3A_1169 : memref<1x1600xi32, #tpu.memory_space<vmem>> -> memref<1600xi32, #tpu.memory_space<vmem>>
    %dma_wait3A_1171 = arith.constant 0 : i32
    %dma_wait3A_1172 = arith.constant 0 : i32
    %dma_wait3A_1173 = tpu.memref_slice %arg3[%dma_wait3A_1171, %dma_wait3A_1172] : memref<2000000x16xf32, #tpu.memory_space<hbm>> -> memref<2000000x16xf32, #tpu.memory_space<hbm>>
    %dma_wait3A_1174 = tpu.memref_slice %arg8[%dma_wait3A_1163] : memref<3x!tpu.dma_semaphore, #tpu.memory_space<semaphore_mem>> -> memref<1x!tpu.dma_semaphore, #tpu.memory_space<semaphore_mem>>
    %dma_wait3A_1175 = tpu.memref_squeeze %dma_wait3A_1174 : memref<1x!tpu.dma_semaphore, #tpu.memory_space<semaphore_mem>> -> memref<!tpu.dma_semaphore, #tpu.memory_space<semaphore_mem>>
    tpu.wait_indirect_dma semaphore(%dma_wait3A_1175 : memref<!tpu.dma_semaphore, #tpu.memory_space<semaphore_mem>>) src(%dma_wait3A_1173 : memref<2000000x16xf32, #tpu.memory_space<hbm>>) dst(%dma_wait3A_1167 : memref<1600x16xf32, #tpu.memory_space<vmem>>)
    %add3A_1176 = arith.constant 12000 : i32
    %add3A_1177 = arith.addi %mul3A_2, %add3A_1176 : i32
    %mul3A_1178 = arith.constant 2 : i32
    %mul3A_1179 = arith.muli %add3A_1177, %mul3A_1178 : i32
    %dma_start3A_1180 = arith.constant 0 : i32
    %dma_start3A_1181 = arith.constant 0 : i32
    %dma_start3A_1182 = arith.constant 0 : i32
    %dma_start3A_1183 = arith.constant 0 : i32
    %dma_start3A_1184 = tpu.memref_slice %arg7[%dma_start3A_1180, %dma_start3A_1182, %dma_start3A_1183] : memref<3x1600x16xf32, #tpu.memory_space<vmem>> -> memref<1x1600x16xf32, #tpu.memory_space<vmem>>
    %dma_start3A_1185 = tpu.memref_squeeze %dma_start3A_1184 : memref<1x1600x16xf32, #tpu.memory_space<vmem>> -> memref<1600x16xf32, #tpu.memory_space<vmem>>
    %dma_start3A_1186 = arith.constant 0 : i32
    %dma_start3A_1187 = tpu.memref_slice %arg4[%mul3A_1179, %dma_start3A_1186] : memref<1638400x16xf32, #tpu.memory_space<hbm>> -> memref<1600x16xf32, #tpu.memory_space<hbm>>
    %dma_start3A_1188 = tpu.memref_slice %arg9[%dma_start3A_1181] : memref<3x!tpu.dma_semaphore, #tpu.memory_space<semaphore_mem>> -> memref<1x!tpu.dma_semaphore, #tpu.memory_space<semaphore_mem>>
    %dma_start3A_1189 = tpu.memref_squeeze %dma_start3A_1188 : memref<1x!tpu.dma_semaphore, #tpu.memory_space<semaphore_mem>> -> memref<!tpu.dma_semaphore, #tpu.memory_space<semaphore_mem>>
    %dma_start3A_1190 = arith.constant 0 : i32
    %dma_start3A_1191 = tpu.memref_slice %arg4[%mul3A_1179, %dma_start3A_1190] : memref<1638400x16xf32, #tpu.memory_space<hbm>> -> memref<1600x16xf32, #tpu.memory_space<hbm>>
    %dma_start3A_1192 = arith.constant 0 : i32
    %dma_start3A_1193 = arith.constant 0 : i32
    %dma_start3A_1194 = tpu.memref_slice %arg7[%dma_start3A_1180, %dma_start3A_1192, %dma_start3A_1193] : memref<3x1600x16xf32, #tpu.memory_space<vmem>> -> memref<1x1600x16xf32, #tpu.memory_space<vmem>>
    %dma_start3A_1195 = tpu.memref_squeeze %dma_start3A_1194 : memref<1x1600x16xf32, #tpu.memory_space<vmem>> -> memref<1600x16xf32, #tpu.memory_space<vmem>>
    tpu.enqueue_dma source(%dma_start3A_1195 : memref<1600x16xf32, #tpu.memory_space<vmem>>) target(%dma_start3A_1191 : memref<1600x16xf32, #tpu.memory_space<hbm>>) target_semaphore(%dma_start3A_1189 : memref<!tpu.dma_semaphore, #tpu.memory_space<semaphore_mem>>)
    %dma_wait3A_1196 = arith.constant 0 : i32
    %dma_wait3A_1197 = arith.constant 0 : i32
    %dma_wait3A_1198 = arith.constant 0 : i32
    %dma_wait3A_1199 = arith.constant 0 : i32
    %dma_wait3A_1200 = tpu.memref_slice %arg7[%dma_wait3A_1196, %dma_wait3A_1198, %dma_wait3A_1199] : memref<3x1600x16xf32, #tpu.memory_space<vmem>> -> memref<1x1600x16xf32, #tpu.memory_space<vmem>>
    %dma_wait3A_1201 = tpu.memref_squeeze %dma_wait3A_1200 : memref<1x1600x16xf32, #tpu.memory_space<vmem>> -> memref<1600x16xf32, #tpu.memory_space<vmem>>
    %dma_wait3A_1202 = arith.constant 0 : i32
    %dma_wait3A_1203 = tpu.memref_slice %arg4[%mul3A_1179, %dma_wait3A_1202] : memref<1638400x16xf32, #tpu.memory_space<hbm>> -> memref<1600x16xf32, #tpu.memory_space<hbm>>
    %dma_wait3A_1204 = tpu.memref_slice %arg9[%dma_wait3A_1197] : memref<3x!tpu.dma_semaphore, #tpu.memory_space<semaphore_mem>> -> memref<1x!tpu.dma_semaphore, #tpu.memory_space<semaphore_mem>>
    %dma_wait3A_1205 = tpu.memref_squeeze %dma_wait3A_1204 : memref<1x!tpu.dma_semaphore, #tpu.memory_space<semaphore_mem>> -> memref<!tpu.dma_semaphore, #tpu.memory_space<semaphore_mem>>
    %dma_wait3A_1206 = arith.constant 0 : i32
    %dma_wait3A_1207 = tpu.memref_slice %arg4[%mul3A_1179, %dma_wait3A_1206] : memref<1638400x16xf32, #tpu.memory_space<hbm>> -> memref<1600x16xf32, #tpu.memory_space<hbm>>
    %dma_wait3A_1208 = arith.constant 0 : i32
    %dma_wait3A_1209 = arith.constant 0 : i32
    %dma_wait3A_1210 = tpu.memref_slice %arg7[%dma_wait3A_1196, %dma_wait3A_1208, %dma_wait3A_1209] : memref<3x1600x16xf32, #tpu.memory_space<vmem>> -> memref<1x1600x16xf32, #tpu.memory_space<vmem>>
    %dma_wait3A_1211 = tpu.memref_squeeze %dma_wait3A_1210 : memref<1x1600x16xf32, #tpu.memory_space<vmem>> -> memref<1600x16xf32, #tpu.memory_space<vmem>>
    tpu.wait_dma2 semaphore(%dma_wait3A_1205 : memref<!tpu.dma_semaphore, #tpu.memory_space<semaphore_mem>>) src(%dma_wait3A_1211 : memref<1600x16xf32, #tpu.memory_space<vmem>>) dst(%dma_wait3A_1207 : memref<1600x16xf32, #tpu.memory_space<hbm>>)
    %scan3A_1212 = arith.constant 0 : i32
    %scan3A_1213 = arith.constant 0 : i32
    %scan3A_1214 = arith.constant 0 : i32
    %scan3A_1215 = arith.constant 50 : i32
    %scan3A_1216 = arith.addi %scan3A_1214, %scan3A_1215 : i32
    %scan3A_1217 = arith.constant 1 : i32
    scf.for %scan3A_2336 = %scan3A_1214 to %scan3A_1216 step %scan3A_1217  : i32 {
      %mul3A_2337 = arith.constant 16 : i32
      %mul3A_2338 = arith.muli %scan3A_2336, %mul3A_2337 : i32
      %add3A_2339 = arith.constant 14400 : i32
      %add3A_2340 = arith.addi %add3A_2339, %mul3A_2338 : i32
      %get3A = arith.index_cast %add3A_2340 : i32 to index
      %get3A_2341 = tpu.vector_load %arg5[%get3A] {strides = array<i32>} : memref<25600xi32, #tpu.memory_space<vmem>>, vector<16xi32>,
      %mul3A_2342 = arith.constant 2 : i32
      %mul3A_2343 = vector.broadcast %mul3A_2342 : i32 to vector<16xi32>
      %mul3A_2344 = arith.muli %get3A_2341, %mul3A_2343 : vector<16xi32>
      %mul3A_2345 = arith.constant 16 : i32
      %mul3A_2346 = arith.muli %scan3A_2336, %mul3A_2345 : i32
      %add3A_2347 = vector.broadcast %mul3A_2346 : i32 to vector<16xi32>
      %add3A_2348 = arith.addi %add3A_2347, %iota3A : vector<16xi32>
      %mul3A_2349 = arith.constant 2 : i32
      %mul3A_2350 = vector.broadcast %mul3A_2349 : i32 to vector<16xi32>
      %mul3A_2351 = arith.muli %add3A_2348, %mul3A_2350 : vector<16xi32>
      %scatter3A = arith.constant 0 : i32
      %scatter3A_2352 = tpu.memref_slice %arg6[%scan3A_1213, %scatter3A] : memref<3x1600xi32, #tpu.memory_space<vmem>> -> memref<1x1600xi32, #tpu.memory_space<vmem>>
      %scatter3A_2353 = tpu.memref_squeeze %scatter3A_2352 : memref<1x1600xi32, #tpu.memory_space<vmem>> -> memref<1600xi32, #tpu.memory_space<vmem>>
      tpu.vector_store_idx %scatter3A_2353[%mul3A_2351], %mul3A_2344 : memref<1600xi32, #tpu.memory_space<vmem>>[vector<16xi32>], vector<16xi32>,
      %add3A_2354 = arith.constant 1 : i32
      %add3A_2355 = vector.broadcast %add3A_2354 : i32 to vector<16xi32>
      %add3A_2356 = arith.addi %mul3A_2351, %add3A_2355 : vector<16xi32>
      %add3A_2357 = arith.constant 1 : i32
      %add3A_2358 = vector.broadcast %add3A_2357 : i32 to vector<16xi32>
      %add3A_2359 = arith.addi %mul3A_2344, %add3A_2358 : vector<16xi32>
      %scatter3A_2360 = arith.constant 0 : i32
      %scatter3A_2361 = tpu.memref_slice %arg6[%scan3A_1213, %scatter3A_2360] : memref<3x1600xi32, #tpu.memory_space<vmem>> -> memref<1x1600xi32, #tpu.memory_space<vmem>>
      %scatter3A_2362 = tpu.memref_squeeze %scatter3A_2361 : memref<1x1600xi32, #tpu.memory_space<vmem>> -> memref<1600xi32, #tpu.memory_space<vmem>>
      tpu.vector_store_idx %scatter3A_2362[%add3A_2356], %add3A_2359 : memref<1600xi32, #tpu.memory_space<vmem>>[vector<16xi32>], vector<16xi32>,
    }
    %scan3A_1218 = arith.constant 50 : i32
    %dma_start3A_1219 = arith.constant 0 : i32
    %dma_start3A_1220 = arith.constant 0 : i32
    %dma_start3A_1221 = arith.constant 0 : i32
    %dma_start3A_1222 = arith.constant 0 : i32
    %dma_start3A_1223 = arith.constant 0 : i32
    %dma_start3A_1224 = tpu.memref_slice %arg7[%dma_start3A_1220, %dma_start3A_1222, %dma_start3A_1223] : memref<3x1600x16xf32, #tpu.memory_space<vmem>> -> memref<1x1600x16xf32, #tpu.memory_space<vmem>>
    %dma_start3A_1225 = tpu.memref_squeeze %dma_start3A_1224 : memref<1x1600x16xf32, #tpu.memory_space<vmem>> -> memref<1600x16xf32, #tpu.memory_space<vmem>>
    %dma_start3A_1226 = arith.constant 0 : i32
    %dma_start3A_1227 = tpu.memref_slice %arg6[%dma_start3A_1219, %dma_start3A_1226] : memref<3x1600xi32, #tpu.memory_space<vmem>> -> memref<1x1600xi32, #tpu.memory_space<vmem>>
    %dma_start3A_1228 = tpu.memref_squeeze %dma_start3A_1227 : memref<1x1600xi32, #tpu.memory_space<vmem>> -> memref<1600xi32, #tpu.memory_space<vmem>>
    %dma_start3A_1229 = arith.constant 0 : i32
    %dma_start3A_1230 = arith.constant 0 : i32
    %dma_start3A_1231 = tpu.memref_slice %arg3[%dma_start3A_1229, %dma_start3A_1230] : memref<2000000x16xf32, #tpu.memory_space<hbm>> -> memref<2000000x16xf32, #tpu.memory_space<hbm>>
    %dma_start3A_1232 = tpu.memref_slice %arg8[%dma_start3A_1221] : memref<3x!tpu.dma_semaphore, #tpu.memory_space<semaphore_mem>> -> memref<1x!tpu.dma_semaphore, #tpu.memory_space<semaphore_mem>>
    %dma_start3A_1233 = tpu.memref_squeeze %dma_start3A_1232 : memref<1x!tpu.dma_semaphore, #tpu.memory_space<semaphore_mem>> -> memref<!tpu.dma_semaphore, #tpu.memory_space<semaphore_mem>>
    tpu.enqueue_indirect_dma source(%dma_start3A_1231 : memref<2000000x16xf32, #tpu.memory_space<hbm>>) target(%dma_start3A_1225 : memref<1600x16xf32, #tpu.memory_space<vmem>>) offsets(%dma_start3A_1228 : memref<1600xi32, #tpu.memory_space<vmem>>) semaphore(%dma_start3A_1233 : memref<!tpu.dma_semaphore, #tpu.memory_space<semaphore_mem>>)
    %dma_wait3A_1234 = arith.constant 1 : i32
    %dma_wait3A_1235 = arith.constant 1 : i32
    %dma_wait3A_1236 = arith.constant 1 : i32
    %dma_wait3A_1237 = arith.constant 0 : i32
    %dma_wait3A_1238 = arith.constant 0 : i32
    %dma_wait3A_1239 = tpu.memref_slice %arg7[%dma_wait3A_1235, %dma_wait3A_1237, %dma_wait3A_1238] : memref<3x1600x16xf32, #tpu.memory_space<vmem>> -> memref<1x1600x16xf32, #tpu.memory_space<vmem>>
    %dma_wait3A_1240 = tpu.memref_squeeze %dma_wait3A_1239 : memref<1x1600x16xf32, #tpu.memory_space<vmem>> -> memref<1600x16xf32, #tpu.memory_space<vmem>>
    %dma_wait3A_1241 = arith.constant 0 : i32
    %dma_wait3A_1242 = tpu.memref_slice %arg6[%dma_wait3A_1234, %dma_wait3A_1241] : memref<3x1600xi32, #tpu.memory_space<vmem>> -> memref<1x1600xi32, #tpu.memory_space<vmem>>
    %dma_wait3A_1243 = tpu.memref_squeeze %dma_wait3A_1242 : memref<1x1600xi32, #tpu.memory_space<vmem>> -> memref<1600xi32, #tpu.memory_space<vmem>>
    %dma_wait3A_1244 = arith.constant 0 : i32
    %dma_wait3A_1245 = arith.constant 0 : i32
    %dma_wait3A_1246 = tpu.memref_slice %arg3[%dma_wait3A_1244, %dma_wait3A_1245] : memref<2000000x16xf32, #tpu.memory_space<hbm>> -> memref<2000000x16xf32, #tpu.memory_space<hbm>>
    %dma_wait3A_1247 = tpu.memref_slice %arg8[%dma_wait3A_1236] : memref<3x!tpu.dma_semaphore, #tpu.memory_space<semaphore_mem>> -> memref<1x!tpu.dma_semaphore, #tpu.memory_space<semaphore_mem>>
    %dma_wait3A_1248 = tpu.memref_squeeze %dma_wait3A_1247 : memref<1x!tpu.dma_semaphore, #tpu.memory_space<semaphore_mem>> -> memref<!tpu.dma_semaphore, #tpu.memory_space<semaphore_mem>>
    tpu.wait_indirect_dma semaphore(%dma_wait3A_1248 : memref<!tpu.dma_semaphore, #tpu.memory_space<semaphore_mem>>) src(%dma_wait3A_1246 : memref<2000000x16xf32, #tpu.memory_space<hbm>>) dst(%dma_wait3A_1240 : memref<1600x16xf32, #tpu.memory_space<vmem>>)
    %add3A_1249 = arith.constant 12800 : i32
    %add3A_1250 = arith.addi %mul3A_2, %add3A_1249 : i32
    %mul3A_1251 = arith.constant 2 : i32
    %mul3A_1252 = arith.muli %add3A_1250, %mul3A_1251 : i32
    %dma_start3A_1253 = arith.constant 1 : i32
    %dma_start3A_1254 = arith.constant 1 : i32
    %dma_start3A_1255 = arith.constant 0 : i32
    %dma_start3A_1256 = arith.constant 0 : i32
    %dma_start3A_1257 = tpu.memref_slice %arg7[%dma_start3A_1253, %dma_start3A_1255, %dma_start3A_1256] : memref<3x1600x16xf32, #tpu.memory_space<vmem>> -> memref<1x1600x16xf32, #tpu.memory_space<vmem>>
    %dma_start3A_1258 = tpu.memref_squeeze %dma_start3A_1257 : memref<1x1600x16xf32, #tpu.memory_space<vmem>> -> memref<1600x16xf32, #tpu.memory_space<vmem>>
    %dma_start3A_1259 = arith.constant 0 : i32
    %dma_start3A_1260 = tpu.memref_slice %arg4[%mul3A_1252, %dma_start3A_1259] : memref<1638400x16xf32, #tpu.memory_space<hbm>> -> memref<1600x16xf32, #tpu.memory_space<hbm>>
    %dma_start3A_1261 = tpu.memref_slice %arg9[%dma_start3A_1254] : memref<3x!tpu.dma_semaphore, #tpu.memory_space<semaphore_mem>> -> memref<1x!tpu.dma_semaphore, #tpu.memory_space<semaphore_mem>>
    %dma_start3A_1262 = tpu.memref_squeeze %dma_start3A_1261 : memref<1x!tpu.dma_semaphore, #tpu.memory_space<semaphore_mem>> -> memref<!tpu.dma_semaphore, #tpu.memory_space<semaphore_mem>>
    %dma_start3A_1263 = arith.constant 0 : i32
    %dma_start3A_1264 = tpu.memref_slice %arg4[%mul3A_1252, %dma_start3A_1263] : memref<1638400x16xf32, #tpu.memory_space<hbm>> -> memref<1600x16xf32, #tpu.memory_space<hbm>>
    %dma_start3A_1265 = arith.constant 0 : i32
    %dma_start3A_1266 = arith.constant 0 : i32
    %dma_start3A_1267 = tpu.memref_slice %arg7[%dma_start3A_1253, %dma_start3A_1265, %dma_start3A_1266] : memref<3x1600x16xf32, #tpu.memory_space<vmem>> -> memref<1x1600x16xf32, #tpu.memory_space<vmem>>
    %dma_start3A_1268 = tpu.memref_squeeze %dma_start3A_1267 : memref<1x1600x16xf32, #tpu.memory_space<vmem>> -> memref<1600x16xf32, #tpu.memory_space<vmem>>
    tpu.enqueue_dma source(%dma_start3A_1268 : memref<1600x16xf32, #tpu.memory_space<vmem>>) target(%dma_start3A_1264 : memref<1600x16xf32, #tpu.memory_space<hbm>>) target_semaphore(%dma_start3A_1262 : memref<!tpu.dma_semaphore, #tpu.memory_space<semaphore_mem>>)
    %dma_wait3A_1269 = arith.constant 1 : i32
    %dma_wait3A_1270 = arith.constant 1 : i32
    %dma_wait3A_1271 = arith.constant 0 : i32
    %dma_wait3A_1272 = arith.constant 0 : i32
    %dma_wait3A_1273 = tpu.memref_slice %arg7[%dma_wait3A_1269, %dma_wait3A_1271, %dma_wait3A_1272] : memref<3x1600x16xf32, #tpu.memory_space<vmem>> -> memref<1x1600x16xf32, #tpu.memory_space<vmem>>
    %dma_wait3A_1274 = tpu.memref_squeeze %dma_wait3A_1273 : memref<1x1600x16xf32, #tpu.memory_space<vmem>> -> memref<1600x16xf32, #tpu.memory_space<vmem>>
    %dma_wait3A_1275 = arith.constant 0 : i32
    %dma_wait3A_1276 = tpu.memref_slice %arg4[%mul3A_1252, %dma_wait3A_1275] : memref<1638400x16xf32, #tpu.memory_space<hbm>> -> memref<1600x16xf32, #tpu.memory_space<hbm>>
    %dma_wait3A_1277 = tpu.memref_slice %arg9[%dma_wait3A_1270] : memref<3x!tpu.dma_semaphore, #tpu.memory_space<semaphore_mem>> -> memref<1x!tpu.dma_semaphore, #tpu.memory_space<semaphore_mem>>
    %dma_wait3A_1278 = tpu.memref_squeeze %dma_wait3A_1277 : memref<1x!tpu.dma_semaphore, #tpu.memory_space<semaphore_mem>> -> memref<!tpu.dma_semaphore, #tpu.memory_space<semaphore_mem>>
    %dma_wait3A_1279 = arith.constant 0 : i32
    %dma_wait3A_1280 = tpu.memref_slice %arg4[%mul3A_1252, %dma_wait3A_1279] : memref<1638400x16xf32, #tpu.memory_space<hbm>> -> memref<1600x16xf32, #tpu.memory_space<hbm>>
    %dma_wait3A_1281 = arith.constant 0 : i32
    %dma_wait3A_1282 = arith.constant 0 : i32
    %dma_wait3A_1283 = tpu.memref_slice %arg7[%dma_wait3A_1269, %dma_wait3A_1281, %dma_wait3A_1282] : memref<3x1600x16xf32, #tpu.memory_space<vmem>> -> memref<1x1600x16xf32, #tpu.memory_space<vmem>>
    %dma_wait3A_1284 = tpu.memref_squeeze %dma_wait3A_1283 : memref<1x1600x16xf32, #tpu.memory_space<vmem>> -> memref<1600x16xf32, #tpu.memory_space<vmem>>
    tpu.wait_dma2 semaphore(%dma_wait3A_1278 : memref<!tpu.dma_semaphore, #tpu.memory_space<semaphore_mem>>) src(%dma_wait3A_1284 : memref<1600x16xf32, #tpu.memory_space<vmem>>) dst(%dma_wait3A_1280 : memref<1600x16xf32, #tpu.memory_space<hbm>>)
    %scan3A_1285 = arith.constant 0 : i32
    %scan3A_1286 = arith.constant 1 : i32
    %scan3A_1287 = arith.constant 0 : i32
    %scan3A_1288 = arith.constant 50 : i32
    %scan3A_1289 = arith.addi %scan3A_1287, %scan3A_1288 : i32
    %scan3A_1290 = arith.constant 1 : i32
    scf.for %scan3A_2336 = %scan3A_1287 to %scan3A_1289 step %scan3A_1290  : i32 {
      %mul3A_2337 = arith.constant 16 : i32
      %mul3A_2338 = arith.muli %scan3A_2336, %mul3A_2337 : i32
      %add3A_2339 = arith.constant 15200 : i32
      %add3A_2340 = arith.addi %add3A_2339, %mul3A_2338 : i32
      %get3A = arith.index_cast %add3A_2340 : i32 to index
      %get3A_2341 = tpu.vector_load %arg5[%get3A] {strides = array<i32>} : memref<25600xi32, #tpu.memory_space<vmem>>, vector<16xi32>,
      %mul3A_2342 = arith.constant 2 : i32
      %mul3A_2343 = vector.broadcast %mul3A_2342 : i32 to vector<16xi32>
      %mul3A_2344 = arith.muli %get3A_2341, %mul3A_2343 : vector<16xi32>
      %mul3A_2345 = arith.constant 16 : i32
      %mul3A_2346 = arith.muli %scan3A_2336, %mul3A_2345 : i32
      %add3A_2347 = vector.broadcast %mul3A_2346 : i32 to vector<16xi32>
      %add3A_2348 = arith.addi %add3A_2347, %iota3A : vector<16xi32>
      %mul3A_2349 = arith.constant 2 : i32
      %mul3A_2350 = vector.broadcast %mul3A_2349 : i32 to vector<16xi32>
      %mul3A_2351 = arith.muli %add3A_2348, %mul3A_2350 : vector<16xi32>
      %scatter3A = arith.constant 0 : i32
      %scatter3A_2352 = tpu.memref_slice %arg6[%scan3A_1286, %scatter3A] : memref<3x1600xi32, #tpu.memory_space<vmem>> -> memref<1x1600xi32, #tpu.memory_space<vmem>>
      %scatter3A_2353 = tpu.memref_squeeze %scatter3A_2352 : memref<1x1600xi32, #tpu.memory_space<vmem>> -> memref<1600xi32, #tpu.memory_space<vmem>>
      tpu.vector_store_idx %scatter3A_2353[%mul3A_2351], %mul3A_2344 : memref<1600xi32, #tpu.memory_space<vmem>>[vector<16xi32>], vector<16xi32>,
      %add3A_2354 = arith.constant 1 : i32
      %add3A_2355 = vector.broadcast %add3A_2354 : i32 to vector<16xi32>
      %add3A_2356 = arith.addi %mul3A_2351, %add3A_2355 : vector<16xi32>
      %add3A_2357 = arith.constant 1 : i32
      %add3A_2358 = vector.broadcast %add3A_2357 : i32 to vector<16xi32>
      %add3A_2359 = arith.addi %mul3A_2344, %add3A_2358 : vector<16xi32>
      %scatter3A_2360 = arith.constant 0 : i32
      %scatter3A_2361 = tpu.memref_slice %arg6[%scan3A_1286, %scatter3A_2360] : memref<3x1600xi32, #tpu.memory_space<vmem>> -> memref<1x1600xi32, #tpu.memory_space<vmem>>
      %scatter3A_2362 = tpu.memref_squeeze %scatter3A_2361 : memref<1x1600xi32, #tpu.memory_space<vmem>> -> memref<1600xi32, #tpu.memory_space<vmem>>
      tpu.vector_store_idx %scatter3A_2362[%add3A_2356], %add3A_2359 : memref<1600xi32, #tpu.memory_space<vmem>>[vector<16xi32>], vector<16xi32>,
    }
    %scan3A_1291 = arith.constant 50 : i32
    %dma_start3A_1292 = arith.constant 1 : i32
    %dma_start3A_1293 = arith.constant 1 : i32
    %dma_start3A_1294 = arith.constant 1 : i32
    %dma_start3A_1295 = arith.constant 0 : i32
    %dma_start3A_1296 = arith.constant 0 : i32
    %dma_start3A_1297 = tpu.memref_slice %arg7[%dma_start3A_1293, %dma_start3A_1295, %dma_start3A_1296] : memref<3x1600x16xf32, #tpu.memory_space<vmem>> -> memref<1x1600x16xf32, #tpu.memory_space<vmem>>
    %dma_start3A_1298 = tpu.memref_squeeze %dma_start3A_1297 : memref<1x1600x16xf32, #tpu.memory_space<vmem>> -> memref<1600x16xf32, #tpu.memory_space<vmem>>
    %dma_start3A_1299 = arith.constant 0 : i32
    %dma_start3A_1300 = tpu.memref_slice %arg6[%dma_start3A_1292, %dma_start3A_1299] : memref<3x1600xi32, #tpu.memory_space<vmem>> -> memref<1x1600xi32, #tpu.memory_space<vmem>>
    %dma_start3A_1301 = tpu.memref_squeeze %dma_start3A_1300 : memref<1x1600xi32, #tpu.memory_space<vmem>> -> memref<1600xi32, #tpu.memory_space<vmem>>
    %dma_start3A_1302 = arith.constant 0 : i32
    %dma_start3A_1303 = arith.constant 0 : i32
    %dma_start3A_1304 = tpu.memref_slice %arg3[%dma_start3A_1302, %dma_start3A_1303] : memref<2000000x16xf32, #tpu.memory_space<hbm>> -> memref<2000000x16xf32, #tpu.memory_space<hbm>>
    %dma_start3A_1305 = tpu.memref_slice %arg8[%dma_start3A_1294] : memref<3x!tpu.dma_semaphore, #tpu.memory_space<semaphore_mem>> -> memref<1x!tpu.dma_semaphore, #tpu.memory_space<semaphore_mem>>
    %dma_start3A_1306 = tpu.memref_squeeze %dma_start3A_1305 : memref<1x!tpu.dma_semaphore, #tpu.memory_space<semaphore_mem>> -> memref<!tpu.dma_semaphore, #tpu.memory_space<semaphore_mem>>
    tpu.enqueue_indirect_dma source(%dma_start3A_1304 : memref<2000000x16xf32, #tpu.memory_space<hbm>>) target(%dma_start3A_1298 : memref<1600x16xf32, #tpu.memory_space<vmem>>) offsets(%dma_start3A_1301 : memref<1600xi32, #tpu.memory_space<vmem>>) semaphore(%dma_start3A_1306 : memref<!tpu.dma_semaphore, #tpu.memory_space<semaphore_mem>>)
    %dma_wait3A_1307 = arith.constant 2 : i32
    %dma_wait3A_1308 = arith.constant 2 : i32
    %dma_wait3A_1309 = arith.constant 2 : i32
    %dma_wait3A_1310 = arith.constant 0 : i32
    %dma_wait3A_1311 = arith.constant 0 : i32
    %dma_wait3A_1312 = tpu.memref_slice %arg7[%dma_wait3A_1308, %dma_wait3A_1310, %dma_wait3A_1311] : memref<3x1600x16xf32, #tpu.memory_space<vmem>> -> memref<1x1600x16xf32, #tpu.memory_space<vmem>>
    %dma_wait3A_1313 = tpu.memref_squeeze %dma_wait3A_1312 : memref<1x1600x16xf32, #tpu.memory_space<vmem>> -> memref<1600x16xf32, #tpu.memory_space<vmem>>
    %dma_wait3A_1314 = arith.constant 0 : i32
    %dma_wait3A_1315 = tpu.memref_slice %arg6[%dma_wait3A_1307, %dma_wait3A_1314] : memref<3x1600xi32, #tpu.memory_space<vmem>> -> memref<1x1600xi32, #tpu.memory_space<vmem>>
    %dma_wait3A_1316 = tpu.memref_squeeze %dma_wait3A_1315 : memref<1x1600xi32, #tpu.memory_space<vmem>> -> memref<1600xi32, #tpu.memory_space<vmem>>
    %dma_wait3A_1317 = arith.constant 0 : i32
    %dma_wait3A_1318 = arith.constant 0 : i32
    %dma_wait3A_1319 = tpu.memref_slice %arg3[%dma_wait3A_1317, %dma_wait3A_1318] : memref<2000000x16xf32, #tpu.memory_space<hbm>> -> memref<2000000x16xf32, #tpu.memory_space<hbm>>
    %dma_wait3A_1320 = tpu.memref_slice %arg8[%dma_wait3A_1309] : memref<3x!tpu.dma_semaphore, #tpu.memory_space<semaphore_mem>> -> memref<1x!tpu.dma_semaphore, #tpu.memory_space<semaphore_mem>>
    %dma_wait3A_1321 = tpu.memref_squeeze %dma_wait3A_1320 : memref<1x!tpu.dma_semaphore, #tpu.memory_space<semaphore_mem>> -> memref<!tpu.dma_semaphore, #tpu.memory_space<semaphore_mem>>
    tpu.wait_indirect_dma semaphore(%dma_wait3A_1321 : memref<!tpu.dma_semaphore, #tpu.memory_space<semaphore_mem>>) src(%dma_wait3A_1319 : memref<2000000x16xf32, #tpu.memory_space<hbm>>) dst(%dma_wait3A_1313 : memref<1600x16xf32, #tpu.memory_space<vmem>>)
    %add3A_1322 = arith.constant 13600 : i32
    %add3A_1323 = arith.addi %mul3A_2, %add3A_1322 : i32
    %mul3A_1324 = arith.constant 2 : i32
    %mul3A_1325 = arith.muli %add3A_1323, %mul3A_1324 : i32
    %dma_start3A_1326 = arith.constant 2 : i32
    %dma_start3A_1327 = arith.constant 2 : i32
    %dma_start3A_1328 = arith.constant 0 : i32
    %dma_start3A_1329 = arith.constant 0 : i32
    %dma_start3A_1330 = tpu.memref_slice %arg7[%dma_start3A_1326, %dma_start3A_1328, %dma_start3A_1329] : memref<3x1600x16xf32, #tpu.memory_space<vmem>> -> memref<1x1600x16xf32, #tpu.memory_space<vmem>>
    %dma_start3A_1331 = tpu.memref_squeeze %dma_start3A_1330 : memref<1x1600x16xf32, #tpu.memory_space<vmem>> -> memref<1600x16xf32, #tpu.memory_space<vmem>>
    %dma_start3A_1332 = arith.constant 0 : i32
    %dma_start3A_1333 = tpu.memref_slice %arg4[%mul3A_1325, %dma_start3A_1332] : memref<1638400x16xf32, #tpu.memory_space<hbm>> -> memref<1600x16xf32, #tpu.memory_space<hbm>>
    %dma_start3A_1334 = tpu.memref_slice %arg9[%dma_start3A_1327] : memref<3x!tpu.dma_semaphore, #tpu.memory_space<semaphore_mem>> -> memref<1x!tpu.dma_semaphore, #tpu.memory_space<semaphore_mem>>
    %dma_start3A_1335 = tpu.memref_squeeze %dma_start3A_1334 : memref<1x!tpu.dma_semaphore, #tpu.memory_space<semaphore_mem>> -> memref<!tpu.dma_semaphore, #tpu.memory_space<semaphore_mem>>
    %dma_start3A_1336 = arith.constant 0 : i32
    %dma_start3A_1337 = tpu.memref_slice %arg4[%mul3A_1325, %dma_start3A_1336] : memref<1638400x16xf32, #tpu.memory_space<hbm>> -> memref<1600x16xf32, #tpu.memory_space<hbm>>
    %dma_start3A_1338 = arith.constant 0 : i32
    %dma_start3A_1339 = arith.constant 0 : i32
    %dma_start3A_1340 = tpu.memref_slice %arg7[%dma_start3A_1326, %dma_start3A_1338, %dma_start3A_1339] : memref<3x1600x16xf32, #tpu.memory_space<vmem>> -> memref<1x1600x16xf32, #tpu.memory_space<vmem>>
    %dma_start3A_1341 = tpu.memref_squeeze %dma_start3A_1340 : memref<1x1600x16xf32, #tpu.memory_space<vmem>> -> memref<1600x16xf32, #tpu.memory_space<vmem>>
    tpu.enqueue_dma source(%dma_start3A_1341 : memref<1600x16xf32, #tpu.memory_space<vmem>>) target(%dma_start3A_1337 : memref<1600x16xf32, #tpu.memory_space<hbm>>) target_semaphore(%dma_start3A_1335 : memref<!tpu.dma_semaphore, #tpu.memory_space<semaphore_mem>>)
    %dma_wait3A_1342 = arith.constant 2 : i32
    %dma_wait3A_1343 = arith.constant 2 : i32
    %dma_wait3A_1344 = arith.constant 0 : i32
    %dma_wait3A_1345 = arith.constant 0 : i32
    %dma_wait3A_1346 = tpu.memref_slice %arg7[%dma_wait3A_1342, %dma_wait3A_1344, %dma_wait3A_1345] : memref<3x1600x16xf32, #tpu.memory_space<vmem>> -> memref<1x1600x16xf32, #tpu.memory_space<vmem>>
    %dma_wait3A_1347 = tpu.memref_squeeze %dma_wait3A_1346 : memref<1x1600x16xf32, #tpu.memory_space<vmem>> -> memref<1600x16xf32, #tpu.memory_space<vmem>>
    %dma_wait3A_1348 = arith.constant 0 : i32
    %dma_wait3A_1349 = tpu.memref_slice %arg4[%mul3A_1325, %dma_wait3A_1348] : memref<1638400x16xf32, #tpu.memory_space<hbm>> -> memref<1600x16xf32, #tpu.memory_space<hbm>>
    %dma_wait3A_1350 = tpu.memref_slice %arg9[%dma_wait3A_1343] : memref<3x!tpu.dma_semaphore, #tpu.memory_space<semaphore_mem>> -> memref<1x!tpu.dma_semaphore, #tpu.memory_space<semaphore_mem>>
    %dma_wait3A_1351 = tpu.memref_squeeze %dma_wait3A_1350 : memref<1x!tpu.dma_semaphore, #tpu.memory_space<semaphore_mem>> -> memref<!tpu.dma_semaphore, #tpu.memory_space<semaphore_mem>>
    %dma_wait3A_1352 = arith.constant 0 : i32
    %dma_wait3A_1353 = tpu.memref_slice %arg4[%mul3A_1325, %dma_wait3A_1352] : memref<1638400x16xf32, #tpu.memory_space<hbm>> -> memref<1600x16xf32, #tpu.memory_space<hbm>>
    %dma_wait3A_1354 = arith.constant 0 : i32
    %dma_wait3A_1355 = arith.constant 0 : i32
    %dma_wait3A_1356 = tpu.memref_slice %arg7[%dma_wait3A_1342, %dma_wait3A_1354, %dma_wait3A_1355] : memref<3x1600x16xf32, #tpu.memory_space<vmem>> -> memref<1x1600x16xf32, #tpu.memory_space<vmem>>
    %dma_wait3A_1357 = tpu.memref_squeeze %dma_wait3A_1356 : memref<1x1600x16xf32, #tpu.memory_space<vmem>> -> memref<1600x16xf32, #tpu.memory_space<vmem>>
    tpu.wait_dma2 semaphore(%dma_wait3A_1351 : memref<!tpu.dma_semaphore, #tpu.memory_space<semaphore_mem>>) src(%dma_wait3A_1357 : memref<1600x16xf32, #tpu.memory_space<vmem>>) dst(%dma_wait3A_1353 : memref<1600x16xf32, #tpu.memory_space<hbm>>)
    %scan3A_1358 = arith.constant 0 : i32
    %scan3A_1359 = arith.constant 2 : i32
    %scan3A_1360 = arith.constant 0 : i32
    %scan3A_1361 = arith.constant 50 : i32
    %scan3A_1362 = arith.addi %scan3A_1360, %scan3A_1361 : i32
    %scan3A_1363 = arith.constant 1 : i32
    scf.for %scan3A_2336 = %scan3A_1360 to %scan3A_1362 step %scan3A_1363  : i32 {
      %mul3A_2337 = arith.constant 16 : i32
      %mul3A_2338 = arith.muli %scan3A_2336, %mul3A_2337 : i32
      %add3A_2339 = arith.constant 16000 : i32
      %add3A_2340 = arith.addi %add3A_2339, %mul3A_2338 : i32
      %get3A = arith.index_cast %add3A_2340 : i32 to index
      %get3A_2341 = tpu.vector_load %arg5[%get3A] {strides = array<i32>} : memref<25600xi32, #tpu.memory_space<vmem>>, vector<16xi32>,
      %mul3A_2342 = arith.constant 2 : i32
      %mul3A_2343 = vector.broadcast %mul3A_2342 : i32 to vector<16xi32>
      %mul3A_2344 = arith.muli %get3A_2341, %mul3A_2343 : vector<16xi32>
      %mul3A_2345 = arith.constant 16 : i32
      %mul3A_2346 = arith.muli %scan3A_2336, %mul3A_2345 : i32
      %add3A_2347 = vector.broadcast %mul3A_2346 : i32 to vector<16xi32>
      %add3A_2348 = arith.addi %add3A_2347, %iota3A : vector<16xi32>
      %mul3A_2349 = arith.constant 2 : i32
      %mul3A_2350 = vector.broadcast %mul3A_2349 : i32 to vector<16xi32>
      %mul3A_2351 = arith.muli %add3A_2348, %mul3A_2350 : vector<16xi32>
      %scatter3A = arith.constant 0 : i32
      %scatter3A_2352 = tpu.memref_slice %arg6[%scan3A_1359, %scatter3A] : memref<3x1600xi32, #tpu.memory_space<vmem>> -> memref<1x1600xi32, #tpu.memory_space<vmem>>
      %scatter3A_2353 = tpu.memref_squeeze %scatter3A_2352 : memref<1x1600xi32, #tpu.memory_space<vmem>> -> memref<1600xi32, #tpu.memory_space<vmem>>
      tpu.vector_store_idx %scatter3A_2353[%mul3A_2351], %mul3A_2344 : memref<1600xi32, #tpu.memory_space<vmem>>[vector<16xi32>], vector<16xi32>,
      %add3A_2354 = arith.constant 1 : i32
      %add3A_2355 = vector.broadcast %add3A_2354 : i32 to vector<16xi32>
      %add3A_2356 = arith.addi %mul3A_2351, %add3A_2355 : vector<16xi32>
      %add3A_2357 = arith.constant 1 : i32
      %add3A_2358 = vector.broadcast %add3A_2357 : i32 to vector<16xi32>
      %add3A_2359 = arith.addi %mul3A_2344, %add3A_2358 : vector<16xi32>
      %scatter3A_2360 = arith.constant 0 : i32
      %scatter3A_2361 = tpu.memref_slice %arg6[%scan3A_1359, %scatter3A_2360] : memref<3x1600xi32, #tpu.memory_space<vmem>> -> memref<1x1600xi32, #tpu.memory_space<vmem>>
      %scatter3A_2362 = tpu.memref_squeeze %scatter3A_2361 : memref<1x1600xi32, #tpu.memory_space<vmem>> -> memref<1600xi32, #tpu.memory_space<vmem>>
      tpu.vector_store_idx %scatter3A_2362[%add3A_2356], %add3A_2359 : memref<1600xi32, #tpu.memory_space<vmem>>[vector<16xi32>], vector<16xi32>,
    }
    %scan3A_1364 = arith.constant 50 : i32
    %dma_start3A_1365 = arith.constant 2 : i32
    %dma_start3A_1366 = arith.constant 2 : i32
    %dma_start3A_1367 = arith.constant 2 : i32
    %dma_start3A_1368 = arith.constant 0 : i32
    %dma_start3A_1369 = arith.constant 0 : i32
    %dma_start3A_1370 = tpu.memref_slice %arg7[%dma_start3A_1366, %dma_start3A_1368, %dma_start3A_1369] : memref<3x1600x16xf32, #tpu.memory_space<vmem>> -> memref<1x1600x16xf32, #tpu.memory_space<vmem>>
    %dma_start3A_1371 = tpu.memref_squeeze %dma_start3A_1370 : memref<1x1600x16xf32, #tpu.memory_space<vmem>> -> memref<1600x16xf32, #tpu.memory_space<vmem>>
    %dma_start3A_1372 = arith.constant 0 : i32
    %dma_start3A_1373 = tpu.memref_slice %arg6[%dma_start3A_1365, %dma_start3A_1372] : memref<3x1600xi32, #tpu.memory_space<vmem>> -> memref<1x1600xi32, #tpu.memory_space<vmem>>
    %dma_start3A_1374 = tpu.memref_squeeze %dma_start3A_1373 : memref<1x1600xi32, #tpu.memory_space<vmem>> -> memref<1600xi32, #tpu.memory_space<vmem>>
    %dma_start3A_1375 = arith.constant 0 : i32
    %dma_start3A_1376 = arith.constant 0 : i32
    %dma_start3A_1377 = tpu.memref_slice %arg3[%dma_start3A_1375, %dma_start3A_1376] : memref<2000000x16xf32, #tpu.memory_space<hbm>> -> memref<2000000x16xf32, #tpu.memory_space<hbm>>
    %dma_start3A_1378 = tpu.memref_slice %arg8[%dma_start3A_1367] : memref<3x!tpu.dma_semaphore, #tpu.memory_space<semaphore_mem>> -> memref<1x!tpu.dma_semaphore, #tpu.memory_space<semaphore_mem>>
    %dma_start3A_1379 = tpu.memref_squeeze %dma_start3A_1378 : memref<1x!tpu.dma_semaphore, #tpu.memory_space<semaphore_mem>> -> memref<!tpu.dma_semaphore, #tpu.memory_space<semaphore_mem>>
    tpu.enqueue_indirect_dma source(%dma_start3A_1377 : memref<2000000x16xf32, #tpu.memory_space<hbm>>) target(%dma_start3A_1371 : memref<1600x16xf32, #tpu.memory_space<vmem>>) offsets(%dma_start3A_1374 : memref<1600xi32, #tpu.memory_space<vmem>>) semaphore(%dma_start3A_1379 : memref<!tpu.dma_semaphore, #tpu.memory_space<semaphore_mem>>)
    %dma_wait3A_1380 = arith.constant 0 : i32
    %dma_wait3A_1381 = arith.constant 0 : i32
    %dma_wait3A_1382 = arith.constant 0 : i32
    %dma_wait3A_1383 = arith.constant 0 : i32
    %dma_wait3A_1384 = arith.constant 0 : i32
    %dma_wait3A_1385 = tpu.memref_slice %arg7[%dma_wait3A_1381, %dma_wait3A_1383, %dma_wait3A_1384] : memref<3x1600x16xf32, #tpu.memory_space<vmem>> -> memref<1x1600x16xf32, #tpu.memory_space<vmem>>
    %dma_wait3A_1386 = tpu.memref_squeeze %dma_wait3A_1385 : memref<1x1600x16xf32, #tpu.memory_space<vmem>> -> memref<1600x16xf32, #tpu.memory_space<vmem>>
    %dma_wait3A_1387 = arith.constant 0 : i32
    %dma_wait3A_1388 = tpu.memref_slice %arg6[%dma_wait3A_1380, %dma_wait3A_1387] : memref<3x1600xi32, #tpu.memory_space<vmem>> -> memref<1x1600xi32, #tpu.memory_space<vmem>>
    %dma_wait3A_1389 = tpu.memref_squeeze %dma_wait3A_1388 : memref<1x1600xi32, #tpu.memory_space<vmem>> -> memref<1600xi32, #tpu.memory_space<vmem>>
    %dma_wait3A_1390 = arith.constant 0 : i32
    %dma_wait3A_1391 = arith.constant 0 : i32
    %dma_wait3A_1392 = tpu.memref_slice %arg3[%dma_wait3A_1390, %dma_wait3A_1391] : memref<2000000x16xf32, #tpu.memory_space<hbm>> -> memref<2000000x16xf32, #tpu.memory_space<hbm>>
    %dma_wait3A_1393 = tpu.memref_slice %arg8[%dma_wait3A_1382] : memref<3x!tpu.dma_semaphore, #tpu.memory_space<semaphore_mem>> -> memref<1x!tpu.dma_semaphore, #tpu.memory_space<semaphore_mem>>
    %dma_wait3A_1394 = tpu.memref_squeeze %dma_wait3A_1393 : memref<1x!tpu.dma_semaphore, #tpu.memory_space<semaphore_mem>> -> memref<!tpu.dma_semaphore, #tpu.memory_space<semaphore_mem>>
    tpu.wait_indirect_dma semaphore(%dma_wait3A_1394 : memref<!tpu.dma_semaphore, #tpu.memory_space<semaphore_mem>>) src(%dma_wait3A_1392 : memref<2000000x16xf32, #tpu.memory_space<hbm>>) dst(%dma_wait3A_1386 : memref<1600x16xf32, #tpu.memory_space<vmem>>)
    %add3A_1395 = arith.constant 14400 : i32
    %add3A_1396 = arith.addi %mul3A_2, %add3A_1395 : i32
    %mul3A_1397 = arith.constant 2 : i32
    %mul3A_1398 = arith.muli %add3A_1396, %mul3A_1397 : i32
    %dma_start3A_1399 = arith.constant 0 : i32
    %dma_start3A_1400 = arith.constant 0 : i32
    %dma_start3A_1401 = arith.constant 0 : i32
    %dma_start3A_1402 = arith.constant 0 : i32
    %dma_start3A_1403 = tpu.memref_slice %arg7[%dma_start3A_1399, %dma_start3A_1401, %dma_start3A_1402] : memref<3x1600x16xf32, #tpu.memory_space<vmem>> -> memref<1x1600x16xf32, #tpu.memory_space<vmem>>
    %dma_start3A_1404 = tpu.memref_squeeze %dma_start3A_1403 : memref<1x1600x16xf32, #tpu.memory_space<vmem>> -> memref<1600x16xf32, #tpu.memory_space<vmem>>
    %dma_start3A_1405 = arith.constant 0 : i32
    %dma_start3A_1406 = tpu.memref_slice %arg4[%mul3A_1398, %dma_start3A_1405] : memref<1638400x16xf32, #tpu.memory_space<hbm>> -> memref<1600x16xf32, #tpu.memory_space<hbm>>
    %dma_start3A_1407 = tpu.memref_slice %arg9[%dma_start3A_1400] : memref<3x!tpu.dma_semaphore, #tpu.memory_space<semaphore_mem>> -> memref<1x!tpu.dma_semaphore, #tpu.memory_space<semaphore_mem>>
    %dma_start3A_1408 = tpu.memref_squeeze %dma_start3A_1407 : memref<1x!tpu.dma_semaphore, #tpu.memory_space<semaphore_mem>> -> memref<!tpu.dma_semaphore, #tpu.memory_space<semaphore_mem>>
    %dma_start3A_1409 = arith.constant 0 : i32
    %dma_start3A_1410 = tpu.memref_slice %arg4[%mul3A_1398, %dma_start3A_1409] : memref<1638400x16xf32, #tpu.memory_space<hbm>> -> memref<1600x16xf32, #tpu.memory_space<hbm>>
    %dma_start3A_1411 = arith.constant 0 : i32
    %dma_start3A_1412 = arith.constant 0 : i32
    %dma_start3A_1413 = tpu.memref_slice %arg7[%dma_start3A_1399, %dma_start3A_1411, %dma_start3A_1412] : memref<3x1600x16xf32, #tpu.memory_space<vmem>> -> memref<1x1600x16xf32, #tpu.memory_space<vmem>>
    %dma_start3A_1414 = tpu.memref_squeeze %dma_start3A_1413 : memref<1x1600x16xf32, #tpu.memory_space<vmem>> -> memref<1600x16xf32, #tpu.memory_space<vmem>>
    tpu.enqueue_dma source(%dma_start3A_1414 : memref<1600x16xf32, #tpu.memory_space<vmem>>) target(%dma_start3A_1410 : memref<1600x16xf32, #tpu.memory_space<hbm>>) target_semaphore(%dma_start3A_1408 : memref<!tpu.dma_semaphore, #tpu.memory_space<semaphore_mem>>)
    %dma_wait3A_1415 = arith.constant 0 : i32
    %dma_wait3A_1416 = arith.constant 0 : i32
    %dma_wait3A_1417 = arith.constant 0 : i32
    %dma_wait3A_1418 = arith.constant 0 : i32
    %dma_wait3A_1419 = tpu.memref_slice %arg7[%dma_wait3A_1415, %dma_wait3A_1417, %dma_wait3A_1418] : memref<3x1600x16xf32, #tpu.memory_space<vmem>> -> memref<1x1600x16xf32, #tpu.memory_space<vmem>>
    %dma_wait3A_1420 = tpu.memref_squeeze %dma_wait3A_1419 : memref<1x1600x16xf32, #tpu.memory_space<vmem>> -> memref<1600x16xf32, #tpu.memory_space<vmem>>
    %dma_wait3A_1421 = arith.constant 0 : i32
    %dma_wait3A_1422 = tpu.memref_slice %arg4[%mul3A_1398, %dma_wait3A_1421] : memref<1638400x16xf32, #tpu.memory_space<hbm>> -> memref<1600x16xf32, #tpu.memory_space<hbm>>
    %dma_wait3A_1423 = tpu.memref_slice %arg9[%dma_wait3A_1416] : memref<3x!tpu.dma_semaphore, #tpu.memory_space<semaphore_mem>> -> memref<1x!tpu.dma_semaphore, #tpu.memory_space<semaphore_mem>>
    %dma_wait3A_1424 = tpu.memref_squeeze %dma_wait3A_1423 : memref<1x!tpu.dma_semaphore, #tpu.memory_space<semaphore_mem>> -> memref<!tpu.dma_semaphore, #tpu.memory_space<semaphore_mem>>
    %dma_wait3A_1425 = arith.constant 0 : i32
    %dma_wait3A_1426 = tpu.memref_slice %arg4[%mul3A_1398, %dma_wait3A_1425] : memref<1638400x16xf32, #tpu.memory_space<hbm>> -> memref<1600x16xf32, #tpu.memory_space<hbm>>
    %dma_wait3A_1427 = arith.constant 0 : i32
    %dma_wait3A_1428 = arith.constant 0 : i32
    %dma_wait3A_1429 = tpu.memref_slice %arg7[%dma_wait3A_1415, %dma_wait3A_1427, %dma_wait3A_1428] : memref<3x1600x16xf32, #tpu.memory_space<vmem>> -> memref<1x1600x16xf32, #tpu.memory_space<vmem>>
    %dma_wait3A_1430 = tpu.memref_squeeze %dma_wait3A_1429 : memref<1x1600x16xf32, #tpu.memory_space<vmem>> -> memref<1600x16xf32, #tpu.memory_space<vmem>>
    tpu.wait_dma2 semaphore(%dma_wait3A_1424 : memref<!tpu.dma_semaphore, #tpu.memory_space<semaphore_mem>>) src(%dma_wait3A_1430 : memref<1600x16xf32, #tpu.memory_space<vmem>>) dst(%dma_wait3A_1426 : memref<1600x16xf32, #tpu.memory_space<hbm>>)
    %scan3A_1431 = arith.constant 0 : i32
    %scan3A_1432 = arith.constant 0 : i32
    %scan3A_1433 = arith.constant 0 : i32
    %scan3A_1434 = arith.constant 50 : i32
    %scan3A_1435 = arith.addi %scan3A_1433, %scan3A_1434 : i32
    %scan3A_1436 = arith.constant 1 : i32
    scf.for %scan3A_2336 = %scan3A_1433 to %scan3A_1435 step %scan3A_1436  : i32 {
      %mul3A_2337 = arith.constant 16 : i32
      %mul3A_2338 = arith.muli %scan3A_2336, %mul3A_2337 : i32
      %add3A_2339 = arith.constant 16800 : i32
      %add3A_2340 = arith.addi %add3A_2339, %mul3A_2338 : i32
      %get3A = arith.index_cast %add3A_2340 : i32 to index
      %get3A_2341 = tpu.vector_load %arg5[%get3A] {strides = array<i32>} : memref<25600xi32, #tpu.memory_space<vmem>>, vector<16xi32>,
      %mul3A_2342 = arith.constant 2 : i32
      %mul3A_2343 = vector.broadcast %mul3A_2342 : i32 to vector<16xi32>
      %mul3A_2344 = arith.muli %get3A_2341, %mul3A_2343 : vector<16xi32>
      %mul3A_2345 = arith.constant 16 : i32
      %mul3A_2346 = arith.muli %scan3A_2336, %mul3A_2345 : i32
      %add3A_2347 = vector.broadcast %mul3A_2346 : i32 to vector<16xi32>
      %add3A_2348 = arith.addi %add3A_2347, %iota3A : vector<16xi32>
      %mul3A_2349 = arith.constant 2 : i32
      %mul3A_2350 = vector.broadcast %mul3A_2349 : i32 to vector<16xi32>
      %mul3A_2351 = arith.muli %add3A_2348, %mul3A_2350 : vector<16xi32>
      %scatter3A = arith.constant 0 : i32
      %scatter3A_2352 = tpu.memref_slice %arg6[%scan3A_1432, %scatter3A] : memref<3x1600xi32, #tpu.memory_space<vmem>> -> memref<1x1600xi32, #tpu.memory_space<vmem>>
      %scatter3A_2353 = tpu.memref_squeeze %scatter3A_2352 : memref<1x1600xi32, #tpu.memory_space<vmem>> -> memref<1600xi32, #tpu.memory_space<vmem>>
      tpu.vector_store_idx %scatter3A_2353[%mul3A_2351], %mul3A_2344 : memref<1600xi32, #tpu.memory_space<vmem>>[vector<16xi32>], vector<16xi32>,
      %add3A_2354 = arith.constant 1 : i32
      %add3A_2355 = vector.broadcast %add3A_2354 : i32 to vector<16xi32>
      %add3A_2356 = arith.addi %mul3A_2351, %add3A_2355 : vector<16xi32>
      %add3A_2357 = arith.constant 1 : i32
      %add3A_2358 = vector.broadcast %add3A_2357 : i32 to vector<16xi32>
      %add3A_2359 = arith.addi %mul3A_2344, %add3A_2358 : vector<16xi32>
      %scatter3A_2360 = arith.constant 0 : i32
      %scatter3A_2361 = tpu.memref_slice %arg6[%scan3A_1432, %scatter3A_2360] : memref<3x1600xi32, #tpu.memory_space<vmem>> -> memref<1x1600xi32, #tpu.memory_space<vmem>>
      %scatter3A_2362 = tpu.memref_squeeze %scatter3A_2361 : memref<1x1600xi32, #tpu.memory_space<vmem>> -> memref<1600xi32, #tpu.memory_space<vmem>>
      tpu.vector_store_idx %scatter3A_2362[%add3A_2356], %add3A_2359 : memref<1600xi32, #tpu.memory_space<vmem>>[vector<16xi32>], vector<16xi32>,
    }
    %scan3A_1437 = arith.constant 50 : i32
    %dma_start3A_1438 = arith.constant 0 : i32
    %dma_start3A_1439 = arith.constant 0 : i32
    %dma_start3A_1440 = arith.constant 0 : i32
    %dma_start3A_1441 = arith.constant 0 : i32
    %dma_start3A_1442 = arith.constant 0 : i32
    %dma_start3A_1443 = tpu.memref_slice %arg7[%dma_start3A_1439, %dma_start3A_1441, %dma_start3A_1442] : memref<3x1600x16xf32, #tpu.memory_space<vmem>> -> memref<1x1600x16xf32, #tpu.memory_space<vmem>>
    %dma_start3A_1444 = tpu.memref_squeeze %dma_start3A_1443 : memref<1x1600x16xf32, #tpu.memory_space<vmem>> -> memref<1600x16xf32, #tpu.memory_space<vmem>>
    %dma_start3A_1445 = arith.constant 0 : i32
    %dma_start3A_1446 = tpu.memref_slice %arg6[%dma_start3A_1438, %dma_start3A_1445] : memref<3x1600xi32, #tpu.memory_space<vmem>> -> memref<1x1600xi32, #tpu.memory_space<vmem>>
    %dma_start3A_1447 = tpu.memref_squeeze %dma_start3A_1446 : memref<1x1600xi32, #tpu.memory_space<vmem>> -> memref<1600xi32, #tpu.memory_space<vmem>>
    %dma_start3A_1448 = arith.constant 0 : i32
    %dma_start3A_1449 = arith.constant 0 : i32
    %dma_start3A_1450 = tpu.memref_slice %arg3[%dma_start3A_1448, %dma_start3A_1449] : memref<2000000x16xf32, #tpu.memory_space<hbm>> -> memref<2000000x16xf32, #tpu.memory_space<hbm>>
    %dma_start3A_1451 = tpu.memref_slice %arg8[%dma_start3A_1440] : memref<3x!tpu.dma_semaphore, #tpu.memory_space<semaphore_mem>> -> memref<1x!tpu.dma_semaphore, #tpu.memory_space<semaphore_mem>>
    %dma_start3A_1452 = tpu.memref_squeeze %dma_start3A_1451 : memref<1x!tpu.dma_semaphore, #tpu.memory_space<semaphore_mem>> -> memref<!tpu.dma_semaphore, #tpu.memory_space<semaphore_mem>>
    tpu.enqueue_indirect_dma source(%dma_start3A_1450 : memref<2000000x16xf32, #tpu.memory_space<hbm>>) target(%dma_start3A_1444 : memref<1600x16xf32, #tpu.memory_space<vmem>>) offsets(%dma_start3A_1447 : memref<1600xi32, #tpu.memory_space<vmem>>) semaphore(%dma_start3A_1452 : memref<!tpu.dma_semaphore, #tpu.memory_space<semaphore_mem>>)
    %dma_wait3A_1453 = arith.constant 1 : i32
    %dma_wait3A_1454 = arith.constant 1 : i32
    %dma_wait3A_1455 = arith.constant 1 : i32
    %dma_wait3A_1456 = arith.constant 0 : i32
    %dma_wait3A_1457 = arith.constant 0 : i32
    %dma_wait3A_1458 = tpu.memref_slice %arg7[%dma_wait3A_1454, %dma_wait3A_1456, %dma_wait3A_1457] : memref<3x1600x16xf32, #tpu.memory_space<vmem>> -> memref<1x1600x16xf32, #tpu.memory_space<vmem>>
    %dma_wait3A_1459 = tpu.memref_squeeze %dma_wait3A_1458 : memref<1x1600x16xf32, #tpu.memory_space<vmem>> -> memref<1600x16xf32, #tpu.memory_space<vmem>>
    %dma_wait3A_1460 = arith.constant 0 : i32
    %dma_wait3A_1461 = tpu.memref_slice %arg6[%dma_wait3A_1453, %dma_wait3A_1460] : memref<3x1600xi32, #tpu.memory_space<vmem>> -> memref<1x1600xi32, #tpu.memory_space<vmem>>
    %dma_wait3A_1462 = tpu.memref_squeeze %dma_wait3A_1461 : memref<1x1600xi32, #tpu.memory_space<vmem>> -> memref<1600xi32, #tpu.memory_space<vmem>>
    %dma_wait3A_1463 = arith.constant 0 : i32
    %dma_wait3A_1464 = arith.constant 0 : i32
    %dma_wait3A_1465 = tpu.memref_slice %arg3[%dma_wait3A_1463, %dma_wait3A_1464] : memref<2000000x16xf32, #tpu.memory_space<hbm>> -> memref<2000000x16xf32, #tpu.memory_space<hbm>>
    %dma_wait3A_1466 = tpu.memref_slice %arg8[%dma_wait3A_1455] : memref<3x!tpu.dma_semaphore, #tpu.memory_space<semaphore_mem>> -> memref<1x!tpu.dma_semaphore, #tpu.memory_space<semaphore_mem>>
    %dma_wait3A_1467 = tpu.memref_squeeze %dma_wait3A_1466 : memref<1x!tpu.dma_semaphore, #tpu.memory_space<semaphore_mem>> -> memref<!tpu.dma_semaphore, #tpu.memory_space<semaphore_mem>>
    tpu.wait_indirect_dma semaphore(%dma_wait3A_1467 : memref<!tpu.dma_semaphore, #tpu.memory_space<semaphore_mem>>) src(%dma_wait3A_1465 : memref<2000000x16xf32, #tpu.memory_space<hbm>>) dst(%dma_wait3A_1459 : memref<1600x16xf32, #tpu.memory_space<vmem>>)
    %add3A_1468 = arith.constant 15200 : i32
    %add3A_1469 = arith.addi %mul3A_2, %add3A_1468 : i32
    %mul3A_1470 = arith.constant 2 : i32
    %mul3A_1471 = arith.muli %add3A_1469, %mul3A_1470 : i32
    %dma_start3A_1472 = arith.constant 1 : i32
    %dma_start3A_1473 = arith.constant 1 : i32
    %dma_start3A_1474 = arith.constant 0 : i32
    %dma_start3A_1475 = arith.constant 0 : i32
    %dma_start3A_1476 = tpu.memref_slice %arg7[%dma_start3A_1472, %dma_start3A_1474, %dma_start3A_1475] : memref<3x1600x16xf32, #tpu.memory_space<vmem>> -> memref<1x1600x16xf32, #tpu.memory_space<vmem>>
    %dma_start3A_1477 = tpu.memref_squeeze %dma_start3A_1476 : memref<1x1600x16xf32, #tpu.memory_space<vmem>> -> memref<1600x16xf32, #tpu.memory_space<vmem>>
    %dma_start3A_1478 = arith.constant 0 : i32
    %dma_start3A_1479 = tpu.memref_slice %arg4[%mul3A_1471, %dma_start3A_1478] : memref<1638400x16xf32, #tpu.memory_space<hbm>> -> memref<1600x16xf32, #tpu.memory_space<hbm>>
    %dma_start3A_1480 = tpu.memref_slice %arg9[%dma_start3A_1473] : memref<3x!tpu.dma_semaphore, #tpu.memory_space<semaphore_mem>> -> memref<1x!tpu.dma_semaphore, #tpu.memory_space<semaphore_mem>>
    %dma_start3A_1481 = tpu.memref_squeeze %dma_start3A_1480 : memref<1x!tpu.dma_semaphore, #tpu.memory_space<semaphore_mem>> -> memref<!tpu.dma_semaphore, #tpu.memory_space<semaphore_mem>>
    %dma_start3A_1482 = arith.constant 0 : i32
    %dma_start3A_1483 = tpu.memref_slice %arg4[%mul3A_1471, %dma_start3A_1482] : memref<1638400x16xf32, #tpu.memory_space<hbm>> -> memref<1600x16xf32, #tpu.memory_space<hbm>>
    %dma_start3A_1484 = arith.constant 0 : i32
    %dma_start3A_1485 = arith.constant 0 : i32
    %dma_start3A_1486 = tpu.memref_slice %arg7[%dma_start3A_1472, %dma_start3A_1484, %dma_start3A_1485] : memref<3x1600x16xf32, #tpu.memory_space<vmem>> -> memref<1x1600x16xf32, #tpu.memory_space<vmem>>
    %dma_start3A_1487 = tpu.memref_squeeze %dma_start3A_1486 : memref<1x1600x16xf32, #tpu.memory_space<vmem>> -> memref<1600x16xf32, #tpu.memory_space<vmem>>
    tpu.enqueue_dma source(%dma_start3A_1487 : memref<1600x16xf32, #tpu.memory_space<vmem>>) target(%dma_start3A_1483 : memref<1600x16xf32, #tpu.memory_space<hbm>>) target_semaphore(%dma_start3A_1481 : memref<!tpu.dma_semaphore, #tpu.memory_space<semaphore_mem>>)
    %dma_wait3A_1488 = arith.constant 1 : i32
    %dma_wait3A_1489 = arith.constant 1 : i32
    %dma_wait3A_1490 = arith.constant 0 : i32
    %dma_wait3A_1491 = arith.constant 0 : i32
    %dma_wait3A_1492 = tpu.memref_slice %arg7[%dma_wait3A_1488, %dma_wait3A_1490, %dma_wait3A_1491] : memref<3x1600x16xf32, #tpu.memory_space<vmem>> -> memref<1x1600x16xf32, #tpu.memory_space<vmem>>
    %dma_wait3A_1493 = tpu.memref_squeeze %dma_wait3A_1492 : memref<1x1600x16xf32, #tpu.memory_space<vmem>> -> memref<1600x16xf32, #tpu.memory_space<vmem>>
    %dma_wait3A_1494 = arith.constant 0 : i32
    %dma_wait3A_1495 = tpu.memref_slice %arg4[%mul3A_1471, %dma_wait3A_1494] : memref<1638400x16xf32, #tpu.memory_space<hbm>> -> memref<1600x16xf32, #tpu.memory_space<hbm>>
    %dma_wait3A_1496 = tpu.memref_slice %arg9[%dma_wait3A_1489] : memref<3x!tpu.dma_semaphore, #tpu.memory_space<semaphore_mem>> -> memref<1x!tpu.dma_semaphore, #tpu.memory_space<semaphore_mem>>
    %dma_wait3A_1497 = tpu.memref_squeeze %dma_wait3A_1496 : memref<1x!tpu.dma_semaphore, #tpu.memory_space<semaphore_mem>> -> memref<!tpu.dma_semaphore, #tpu.memory_space<semaphore_mem>>
    %dma_wait3A_1498 = arith.constant 0 : i32
    %dma_wait3A_1499 = tpu.memref_slice %arg4[%mul3A_1471, %dma_wait3A_1498] : memref<1638400x16xf32, #tpu.memory_space<hbm>> -> memref<1600x16xf32, #tpu.memory_space<hbm>>
    %dma_wait3A_1500 = arith.constant 0 : i32
    %dma_wait3A_1501 = arith.constant 0 : i32
    %dma_wait3A_1502 = tpu.memref_slice %arg7[%dma_wait3A_1488, %dma_wait3A_1500, %dma_wait3A_1501] : memref<3x1600x16xf32, #tpu.memory_space<vmem>> -> memref<1x1600x16xf32, #tpu.memory_space<vmem>>
    %dma_wait3A_1503 = tpu.memref_squeeze %dma_wait3A_1502 : memref<1x1600x16xf32, #tpu.memory_space<vmem>> -> memref<1600x16xf32, #tpu.memory_space<vmem>>
    tpu.wait_dma2 semaphore(%dma_wait3A_1497 : memref<!tpu.dma_semaphore, #tpu.memory_space<semaphore_mem>>) src(%dma_wait3A_1503 : memref<1600x16xf32, #tpu.memory_space<vmem>>) dst(%dma_wait3A_1499 : memref<1600x16xf32, #tpu.memory_space<hbm>>)
    %scan3A_1504 = arith.constant 0 : i32
    %scan3A_1505 = arith.constant 1 : i32
    %scan3A_1506 = arith.constant 0 : i32
    %scan3A_1507 = arith.constant 50 : i32
    %scan3A_1508 = arith.addi %scan3A_1506, %scan3A_1507 : i32
    %scan3A_1509 = arith.constant 1 : i32
    scf.for %scan3A_2336 = %scan3A_1506 to %scan3A_1508 step %scan3A_1509  : i32 {
      %mul3A_2337 = arith.constant 16 : i32
      %mul3A_2338 = arith.muli %scan3A_2336, %mul3A_2337 : i32
      %add3A_2339 = arith.constant 17600 : i32
      %add3A_2340 = arith.addi %add3A_2339, %mul3A_2338 : i32
      %get3A = arith.index_cast %add3A_2340 : i32 to index
      %get3A_2341 = tpu.vector_load %arg5[%get3A] {strides = array<i32>} : memref<25600xi32, #tpu.memory_space<vmem>>, vector<16xi32>,
      %mul3A_2342 = arith.constant 2 : i32
      %mul3A_2343 = vector.broadcast %mul3A_2342 : i32 to vector<16xi32>
      %mul3A_2344 = arith.muli %get3A_2341, %mul3A_2343 : vector<16xi32>
      %mul3A_2345 = arith.constant 16 : i32
      %mul3A_2346 = arith.muli %scan3A_2336, %mul3A_2345 : i32
      %add3A_2347 = vector.broadcast %mul3A_2346 : i32 to vector<16xi32>
      %add3A_2348 = arith.addi %add3A_2347, %iota3A : vector<16xi32>
      %mul3A_2349 = arith.constant 2 : i32
      %mul3A_2350 = vector.broadcast %mul3A_2349 : i32 to vector<16xi32>
      %mul3A_2351 = arith.muli %add3A_2348, %mul3A_2350 : vector<16xi32>
      %scatter3A = arith.constant 0 : i32
      %scatter3A_2352 = tpu.memref_slice %arg6[%scan3A_1505, %scatter3A] : memref<3x1600xi32, #tpu.memory_space<vmem>> -> memref<1x1600xi32, #tpu.memory_space<vmem>>
      %scatter3A_2353 = tpu.memref_squeeze %scatter3A_2352 : memref<1x1600xi32, #tpu.memory_space<vmem>> -> memref<1600xi32, #tpu.memory_space<vmem>>
      tpu.vector_store_idx %scatter3A_2353[%mul3A_2351], %mul3A_2344 : memref<1600xi32, #tpu.memory_space<vmem>>[vector<16xi32>], vector<16xi32>,
      %add3A_2354 = arith.constant 1 : i32
      %add3A_2355 = vector.broadcast %add3A_2354 : i32 to vector<16xi32>
      %add3A_2356 = arith.addi %mul3A_2351, %add3A_2355 : vector<16xi32>
      %add3A_2357 = arith.constant 1 : i32
      %add3A_2358 = vector.broadcast %add3A_2357 : i32 to vector<16xi32>
      %add3A_2359 = arith.addi %mul3A_2344, %add3A_2358 : vector<16xi32>
      %scatter3A_2360 = arith.constant 0 : i32
      %scatter3A_2361 = tpu.memref_slice %arg6[%scan3A_1505, %scatter3A_2360] : memref<3x1600xi32, #tpu.memory_space<vmem>> -> memref<1x1600xi32, #tpu.memory_space<vmem>>
      %scatter3A_2362 = tpu.memref_squeeze %scatter3A_2361 : memref<1x1600xi32, #tpu.memory_space<vmem>> -> memref<1600xi32, #tpu.memory_space<vmem>>
      tpu.vector_store_idx %scatter3A_2362[%add3A_2356], %add3A_2359 : memref<1600xi32, #tpu.memory_space<vmem>>[vector<16xi32>], vector<16xi32>,
    }
    %scan3A_1510 = arith.constant 50 : i32
    %dma_start3A_1511 = arith.constant 1 : i32
    %dma_start3A_1512 = arith.constant 1 : i32
    %dma_start3A_1513 = arith.constant 1 : i32
    %dma_start3A_1514 = arith.constant 0 : i32
    %dma_start3A_1515 = arith.constant 0 : i32
    %dma_start3A_1516 = tpu.memref_slice %arg7[%dma_start3A_1512, %dma_start3A_1514, %dma_start3A_1515] : memref<3x1600x16xf32, #tpu.memory_space<vmem>> -> memref<1x1600x16xf32, #tpu.memory_space<vmem>>
    %dma_start3A_1517 = tpu.memref_squeeze %dma_start3A_1516 : memref<1x1600x16xf32, #tpu.memory_space<vmem>> -> memref<1600x16xf32, #tpu.memory_space<vmem>>
    %dma_start3A_1518 = arith.constant 0 : i32
    %dma_start3A_1519 = tpu.memref_slice %arg6[%dma_start3A_1511, %dma_start3A_1518] : memref<3x1600xi32, #tpu.memory_space<vmem>> -> memref<1x1600xi32, #tpu.memory_space<vmem>>
    %dma_start3A_1520 = tpu.memref_squeeze %dma_start3A_1519 : memref<1x1600xi32, #tpu.memory_space<vmem>> -> memref<1600xi32, #tpu.memory_space<vmem>>
    %dma_start3A_1521 = arith.constant 0 : i32
    %dma_start3A_1522 = arith.constant 0 : i32
    %dma_start3A_1523 = tpu.memref_slice %arg3[%dma_start3A_1521, %dma_start3A_1522] : memref<2000000x16xf32, #tpu.memory_space<hbm>> -> memref<2000000x16xf32, #tpu.memory_space<hbm>>
    %dma_start3A_1524 = tpu.memref_slice %arg8[%dma_start3A_1513] : memref<3x!tpu.dma_semaphore, #tpu.memory_space<semaphore_mem>> -> memref<1x!tpu.dma_semaphore, #tpu.memory_space<semaphore_mem>>
    %dma_start3A_1525 = tpu.memref_squeeze %dma_start3A_1524 : memref<1x!tpu.dma_semaphore, #tpu.memory_space<semaphore_mem>> -> memref<!tpu.dma_semaphore, #tpu.memory_space<semaphore_mem>>
    tpu.enqueue_indirect_dma source(%dma_start3A_1523 : memref<2000000x16xf32, #tpu.memory_space<hbm>>) target(%dma_start3A_1517 : memref<1600x16xf32, #tpu.memory_space<vmem>>) offsets(%dma_start3A_1520 : memref<1600xi32, #tpu.memory_space<vmem>>) semaphore(%dma_start3A_1525 : memref<!tpu.dma_semaphore, #tpu.memory_space<semaphore_mem>>)
    %dma_wait3A_1526 = arith.constant 2 : i32
    %dma_wait3A_1527 = arith.constant 2 : i32
    %dma_wait3A_1528 = arith.constant 2 : i32
    %dma_wait3A_1529 = arith.constant 0 : i32
    %dma_wait3A_1530 = arith.constant 0 : i32
    %dma_wait3A_1531 = tpu.memref_slice %arg7[%dma_wait3A_1527, %dma_wait3A_1529, %dma_wait3A_1530] : memref<3x1600x16xf32, #tpu.memory_space<vmem>> -> memref<1x1600x16xf32, #tpu.memory_space<vmem>>
    %dma_wait3A_1532 = tpu.memref_squeeze %dma_wait3A_1531 : memref<1x1600x16xf32, #tpu.memory_space<vmem>> -> memref<1600x16xf32, #tpu.memory_space<vmem>>
    %dma_wait3A_1533 = arith.constant 0 : i32
    %dma_wait3A_1534 = tpu.memref_slice %arg6[%dma_wait3A_1526, %dma_wait3A_1533] : memref<3x1600xi32, #tpu.memory_space<vmem>> -> memref<1x1600xi32, #tpu.memory_space<vmem>>
    %dma_wait3A_1535 = tpu.memref_squeeze %dma_wait3A_1534 : memref<1x1600xi32, #tpu.memory_space<vmem>> -> memref<1600xi32, #tpu.memory_space<vmem>>
    %dma_wait3A_1536 = arith.constant 0 : i32
    %dma_wait3A_1537 = arith.constant 0 : i32
    %dma_wait3A_1538 = tpu.memref_slice %arg3[%dma_wait3A_1536, %dma_wait3A_1537] : memref<2000000x16xf32, #tpu.memory_space<hbm>> -> memref<2000000x16xf32, #tpu.memory_space<hbm>>
    %dma_wait3A_1539 = tpu.memref_slice %arg8[%dma_wait3A_1528] : memref<3x!tpu.dma_semaphore, #tpu.memory_space<semaphore_mem>> -> memref<1x!tpu.dma_semaphore, #tpu.memory_space<semaphore_mem>>
    %dma_wait3A_1540 = tpu.memref_squeeze %dma_wait3A_1539 : memref<1x!tpu.dma_semaphore, #tpu.memory_space<semaphore_mem>> -> memref<!tpu.dma_semaphore, #tpu.memory_space<semaphore_mem>>
    tpu.wait_indirect_dma semaphore(%dma_wait3A_1540 : memref<!tpu.dma_semaphore, #tpu.memory_space<semaphore_mem>>) src(%dma_wait3A_1538 : memref<2000000x16xf32, #tpu.memory_space<hbm>>) dst(%dma_wait3A_1532 : memref<1600x16xf32, #tpu.memory_space<vmem>>)
    %add3A_1541 = arith.constant 16000 : i32
    %add3A_1542 = arith.addi %mul3A_2, %add3A_1541 : i32
    %mul3A_1543 = arith.constant 2 : i32
    %mul3A_1544 = arith.muli %add3A_1542, %mul3A_1543 : i32
    %dma_start3A_1545 = arith.constant 2 : i32
    %dma_start3A_1546 = arith.constant 2 : i32
    %dma_start3A_1547 = arith.constant 0 : i32
    %dma_start3A_1548 = arith.constant 0 : i32
    %dma_start3A_1549 = tpu.memref_slice %arg7[%dma_start3A_1545, %dma_start3A_1547, %dma_start3A_1548] : memref<3x1600x16xf32, #tpu.memory_space<vmem>> -> memref<1x1600x16xf32, #tpu.memory_space<vmem>>
    %dma_start3A_1550 = tpu.memref_squeeze %dma_start3A_1549 : memref<1x1600x16xf32, #tpu.memory_space<vmem>> -> memref<1600x16xf32, #tpu.memory_space<vmem>>
    %dma_start3A_1551 = arith.constant 0 : i32
    %dma_start3A_1552 = tpu.memref_slice %arg4[%mul3A_1544, %dma_start3A_1551] : memref<1638400x16xf32, #tpu.memory_space<hbm>> -> memref<1600x16xf32, #tpu.memory_space<hbm>>
    %dma_start3A_1553 = tpu.memref_slice %arg9[%dma_start3A_1546] : memref<3x!tpu.dma_semaphore, #tpu.memory_space<semaphore_mem>> -> memref<1x!tpu.dma_semaphore, #tpu.memory_space<semaphore_mem>>
    %dma_start3A_1554 = tpu.memref_squeeze %dma_start3A_1553 : memref<1x!tpu.dma_semaphore, #tpu.memory_space<semaphore_mem>> -> memref<!tpu.dma_semaphore, #tpu.memory_space<semaphore_mem>>
    %dma_start3A_1555 = arith.constant 0 : i32
    %dma_start3A_1556 = tpu.memref_slice %arg4[%mul3A_1544, %dma_start3A_1555] : memref<1638400x16xf32, #tpu.memory_space<hbm>> -> memref<1600x16xf32, #tpu.memory_space<hbm>>
    %dma_start3A_1557 = arith.constant 0 : i32
    %dma_start3A_1558 = arith.constant 0 : i32
    %dma_start3A_1559 = tpu.memref_slice %arg7[%dma_start3A_1545, %dma_start3A_1557, %dma_start3A_1558] : memref<3x1600x16xf32, #tpu.memory_space<vmem>> -> memref<1x1600x16xf32, #tpu.memory_space<vmem>>
    %dma_start3A_1560 = tpu.memref_squeeze %dma_start3A_1559 : memref<1x1600x16xf32, #tpu.memory_space<vmem>> -> memref<1600x16xf32, #tpu.memory_space<vmem>>
    tpu.enqueue_dma source(%dma_start3A_1560 : memref<1600x16xf32, #tpu.memory_space<vmem>>) target(%dma_start3A_1556 : memref<1600x16xf32, #tpu.memory_space<hbm>>) target_semaphore(%dma_start3A_1554 : memref<!tpu.dma_semaphore, #tpu.memory_space<semaphore_mem>>)
    %dma_wait3A_1561 = arith.constant 2 : i32
    %dma_wait3A_1562 = arith.constant 2 : i32
    %dma_wait3A_1563 = arith.constant 0 : i32
    %dma_wait3A_1564 = arith.constant 0 : i32
    %dma_wait3A_1565 = tpu.memref_slice %arg7[%dma_wait3A_1561, %dma_wait3A_1563, %dma_wait3A_1564] : memref<3x1600x16xf32, #tpu.memory_space<vmem>> -> memref<1x1600x16xf32, #tpu.memory_space<vmem>>
    %dma_wait3A_1566 = tpu.memref_squeeze %dma_wait3A_1565 : memref<1x1600x16xf32, #tpu.memory_space<vmem>> -> memref<1600x16xf32, #tpu.memory_space<vmem>>
    %dma_wait3A_1567 = arith.constant 0 : i32
    %dma_wait3A_1568 = tpu.memref_slice %arg4[%mul3A_1544, %dma_wait3A_1567] : memref<1638400x16xf32, #tpu.memory_space<hbm>> -> memref<1600x16xf32, #tpu.memory_space<hbm>>
    %dma_wait3A_1569 = tpu.memref_slice %arg9[%dma_wait3A_1562] : memref<3x!tpu.dma_semaphore, #tpu.memory_space<semaphore_mem>> -> memref<1x!tpu.dma_semaphore, #tpu.memory_space<semaphore_mem>>
    %dma_wait3A_1570 = tpu.memref_squeeze %dma_wait3A_1569 : memref<1x!tpu.dma_semaphore, #tpu.memory_space<semaphore_mem>> -> memref<!tpu.dma_semaphore, #tpu.memory_space<semaphore_mem>>
    %dma_wait3A_1571 = arith.constant 0 : i32
    %dma_wait3A_1572 = tpu.memref_slice %arg4[%mul3A_1544, %dma_wait3A_1571] : memref<1638400x16xf32, #tpu.memory_space<hbm>> -> memref<1600x16xf32, #tpu.memory_space<hbm>>
    %dma_wait3A_1573 = arith.constant 0 : i32
    %dma_wait3A_1574 = arith.constant 0 : i32
    %dma_wait3A_1575 = tpu.memref_slice %arg7[%dma_wait3A_1561, %dma_wait3A_1573, %dma_wait3A_1574] : memref<3x1600x16xf32, #tpu.memory_space<vmem>> -> memref<1x1600x16xf32, #tpu.memory_space<vmem>>
    %dma_wait3A_1576 = tpu.memref_squeeze %dma_wait3A_1575 : memref<1x1600x16xf32, #tpu.memory_space<vmem>> -> memref<1600x16xf32, #tpu.memory_space<vmem>>
    tpu.wait_dma2 semaphore(%dma_wait3A_1570 : memref<!tpu.dma_semaphore, #tpu.memory_space<semaphore_mem>>) src(%dma_wait3A_1576 : memref<1600x16xf32, #tpu.memory_space<vmem>>) dst(%dma_wait3A_1572 : memref<1600x16xf32, #tpu.memory_space<hbm>>)
    %scan3A_1577 = arith.constant 0 : i32
    %scan3A_1578 = arith.constant 2 : i32
    %scan3A_1579 = arith.constant 0 : i32
    %scan3A_1580 = arith.constant 50 : i32
    %scan3A_1581 = arith.addi %scan3A_1579, %scan3A_1580 : i32
    %scan3A_1582 = arith.constant 1 : i32
    scf.for %scan3A_2336 = %scan3A_1579 to %scan3A_1581 step %scan3A_1582  : i32 {
      %mul3A_2337 = arith.constant 16 : i32
      %mul3A_2338 = arith.muli %scan3A_2336, %mul3A_2337 : i32
      %add3A_2339 = arith.constant 18400 : i32
      %add3A_2340 = arith.addi %add3A_2339, %mul3A_2338 : i32
      %get3A = arith.index_cast %add3A_2340 : i32 to index
      %get3A_2341 = tpu.vector_load %arg5[%get3A] {strides = array<i32>} : memref<25600xi32, #tpu.memory_space<vmem>>, vector<16xi32>,
      %mul3A_2342 = arith.constant 2 : i32
      %mul3A_2343 = vector.broadcast %mul3A_2342 : i32 to vector<16xi32>
      %mul3A_2344 = arith.muli %get3A_2341, %mul3A_2343 : vector<16xi32>
      %mul3A_2345 = arith.constant 16 : i32
      %mul3A_2346 = arith.muli %scan3A_2336, %mul3A_2345 : i32
      %add3A_2347 = vector.broadcast %mul3A_2346 : i32 to vector<16xi32>
      %add3A_2348 = arith.addi %add3A_2347, %iota3A : vector<16xi32>
      %mul3A_2349 = arith.constant 2 : i32
      %mul3A_2350 = vector.broadcast %mul3A_2349 : i32 to vector<16xi32>
      %mul3A_2351 = arith.muli %add3A_2348, %mul3A_2350 : vector<16xi32>
      %scatter3A = arith.constant 0 : i32
      %scatter3A_2352 = tpu.memref_slice %arg6[%scan3A_1578, %scatter3A] : memref<3x1600xi32, #tpu.memory_space<vmem>> -> memref<1x1600xi32, #tpu.memory_space<vmem>>
      %scatter3A_2353 = tpu.memref_squeeze %scatter3A_2352 : memref<1x1600xi32, #tpu.memory_space<vmem>> -> memref<1600xi32, #tpu.memory_space<vmem>>
      tpu.vector_store_idx %scatter3A_2353[%mul3A_2351], %mul3A_2344 : memref<1600xi32, #tpu.memory_space<vmem>>[vector<16xi32>], vector<16xi32>,
      %add3A_2354 = arith.constant 1 : i32
      %add3A_2355 = vector.broadcast %add3A_2354 : i32 to vector<16xi32>
      %add3A_2356 = arith.addi %mul3A_2351, %add3A_2355 : vector<16xi32>
      %add3A_2357 = arith.constant 1 : i32
      %add3A_2358 = vector.broadcast %add3A_2357 : i32 to vector<16xi32>
      %add3A_2359 = arith.addi %mul3A_2344, %add3A_2358 : vector<16xi32>
      %scatter3A_2360 = arith.constant 0 : i32
      %scatter3A_2361 = tpu.memref_slice %arg6[%scan3A_1578, %scatter3A_2360] : memref<3x1600xi32, #tpu.memory_space<vmem>> -> memref<1x1600xi32, #tpu.memory_space<vmem>>
      %scatter3A_2362 = tpu.memref_squeeze %scatter3A_2361 : memref<1x1600xi32, #tpu.memory_space<vmem>> -> memref<1600xi32, #tpu.memory_space<vmem>>
      tpu.vector_store_idx %scatter3A_2362[%add3A_2356], %add3A_2359 : memref<1600xi32, #tpu.memory_space<vmem>>[vector<16xi32>], vector<16xi32>,
    }
    %scan3A_1583 = arith.constant 50 : i32
    %dma_start3A_1584 = arith.constant 2 : i32
    %dma_start3A_1585 = arith.constant 2 : i32
    %dma_start3A_1586 = arith.constant 2 : i32
    %dma_start3A_1587 = arith.constant 0 : i32
    %dma_start3A_1588 = arith.constant 0 : i32
    %dma_start3A_1589 = tpu.memref_slice %arg7[%dma_start3A_1585, %dma_start3A_1587, %dma_start3A_1588] : memref<3x1600x16xf32, #tpu.memory_space<vmem>> -> memref<1x1600x16xf32, #tpu.memory_space<vmem>>
    %dma_start3A_1590 = tpu.memref_squeeze %dma_start3A_1589 : memref<1x1600x16xf32, #tpu.memory_space<vmem>> -> memref<1600x16xf32, #tpu.memory_space<vmem>>
    %dma_start3A_1591 = arith.constant 0 : i32
    %dma_start3A_1592 = tpu.memref_slice %arg6[%dma_start3A_1584, %dma_start3A_1591] : memref<3x1600xi32, #tpu.memory_space<vmem>> -> memref<1x1600xi32, #tpu.memory_space<vmem>>
    %dma_start3A_1593 = tpu.memref_squeeze %dma_start3A_1592 : memref<1x1600xi32, #tpu.memory_space<vmem>> -> memref<1600xi32, #tpu.memory_space<vmem>>
    %dma_start3A_1594 = arith.constant 0 : i32
    %dma_start3A_1595 = arith.constant 0 : i32
    %dma_start3A_1596 = tpu.memref_slice %arg3[%dma_start3A_1594, %dma_start3A_1595] : memref<2000000x16xf32, #tpu.memory_space<hbm>> -> memref<2000000x16xf32, #tpu.memory_space<hbm>>
    %dma_start3A_1597 = tpu.memref_slice %arg8[%dma_start3A_1586] : memref<3x!tpu.dma_semaphore, #tpu.memory_space<semaphore_mem>> -> memref<1x!tpu.dma_semaphore, #tpu.memory_space<semaphore_mem>>
    %dma_start3A_1598 = tpu.memref_squeeze %dma_start3A_1597 : memref<1x!tpu.dma_semaphore, #tpu.memory_space<semaphore_mem>> -> memref<!tpu.dma_semaphore, #tpu.memory_space<semaphore_mem>>
    tpu.enqueue_indirect_dma source(%dma_start3A_1596 : memref<2000000x16xf32, #tpu.memory_space<hbm>>) target(%dma_start3A_1590 : memref<1600x16xf32, #tpu.memory_space<vmem>>) offsets(%dma_start3A_1593 : memref<1600xi32, #tpu.memory_space<vmem>>) semaphore(%dma_start3A_1598 : memref<!tpu.dma_semaphore, #tpu.memory_space<semaphore_mem>>)
    %dma_wait3A_1599 = arith.constant 0 : i32
    %dma_wait3A_1600 = arith.constant 0 : i32
    %dma_wait3A_1601 = arith.constant 0 : i32
    %dma_wait3A_1602 = arith.constant 0 : i32
    %dma_wait3A_1603 = arith.constant 0 : i32
    %dma_wait3A_1604 = tpu.memref_slice %arg7[%dma_wait3A_1600, %dma_wait3A_1602, %dma_wait3A_1603] : memref<3x1600x16xf32, #tpu.memory_space<vmem>> -> memref<1x1600x16xf32, #tpu.memory_space<vmem>>
    %dma_wait3A_1605 = tpu.memref_squeeze %dma_wait3A_1604 : memref<1x1600x16xf32, #tpu.memory_space<vmem>> -> memref<1600x16xf32, #tpu.memory_space<vmem>>
    %dma_wait3A_1606 = arith.constant 0 : i32
    %dma_wait3A_1607 = tpu.memref_slice %arg6[%dma_wait3A_1599, %dma_wait3A_1606] : memref<3x1600xi32, #tpu.memory_space<vmem>> -> memref<1x1600xi32, #tpu.memory_space<vmem>>
    %dma_wait3A_1608 = tpu.memref_squeeze %dma_wait3A_1607 : memref<1x1600xi32, #tpu.memory_space<vmem>> -> memref<1600xi32, #tpu.memory_space<vmem>>
    %dma_wait3A_1609 = arith.constant 0 : i32
    %dma_wait3A_1610 = arith.constant 0 : i32
    %dma_wait3A_1611 = tpu.memref_slice %arg3[%dma_wait3A_1609, %dma_wait3A_1610] : memref<2000000x16xf32, #tpu.memory_space<hbm>> -> memref<2000000x16xf32, #tpu.memory_space<hbm>>
    %dma_wait3A_1612 = tpu.memref_slice %arg8[%dma_wait3A_1601] : memref<3x!tpu.dma_semaphore, #tpu.memory_space<semaphore_mem>> -> memref<1x!tpu.dma_semaphore, #tpu.memory_space<semaphore_mem>>
    %dma_wait3A_1613 = tpu.memref_squeeze %dma_wait3A_1612 : memref<1x!tpu.dma_semaphore, #tpu.memory_space<semaphore_mem>> -> memref<!tpu.dma_semaphore, #tpu.memory_space<semaphore_mem>>
    tpu.wait_indirect_dma semaphore(%dma_wait3A_1613 : memref<!tpu.dma_semaphore, #tpu.memory_space<semaphore_mem>>) src(%dma_wait3A_1611 : memref<2000000x16xf32, #tpu.memory_space<hbm>>) dst(%dma_wait3A_1605 : memref<1600x16xf32, #tpu.memory_space<vmem>>)
    %add3A_1614 = arith.constant 16800 : i32
    %add3A_1615 = arith.addi %mul3A_2, %add3A_1614 : i32
    %mul3A_1616 = arith.constant 2 : i32
    %mul3A_1617 = arith.muli %add3A_1615, %mul3A_1616 : i32
    %dma_start3A_1618 = arith.constant 0 : i32
    %dma_start3A_1619 = arith.constant 0 : i32
    %dma_start3A_1620 = arith.constant 0 : i32
    %dma_start3A_1621 = arith.constant 0 : i32
    %dma_start3A_1622 = tpu.memref_slice %arg7[%dma_start3A_1618, %dma_start3A_1620, %dma_start3A_1621] : memref<3x1600x16xf32, #tpu.memory_space<vmem>> -> memref<1x1600x16xf32, #tpu.memory_space<vmem>>
    %dma_start3A_1623 = tpu.memref_squeeze %dma_start3A_1622 : memref<1x1600x16xf32, #tpu.memory_space<vmem>> -> memref<1600x16xf32, #tpu.memory_space<vmem>>
    %dma_start3A_1624 = arith.constant 0 : i32
    %dma_start3A_1625 = tpu.memref_slice %arg4[%mul3A_1617, %dma_start3A_1624] : memref<1638400x16xf32, #tpu.memory_space<hbm>> -> memref<1600x16xf32, #tpu.memory_space<hbm>>
    %dma_start3A_1626 = tpu.memref_slice %arg9[%dma_start3A_1619] : memref<3x!tpu.dma_semaphore, #tpu.memory_space<semaphore_mem>> -> memref<1x!tpu.dma_semaphore, #tpu.memory_space<semaphore_mem>>
    %dma_start3A_1627 = tpu.memref_squeeze %dma_start3A_1626 : memref<1x!tpu.dma_semaphore, #tpu.memory_space<semaphore_mem>> -> memref<!tpu.dma_semaphore, #tpu.memory_space<semaphore_mem>>
    %dma_start3A_1628 = arith.constant 0 : i32
    %dma_start3A_1629 = tpu.memref_slice %arg4[%mul3A_1617, %dma_start3A_1628] : memref<1638400x16xf32, #tpu.memory_space<hbm>> -> memref<1600x16xf32, #tpu.memory_space<hbm>>
    %dma_start3A_1630 = arith.constant 0 : i32
    %dma_start3A_1631 = arith.constant 0 : i32
    %dma_start3A_1632 = tpu.memref_slice %arg7[%dma_start3A_1618, %dma_start3A_1630, %dma_start3A_1631] : memref<3x1600x16xf32, #tpu.memory_space<vmem>> -> memref<1x1600x16xf32, #tpu.memory_space<vmem>>
    %dma_start3A_1633 = tpu.memref_squeeze %dma_start3A_1632 : memref<1x1600x16xf32, #tpu.memory_space<vmem>> -> memref<1600x16xf32, #tpu.memory_space<vmem>>
    tpu.enqueue_dma source(%dma_start3A_1633 : memref<1600x16xf32, #tpu.memory_space<vmem>>) target(%dma_start3A_1629 : memref<1600x16xf32, #tpu.memory_space<hbm>>) target_semaphore(%dma_start3A_1627 : memref<!tpu.dma_semaphore, #tpu.memory_space<semaphore_mem>>)
    %dma_wait3A_1634 = arith.constant 0 : i32
    %dma_wait3A_1635 = arith.constant 0 : i32
    %dma_wait3A_1636 = arith.constant 0 : i32
    %dma_wait3A_1637 = arith.constant 0 : i32
    %dma_wait3A_1638 = tpu.memref_slice %arg7[%dma_wait3A_1634, %dma_wait3A_1636, %dma_wait3A_1637] : memref<3x1600x16xf32, #tpu.memory_space<vmem>> -> memref<1x1600x16xf32, #tpu.memory_space<vmem>>
    %dma_wait3A_1639 = tpu.memref_squeeze %dma_wait3A_1638 : memref<1x1600x16xf32, #tpu.memory_space<vmem>> -> memref<1600x16xf32, #tpu.memory_space<vmem>>
    %dma_wait3A_1640 = arith.constant 0 : i32
    %dma_wait3A_1641 = tpu.memref_slice %arg4[%mul3A_1617, %dma_wait3A_1640] : memref<1638400x16xf32, #tpu.memory_space<hbm>> -> memref<1600x16xf32, #tpu.memory_space<hbm>>
    %dma_wait3A_1642 = tpu.memref_slice %arg9[%dma_wait3A_1635] : memref<3x!tpu.dma_semaphore, #tpu.memory_space<semaphore_mem>> -> memref<1x!tpu.dma_semaphore, #tpu.memory_space<semaphore_mem>>
    %dma_wait3A_1643 = tpu.memref_squeeze %dma_wait3A_1642 : memref<1x!tpu.dma_semaphore, #tpu.memory_space<semaphore_mem>> -> memref<!tpu.dma_semaphore, #tpu.memory_space<semaphore_mem>>
    %dma_wait3A_1644 = arith.constant 0 : i32
    %dma_wait3A_1645 = tpu.memref_slice %arg4[%mul3A_1617, %dma_wait3A_1644] : memref<1638400x16xf32, #tpu.memory_space<hbm>> -> memref<1600x16xf32, #tpu.memory_space<hbm>>
    %dma_wait3A_1646 = arith.constant 0 : i32
    %dma_wait3A_1647 = arith.constant 0 : i32
    %dma_wait3A_1648 = tpu.memref_slice %arg7[%dma_wait3A_1634, %dma_wait3A_1646, %dma_wait3A_1647] : memref<3x1600x16xf32, #tpu.memory_space<vmem>> -> memref<1x1600x16xf32, #tpu.memory_space<vmem>>
    %dma_wait3A_1649 = tpu.memref_squeeze %dma_wait3A_1648 : memref<1x1600x16xf32, #tpu.memory_space<vmem>> -> memref<1600x16xf32, #tpu.memory_space<vmem>>
    tpu.wait_dma2 semaphore(%dma_wait3A_1643 : memref<!tpu.dma_semaphore, #tpu.memory_space<semaphore_mem>>) src(%dma_wait3A_1649 : memref<1600x16xf32, #tpu.memory_space<vmem>>) dst(%dma_wait3A_1645 : memref<1600x16xf32, #tpu.memory_space<hbm>>)
    %scan3A_1650 = arith.constant 0 : i32
    %scan3A_1651 = arith.constant 0 : i32
    %scan3A_1652 = arith.constant 0 : i32
    %scan3A_1653 = arith.constant 50 : i32
    %scan3A_1654 = arith.addi %scan3A_1652, %scan3A_1653 : i32
    %scan3A_1655 = arith.constant 1 : i32
    scf.for %scan3A_2336 = %scan3A_1652 to %scan3A_1654 step %scan3A_1655  : i32 {
      %mul3A_2337 = arith.constant 16 : i32
      %mul3A_2338 = arith.muli %scan3A_2336, %mul3A_2337 : i32
      %add3A_2339 = arith.constant 19200 : i32
      %add3A_2340 = arith.addi %add3A_2339, %mul3A_2338 : i32
      %get3A = arith.index_cast %add3A_2340 : i32 to index
      %get3A_2341 = tpu.vector_load %arg5[%get3A] {strides = array<i32>} : memref<25600xi32, #tpu.memory_space<vmem>>, vector<16xi32>,
      %mul3A_2342 = arith.constant 2 : i32
      %mul3A_2343 = vector.broadcast %mul3A_2342 : i32 to vector<16xi32>
      %mul3A_2344 = arith.muli %get3A_2341, %mul3A_2343 : vector<16xi32>
      %mul3A_2345 = arith.constant 16 : i32
      %mul3A_2346 = arith.muli %scan3A_2336, %mul3A_2345 : i32
      %add3A_2347 = vector.broadcast %mul3A_2346 : i32 to vector<16xi32>
      %add3A_2348 = arith.addi %add3A_2347, %iota3A : vector<16xi32>
      %mul3A_2349 = arith.constant 2 : i32
      %mul3A_2350 = vector.broadcast %mul3A_2349 : i32 to vector<16xi32>
      %mul3A_2351 = arith.muli %add3A_2348, %mul3A_2350 : vector<16xi32>
      %scatter3A = arith.constant 0 : i32
      %scatter3A_2352 = tpu.memref_slice %arg6[%scan3A_1651, %scatter3A] : memref<3x1600xi32, #tpu.memory_space<vmem>> -> memref<1x1600xi32, #tpu.memory_space<vmem>>
      %scatter3A_2353 = tpu.memref_squeeze %scatter3A_2352 : memref<1x1600xi32, #tpu.memory_space<vmem>> -> memref<1600xi32, #tpu.memory_space<vmem>>
      tpu.vector_store_idx %scatter3A_2353[%mul3A_2351], %mul3A_2344 : memref<1600xi32, #tpu.memory_space<vmem>>[vector<16xi32>], vector<16xi32>,
      %add3A_2354 = arith.constant 1 : i32
      %add3A_2355 = vector.broadcast %add3A_2354 : i32 to vector<16xi32>
      %add3A_2356 = arith.addi %mul3A_2351, %add3A_2355 : vector<16xi32>
      %add3A_2357 = arith.constant 1 : i32
      %add3A_2358 = vector.broadcast %add3A_2357 : i32 to vector<16xi32>
      %add3A_2359 = arith.addi %mul3A_2344, %add3A_2358 : vector<16xi32>
      %scatter3A_2360 = arith.constant 0 : i32
      %scatter3A_2361 = tpu.memref_slice %arg6[%scan3A_1651, %scatter3A_2360] : memref<3x1600xi32, #tpu.memory_space<vmem>> -> memref<1x1600xi32, #tpu.memory_space<vmem>>
      %scatter3A_2362 = tpu.memref_squeeze %scatter3A_2361 : memref<1x1600xi32, #tpu.memory_space<vmem>> -> memref<1600xi32, #tpu.memory_space<vmem>>
      tpu.vector_store_idx %scatter3A_2362[%add3A_2356], %add3A_2359 : memref<1600xi32, #tpu.memory_space<vmem>>[vector<16xi32>], vector<16xi32>,
    }
    %scan3A_1656 = arith.constant 50 : i32
    %dma_start3A_1657 = arith.constant 0 : i32
    %dma_start3A_1658 = arith.constant 0 : i32
    %dma_start3A_1659 = arith.constant 0 : i32
    %dma_start3A_1660 = arith.constant 0 : i32
    %dma_start3A_1661 = arith.constant 0 : i32
    %dma_start3A_1662 = tpu.memref_slice %arg7[%dma_start3A_1658, %dma_start3A_1660, %dma_start3A_1661] : memref<3x1600x16xf32, #tpu.memory_space<vmem>> -> memref<1x1600x16xf32, #tpu.memory_space<vmem>>
    %dma_start3A_1663 = tpu.memref_squeeze %dma_start3A_1662 : memref<1x1600x16xf32, #tpu.memory_space<vmem>> -> memref<1600x16xf32, #tpu.memory_space<vmem>>
    %dma_start3A_1664 = arith.constant 0 : i32
    %dma_start3A_1665 = tpu.memref_slice %arg6[%dma_start3A_1657, %dma_start3A_1664] : memref<3x1600xi32, #tpu.memory_space<vmem>> -> memref<1x1600xi32, #tpu.memory_space<vmem>>
    %dma_start3A_1666 = tpu.memref_squeeze %dma_start3A_1665 : memref<1x1600xi32, #tpu.memory_space<vmem>> -> memref<1600xi32, #tpu.memory_space<vmem>>
    %dma_start3A_1667 = arith.constant 0 : i32
    %dma_start3A_1668 = arith.constant 0 : i32
    %dma_start3A_1669 = tpu.memref_slice %arg3[%dma_start3A_1667, %dma_start3A_1668] : memref<2000000x16xf32, #tpu.memory_space<hbm>> -> memref<2000000x16xf32, #tpu.memory_space<hbm>>
    %dma_start3A_1670 = tpu.memref_slice %arg8[%dma_start3A_1659] : memref<3x!tpu.dma_semaphore, #tpu.memory_space<semaphore_mem>> -> memref<1x!tpu.dma_semaphore, #tpu.memory_space<semaphore_mem>>
    %dma_start3A_1671 = tpu.memref_squeeze %dma_start3A_1670 : memref<1x!tpu.dma_semaphore, #tpu.memory_space<semaphore_mem>> -> memref<!tpu.dma_semaphore, #tpu.memory_space<semaphore_mem>>
    tpu.enqueue_indirect_dma source(%dma_start3A_1669 : memref<2000000x16xf32, #tpu.memory_space<hbm>>) target(%dma_start3A_1663 : memref<1600x16xf32, #tpu.memory_space<vmem>>) offsets(%dma_start3A_1666 : memref<1600xi32, #tpu.memory_space<vmem>>) semaphore(%dma_start3A_1671 : memref<!tpu.dma_semaphore, #tpu.memory_space<semaphore_mem>>)
    %dma_wait3A_1672 = arith.constant 1 : i32
    %dma_wait3A_1673 = arith.constant 1 : i32
    %dma_wait3A_1674 = arith.constant 1 : i32
    %dma_wait3A_1675 = arith.constant 0 : i32
    %dma_wait3A_1676 = arith.constant 0 : i32
    %dma_wait3A_1677 = tpu.memref_slice %arg7[%dma_wait3A_1673, %dma_wait3A_1675, %dma_wait3A_1676] : memref<3x1600x16xf32, #tpu.memory_space<vmem>> -> memref<1x1600x16xf32, #tpu.memory_space<vmem>>
    %dma_wait3A_1678 = tpu.memref_squeeze %dma_wait3A_1677 : memref<1x1600x16xf32, #tpu.memory_space<vmem>> -> memref<1600x16xf32, #tpu.memory_space<vmem>>
    %dma_wait3A_1679 = arith.constant 0 : i32
    %dma_wait3A_1680 = tpu.memref_slice %arg6[%dma_wait3A_1672, %dma_wait3A_1679] : memref<3x1600xi32, #tpu.memory_space<vmem>> -> memref<1x1600xi32, #tpu.memory_space<vmem>>
    %dma_wait3A_1681 = tpu.memref_squeeze %dma_wait3A_1680 : memref<1x1600xi32, #tpu.memory_space<vmem>> -> memref<1600xi32, #tpu.memory_space<vmem>>
    %dma_wait3A_1682 = arith.constant 0 : i32
    %dma_wait3A_1683 = arith.constant 0 : i32
    %dma_wait3A_1684 = tpu.memref_slice %arg3[%dma_wait3A_1682, %dma_wait3A_1683] : memref<2000000x16xf32, #tpu.memory_space<hbm>> -> memref<2000000x16xf32, #tpu.memory_space<hbm>>
    %dma_wait3A_1685 = tpu.memref_slice %arg8[%dma_wait3A_1674] : memref<3x!tpu.dma_semaphore, #tpu.memory_space<semaphore_mem>> -> memref<1x!tpu.dma_semaphore, #tpu.memory_space<semaphore_mem>>
    %dma_wait3A_1686 = tpu.memref_squeeze %dma_wait3A_1685 : memref<1x!tpu.dma_semaphore, #tpu.memory_space<semaphore_mem>> -> memref<!tpu.dma_semaphore, #tpu.memory_space<semaphore_mem>>
    tpu.wait_indirect_dma semaphore(%dma_wait3A_1686 : memref<!tpu.dma_semaphore, #tpu.memory_space<semaphore_mem>>) src(%dma_wait3A_1684 : memref<2000000x16xf32, #tpu.memory_space<hbm>>) dst(%dma_wait3A_1678 : memref<1600x16xf32, #tpu.memory_space<vmem>>)
    %add3A_1687 = arith.constant 17600 : i32
    %add3A_1688 = arith.addi %mul3A_2, %add3A_1687 : i32
    %mul3A_1689 = arith.constant 2 : i32
    %mul3A_1690 = arith.muli %add3A_1688, %mul3A_1689 : i32
    %dma_start3A_1691 = arith.constant 1 : i32
    %dma_start3A_1692 = arith.constant 1 : i32
    %dma_start3A_1693 = arith.constant 0 : i32
    %dma_start3A_1694 = arith.constant 0 : i32
    %dma_start3A_1695 = tpu.memref_slice %arg7[%dma_start3A_1691, %dma_start3A_1693, %dma_start3A_1694] : memref<3x1600x16xf32, #tpu.memory_space<vmem>> -> memref<1x1600x16xf32, #tpu.memory_space<vmem>>
    %dma_start3A_1696 = tpu.memref_squeeze %dma_start3A_1695 : memref<1x1600x16xf32, #tpu.memory_space<vmem>> -> memref<1600x16xf32, #tpu.memory_space<vmem>>
    %dma_start3A_1697 = arith.constant 0 : i32
    %dma_start3A_1698 = tpu.memref_slice %arg4[%mul3A_1690, %dma_start3A_1697] : memref<1638400x16xf32, #tpu.memory_space<hbm>> -> memref<1600x16xf32, #tpu.memory_space<hbm>>
    %dma_start3A_1699 = tpu.memref_slice %arg9[%dma_start3A_1692] : memref<3x!tpu.dma_semaphore, #tpu.memory_space<semaphore_mem>> -> memref<1x!tpu.dma_semaphore, #tpu.memory_space<semaphore_mem>>
    %dma_start3A_1700 = tpu.memref_squeeze %dma_start3A_1699 : memref<1x!tpu.dma_semaphore, #tpu.memory_space<semaphore_mem>> -> memref<!tpu.dma_semaphore, #tpu.memory_space<semaphore_mem>>
    %dma_start3A_1701 = arith.constant 0 : i32
    %dma_start3A_1702 = tpu.memref_slice %arg4[%mul3A_1690, %dma_start3A_1701] : memref<1638400x16xf32, #tpu.memory_space<hbm>> -> memref<1600x16xf32, #tpu.memory_space<hbm>>
    %dma_start3A_1703 = arith.constant 0 : i32
    %dma_start3A_1704 = arith.constant 0 : i32
    %dma_start3A_1705 = tpu.memref_slice %arg7[%dma_start3A_1691, %dma_start3A_1703, %dma_start3A_1704] : memref<3x1600x16xf32, #tpu.memory_space<vmem>> -> memref<1x1600x16xf32, #tpu.memory_space<vmem>>
    %dma_start3A_1706 = tpu.memref_squeeze %dma_start3A_1705 : memref<1x1600x16xf32, #tpu.memory_space<vmem>> -> memref<1600x16xf32, #tpu.memory_space<vmem>>
    tpu.enqueue_dma source(%dma_start3A_1706 : memref<1600x16xf32, #tpu.memory_space<vmem>>) target(%dma_start3A_1702 : memref<1600x16xf32, #tpu.memory_space<hbm>>) target_semaphore(%dma_start3A_1700 : memref<!tpu.dma_semaphore, #tpu.memory_space<semaphore_mem>>)
    %dma_wait3A_1707 = arith.constant 1 : i32
    %dma_wait3A_1708 = arith.constant 1 : i32
    %dma_wait3A_1709 = arith.constant 0 : i32
    %dma_wait3A_1710 = arith.constant 0 : i32
    %dma_wait3A_1711 = tpu.memref_slice %arg7[%dma_wait3A_1707, %dma_wait3A_1709, %dma_wait3A_1710] : memref<3x1600x16xf32, #tpu.memory_space<vmem>> -> memref<1x1600x16xf32, #tpu.memory_space<vmem>>
    %dma_wait3A_1712 = tpu.memref_squeeze %dma_wait3A_1711 : memref<1x1600x16xf32, #tpu.memory_space<vmem>> -> memref<1600x16xf32, #tpu.memory_space<vmem>>
    %dma_wait3A_1713 = arith.constant 0 : i32
    %dma_wait3A_1714 = tpu.memref_slice %arg4[%mul3A_1690, %dma_wait3A_1713] : memref<1638400x16xf32, #tpu.memory_space<hbm>> -> memref<1600x16xf32, #tpu.memory_space<hbm>>
    %dma_wait3A_1715 = tpu.memref_slice %arg9[%dma_wait3A_1708] : memref<3x!tpu.dma_semaphore, #tpu.memory_space<semaphore_mem>> -> memref<1x!tpu.dma_semaphore, #tpu.memory_space<semaphore_mem>>
    %dma_wait3A_1716 = tpu.memref_squeeze %dma_wait3A_1715 : memref<1x!tpu.dma_semaphore, #tpu.memory_space<semaphore_mem>> -> memref<!tpu.dma_semaphore, #tpu.memory_space<semaphore_mem>>
    %dma_wait3A_1717 = arith.constant 0 : i32
    %dma_wait3A_1718 = tpu.memref_slice %arg4[%mul3A_1690, %dma_wait3A_1717] : memref<1638400x16xf32, #tpu.memory_space<hbm>> -> memref<1600x16xf32, #tpu.memory_space<hbm>>
    %dma_wait3A_1719 = arith.constant 0 : i32
    %dma_wait3A_1720 = arith.constant 0 : i32
    %dma_wait3A_1721 = tpu.memref_slice %arg7[%dma_wait3A_1707, %dma_wait3A_1719, %dma_wait3A_1720] : memref<3x1600x16xf32, #tpu.memory_space<vmem>> -> memref<1x1600x16xf32, #tpu.memory_space<vmem>>
    %dma_wait3A_1722 = tpu.memref_squeeze %dma_wait3A_1721 : memref<1x1600x16xf32, #tpu.memory_space<vmem>> -> memref<1600x16xf32, #tpu.memory_space<vmem>>
    tpu.wait_dma2 semaphore(%dma_wait3A_1716 : memref<!tpu.dma_semaphore, #tpu.memory_space<semaphore_mem>>) src(%dma_wait3A_1722 : memref<1600x16xf32, #tpu.memory_space<vmem>>) dst(%dma_wait3A_1718 : memref<1600x16xf32, #tpu.memory_space<hbm>>)
    %scan3A_1723 = arith.constant 0 : i32
    %scan3A_1724 = arith.constant 1 : i32
    %scan3A_1725 = arith.constant 0 : i32
    %scan3A_1726 = arith.constant 50 : i32
    %scan3A_1727 = arith.addi %scan3A_1725, %scan3A_1726 : i32
    %scan3A_1728 = arith.constant 1 : i32
    scf.for %scan3A_2336 = %scan3A_1725 to %scan3A_1727 step %scan3A_1728  : i32 {
      %mul3A_2337 = arith.constant 16 : i32
      %mul3A_2338 = arith.muli %scan3A_2336, %mul3A_2337 : i32
      %add3A_2339 = arith.constant 20000 : i32
      %add3A_2340 = arith.addi %add3A_2339, %mul3A_2338 : i32
      %get3A = arith.index_cast %add3A_2340 : i32 to index
      %get3A_2341 = tpu.vector_load %arg5[%get3A] {strides = array<i32>} : memref<25600xi32, #tpu.memory_space<vmem>>, vector<16xi32>,
      %mul3A_2342 = arith.constant 2 : i32
      %mul3A_2343 = vector.broadcast %mul3A_2342 : i32 to vector<16xi32>
      %mul3A_2344 = arith.muli %get3A_2341, %mul3A_2343 : vector<16xi32>
      %mul3A_2345 = arith.constant 16 : i32
      %mul3A_2346 = arith.muli %scan3A_2336, %mul3A_2345 : i32
      %add3A_2347 = vector.broadcast %mul3A_2346 : i32 to vector<16xi32>
      %add3A_2348 = arith.addi %add3A_2347, %iota3A : vector<16xi32>
      %mul3A_2349 = arith.constant 2 : i32
      %mul3A_2350 = vector.broadcast %mul3A_2349 : i32 to vector<16xi32>
      %mul3A_2351 = arith.muli %add3A_2348, %mul3A_2350 : vector<16xi32>
      %scatter3A = arith.constant 0 : i32
      %scatter3A_2352 = tpu.memref_slice %arg6[%scan3A_1724, %scatter3A] : memref<3x1600xi32, #tpu.memory_space<vmem>> -> memref<1x1600xi32, #tpu.memory_space<vmem>>
      %scatter3A_2353 = tpu.memref_squeeze %scatter3A_2352 : memref<1x1600xi32, #tpu.memory_space<vmem>> -> memref<1600xi32, #tpu.memory_space<vmem>>
      tpu.vector_store_idx %scatter3A_2353[%mul3A_2351], %mul3A_2344 : memref<1600xi32, #tpu.memory_space<vmem>>[vector<16xi32>], vector<16xi32>,
      %add3A_2354 = arith.constant 1 : i32
      %add3A_2355 = vector.broadcast %add3A_2354 : i32 to vector<16xi32>
      %add3A_2356 = arith.addi %mul3A_2351, %add3A_2355 : vector<16xi32>
      %add3A_2357 = arith.constant 1 : i32
      %add3A_2358 = vector.broadcast %add3A_2357 : i32 to vector<16xi32>
      %add3A_2359 = arith.addi %mul3A_2344, %add3A_2358 : vector<16xi32>
      %scatter3A_2360 = arith.constant 0 : i32
      %scatter3A_2361 = tpu.memref_slice %arg6[%scan3A_1724, %scatter3A_2360] : memref<3x1600xi32, #tpu.memory_space<vmem>> -> memref<1x1600xi32, #tpu.memory_space<vmem>>
      %scatter3A_2362 = tpu.memref_squeeze %scatter3A_2361 : memref<1x1600xi32, #tpu.memory_space<vmem>> -> memref<1600xi32, #tpu.memory_space<vmem>>
      tpu.vector_store_idx %scatter3A_2362[%add3A_2356], %add3A_2359 : memref<1600xi32, #tpu.memory_space<vmem>>[vector<16xi32>], vector<16xi32>,
    }
    %scan3A_1729 = arith.constant 50 : i32
    %dma_start3A_1730 = arith.constant 1 : i32
    %dma_start3A_1731 = arith.constant 1 : i32
    %dma_start3A_1732 = arith.constant 1 : i32
    %dma_start3A_1733 = arith.constant 0 : i32
    %dma_start3A_1734 = arith.constant 0 : i32
    %dma_start3A_1735 = tpu.memref_slice %arg7[%dma_start3A_1731, %dma_start3A_1733, %dma_start3A_1734] : memref<3x1600x16xf32, #tpu.memory_space<vmem>> -> memref<1x1600x16xf32, #tpu.memory_space<vmem>>
    %dma_start3A_1736 = tpu.memref_squeeze %dma_start3A_1735 : memref<1x1600x16xf32, #tpu.memory_space<vmem>> -> memref<1600x16xf32, #tpu.memory_space<vmem>>
    %dma_start3A_1737 = arith.constant 0 : i32
    %dma_start3A_1738 = tpu.memref_slice %arg6[%dma_start3A_1730, %dma_start3A_1737] : memref<3x1600xi32, #tpu.memory_space<vmem>> -> memref<1x1600xi32, #tpu.memory_space<vmem>>
    %dma_start3A_1739 = tpu.memref_squeeze %dma_start3A_1738 : memref<1x1600xi32, #tpu.memory_space<vmem>> -> memref<1600xi32, #tpu.memory_space<vmem>>
    %dma_start3A_1740 = arith.constant 0 : i32
    %dma_start3A_1741 = arith.constant 0 : i32
    %dma_start3A_1742 = tpu.memref_slice %arg3[%dma_start3A_1740, %dma_start3A_1741] : memref<2000000x16xf32, #tpu.memory_space<hbm>> -> memref<2000000x16xf32, #tpu.memory_space<hbm>>
    %dma_start3A_1743 = tpu.memref_slice %arg8[%dma_start3A_1732] : memref<3x!tpu.dma_semaphore, #tpu.memory_space<semaphore_mem>> -> memref<1x!tpu.dma_semaphore, #tpu.memory_space<semaphore_mem>>
    %dma_start3A_1744 = tpu.memref_squeeze %dma_start3A_1743 : memref<1x!tpu.dma_semaphore, #tpu.memory_space<semaphore_mem>> -> memref<!tpu.dma_semaphore, #tpu.memory_space<semaphore_mem>>
    tpu.enqueue_indirect_dma source(%dma_start3A_1742 : memref<2000000x16xf32, #tpu.memory_space<hbm>>) target(%dma_start3A_1736 : memref<1600x16xf32, #tpu.memory_space<vmem>>) offsets(%dma_start3A_1739 : memref<1600xi32, #tpu.memory_space<vmem>>) semaphore(%dma_start3A_1744 : memref<!tpu.dma_semaphore, #tpu.memory_space<semaphore_mem>>)
    %dma_wait3A_1745 = arith.constant 2 : i32
    %dma_wait3A_1746 = arith.constant 2 : i32
    %dma_wait3A_1747 = arith.constant 2 : i32
    %dma_wait3A_1748 = arith.constant 0 : i32
    %dma_wait3A_1749 = arith.constant 0 : i32
    %dma_wait3A_1750 = tpu.memref_slice %arg7[%dma_wait3A_1746, %dma_wait3A_1748, %dma_wait3A_1749] : memref<3x1600x16xf32, #tpu.memory_space<vmem>> -> memref<1x1600x16xf32, #tpu.memory_space<vmem>>
    %dma_wait3A_1751 = tpu.memref_squeeze %dma_wait3A_1750 : memref<1x1600x16xf32, #tpu.memory_space<vmem>> -> memref<1600x16xf32, #tpu.memory_space<vmem>>
    %dma_wait3A_1752 = arith.constant 0 : i32
    %dma_wait3A_1753 = tpu.memref_slice %arg6[%dma_wait3A_1745, %dma_wait3A_1752] : memref<3x1600xi32, #tpu.memory_space<vmem>> -> memref<1x1600xi32, #tpu.memory_space<vmem>>
    %dma_wait3A_1754 = tpu.memref_squeeze %dma_wait3A_1753 : memref<1x1600xi32, #tpu.memory_space<vmem>> -> memref<1600xi32, #tpu.memory_space<vmem>>
    %dma_wait3A_1755 = arith.constant 0 : i32
    %dma_wait3A_1756 = arith.constant 0 : i32
    %dma_wait3A_1757 = tpu.memref_slice %arg3[%dma_wait3A_1755, %dma_wait3A_1756] : memref<2000000x16xf32, #tpu.memory_space<hbm>> -> memref<2000000x16xf32, #tpu.memory_space<hbm>>
    %dma_wait3A_1758 = tpu.memref_slice %arg8[%dma_wait3A_1747] : memref<3x!tpu.dma_semaphore, #tpu.memory_space<semaphore_mem>> -> memref<1x!tpu.dma_semaphore, #tpu.memory_space<semaphore_mem>>
    %dma_wait3A_1759 = tpu.memref_squeeze %dma_wait3A_1758 : memref<1x!tpu.dma_semaphore, #tpu.memory_space<semaphore_mem>> -> memref<!tpu.dma_semaphore, #tpu.memory_space<semaphore_mem>>
    tpu.wait_indirect_dma semaphore(%dma_wait3A_1759 : memref<!tpu.dma_semaphore, #tpu.memory_space<semaphore_mem>>) src(%dma_wait3A_1757 : memref<2000000x16xf32, #tpu.memory_space<hbm>>) dst(%dma_wait3A_1751 : memref<1600x16xf32, #tpu.memory_space<vmem>>)
    %add3A_1760 = arith.constant 18400 : i32
    %add3A_1761 = arith.addi %mul3A_2, %add3A_1760 : i32
    %mul3A_1762 = arith.constant 2 : i32
    %mul3A_1763 = arith.muli %add3A_1761, %mul3A_1762 : i32
    %dma_start3A_1764 = arith.constant 2 : i32
    %dma_start3A_1765 = arith.constant 2 : i32
    %dma_start3A_1766 = arith.constant 0 : i32
    %dma_start3A_1767 = arith.constant 0 : i32
    %dma_start3A_1768 = tpu.memref_slice %arg7[%dma_start3A_1764, %dma_start3A_1766, %dma_start3A_1767] : memref<3x1600x16xf32, #tpu.memory_space<vmem>> -> memref<1x1600x16xf32, #tpu.memory_space<vmem>>
    %dma_start3A_1769 = tpu.memref_squeeze %dma_start3A_1768 : memref<1x1600x16xf32, #tpu.memory_space<vmem>> -> memref<1600x16xf32, #tpu.memory_space<vmem>>
    %dma_start3A_1770 = arith.constant 0 : i32
    %dma_start3A_1771 = tpu.memref_slice %arg4[%mul3A_1763, %dma_start3A_1770] : memref<1638400x16xf32, #tpu.memory_space<hbm>> -> memref<1600x16xf32, #tpu.memory_space<hbm>>
    %dma_start3A_1772 = tpu.memref_slice %arg9[%dma_start3A_1765] : memref<3x!tpu.dma_semaphore, #tpu.memory_space<semaphore_mem>> -> memref<1x!tpu.dma_semaphore, #tpu.memory_space<semaphore_mem>>
    %dma_start3A_1773 = tpu.memref_squeeze %dma_start3A_1772 : memref<1x!tpu.dma_semaphore, #tpu.memory_space<semaphore_mem>> -> memref<!tpu.dma_semaphore, #tpu.memory_space<semaphore_mem>>
    %dma_start3A_1774 = arith.constant 0 : i32
    %dma_start3A_1775 = tpu.memref_slice %arg4[%mul3A_1763, %dma_start3A_1774] : memref<1638400x16xf32, #tpu.memory_space<hbm>> -> memref<1600x16xf32, #tpu.memory_space<hbm>>
    %dma_start3A_1776 = arith.constant 0 : i32
    %dma_start3A_1777 = arith.constant 0 : i32
    %dma_start3A_1778 = tpu.memref_slice %arg7[%dma_start3A_1764, %dma_start3A_1776, %dma_start3A_1777] : memref<3x1600x16xf32, #tpu.memory_space<vmem>> -> memref<1x1600x16xf32, #tpu.memory_space<vmem>>
    %dma_start3A_1779 = tpu.memref_squeeze %dma_start3A_1778 : memref<1x1600x16xf32, #tpu.memory_space<vmem>> -> memref<1600x16xf32, #tpu.memory_space<vmem>>
    tpu.enqueue_dma source(%dma_start3A_1779 : memref<1600x16xf32, #tpu.memory_space<vmem>>) target(%dma_start3A_1775 : memref<1600x16xf32, #tpu.memory_space<hbm>>) target_semaphore(%dma_start3A_1773 : memref<!tpu.dma_semaphore, #tpu.memory_space<semaphore_mem>>)
    %dma_wait3A_1780 = arith.constant 2 : i32
    %dma_wait3A_1781 = arith.constant 2 : i32
    %dma_wait3A_1782 = arith.constant 0 : i32
    %dma_wait3A_1783 = arith.constant 0 : i32
    %dma_wait3A_1784 = tpu.memref_slice %arg7[%dma_wait3A_1780, %dma_wait3A_1782, %dma_wait3A_1783] : memref<3x1600x16xf32, #tpu.memory_space<vmem>> -> memref<1x1600x16xf32, #tpu.memory_space<vmem>>
    %dma_wait3A_1785 = tpu.memref_squeeze %dma_wait3A_1784 : memref<1x1600x16xf32, #tpu.memory_space<vmem>> -> memref<1600x16xf32, #tpu.memory_space<vmem>>
    %dma_wait3A_1786 = arith.constant 0 : i32
    %dma_wait3A_1787 = tpu.memref_slice %arg4[%mul3A_1763, %dma_wait3A_1786] : memref<1638400x16xf32, #tpu.memory_space<hbm>> -> memref<1600x16xf32, #tpu.memory_space<hbm>>
    %dma_wait3A_1788 = tpu.memref_slice %arg9[%dma_wait3A_1781] : memref<3x!tpu.dma_semaphore, #tpu.memory_space<semaphore_mem>> -> memref<1x!tpu.dma_semaphore, #tpu.memory_space<semaphore_mem>>
    %dma_wait3A_1789 = tpu.memref_squeeze %dma_wait3A_1788 : memref<1x!tpu.dma_semaphore, #tpu.memory_space<semaphore_mem>> -> memref<!tpu.dma_semaphore, #tpu.memory_space<semaphore_mem>>
    %dma_wait3A_1790 = arith.constant 0 : i32
    %dma_wait3A_1791 = tpu.memref_slice %arg4[%mul3A_1763, %dma_wait3A_1790] : memref<1638400x16xf32, #tpu.memory_space<hbm>> -> memref<1600x16xf32, #tpu.memory_space<hbm>>
    %dma_wait3A_1792 = arith.constant 0 : i32
    %dma_wait3A_1793 = arith.constant 0 : i32
    %dma_wait3A_1794 = tpu.memref_slice %arg7[%dma_wait3A_1780, %dma_wait3A_1792, %dma_wait3A_1793] : memref<3x1600x16xf32, #tpu.memory_space<vmem>> -> memref<1x1600x16xf32, #tpu.memory_space<vmem>>
    %dma_wait3A_1795 = tpu.memref_squeeze %dma_wait3A_1794 : memref<1x1600x16xf32, #tpu.memory_space<vmem>> -> memref<1600x16xf32, #tpu.memory_space<vmem>>
    tpu.wait_dma2 semaphore(%dma_wait3A_1789 : memref<!tpu.dma_semaphore, #tpu.memory_space<semaphore_mem>>) src(%dma_wait3A_1795 : memref<1600x16xf32, #tpu.memory_space<vmem>>) dst(%dma_wait3A_1791 : memref<1600x16xf32, #tpu.memory_space<hbm>>)
    %scan3A_1796 = arith.constant 0 : i32
    %scan3A_1797 = arith.constant 2 : i32
    %scan3A_1798 = arith.constant 0 : i32
    %scan3A_1799 = arith.constant 50 : i32
    %scan3A_1800 = arith.addi %scan3A_1798, %scan3A_1799 : i32
    %scan3A_1801 = arith.constant 1 : i32
    scf.for %scan3A_2336 = %scan3A_1798 to %scan3A_1800 step %scan3A_1801  : i32 {
      %mul3A_2337 = arith.constant 16 : i32
      %mul3A_2338 = arith.muli %scan3A_2336, %mul3A_2337 : i32
      %add3A_2339 = arith.constant 20800 : i32
      %add3A_2340 = arith.addi %add3A_2339, %mul3A_2338 : i32
      %get3A = arith.index_cast %add3A_2340 : i32 to index
      %get3A_2341 = tpu.vector_load %arg5[%get3A] {strides = array<i32>} : memref<25600xi32, #tpu.memory_space<vmem>>, vector<16xi32>,
      %mul3A_2342 = arith.constant 2 : i32
      %mul3A_2343 = vector.broadcast %mul3A_2342 : i32 to vector<16xi32>
      %mul3A_2344 = arith.muli %get3A_2341, %mul3A_2343 : vector<16xi32>
      %mul3A_2345 = arith.constant 16 : i32
      %mul3A_2346 = arith.muli %scan3A_2336, %mul3A_2345 : i32
      %add3A_2347 = vector.broadcast %mul3A_2346 : i32 to vector<16xi32>
      %add3A_2348 = arith.addi %add3A_2347, %iota3A : vector<16xi32>
      %mul3A_2349 = arith.constant 2 : i32
      %mul3A_2350 = vector.broadcast %mul3A_2349 : i32 to vector<16xi32>
      %mul3A_2351 = arith.muli %add3A_2348, %mul3A_2350 : vector<16xi32>
      %scatter3A = arith.constant 0 : i32
      %scatter3A_2352 = tpu.memref_slice %arg6[%scan3A_1797, %scatter3A] : memref<3x1600xi32, #tpu.memory_space<vmem>> -> memref<1x1600xi32, #tpu.memory_space<vmem>>
      %scatter3A_2353 = tpu.memref_squeeze %scatter3A_2352 : memref<1x1600xi32, #tpu.memory_space<vmem>> -> memref<1600xi32, #tpu.memory_space<vmem>>
      tpu.vector_store_idx %scatter3A_2353[%mul3A_2351], %mul3A_2344 : memref<1600xi32, #tpu.memory_space<vmem>>[vector<16xi32>], vector<16xi32>,
      %add3A_2354 = arith.constant 1 : i32
      %add3A_2355 = vector.broadcast %add3A_2354 : i32 to vector<16xi32>
      %add3A_2356 = arith.addi %mul3A_2351, %add3A_2355 : vector<16xi32>
      %add3A_2357 = arith.constant 1 : i32
      %add3A_2358 = vector.broadcast %add3A_2357 : i32 to vector<16xi32>
      %add3A_2359 = arith.addi %mul3A_2344, %add3A_2358 : vector<16xi32>
      %scatter3A_2360 = arith.constant 0 : i32
      %scatter3A_2361 = tpu.memref_slice %arg6[%scan3A_1797, %scatter3A_2360] : memref<3x1600xi32, #tpu.memory_space<vmem>> -> memref<1x1600xi32, #tpu.memory_space<vmem>>
      %scatter3A_2362 = tpu.memref_squeeze %scatter3A_2361 : memref<1x1600xi32, #tpu.memory_space<vmem>> -> memref<1600xi32, #tpu.memory_space<vmem>>
      tpu.vector_store_idx %scatter3A_2362[%add3A_2356], %add3A_2359 : memref<1600xi32, #tpu.memory_space<vmem>>[vector<16xi32>], vector<16xi32>,
    }
    %scan3A_1802 = arith.constant 50 : i32
    %dma_start3A_1803 = arith.constant 2 : i32
    %dma_start3A_1804 = arith.constant 2 : i32
    %dma_start3A_1805 = arith.constant 2 : i32
    %dma_start3A_1806 = arith.constant 0 : i32
    %dma_start3A_1807 = arith.constant 0 : i32
    %dma_start3A_1808 = tpu.memref_slice %arg7[%dma_start3A_1804, %dma_start3A_1806, %dma_start3A_1807] : memref<3x1600x16xf32, #tpu.memory_space<vmem>> -> memref<1x1600x16xf32, #tpu.memory_space<vmem>>
    %dma_start3A_1809 = tpu.memref_squeeze %dma_start3A_1808 : memref<1x1600x16xf32, #tpu.memory_space<vmem>> -> memref<1600x16xf32, #tpu.memory_space<vmem>>
    %dma_start3A_1810 = arith.constant 0 : i32
    %dma_start3A_1811 = tpu.memref_slice %arg6[%dma_start3A_1803, %dma_start3A_1810] : memref<3x1600xi32, #tpu.memory_space<vmem>> -> memref<1x1600xi32, #tpu.memory_space<vmem>>
    %dma_start3A_1812 = tpu.memref_squeeze %dma_start3A_1811 : memref<1x1600xi32, #tpu.memory_space<vmem>> -> memref<1600xi32, #tpu.memory_space<vmem>>
    %dma_start3A_1813 = arith.constant 0 : i32
    %dma_start3A_1814 = arith.constant 0 : i32
    %dma_start3A_1815 = tpu.memref_slice %arg3[%dma_start3A_1813, %dma_start3A_1814] : memref<2000000x16xf32, #tpu.memory_space<hbm>> -> memref<2000000x16xf32, #tpu.memory_space<hbm>>
    %dma_start3A_1816 = tpu.memref_slice %arg8[%dma_start3A_1805] : memref<3x!tpu.dma_semaphore, #tpu.memory_space<semaphore_mem>> -> memref<1x!tpu.dma_semaphore, #tpu.memory_space<semaphore_mem>>
    %dma_start3A_1817 = tpu.memref_squeeze %dma_start3A_1816 : memref<1x!tpu.dma_semaphore, #tpu.memory_space<semaphore_mem>> -> memref<!tpu.dma_semaphore, #tpu.memory_space<semaphore_mem>>
    tpu.enqueue_indirect_dma source(%dma_start3A_1815 : memref<2000000x16xf32, #tpu.memory_space<hbm>>) target(%dma_start3A_1809 : memref<1600x16xf32, #tpu.memory_space<vmem>>) offsets(%dma_start3A_1812 : memref<1600xi32, #tpu.memory_space<vmem>>) semaphore(%dma_start3A_1817 : memref<!tpu.dma_semaphore, #tpu.memory_space<semaphore_mem>>)
    %dma_wait3A_1818 = arith.constant 0 : i32
    %dma_wait3A_1819 = arith.constant 0 : i32
    %dma_wait3A_1820 = arith.constant 0 : i32
    %dma_wait3A_1821 = arith.constant 0 : i32
    %dma_wait3A_1822 = arith.constant 0 : i32
    %dma_wait3A_1823 = tpu.memref_slice %arg7[%dma_wait3A_1819, %dma_wait3A_1821, %dma_wait3A_1822] : memref<3x1600x16xf32, #tpu.memory_space<vmem>> -> memref<1x1600x16xf32, #tpu.memory_space<vmem>>
    %dma_wait3A_1824 = tpu.memref_squeeze %dma_wait3A_1823 : memref<1x1600x16xf32, #tpu.memory_space<vmem>> -> memref<1600x16xf32, #tpu.memory_space<vmem>>
    %dma_wait3A_1825 = arith.constant 0 : i32
    %dma_wait3A_1826 = tpu.memref_slice %arg6[%dma_wait3A_1818, %dma_wait3A_1825] : memref<3x1600xi32, #tpu.memory_space<vmem>> -> memref<1x1600xi32, #tpu.memory_space<vmem>>
    %dma_wait3A_1827 = tpu.memref_squeeze %dma_wait3A_1826 : memref<1x1600xi32, #tpu.memory_space<vmem>> -> memref<1600xi32, #tpu.memory_space<vmem>>
    %dma_wait3A_1828 = arith.constant 0 : i32
    %dma_wait3A_1829 = arith.constant 0 : i32
    %dma_wait3A_1830 = tpu.memref_slice %arg3[%dma_wait3A_1828, %dma_wait3A_1829] : memref<2000000x16xf32, #tpu.memory_space<hbm>> -> memref<2000000x16xf32, #tpu.memory_space<hbm>>
    %dma_wait3A_1831 = tpu.memref_slice %arg8[%dma_wait3A_1820] : memref<3x!tpu.dma_semaphore, #tpu.memory_space<semaphore_mem>> -> memref<1x!tpu.dma_semaphore, #tpu.memory_space<semaphore_mem>>
    %dma_wait3A_1832 = tpu.memref_squeeze %dma_wait3A_1831 : memref<1x!tpu.dma_semaphore, #tpu.memory_space<semaphore_mem>> -> memref<!tpu.dma_semaphore, #tpu.memory_space<semaphore_mem>>
    tpu.wait_indirect_dma semaphore(%dma_wait3A_1832 : memref<!tpu.dma_semaphore, #tpu.memory_space<semaphore_mem>>) src(%dma_wait3A_1830 : memref<2000000x16xf32, #tpu.memory_space<hbm>>) dst(%dma_wait3A_1824 : memref<1600x16xf32, #tpu.memory_space<vmem>>)
    %add3A_1833 = arith.constant 19200 : i32
    %add3A_1834 = arith.addi %mul3A_2, %add3A_1833 : i32
    %mul3A_1835 = arith.constant 2 : i32
    %mul3A_1836 = arith.muli %add3A_1834, %mul3A_1835 : i32
    %dma_start3A_1837 = arith.constant 0 : i32
    %dma_start3A_1838 = arith.constant 0 : i32
    %dma_start3A_1839 = arith.constant 0 : i32
    %dma_start3A_1840 = arith.constant 0 : i32
    %dma_start3A_1841 = tpu.memref_slice %arg7[%dma_start3A_1837, %dma_start3A_1839, %dma_start3A_1840] : memref<3x1600x16xf32, #tpu.memory_space<vmem>> -> memref<1x1600x16xf32, #tpu.memory_space<vmem>>
    %dma_start3A_1842 = tpu.memref_squeeze %dma_start3A_1841 : memref<1x1600x16xf32, #tpu.memory_space<vmem>> -> memref<1600x16xf32, #tpu.memory_space<vmem>>
    %dma_start3A_1843 = arith.constant 0 : i32
    %dma_start3A_1844 = tpu.memref_slice %arg4[%mul3A_1836, %dma_start3A_1843] : memref<1638400x16xf32, #tpu.memory_space<hbm>> -> memref<1600x16xf32, #tpu.memory_space<hbm>>
    %dma_start3A_1845 = tpu.memref_slice %arg9[%dma_start3A_1838] : memref<3x!tpu.dma_semaphore, #tpu.memory_space<semaphore_mem>> -> memref<1x!tpu.dma_semaphore, #tpu.memory_space<semaphore_mem>>
    %dma_start3A_1846 = tpu.memref_squeeze %dma_start3A_1845 : memref<1x!tpu.dma_semaphore, #tpu.memory_space<semaphore_mem>> -> memref<!tpu.dma_semaphore, #tpu.memory_space<semaphore_mem>>
    %dma_start3A_1847 = arith.constant 0 : i32
    %dma_start3A_1848 = tpu.memref_slice %arg4[%mul3A_1836, %dma_start3A_1847] : memref<1638400x16xf32, #tpu.memory_space<hbm>> -> memref<1600x16xf32, #tpu.memory_space<hbm>>
    %dma_start3A_1849 = arith.constant 0 : i32
    %dma_start3A_1850 = arith.constant 0 : i32
    %dma_start3A_1851 = tpu.memref_slice %arg7[%dma_start3A_1837, %dma_start3A_1849, %dma_start3A_1850] : memref<3x1600x16xf32, #tpu.memory_space<vmem>> -> memref<1x1600x16xf32, #tpu.memory_space<vmem>>
    %dma_start3A_1852 = tpu.memref_squeeze %dma_start3A_1851 : memref<1x1600x16xf32, #tpu.memory_space<vmem>> -> memref<1600x16xf32, #tpu.memory_space<vmem>>
    tpu.enqueue_dma source(%dma_start3A_1852 : memref<1600x16xf32, #tpu.memory_space<vmem>>) target(%dma_start3A_1848 : memref<1600x16xf32, #tpu.memory_space<hbm>>) target_semaphore(%dma_start3A_1846 : memref<!tpu.dma_semaphore, #tpu.memory_space<semaphore_mem>>)
    %dma_wait3A_1853 = arith.constant 0 : i32
    %dma_wait3A_1854 = arith.constant 0 : i32
    %dma_wait3A_1855 = arith.constant 0 : i32
    %dma_wait3A_1856 = arith.constant 0 : i32
    %dma_wait3A_1857 = tpu.memref_slice %arg7[%dma_wait3A_1853, %dma_wait3A_1855, %dma_wait3A_1856] : memref<3x1600x16xf32, #tpu.memory_space<vmem>> -> memref<1x1600x16xf32, #tpu.memory_space<vmem>>
    %dma_wait3A_1858 = tpu.memref_squeeze %dma_wait3A_1857 : memref<1x1600x16xf32, #tpu.memory_space<vmem>> -> memref<1600x16xf32, #tpu.memory_space<vmem>>
    %dma_wait3A_1859 = arith.constant 0 : i32
    %dma_wait3A_1860 = tpu.memref_slice %arg4[%mul3A_1836, %dma_wait3A_1859] : memref<1638400x16xf32, #tpu.memory_space<hbm>> -> memref<1600x16xf32, #tpu.memory_space<hbm>>
    %dma_wait3A_1861 = tpu.memref_slice %arg9[%dma_wait3A_1854] : memref<3x!tpu.dma_semaphore, #tpu.memory_space<semaphore_mem>> -> memref<1x!tpu.dma_semaphore, #tpu.memory_space<semaphore_mem>>
    %dma_wait3A_1862 = tpu.memref_squeeze %dma_wait3A_1861 : memref<1x!tpu.dma_semaphore, #tpu.memory_space<semaphore_mem>> -> memref<!tpu.dma_semaphore, #tpu.memory_space<semaphore_mem>>
    %dma_wait3A_1863 = arith.constant 0 : i32
    %dma_wait3A_1864 = tpu.memref_slice %arg4[%mul3A_1836, %dma_wait3A_1863] : memref<1638400x16xf32, #tpu.memory_space<hbm>> -> memref<1600x16xf32, #tpu.memory_space<hbm>>
    %dma_wait3A_1865 = arith.constant 0 : i32
    %dma_wait3A_1866 = arith.constant 0 : i32
    %dma_wait3A_1867 = tpu.memref_slice %arg7[%dma_wait3A_1853, %dma_wait3A_1865, %dma_wait3A_1866] : memref<3x1600x16xf32, #tpu.memory_space<vmem>> -> memref<1x1600x16xf32, #tpu.memory_space<vmem>>
    %dma_wait3A_1868 = tpu.memref_squeeze %dma_wait3A_1867 : memref<1x1600x16xf32, #tpu.memory_space<vmem>> -> memref<1600x16xf32, #tpu.memory_space<vmem>>
    tpu.wait_dma2 semaphore(%dma_wait3A_1862 : memref<!tpu.dma_semaphore, #tpu.memory_space<semaphore_mem>>) src(%dma_wait3A_1868 : memref<1600x16xf32, #tpu.memory_space<vmem>>) dst(%dma_wait3A_1864 : memref<1600x16xf32, #tpu.memory_space<hbm>>)
    %scan3A_1869 = arith.constant 0 : i32
    %scan3A_1870 = arith.constant 0 : i32
    %scan3A_1871 = arith.constant 0 : i32
    %scan3A_1872 = arith.constant 50 : i32
    %scan3A_1873 = arith.addi %scan3A_1871, %scan3A_1872 : i32
    %scan3A_1874 = arith.constant 1 : i32
    scf.for %scan3A_2336 = %scan3A_1871 to %scan3A_1873 step %scan3A_1874  : i32 {
      %mul3A_2337 = arith.constant 16 : i32
      %mul3A_2338 = arith.muli %scan3A_2336, %mul3A_2337 : i32
      %add3A_2339 = arith.constant 21600 : i32
      %add3A_2340 = arith.addi %add3A_2339, %mul3A_2338 : i32
      %get3A = arith.index_cast %add3A_2340 : i32 to index
      %get3A_2341 = tpu.vector_load %arg5[%get3A] {strides = array<i32>} : memref<25600xi32, #tpu.memory_space<vmem>>, vector<16xi32>,
      %mul3A_2342 = arith.constant 2 : i32
      %mul3A_2343 = vector.broadcast %mul3A_2342 : i32 to vector<16xi32>
      %mul3A_2344 = arith.muli %get3A_2341, %mul3A_2343 : vector<16xi32>
      %mul3A_2345 = arith.constant 16 : i32
      %mul3A_2346 = arith.muli %scan3A_2336, %mul3A_2345 : i32
      %add3A_2347 = vector.broadcast %mul3A_2346 : i32 to vector<16xi32>
      %add3A_2348 = arith.addi %add3A_2347, %iota3A : vector<16xi32>
      %mul3A_2349 = arith.constant 2 : i32
      %mul3A_2350 = vector.broadcast %mul3A_2349 : i32 to vector<16xi32>
      %mul3A_2351 = arith.muli %add3A_2348, %mul3A_2350 : vector<16xi32>
      %scatter3A = arith.constant 0 : i32
      %scatter3A_2352 = tpu.memref_slice %arg6[%scan3A_1870, %scatter3A] : memref<3x1600xi32, #tpu.memory_space<vmem>> -> memref<1x1600xi32, #tpu.memory_space<vmem>>
      %scatter3A_2353 = tpu.memref_squeeze %scatter3A_2352 : memref<1x1600xi32, #tpu.memory_space<vmem>> -> memref<1600xi32, #tpu.memory_space<vmem>>
      tpu.vector_store_idx %scatter3A_2353[%mul3A_2351], %mul3A_2344 : memref<1600xi32, #tpu.memory_space<vmem>>[vector<16xi32>], vector<16xi32>,
      %add3A_2354 = arith.constant 1 : i32
      %add3A_2355 = vector.broadcast %add3A_2354 : i32 to vector<16xi32>
      %add3A_2356 = arith.addi %mul3A_2351, %add3A_2355 : vector<16xi32>
      %add3A_2357 = arith.constant 1 : i32
      %add3A_2358 = vector.broadcast %add3A_2357 : i32 to vector<16xi32>
      %add3A_2359 = arith.addi %mul3A_2344, %add3A_2358 : vector<16xi32>
      %scatter3A_2360 = arith.constant 0 : i32
      %scatter3A_2361 = tpu.memref_slice %arg6[%scan3A_1870, %scatter3A_2360] : memref<3x1600xi32, #tpu.memory_space<vmem>> -> memref<1x1600xi32, #tpu.memory_space<vmem>>
      %scatter3A_2362 = tpu.memref_squeeze %scatter3A_2361 : memref<1x1600xi32, #tpu.memory_space<vmem>> -> memref<1600xi32, #tpu.memory_space<vmem>>
      tpu.vector_store_idx %scatter3A_2362[%add3A_2356], %add3A_2359 : memref<1600xi32, #tpu.memory_space<vmem>>[vector<16xi32>], vector<16xi32>,
    }
    %scan3A_1875 = arith.constant 50 : i32
    %dma_start3A_1876 = arith.constant 0 : i32
    %dma_start3A_1877 = arith.constant 0 : i32
    %dma_start3A_1878 = arith.constant 0 : i32
    %dma_start3A_1879 = arith.constant 0 : i32
    %dma_start3A_1880 = arith.constant 0 : i32
    %dma_start3A_1881 = tpu.memref_slice %arg7[%dma_start3A_1877, %dma_start3A_1879, %dma_start3A_1880] : memref<3x1600x16xf32, #tpu.memory_space<vmem>> -> memref<1x1600x16xf32, #tpu.memory_space<vmem>>
    %dma_start3A_1882 = tpu.memref_squeeze %dma_start3A_1881 : memref<1x1600x16xf32, #tpu.memory_space<vmem>> -> memref<1600x16xf32, #tpu.memory_space<vmem>>
    %dma_start3A_1883 = arith.constant 0 : i32
    %dma_start3A_1884 = tpu.memref_slice %arg6[%dma_start3A_1876, %dma_start3A_1883] : memref<3x1600xi32, #tpu.memory_space<vmem>> -> memref<1x1600xi32, #tpu.memory_space<vmem>>
    %dma_start3A_1885 = tpu.memref_squeeze %dma_start3A_1884 : memref<1x1600xi32, #tpu.memory_space<vmem>> -> memref<1600xi32, #tpu.memory_space<vmem>>
    %dma_start3A_1886 = arith.constant 0 : i32
    %dma_start3A_1887 = arith.constant 0 : i32
    %dma_start3A_1888 = tpu.memref_slice %arg3[%dma_start3A_1886, %dma_start3A_1887] : memref<2000000x16xf32, #tpu.memory_space<hbm>> -> memref<2000000x16xf32, #tpu.memory_space<hbm>>
    %dma_start3A_1889 = tpu.memref_slice %arg8[%dma_start3A_1878] : memref<3x!tpu.dma_semaphore, #tpu.memory_space<semaphore_mem>> -> memref<1x!tpu.dma_semaphore, #tpu.memory_space<semaphore_mem>>
    %dma_start3A_1890 = tpu.memref_squeeze %dma_start3A_1889 : memref<1x!tpu.dma_semaphore, #tpu.memory_space<semaphore_mem>> -> memref<!tpu.dma_semaphore, #tpu.memory_space<semaphore_mem>>
    tpu.enqueue_indirect_dma source(%dma_start3A_1888 : memref<2000000x16xf32, #tpu.memory_space<hbm>>) target(%dma_start3A_1882 : memref<1600x16xf32, #tpu.memory_space<vmem>>) offsets(%dma_start3A_1885 : memref<1600xi32, #tpu.memory_space<vmem>>) semaphore(%dma_start3A_1890 : memref<!tpu.dma_semaphore, #tpu.memory_space<semaphore_mem>>)
    %dma_wait3A_1891 = arith.constant 1 : i32
    %dma_wait3A_1892 = arith.constant 1 : i32
    %dma_wait3A_1893 = arith.constant 1 : i32
    %dma_wait3A_1894 = arith.constant 0 : i32
    %dma_wait3A_1895 = arith.constant 0 : i32
    %dma_wait3A_1896 = tpu.memref_slice %arg7[%dma_wait3A_1892, %dma_wait3A_1894, %dma_wait3A_1895] : memref<3x1600x16xf32, #tpu.memory_space<vmem>> -> memref<1x1600x16xf32, #tpu.memory_space<vmem>>
    %dma_wait3A_1897 = tpu.memref_squeeze %dma_wait3A_1896 : memref<1x1600x16xf32, #tpu.memory_space<vmem>> -> memref<1600x16xf32, #tpu.memory_space<vmem>>
    %dma_wait3A_1898 = arith.constant 0 : i32
    %dma_wait3A_1899 = tpu.memref_slice %arg6[%dma_wait3A_1891, %dma_wait3A_1898] : memref<3x1600xi32, #tpu.memory_space<vmem>> -> memref<1x1600xi32, #tpu.memory_space<vmem>>
    %dma_wait3A_1900 = tpu.memref_squeeze %dma_wait3A_1899 : memref<1x1600xi32, #tpu.memory_space<vmem>> -> memref<1600xi32, #tpu.memory_space<vmem>>
    %dma_wait3A_1901 = arith.constant 0 : i32
    %dma_wait3A_1902 = arith.constant 0 : i32
    %dma_wait3A_1903 = tpu.memref_slice %arg3[%dma_wait3A_1901, %dma_wait3A_1902] : memref<2000000x16xf32, #tpu.memory_space<hbm>> -> memref<2000000x16xf32, #tpu.memory_space<hbm>>
    %dma_wait3A_1904 = tpu.memref_slice %arg8[%dma_wait3A_1893] : memref<3x!tpu.dma_semaphore, #tpu.memory_space<semaphore_mem>> -> memref<1x!tpu.dma_semaphore, #tpu.memory_space<semaphore_mem>>
    %dma_wait3A_1905 = tpu.memref_squeeze %dma_wait3A_1904 : memref<1x!tpu.dma_semaphore, #tpu.memory_space<semaphore_mem>> -> memref<!tpu.dma_semaphore, #tpu.memory_space<semaphore_mem>>
    tpu.wait_indirect_dma semaphore(%dma_wait3A_1905 : memref<!tpu.dma_semaphore, #tpu.memory_space<semaphore_mem>>) src(%dma_wait3A_1903 : memref<2000000x16xf32, #tpu.memory_space<hbm>>) dst(%dma_wait3A_1897 : memref<1600x16xf32, #tpu.memory_space<vmem>>)
    %add3A_1906 = arith.constant 20000 : i32
    %add3A_1907 = arith.addi %mul3A_2, %add3A_1906 : i32
    %mul3A_1908 = arith.constant 2 : i32
    %mul3A_1909 = arith.muli %add3A_1907, %mul3A_1908 : i32
    %dma_start3A_1910 = arith.constant 1 : i32
    %dma_start3A_1911 = arith.constant 1 : i32
    %dma_start3A_1912 = arith.constant 0 : i32
    %dma_start3A_1913 = arith.constant 0 : i32
    %dma_start3A_1914 = tpu.memref_slice %arg7[%dma_start3A_1910, %dma_start3A_1912, %dma_start3A_1913] : memref<3x1600x16xf32, #tpu.memory_space<vmem>> -> memref<1x1600x16xf32, #tpu.memory_space<vmem>>
    %dma_start3A_1915 = tpu.memref_squeeze %dma_start3A_1914 : memref<1x1600x16xf32, #tpu.memory_space<vmem>> -> memref<1600x16xf32, #tpu.memory_space<vmem>>
    %dma_start3A_1916 = arith.constant 0 : i32
    %dma_start3A_1917 = tpu.memref_slice %arg4[%mul3A_1909, %dma_start3A_1916] : memref<1638400x16xf32, #tpu.memory_space<hbm>> -> memref<1600x16xf32, #tpu.memory_space<hbm>>
    %dma_start3A_1918 = tpu.memref_slice %arg9[%dma_start3A_1911] : memref<3x!tpu.dma_semaphore, #tpu.memory_space<semaphore_mem>> -> memref<1x!tpu.dma_semaphore, #tpu.memory_space<semaphore_mem>>
    %dma_start3A_1919 = tpu.memref_squeeze %dma_start3A_1918 : memref<1x!tpu.dma_semaphore, #tpu.memory_space<semaphore_mem>> -> memref<!tpu.dma_semaphore, #tpu.memory_space<semaphore_mem>>
    %dma_start3A_1920 = arith.constant 0 : i32
    %dma_start3A_1921 = tpu.memref_slice %arg4[%mul3A_1909, %dma_start3A_1920] : memref<1638400x16xf32, #tpu.memory_space<hbm>> -> memref<1600x16xf32, #tpu.memory_space<hbm>>
    %dma_start3A_1922 = arith.constant 0 : i32
    %dma_start3A_1923 = arith.constant 0 : i32
    %dma_start3A_1924 = tpu.memref_slice %arg7[%dma_start3A_1910, %dma_start3A_1922, %dma_start3A_1923] : memref<3x1600x16xf32, #tpu.memory_space<vmem>> -> memref<1x1600x16xf32, #tpu.memory_space<vmem>>
    %dma_start3A_1925 = tpu.memref_squeeze %dma_start3A_1924 : memref<1x1600x16xf32, #tpu.memory_space<vmem>> -> memref<1600x16xf32, #tpu.memory_space<vmem>>
    tpu.enqueue_dma source(%dma_start3A_1925 : memref<1600x16xf32, #tpu.memory_space<vmem>>) target(%dma_start3A_1921 : memref<1600x16xf32, #tpu.memory_space<hbm>>) target_semaphore(%dma_start3A_1919 : memref<!tpu.dma_semaphore, #tpu.memory_space<semaphore_mem>>)
    %dma_wait3A_1926 = arith.constant 1 : i32
    %dma_wait3A_1927 = arith.constant 1 : i32
    %dma_wait3A_1928 = arith.constant 0 : i32
    %dma_wait3A_1929 = arith.constant 0 : i32
    %dma_wait3A_1930 = tpu.memref_slice %arg7[%dma_wait3A_1926, %dma_wait3A_1928, %dma_wait3A_1929] : memref<3x1600x16xf32, #tpu.memory_space<vmem>> -> memref<1x1600x16xf32, #tpu.memory_space<vmem>>
    %dma_wait3A_1931 = tpu.memref_squeeze %dma_wait3A_1930 : memref<1x1600x16xf32, #tpu.memory_space<vmem>> -> memref<1600x16xf32, #tpu.memory_space<vmem>>
    %dma_wait3A_1932 = arith.constant 0 : i32
    %dma_wait3A_1933 = tpu.memref_slice %arg4[%mul3A_1909, %dma_wait3A_1932] : memref<1638400x16xf32, #tpu.memory_space<hbm>> -> memref<1600x16xf32, #tpu.memory_space<hbm>>
    %dma_wait3A_1934 = tpu.memref_slice %arg9[%dma_wait3A_1927] : memref<3x!tpu.dma_semaphore, #tpu.memory_space<semaphore_mem>> -> memref<1x!tpu.dma_semaphore, #tpu.memory_space<semaphore_mem>>
    %dma_wait3A_1935 = tpu.memref_squeeze %dma_wait3A_1934 : memref<1x!tpu.dma_semaphore, #tpu.memory_space<semaphore_mem>> -> memref<!tpu.dma_semaphore, #tpu.memory_space<semaphore_mem>>
    %dma_wait3A_1936 = arith.constant 0 : i32
    %dma_wait3A_1937 = tpu.memref_slice %arg4[%mul3A_1909, %dma_wait3A_1936] : memref<1638400x16xf32, #tpu.memory_space<hbm>> -> memref<1600x16xf32, #tpu.memory_space<hbm>>
    %dma_wait3A_1938 = arith.constant 0 : i32
    %dma_wait3A_1939 = arith.constant 0 : i32
    %dma_wait3A_1940 = tpu.memref_slice %arg7[%dma_wait3A_1926, %dma_wait3A_1938, %dma_wait3A_1939] : memref<3x1600x16xf32, #tpu.memory_space<vmem>> -> memref<1x1600x16xf32, #tpu.memory_space<vmem>>
    %dma_wait3A_1941 = tpu.memref_squeeze %dma_wait3A_1940 : memref<1x1600x16xf32, #tpu.memory_space<vmem>> -> memref<1600x16xf32, #tpu.memory_space<vmem>>
    tpu.wait_dma2 semaphore(%dma_wait3A_1935 : memref<!tpu.dma_semaphore, #tpu.memory_space<semaphore_mem>>) src(%dma_wait3A_1941 : memref<1600x16xf32, #tpu.memory_space<vmem>>) dst(%dma_wait3A_1937 : memref<1600x16xf32, #tpu.memory_space<hbm>>)
    %scan3A_1942 = arith.constant 0 : i32
    %scan3A_1943 = arith.constant 1 : i32
    %scan3A_1944 = arith.constant 0 : i32
    %scan3A_1945 = arith.constant 50 : i32
    %scan3A_1946 = arith.addi %scan3A_1944, %scan3A_1945 : i32
    %scan3A_1947 = arith.constant 1 : i32
    scf.for %scan3A_2336 = %scan3A_1944 to %scan3A_1946 step %scan3A_1947  : i32 {
      %mul3A_2337 = arith.constant 16 : i32
      %mul3A_2338 = arith.muli %scan3A_2336, %mul3A_2337 : i32
      %add3A_2339 = arith.constant 22400 : i32
      %add3A_2340 = arith.addi %add3A_2339, %mul3A_2338 : i32
      %get3A = arith.index_cast %add3A_2340 : i32 to index
      %get3A_2341 = tpu.vector_load %arg5[%get3A] {strides = array<i32>} : memref<25600xi32, #tpu.memory_space<vmem>>, vector<16xi32>,
      %mul3A_2342 = arith.constant 2 : i32
      %mul3A_2343 = vector.broadcast %mul3A_2342 : i32 to vector<16xi32>
      %mul3A_2344 = arith.muli %get3A_2341, %mul3A_2343 : vector<16xi32>
      %mul3A_2345 = arith.constant 16 : i32
      %mul3A_2346 = arith.muli %scan3A_2336, %mul3A_2345 : i32
      %add3A_2347 = vector.broadcast %mul3A_2346 : i32 to vector<16xi32>
      %add3A_2348 = arith.addi %add3A_2347, %iota3A : vector<16xi32>
      %mul3A_2349 = arith.constant 2 : i32
      %mul3A_2350 = vector.broadcast %mul3A_2349 : i32 to vector<16xi32>
      %mul3A_2351 = arith.muli %add3A_2348, %mul3A_2350 : vector<16xi32>
      %scatter3A = arith.constant 0 : i32
      %scatter3A_2352 = tpu.memref_slice %arg6[%scan3A_1943, %scatter3A] : memref<3x1600xi32, #tpu.memory_space<vmem>> -> memref<1x1600xi32, #tpu.memory_space<vmem>>
      %scatter3A_2353 = tpu.memref_squeeze %scatter3A_2352 : memref<1x1600xi32, #tpu.memory_space<vmem>> -> memref<1600xi32, #tpu.memory_space<vmem>>
      tpu.vector_store_idx %scatter3A_2353[%mul3A_2351], %mul3A_2344 : memref<1600xi32, #tpu.memory_space<vmem>>[vector<16xi32>], vector<16xi32>,
      %add3A_2354 = arith.constant 1 : i32
      %add3A_2355 = vector.broadcast %add3A_2354 : i32 to vector<16xi32>
      %add3A_2356 = arith.addi %mul3A_2351, %add3A_2355 : vector<16xi32>
      %add3A_2357 = arith.constant 1 : i32
      %add3A_2358 = vector.broadcast %add3A_2357 : i32 to vector<16xi32>
      %add3A_2359 = arith.addi %mul3A_2344, %add3A_2358 : vector<16xi32>
      %scatter3A_2360 = arith.constant 0 : i32
      %scatter3A_2361 = tpu.memref_slice %arg6[%scan3A_1943, %scatter3A_2360] : memref<3x1600xi32, #tpu.memory_space<vmem>> -> memref<1x1600xi32, #tpu.memory_space<vmem>>
      %scatter3A_2362 = tpu.memref_squeeze %scatter3A_2361 : memref<1x1600xi32, #tpu.memory_space<vmem>> -> memref<1600xi32, #tpu.memory_space<vmem>>
      tpu.vector_store_idx %scatter3A_2362[%add3A_2356], %add3A_2359 : memref<1600xi32, #tpu.memory_space<vmem>>[vector<16xi32>], vector<16xi32>,
    }
    %scan3A_1948 = arith.constant 50 : i32
    %dma_start3A_1949 = arith.constant 1 : i32
    %dma_start3A_1950 = arith.constant 1 : i32
    %dma_start3A_1951 = arith.constant 1 : i32
    %dma_start3A_1952 = arith.constant 0 : i32
    %dma_start3A_1953 = arith.constant 0 : i32
    %dma_start3A_1954 = tpu.memref_slice %arg7[%dma_start3A_1950, %dma_start3A_1952, %dma_start3A_1953] : memref<3x1600x16xf32, #tpu.memory_space<vmem>> -> memref<1x1600x16xf32, #tpu.memory_space<vmem>>
    %dma_start3A_1955 = tpu.memref_squeeze %dma_start3A_1954 : memref<1x1600x16xf32, #tpu.memory_space<vmem>> -> memref<1600x16xf32, #tpu.memory_space<vmem>>
    %dma_start3A_1956 = arith.constant 0 : i32
    %dma_start3A_1957 = tpu.memref_slice %arg6[%dma_start3A_1949, %dma_start3A_1956] : memref<3x1600xi32, #tpu.memory_space<vmem>> -> memref<1x1600xi32, #tpu.memory_space<vmem>>
    %dma_start3A_1958 = tpu.memref_squeeze %dma_start3A_1957 : memref<1x1600xi32, #tpu.memory_space<vmem>> -> memref<1600xi32, #tpu.memory_space<vmem>>
    %dma_start3A_1959 = arith.constant 0 : i32
    %dma_start3A_1960 = arith.constant 0 : i32
    %dma_start3A_1961 = tpu.memref_slice %arg3[%dma_start3A_1959, %dma_start3A_1960] : memref<2000000x16xf32, #tpu.memory_space<hbm>> -> memref<2000000x16xf32, #tpu.memory_space<hbm>>
    %dma_start3A_1962 = tpu.memref_slice %arg8[%dma_start3A_1951] : memref<3x!tpu.dma_semaphore, #tpu.memory_space<semaphore_mem>> -> memref<1x!tpu.dma_semaphore, #tpu.memory_space<semaphore_mem>>
    %dma_start3A_1963 = tpu.memref_squeeze %dma_start3A_1962 : memref<1x!tpu.dma_semaphore, #tpu.memory_space<semaphore_mem>> -> memref<!tpu.dma_semaphore, #tpu.memory_space<semaphore_mem>>
    tpu.enqueue_indirect_dma source(%dma_start3A_1961 : memref<2000000x16xf32, #tpu.memory_space<hbm>>) target(%dma_start3A_1955 : memref<1600x16xf32, #tpu.memory_space<vmem>>) offsets(%dma_start3A_1958 : memref<1600xi32, #tpu.memory_space<vmem>>) semaphore(%dma_start3A_1963 : memref<!tpu.dma_semaphore, #tpu.memory_space<semaphore_mem>>)
    %dma_wait3A_1964 = arith.constant 2 : i32
    %dma_wait3A_1965 = arith.constant 2 : i32
    %dma_wait3A_1966 = arith.constant 2 : i32
    %dma_wait3A_1967 = arith.constant 0 : i32
    %dma_wait3A_1968 = arith.constant 0 : i32
    %dma_wait3A_1969 = tpu.memref_slice %arg7[%dma_wait3A_1965, %dma_wait3A_1967, %dma_wait3A_1968] : memref<3x1600x16xf32, #tpu.memory_space<vmem>> -> memref<1x1600x16xf32, #tpu.memory_space<vmem>>
    %dma_wait3A_1970 = tpu.memref_squeeze %dma_wait3A_1969 : memref<1x1600x16xf32, #tpu.memory_space<vmem>> -> memref<1600x16xf32, #tpu.memory_space<vmem>>
    %dma_wait3A_1971 = arith.constant 0 : i32
    %dma_wait3A_1972 = tpu.memref_slice %arg6[%dma_wait3A_1964, %dma_wait3A_1971] : memref<3x1600xi32, #tpu.memory_space<vmem>> -> memref<1x1600xi32, #tpu.memory_space<vmem>>
    %dma_wait3A_1973 = tpu.memref_squeeze %dma_wait3A_1972 : memref<1x1600xi32, #tpu.memory_space<vmem>> -> memref<1600xi32, #tpu.memory_space<vmem>>
    %dma_wait3A_1974 = arith.constant 0 : i32
    %dma_wait3A_1975 = arith.constant 0 : i32
    %dma_wait3A_1976 = tpu.memref_slice %arg3[%dma_wait3A_1974, %dma_wait3A_1975] : memref<2000000x16xf32, #tpu.memory_space<hbm>> -> memref<2000000x16xf32, #tpu.memory_space<hbm>>
    %dma_wait3A_1977 = tpu.memref_slice %arg8[%dma_wait3A_1966] : memref<3x!tpu.dma_semaphore, #tpu.memory_space<semaphore_mem>> -> memref<1x!tpu.dma_semaphore, #tpu.memory_space<semaphore_mem>>
    %dma_wait3A_1978 = tpu.memref_squeeze %dma_wait3A_1977 : memref<1x!tpu.dma_semaphore, #tpu.memory_space<semaphore_mem>> -> memref<!tpu.dma_semaphore, #tpu.memory_space<semaphore_mem>>
    tpu.wait_indirect_dma semaphore(%dma_wait3A_1978 : memref<!tpu.dma_semaphore, #tpu.memory_space<semaphore_mem>>) src(%dma_wait3A_1976 : memref<2000000x16xf32, #tpu.memory_space<hbm>>) dst(%dma_wait3A_1970 : memref<1600x16xf32, #tpu.memory_space<vmem>>)
    %add3A_1979 = arith.constant 20800 : i32
    %add3A_1980 = arith.addi %mul3A_2, %add3A_1979 : i32
    %mul3A_1981 = arith.constant 2 : i32
    %mul3A_1982 = arith.muli %add3A_1980, %mul3A_1981 : i32
    %dma_start3A_1983 = arith.constant 2 : i32
    %dma_start3A_1984 = arith.constant 2 : i32
    %dma_start3A_1985 = arith.constant 0 : i32
    %dma_start3A_1986 = arith.constant 0 : i32
    %dma_start3A_1987 = tpu.memref_slice %arg7[%dma_start3A_1983, %dma_start3A_1985, %dma_start3A_1986] : memref<3x1600x16xf32, #tpu.memory_space<vmem>> -> memref<1x1600x16xf32, #tpu.memory_space<vmem>>
    %dma_start3A_1988 = tpu.memref_squeeze %dma_start3A_1987 : memref<1x1600x16xf32, #tpu.memory_space<vmem>> -> memref<1600x16xf32, #tpu.memory_space<vmem>>
    %dma_start3A_1989 = arith.constant 0 : i32
    %dma_start3A_1990 = tpu.memref_slice %arg4[%mul3A_1982, %dma_start3A_1989] : memref<1638400x16xf32, #tpu.memory_space<hbm>> -> memref<1600x16xf32, #tpu.memory_space<hbm>>
    %dma_start3A_1991 = tpu.memref_slice %arg9[%dma_start3A_1984] : memref<3x!tpu.dma_semaphore, #tpu.memory_space<semaphore_mem>> -> memref<1x!tpu.dma_semaphore, #tpu.memory_space<semaphore_mem>>
    %dma_start3A_1992 = tpu.memref_squeeze %dma_start3A_1991 : memref<1x!tpu.dma_semaphore, #tpu.memory_space<semaphore_mem>> -> memref<!tpu.dma_semaphore, #tpu.memory_space<semaphore_mem>>
    %dma_start3A_1993 = arith.constant 0 : i32
    %dma_start3A_1994 = tpu.memref_slice %arg4[%mul3A_1982, %dma_start3A_1993] : memref<1638400x16xf32, #tpu.memory_space<hbm>> -> memref<1600x16xf32, #tpu.memory_space<hbm>>
    %dma_start3A_1995 = arith.constant 0 : i32
    %dma_start3A_1996 = arith.constant 0 : i32
    %dma_start3A_1997 = tpu.memref_slice %arg7[%dma_start3A_1983, %dma_start3A_1995, %dma_start3A_1996] : memref<3x1600x16xf32, #tpu.memory_space<vmem>> -> memref<1x1600x16xf32, #tpu.memory_space<vmem>>
    %dma_start3A_1998 = tpu.memref_squeeze %dma_start3A_1997 : memref<1x1600x16xf32, #tpu.memory_space<vmem>> -> memref<1600x16xf32, #tpu.memory_space<vmem>>
    tpu.enqueue_dma source(%dma_start3A_1998 : memref<1600x16xf32, #tpu.memory_space<vmem>>) target(%dma_start3A_1994 : memref<1600x16xf32, #tpu.memory_space<hbm>>) target_semaphore(%dma_start3A_1992 : memref<!tpu.dma_semaphore, #tpu.memory_space<semaphore_mem>>)
    %dma_wait3A_1999 = arith.constant 2 : i32
    %dma_wait3A_2000 = arith.constant 2 : i32
    %dma_wait3A_2001 = arith.constant 0 : i32
    %dma_wait3A_2002 = arith.constant 0 : i32
    %dma_wait3A_2003 = tpu.memref_slice %arg7[%dma_wait3A_1999, %dma_wait3A_2001, %dma_wait3A_2002] : memref<3x1600x16xf32, #tpu.memory_space<vmem>> -> memref<1x1600x16xf32, #tpu.memory_space<vmem>>
    %dma_wait3A_2004 = tpu.memref_squeeze %dma_wait3A_2003 : memref<1x1600x16xf32, #tpu.memory_space<vmem>> -> memref<1600x16xf32, #tpu.memory_space<vmem>>
    %dma_wait3A_2005 = arith.constant 0 : i32
    %dma_wait3A_2006 = tpu.memref_slice %arg4[%mul3A_1982, %dma_wait3A_2005] : memref<1638400x16xf32, #tpu.memory_space<hbm>> -> memref<1600x16xf32, #tpu.memory_space<hbm>>
    %dma_wait3A_2007 = tpu.memref_slice %arg9[%dma_wait3A_2000] : memref<3x!tpu.dma_semaphore, #tpu.memory_space<semaphore_mem>> -> memref<1x!tpu.dma_semaphore, #tpu.memory_space<semaphore_mem>>
    %dma_wait3A_2008 = tpu.memref_squeeze %dma_wait3A_2007 : memref<1x!tpu.dma_semaphore, #tpu.memory_space<semaphore_mem>> -> memref<!tpu.dma_semaphore, #tpu.memory_space<semaphore_mem>>
    %dma_wait3A_2009 = arith.constant 0 : i32
    %dma_wait3A_2010 = tpu.memref_slice %arg4[%mul3A_1982, %dma_wait3A_2009] : memref<1638400x16xf32, #tpu.memory_space<hbm>> -> memref<1600x16xf32, #tpu.memory_space<hbm>>
    %dma_wait3A_2011 = arith.constant 0 : i32
    %dma_wait3A_2012 = arith.constant 0 : i32
    %dma_wait3A_2013 = tpu.memref_slice %arg7[%dma_wait3A_1999, %dma_wait3A_2011, %dma_wait3A_2012] : memref<3x1600x16xf32, #tpu.memory_space<vmem>> -> memref<1x1600x16xf32, #tpu.memory_space<vmem>>
    %dma_wait3A_2014 = tpu.memref_squeeze %dma_wait3A_2013 : memref<1x1600x16xf32, #tpu.memory_space<vmem>> -> memref<1600x16xf32, #tpu.memory_space<vmem>>
    tpu.wait_dma2 semaphore(%dma_wait3A_2008 : memref<!tpu.dma_semaphore, #tpu.memory_space<semaphore_mem>>) src(%dma_wait3A_2014 : memref<1600x16xf32, #tpu.memory_space<vmem>>) dst(%dma_wait3A_2010 : memref<1600x16xf32, #tpu.memory_space<hbm>>)
    %scan3A_2015 = arith.constant 0 : i32
    %scan3A_2016 = arith.constant 2 : i32
    %scan3A_2017 = arith.constant 0 : i32
    %scan3A_2018 = arith.constant 50 : i32
    %scan3A_2019 = arith.addi %scan3A_2017, %scan3A_2018 : i32
    %scan3A_2020 = arith.constant 1 : i32
    scf.for %scan3A_2336 = %scan3A_2017 to %scan3A_2019 step %scan3A_2020  : i32 {
      %mul3A_2337 = arith.constant 16 : i32
      %mul3A_2338 = arith.muli %scan3A_2336, %mul3A_2337 : i32
      %add3A_2339 = arith.constant 23200 : i32
      %add3A_2340 = arith.addi %add3A_2339, %mul3A_2338 : i32
      %get3A = arith.index_cast %add3A_2340 : i32 to index
      %get3A_2341 = tpu.vector_load %arg5[%get3A] {strides = array<i32>} : memref<25600xi32, #tpu.memory_space<vmem>>, vector<16xi32>,
      %mul3A_2342 = arith.constant 2 : i32
      %mul3A_2343 = vector.broadcast %mul3A_2342 : i32 to vector<16xi32>
      %mul3A_2344 = arith.muli %get3A_2341, %mul3A_2343 : vector<16xi32>
      %mul3A_2345 = arith.constant 16 : i32
      %mul3A_2346 = arith.muli %scan3A_2336, %mul3A_2345 : i32
      %add3A_2347 = vector.broadcast %mul3A_2346 : i32 to vector<16xi32>
      %add3A_2348 = arith.addi %add3A_2347, %iota3A : vector<16xi32>
      %mul3A_2349 = arith.constant 2 : i32
      %mul3A_2350 = vector.broadcast %mul3A_2349 : i32 to vector<16xi32>
      %mul3A_2351 = arith.muli %add3A_2348, %mul3A_2350 : vector<16xi32>
      %scatter3A = arith.constant 0 : i32
      %scatter3A_2352 = tpu.memref_slice %arg6[%scan3A_2016, %scatter3A] : memref<3x1600xi32, #tpu.memory_space<vmem>> -> memref<1x1600xi32, #tpu.memory_space<vmem>>
      %scatter3A_2353 = tpu.memref_squeeze %scatter3A_2352 : memref<1x1600xi32, #tpu.memory_space<vmem>> -> memref<1600xi32, #tpu.memory_space<vmem>>
      tpu.vector_store_idx %scatter3A_2353[%mul3A_2351], %mul3A_2344 : memref<1600xi32, #tpu.memory_space<vmem>>[vector<16xi32>], vector<16xi32>,
      %add3A_2354 = arith.constant 1 : i32
      %add3A_2355 = vector.broadcast %add3A_2354 : i32 to vector<16xi32>
      %add3A_2356 = arith.addi %mul3A_2351, %add3A_2355 : vector<16xi32>
      %add3A_2357 = arith.constant 1 : i32
      %add3A_2358 = vector.broadcast %add3A_2357 : i32 to vector<16xi32>
      %add3A_2359 = arith.addi %mul3A_2344, %add3A_2358 : vector<16xi32>
      %scatter3A_2360 = arith.constant 0 : i32
      %scatter3A_2361 = tpu.memref_slice %arg6[%scan3A_2016, %scatter3A_2360] : memref<3x1600xi32, #tpu.memory_space<vmem>> -> memref<1x1600xi32, #tpu.memory_space<vmem>>
      %scatter3A_2362 = tpu.memref_squeeze %scatter3A_2361 : memref<1x1600xi32, #tpu.memory_space<vmem>> -> memref<1600xi32, #tpu.memory_space<vmem>>
      tpu.vector_store_idx %scatter3A_2362[%add3A_2356], %add3A_2359 : memref<1600xi32, #tpu.memory_space<vmem>>[vector<16xi32>], vector<16xi32>,
    }
    %scan3A_2021 = arith.constant 50 : i32
    %dma_start3A_2022 = arith.constant 2 : i32
    %dma_start3A_2023 = arith.constant 2 : i32
    %dma_start3A_2024 = arith.constant 2 : i32
    %dma_start3A_2025 = arith.constant 0 : i32
    %dma_start3A_2026 = arith.constant 0 : i32
    %dma_start3A_2027 = tpu.memref_slice %arg7[%dma_start3A_2023, %dma_start3A_2025, %dma_start3A_2026] : memref<3x1600x16xf32, #tpu.memory_space<vmem>> -> memref<1x1600x16xf32, #tpu.memory_space<vmem>>
    %dma_start3A_2028 = tpu.memref_squeeze %dma_start3A_2027 : memref<1x1600x16xf32, #tpu.memory_space<vmem>> -> memref<1600x16xf32, #tpu.memory_space<vmem>>
    %dma_start3A_2029 = arith.constant 0 : i32
    %dma_start3A_2030 = tpu.memref_slice %arg6[%dma_start3A_2022, %dma_start3A_2029] : memref<3x1600xi32, #tpu.memory_space<vmem>> -> memref<1x1600xi32, #tpu.memory_space<vmem>>
    %dma_start3A_2031 = tpu.memref_squeeze %dma_start3A_2030 : memref<1x1600xi32, #tpu.memory_space<vmem>> -> memref<1600xi32, #tpu.memory_space<vmem>>
    %dma_start3A_2032 = arith.constant 0 : i32
    %dma_start3A_2033 = arith.constant 0 : i32
    %dma_start3A_2034 = tpu.memref_slice %arg3[%dma_start3A_2032, %dma_start3A_2033] : memref<2000000x16xf32, #tpu.memory_space<hbm>> -> memref<2000000x16xf32, #tpu.memory_space<hbm>>
    %dma_start3A_2035 = tpu.memref_slice %arg8[%dma_start3A_2024] : memref<3x!tpu.dma_semaphore, #tpu.memory_space<semaphore_mem>> -> memref<1x!tpu.dma_semaphore, #tpu.memory_space<semaphore_mem>>
    %dma_start3A_2036 = tpu.memref_squeeze %dma_start3A_2035 : memref<1x!tpu.dma_semaphore, #tpu.memory_space<semaphore_mem>> -> memref<!tpu.dma_semaphore, #tpu.memory_space<semaphore_mem>>
    tpu.enqueue_indirect_dma source(%dma_start3A_2034 : memref<2000000x16xf32, #tpu.memory_space<hbm>>) target(%dma_start3A_2028 : memref<1600x16xf32, #tpu.memory_space<vmem>>) offsets(%dma_start3A_2031 : memref<1600xi32, #tpu.memory_space<vmem>>) semaphore(%dma_start3A_2036 : memref<!tpu.dma_semaphore, #tpu.memory_space<semaphore_mem>>)
    %dma_wait3A_2037 = arith.constant 0 : i32
    %dma_wait3A_2038 = arith.constant 0 : i32
    %dma_wait3A_2039 = arith.constant 0 : i32
    %dma_wait3A_2040 = arith.constant 0 : i32
    %dma_wait3A_2041 = arith.constant 0 : i32
    %dma_wait3A_2042 = tpu.memref_slice %arg7[%dma_wait3A_2038, %dma_wait3A_2040, %dma_wait3A_2041] : memref<3x1600x16xf32, #tpu.memory_space<vmem>> -> memref<1x1600x16xf32, #tpu.memory_space<vmem>>
    %dma_wait3A_2043 = tpu.memref_squeeze %dma_wait3A_2042 : memref<1x1600x16xf32, #tpu.memory_space<vmem>> -> memref<1600x16xf32, #tpu.memory_space<vmem>>
    %dma_wait3A_2044 = arith.constant 0 : i32
    %dma_wait3A_2045 = tpu.memref_slice %arg6[%dma_wait3A_2037, %dma_wait3A_2044] : memref<3x1600xi32, #tpu.memory_space<vmem>> -> memref<1x1600xi32, #tpu.memory_space<vmem>>
    %dma_wait3A_2046 = tpu.memref_squeeze %dma_wait3A_2045 : memref<1x1600xi32, #tpu.memory_space<vmem>> -> memref<1600xi32, #tpu.memory_space<vmem>>
    %dma_wait3A_2047 = arith.constant 0 : i32
    %dma_wait3A_2048 = arith.constant 0 : i32
    %dma_wait3A_2049 = tpu.memref_slice %arg3[%dma_wait3A_2047, %dma_wait3A_2048] : memref<2000000x16xf32, #tpu.memory_space<hbm>> -> memref<2000000x16xf32, #tpu.memory_space<hbm>>
    %dma_wait3A_2050 = tpu.memref_slice %arg8[%dma_wait3A_2039] : memref<3x!tpu.dma_semaphore, #tpu.memory_space<semaphore_mem>> -> memref<1x!tpu.dma_semaphore, #tpu.memory_space<semaphore_mem>>
    %dma_wait3A_2051 = tpu.memref_squeeze %dma_wait3A_2050 : memref<1x!tpu.dma_semaphore, #tpu.memory_space<semaphore_mem>> -> memref<!tpu.dma_semaphore, #tpu.memory_space<semaphore_mem>>
    tpu.wait_indirect_dma semaphore(%dma_wait3A_2051 : memref<!tpu.dma_semaphore, #tpu.memory_space<semaphore_mem>>) src(%dma_wait3A_2049 : memref<2000000x16xf32, #tpu.memory_space<hbm>>) dst(%dma_wait3A_2043 : memref<1600x16xf32, #tpu.memory_space<vmem>>)
    %add3A_2052 = arith.constant 21600 : i32
    %add3A_2053 = arith.addi %mul3A_2, %add3A_2052 : i32
    %mul3A_2054 = arith.constant 2 : i32
    %mul3A_2055 = arith.muli %add3A_2053, %mul3A_2054 : i32
    %dma_start3A_2056 = arith.constant 0 : i32
    %dma_start3A_2057 = arith.constant 0 : i32
    %dma_start3A_2058 = arith.constant 0 : i32
    %dma_start3A_2059 = arith.constant 0 : i32
    %dma_start3A_2060 = tpu.memref_slice %arg7[%dma_start3A_2056, %dma_start3A_2058, %dma_start3A_2059] : memref<3x1600x16xf32, #tpu.memory_space<vmem>> -> memref<1x1600x16xf32, #tpu.memory_space<vmem>>
    %dma_start3A_2061 = tpu.memref_squeeze %dma_start3A_2060 : memref<1x1600x16xf32, #tpu.memory_space<vmem>> -> memref<1600x16xf32, #tpu.memory_space<vmem>>
    %dma_start3A_2062 = arith.constant 0 : i32
    %dma_start3A_2063 = tpu.memref_slice %arg4[%mul3A_2055, %dma_start3A_2062] : memref<1638400x16xf32, #tpu.memory_space<hbm>> -> memref<1600x16xf32, #tpu.memory_space<hbm>>
    %dma_start3A_2064 = tpu.memref_slice %arg9[%dma_start3A_2057] : memref<3x!tpu.dma_semaphore, #tpu.memory_space<semaphore_mem>> -> memref<1x!tpu.dma_semaphore, #tpu.memory_space<semaphore_mem>>
    %dma_start3A_2065 = tpu.memref_squeeze %dma_start3A_2064 : memref<1x!tpu.dma_semaphore, #tpu.memory_space<semaphore_mem>> -> memref<!tpu.dma_semaphore, #tpu.memory_space<semaphore_mem>>
    %dma_start3A_2066 = arith.constant 0 : i32
    %dma_start3A_2067 = tpu.memref_slice %arg4[%mul3A_2055, %dma_start3A_2066] : memref<1638400x16xf32, #tpu.memory_space<hbm>> -> memref<1600x16xf32, #tpu.memory_space<hbm>>
    %dma_start3A_2068 = arith.constant 0 : i32
    %dma_start3A_2069 = arith.constant 0 : i32
    %dma_start3A_2070 = tpu.memref_slice %arg7[%dma_start3A_2056, %dma_start3A_2068, %dma_start3A_2069] : memref<3x1600x16xf32, #tpu.memory_space<vmem>> -> memref<1x1600x16xf32, #tpu.memory_space<vmem>>
    %dma_start3A_2071 = tpu.memref_squeeze %dma_start3A_2070 : memref<1x1600x16xf32, #tpu.memory_space<vmem>> -> memref<1600x16xf32, #tpu.memory_space<vmem>>
    tpu.enqueue_dma source(%dma_start3A_2071 : memref<1600x16xf32, #tpu.memory_space<vmem>>) target(%dma_start3A_2067 : memref<1600x16xf32, #tpu.memory_space<hbm>>) target_semaphore(%dma_start3A_2065 : memref<!tpu.dma_semaphore, #tpu.memory_space<semaphore_mem>>)
    %dma_wait3A_2072 = arith.constant 0 : i32
    %dma_wait3A_2073 = arith.constant 0 : i32
    %dma_wait3A_2074 = arith.constant 0 : i32
    %dma_wait3A_2075 = arith.constant 0 : i32
    %dma_wait3A_2076 = tpu.memref_slice %arg7[%dma_wait3A_2072, %dma_wait3A_2074, %dma_wait3A_2075] : memref<3x1600x16xf32, #tpu.memory_space<vmem>> -> memref<1x1600x16xf32, #tpu.memory_space<vmem>>
    %dma_wait3A_2077 = tpu.memref_squeeze %dma_wait3A_2076 : memref<1x1600x16xf32, #tpu.memory_space<vmem>> -> memref<1600x16xf32, #tpu.memory_space<vmem>>
    %dma_wait3A_2078 = arith.constant 0 : i32
    %dma_wait3A_2079 = tpu.memref_slice %arg4[%mul3A_2055, %dma_wait3A_2078] : memref<1638400x16xf32, #tpu.memory_space<hbm>> -> memref<1600x16xf32, #tpu.memory_space<hbm>>
    %dma_wait3A_2080 = tpu.memref_slice %arg9[%dma_wait3A_2073] : memref<3x!tpu.dma_semaphore, #tpu.memory_space<semaphore_mem>> -> memref<1x!tpu.dma_semaphore, #tpu.memory_space<semaphore_mem>>
    %dma_wait3A_2081 = tpu.memref_squeeze %dma_wait3A_2080 : memref<1x!tpu.dma_semaphore, #tpu.memory_space<semaphore_mem>> -> memref<!tpu.dma_semaphore, #tpu.memory_space<semaphore_mem>>
    %dma_wait3A_2082 = arith.constant 0 : i32
    %dma_wait3A_2083 = tpu.memref_slice %arg4[%mul3A_2055, %dma_wait3A_2082] : memref<1638400x16xf32, #tpu.memory_space<hbm>> -> memref<1600x16xf32, #tpu.memory_space<hbm>>
    %dma_wait3A_2084 = arith.constant 0 : i32
    %dma_wait3A_2085 = arith.constant 0 : i32
    %dma_wait3A_2086 = tpu.memref_slice %arg7[%dma_wait3A_2072, %dma_wait3A_2084, %dma_wait3A_2085] : memref<3x1600x16xf32, #tpu.memory_space<vmem>> -> memref<1x1600x16xf32, #tpu.memory_space<vmem>>
    %dma_wait3A_2087 = tpu.memref_squeeze %dma_wait3A_2086 : memref<1x1600x16xf32, #tpu.memory_space<vmem>> -> memref<1600x16xf32, #tpu.memory_space<vmem>>
    tpu.wait_dma2 semaphore(%dma_wait3A_2081 : memref<!tpu.dma_semaphore, #tpu.memory_space<semaphore_mem>>) src(%dma_wait3A_2087 : memref<1600x16xf32, #tpu.memory_space<vmem>>) dst(%dma_wait3A_2083 : memref<1600x16xf32, #tpu.memory_space<hbm>>)
    %scan3A_2088 = arith.constant 0 : i32
    %scan3A_2089 = arith.constant 0 : i32
    %scan3A_2090 = arith.constant 0 : i32
    %scan3A_2091 = arith.constant 50 : i32
    %scan3A_2092 = arith.addi %scan3A_2090, %scan3A_2091 : i32
    %scan3A_2093 = arith.constant 1 : i32
    scf.for %scan3A_2336 = %scan3A_2090 to %scan3A_2092 step %scan3A_2093  : i32 {
      %mul3A_2337 = arith.constant 16 : i32
      %mul3A_2338 = arith.muli %scan3A_2336, %mul3A_2337 : i32
      %add3A_2339 = arith.constant 24000 : i32
      %add3A_2340 = arith.addi %add3A_2339, %mul3A_2338 : i32
      %get3A = arith.index_cast %add3A_2340 : i32 to index
      %get3A_2341 = tpu.vector_load %arg5[%get3A] {strides = array<i32>} : memref<25600xi32, #tpu.memory_space<vmem>>, vector<16xi32>,
      %mul3A_2342 = arith.constant 2 : i32
      %mul3A_2343 = vector.broadcast %mul3A_2342 : i32 to vector<16xi32>
      %mul3A_2344 = arith.muli %get3A_2341, %mul3A_2343 : vector<16xi32>
      %mul3A_2345 = arith.constant 16 : i32
      %mul3A_2346 = arith.muli %scan3A_2336, %mul3A_2345 : i32
      %add3A_2347 = vector.broadcast %mul3A_2346 : i32 to vector<16xi32>
      %add3A_2348 = arith.addi %add3A_2347, %iota3A : vector<16xi32>
      %mul3A_2349 = arith.constant 2 : i32
      %mul3A_2350 = vector.broadcast %mul3A_2349 : i32 to vector<16xi32>
      %mul3A_2351 = arith.muli %add3A_2348, %mul3A_2350 : vector<16xi32>
      %scatter3A = arith.constant 0 : i32
      %scatter3A_2352 = tpu.memref_slice %arg6[%scan3A_2089, %scatter3A] : memref<3x1600xi32, #tpu.memory_space<vmem>> -> memref<1x1600xi32, #tpu.memory_space<vmem>>
      %scatter3A_2353 = tpu.memref_squeeze %scatter3A_2352 : memref<1x1600xi32, #tpu.memory_space<vmem>> -> memref<1600xi32, #tpu.memory_space<vmem>>
      tpu.vector_store_idx %scatter3A_2353[%mul3A_2351], %mul3A_2344 : memref<1600xi32, #tpu.memory_space<vmem>>[vector<16xi32>], vector<16xi32>,
      %add3A_2354 = arith.constant 1 : i32
      %add3A_2355 = vector.broadcast %add3A_2354 : i32 to vector<16xi32>
      %add3A_2356 = arith.addi %mul3A_2351, %add3A_2355 : vector<16xi32>
      %add3A_2357 = arith.constant 1 : i32
      %add3A_2358 = vector.broadcast %add3A_2357 : i32 to vector<16xi32>
      %add3A_2359 = arith.addi %mul3A_2344, %add3A_2358 : vector<16xi32>
      %scatter3A_2360 = arith.constant 0 : i32
      %scatter3A_2361 = tpu.memref_slice %arg6[%scan3A_2089, %scatter3A_2360] : memref<3x1600xi32, #tpu.memory_space<vmem>> -> memref<1x1600xi32, #tpu.memory_space<vmem>>
      %scatter3A_2362 = tpu.memref_squeeze %scatter3A_2361 : memref<1x1600xi32, #tpu.memory_space<vmem>> -> memref<1600xi32, #tpu.memory_space<vmem>>
      tpu.vector_store_idx %scatter3A_2362[%add3A_2356], %add3A_2359 : memref<1600xi32, #tpu.memory_space<vmem>>[vector<16xi32>], vector<16xi32>,
    }
    %scan3A_2094 = arith.constant 50 : i32
    %dma_start3A_2095 = arith.constant 0 : i32
    %dma_start3A_2096 = arith.constant 0 : i32
    %dma_start3A_2097 = arith.constant 0 : i32
    %dma_start3A_2098 = arith.constant 0 : i32
    %dma_start3A_2099 = arith.constant 0 : i32
    %dma_start3A_2100 = tpu.memref_slice %arg7[%dma_start3A_2096, %dma_start3A_2098, %dma_start3A_2099] : memref<3x1600x16xf32, #tpu.memory_space<vmem>> -> memref<1x1600x16xf32, #tpu.memory_space<vmem>>
    %dma_start3A_2101 = tpu.memref_squeeze %dma_start3A_2100 : memref<1x1600x16xf32, #tpu.memory_space<vmem>> -> memref<1600x16xf32, #tpu.memory_space<vmem>>
    %dma_start3A_2102 = arith.constant 0 : i32
    %dma_start3A_2103 = tpu.memref_slice %arg6[%dma_start3A_2095, %dma_start3A_2102] : memref<3x1600xi32, #tpu.memory_space<vmem>> -> memref<1x1600xi32, #tpu.memory_space<vmem>>
    %dma_start3A_2104 = tpu.memref_squeeze %dma_start3A_2103 : memref<1x1600xi32, #tpu.memory_space<vmem>> -> memref<1600xi32, #tpu.memory_space<vmem>>
    %dma_start3A_2105 = arith.constant 0 : i32
    %dma_start3A_2106 = arith.constant 0 : i32
    %dma_start3A_2107 = tpu.memref_slice %arg3[%dma_start3A_2105, %dma_start3A_2106] : memref<2000000x16xf32, #tpu.memory_space<hbm>> -> memref<2000000x16xf32, #tpu.memory_space<hbm>>
    %dma_start3A_2108 = tpu.memref_slice %arg8[%dma_start3A_2097] : memref<3x!tpu.dma_semaphore, #tpu.memory_space<semaphore_mem>> -> memref<1x!tpu.dma_semaphore, #tpu.memory_space<semaphore_mem>>
    %dma_start3A_2109 = tpu.memref_squeeze %dma_start3A_2108 : memref<1x!tpu.dma_semaphore, #tpu.memory_space<semaphore_mem>> -> memref<!tpu.dma_semaphore, #tpu.memory_space<semaphore_mem>>
    tpu.enqueue_indirect_dma source(%dma_start3A_2107 : memref<2000000x16xf32, #tpu.memory_space<hbm>>) target(%dma_start3A_2101 : memref<1600x16xf32, #tpu.memory_space<vmem>>) offsets(%dma_start3A_2104 : memref<1600xi32, #tpu.memory_space<vmem>>) semaphore(%dma_start3A_2109 : memref<!tpu.dma_semaphore, #tpu.memory_space<semaphore_mem>>)
    %dma_wait3A_2110 = arith.constant 1 : i32
    %dma_wait3A_2111 = arith.constant 1 : i32
    %dma_wait3A_2112 = arith.constant 1 : i32
    %dma_wait3A_2113 = arith.constant 0 : i32
    %dma_wait3A_2114 = arith.constant 0 : i32
    %dma_wait3A_2115 = tpu.memref_slice %arg7[%dma_wait3A_2111, %dma_wait3A_2113, %dma_wait3A_2114] : memref<3x1600x16xf32, #tpu.memory_space<vmem>> -> memref<1x1600x16xf32, #tpu.memory_space<vmem>>
    %dma_wait3A_2116 = tpu.memref_squeeze %dma_wait3A_2115 : memref<1x1600x16xf32, #tpu.memory_space<vmem>> -> memref<1600x16xf32, #tpu.memory_space<vmem>>
    %dma_wait3A_2117 = arith.constant 0 : i32
    %dma_wait3A_2118 = tpu.memref_slice %arg6[%dma_wait3A_2110, %dma_wait3A_2117] : memref<3x1600xi32, #tpu.memory_space<vmem>> -> memref<1x1600xi32, #tpu.memory_space<vmem>>
    %dma_wait3A_2119 = tpu.memref_squeeze %dma_wait3A_2118 : memref<1x1600xi32, #tpu.memory_space<vmem>> -> memref<1600xi32, #tpu.memory_space<vmem>>
    %dma_wait3A_2120 = arith.constant 0 : i32
    %dma_wait3A_2121 = arith.constant 0 : i32
    %dma_wait3A_2122 = tpu.memref_slice %arg3[%dma_wait3A_2120, %dma_wait3A_2121] : memref<2000000x16xf32, #tpu.memory_space<hbm>> -> memref<2000000x16xf32, #tpu.memory_space<hbm>>
    %dma_wait3A_2123 = tpu.memref_slice %arg8[%dma_wait3A_2112] : memref<3x!tpu.dma_semaphore, #tpu.memory_space<semaphore_mem>> -> memref<1x!tpu.dma_semaphore, #tpu.memory_space<semaphore_mem>>
    %dma_wait3A_2124 = tpu.memref_squeeze %dma_wait3A_2123 : memref<1x!tpu.dma_semaphore, #tpu.memory_space<semaphore_mem>> -> memref<!tpu.dma_semaphore, #tpu.memory_space<semaphore_mem>>
    tpu.wait_indirect_dma semaphore(%dma_wait3A_2124 : memref<!tpu.dma_semaphore, #tpu.memory_space<semaphore_mem>>) src(%dma_wait3A_2122 : memref<2000000x16xf32, #tpu.memory_space<hbm>>) dst(%dma_wait3A_2116 : memref<1600x16xf32, #tpu.memory_space<vmem>>)
    %add3A_2125 = arith.constant 22400 : i32
    %add3A_2126 = arith.addi %mul3A_2, %add3A_2125 : i32
    %mul3A_2127 = arith.constant 2 : i32
    %mul3A_2128 = arith.muli %add3A_2126, %mul3A_2127 : i32
    %dma_start3A_2129 = arith.constant 1 : i32
    %dma_start3A_2130 = arith.constant 1 : i32
    %dma_start3A_2131 = arith.constant 0 : i32
    %dma_start3A_2132 = arith.constant 0 : i32
    %dma_start3A_2133 = tpu.memref_slice %arg7[%dma_start3A_2129, %dma_start3A_2131, %dma_start3A_2132] : memref<3x1600x16xf32, #tpu.memory_space<vmem>> -> memref<1x1600x16xf32, #tpu.memory_space<vmem>>
    %dma_start3A_2134 = tpu.memref_squeeze %dma_start3A_2133 : memref<1x1600x16xf32, #tpu.memory_space<vmem>> -> memref<1600x16xf32, #tpu.memory_space<vmem>>
    %dma_start3A_2135 = arith.constant 0 : i32
    %dma_start3A_2136 = tpu.memref_slice %arg4[%mul3A_2128, %dma_start3A_2135] : memref<1638400x16xf32, #tpu.memory_space<hbm>> -> memref<1600x16xf32, #tpu.memory_space<hbm>>
    %dma_start3A_2137 = tpu.memref_slice %arg9[%dma_start3A_2130] : memref<3x!tpu.dma_semaphore, #tpu.memory_space<semaphore_mem>> -> memref<1x!tpu.dma_semaphore, #tpu.memory_space<semaphore_mem>>
    %dma_start3A_2138 = tpu.memref_squeeze %dma_start3A_2137 : memref<1x!tpu.dma_semaphore, #tpu.memory_space<semaphore_mem>> -> memref<!tpu.dma_semaphore, #tpu.memory_space<semaphore_mem>>
    %dma_start3A_2139 = arith.constant 0 : i32
    %dma_start3A_2140 = tpu.memref_slice %arg4[%mul3A_2128, %dma_start3A_2139] : memref<1638400x16xf32, #tpu.memory_space<hbm>> -> memref<1600x16xf32, #tpu.memory_space<hbm>>
    %dma_start3A_2141 = arith.constant 0 : i32
    %dma_start3A_2142 = arith.constant 0 : i32
    %dma_start3A_2143 = tpu.memref_slice %arg7[%dma_start3A_2129, %dma_start3A_2141, %dma_start3A_2142] : memref<3x1600x16xf32, #tpu.memory_space<vmem>> -> memref<1x1600x16xf32, #tpu.memory_space<vmem>>
    %dma_start3A_2144 = tpu.memref_squeeze %dma_start3A_2143 : memref<1x1600x16xf32, #tpu.memory_space<vmem>> -> memref<1600x16xf32, #tpu.memory_space<vmem>>
    tpu.enqueue_dma source(%dma_start3A_2144 : memref<1600x16xf32, #tpu.memory_space<vmem>>) target(%dma_start3A_2140 : memref<1600x16xf32, #tpu.memory_space<hbm>>) target_semaphore(%dma_start3A_2138 : memref<!tpu.dma_semaphore, #tpu.memory_space<semaphore_mem>>)
    %dma_wait3A_2145 = arith.constant 1 : i32
    %dma_wait3A_2146 = arith.constant 1 : i32
    %dma_wait3A_2147 = arith.constant 0 : i32
    %dma_wait3A_2148 = arith.constant 0 : i32
    %dma_wait3A_2149 = tpu.memref_slice %arg7[%dma_wait3A_2145, %dma_wait3A_2147, %dma_wait3A_2148] : memref<3x1600x16xf32, #tpu.memory_space<vmem>> -> memref<1x1600x16xf32, #tpu.memory_space<vmem>>
    %dma_wait3A_2150 = tpu.memref_squeeze %dma_wait3A_2149 : memref<1x1600x16xf32, #tpu.memory_space<vmem>> -> memref<1600x16xf32, #tpu.memory_space<vmem>>
    %dma_wait3A_2151 = arith.constant 0 : i32
    %dma_wait3A_2152 = tpu.memref_slice %arg4[%mul3A_2128, %dma_wait3A_2151] : memref<1638400x16xf32, #tpu.memory_space<hbm>> -> memref<1600x16xf32, #tpu.memory_space<hbm>>
    %dma_wait3A_2153 = tpu.memref_slice %arg9[%dma_wait3A_2146] : memref<3x!tpu.dma_semaphore, #tpu.memory_space<semaphore_mem>> -> memref<1x!tpu.dma_semaphore, #tpu.memory_space<semaphore_mem>>
    %dma_wait3A_2154 = tpu.memref_squeeze %dma_wait3A_2153 : memref<1x!tpu.dma_semaphore, #tpu.memory_space<semaphore_mem>> -> memref<!tpu.dma_semaphore, #tpu.memory_space<semaphore_mem>>
    %dma_wait3A_2155 = arith.constant 0 : i32
    %dma_wait3A_2156 = tpu.memref_slice %arg4[%mul3A_2128, %dma_wait3A_2155] : memref<1638400x16xf32, #tpu.memory_space<hbm>> -> memref<1600x16xf32, #tpu.memory_space<hbm>>
    %dma_wait3A_2157 = arith.constant 0 : i32
    %dma_wait3A_2158 = arith.constant 0 : i32
    %dma_wait3A_2159 = tpu.memref_slice %arg7[%dma_wait3A_2145, %dma_wait3A_2157, %dma_wait3A_2158] : memref<3x1600x16xf32, #tpu.memory_space<vmem>> -> memref<1x1600x16xf32, #tpu.memory_space<vmem>>
    %dma_wait3A_2160 = tpu.memref_squeeze %dma_wait3A_2159 : memref<1x1600x16xf32, #tpu.memory_space<vmem>> -> memref<1600x16xf32, #tpu.memory_space<vmem>>
    tpu.wait_dma2 semaphore(%dma_wait3A_2154 : memref<!tpu.dma_semaphore, #tpu.memory_space<semaphore_mem>>) src(%dma_wait3A_2160 : memref<1600x16xf32, #tpu.memory_space<vmem>>) dst(%dma_wait3A_2156 : memref<1600x16xf32, #tpu.memory_space<hbm>>)
    %scan3A_2161 = arith.constant 0 : i32
    %scan3A_2162 = arith.constant 1 : i32
    %scan3A_2163 = arith.constant 0 : i32
    %scan3A_2164 = arith.constant 50 : i32
    %scan3A_2165 = arith.addi %scan3A_2163, %scan3A_2164 : i32
    %scan3A_2166 = arith.constant 1 : i32
    scf.for %scan3A_2336 = %scan3A_2163 to %scan3A_2165 step %scan3A_2166  : i32 {
      %mul3A_2337 = arith.constant 16 : i32
      %mul3A_2338 = arith.muli %scan3A_2336, %mul3A_2337 : i32
      %add3A_2339 = arith.constant 24800 : i32
      %add3A_2340 = arith.addi %add3A_2339, %mul3A_2338 : i32
      %get3A = arith.index_cast %add3A_2340 : i32 to index
      %get3A_2341 = tpu.vector_load %arg5[%get3A] {strides = array<i32>} : memref<25600xi32, #tpu.memory_space<vmem>>, vector<16xi32>,
      %mul3A_2342 = arith.constant 2 : i32
      %mul3A_2343 = vector.broadcast %mul3A_2342 : i32 to vector<16xi32>
      %mul3A_2344 = arith.muli %get3A_2341, %mul3A_2343 : vector<16xi32>
      %mul3A_2345 = arith.constant 16 : i32
      %mul3A_2346 = arith.muli %scan3A_2336, %mul3A_2345 : i32
      %add3A_2347 = vector.broadcast %mul3A_2346 : i32 to vector<16xi32>
      %add3A_2348 = arith.addi %add3A_2347, %iota3A : vector<16xi32>
      %mul3A_2349 = arith.constant 2 : i32
      %mul3A_2350 = vector.broadcast %mul3A_2349 : i32 to vector<16xi32>
      %mul3A_2351 = arith.muli %add3A_2348, %mul3A_2350 : vector<16xi32>
      %scatter3A = arith.constant 0 : i32
      %scatter3A_2352 = tpu.memref_slice %arg6[%scan3A_2162, %scatter3A] : memref<3x1600xi32, #tpu.memory_space<vmem>> -> memref<1x1600xi32, #tpu.memory_space<vmem>>
      %scatter3A_2353 = tpu.memref_squeeze %scatter3A_2352 : memref<1x1600xi32, #tpu.memory_space<vmem>> -> memref<1600xi32, #tpu.memory_space<vmem>>
      tpu.vector_store_idx %scatter3A_2353[%mul3A_2351], %mul3A_2344 : memref<1600xi32, #tpu.memory_space<vmem>>[vector<16xi32>], vector<16xi32>,
      %add3A_2354 = arith.constant 1 : i32
      %add3A_2355 = vector.broadcast %add3A_2354 : i32 to vector<16xi32>
      %add3A_2356 = arith.addi %mul3A_2351, %add3A_2355 : vector<16xi32>
      %add3A_2357 = arith.constant 1 : i32
      %add3A_2358 = vector.broadcast %add3A_2357 : i32 to vector<16xi32>
      %add3A_2359 = arith.addi %mul3A_2344, %add3A_2358 : vector<16xi32>
      %scatter3A_2360 = arith.constant 0 : i32
      %scatter3A_2361 = tpu.memref_slice %arg6[%scan3A_2162, %scatter3A_2360] : memref<3x1600xi32, #tpu.memory_space<vmem>> -> memref<1x1600xi32, #tpu.memory_space<vmem>>
      %scatter3A_2362 = tpu.memref_squeeze %scatter3A_2361 : memref<1x1600xi32, #tpu.memory_space<vmem>> -> memref<1600xi32, #tpu.memory_space<vmem>>
      tpu.vector_store_idx %scatter3A_2362[%add3A_2356], %add3A_2359 : memref<1600xi32, #tpu.memory_space<vmem>>[vector<16xi32>], vector<16xi32>,
    }
    %scan3A_2167 = arith.constant 50 : i32
    %dma_start3A_2168 = arith.constant 1 : i32
    %dma_start3A_2169 = arith.constant 1 : i32
    %dma_start3A_2170 = arith.constant 1 : i32
    %dma_start3A_2171 = arith.constant 0 : i32
    %dma_start3A_2172 = arith.constant 0 : i32
    %dma_start3A_2173 = tpu.memref_slice %arg7[%dma_start3A_2169, %dma_start3A_2171, %dma_start3A_2172] : memref<3x1600x16xf32, #tpu.memory_space<vmem>> -> memref<1x1600x16xf32, #tpu.memory_space<vmem>>
    %dma_start3A_2174 = tpu.memref_squeeze %dma_start3A_2173 : memref<1x1600x16xf32, #tpu.memory_space<vmem>> -> memref<1600x16xf32, #tpu.memory_space<vmem>>
    %dma_start3A_2175 = arith.constant 0 : i32
    %dma_start3A_2176 = tpu.memref_slice %arg6[%dma_start3A_2168, %dma_start3A_2175] : memref<3x1600xi32, #tpu.memory_space<vmem>> -> memref<1x1600xi32, #tpu.memory_space<vmem>>
    %dma_start3A_2177 = tpu.memref_squeeze %dma_start3A_2176 : memref<1x1600xi32, #tpu.memory_space<vmem>> -> memref<1600xi32, #tpu.memory_space<vmem>>
    %dma_start3A_2178 = arith.constant 0 : i32
    %dma_start3A_2179 = arith.constant 0 : i32
    %dma_start3A_2180 = tpu.memref_slice %arg3[%dma_start3A_2178, %dma_start3A_2179] : memref<2000000x16xf32, #tpu.memory_space<hbm>> -> memref<2000000x16xf32, #tpu.memory_space<hbm>>
    %dma_start3A_2181 = tpu.memref_slice %arg8[%dma_start3A_2170] : memref<3x!tpu.dma_semaphore, #tpu.memory_space<semaphore_mem>> -> memref<1x!tpu.dma_semaphore, #tpu.memory_space<semaphore_mem>>
    %dma_start3A_2182 = tpu.memref_squeeze %dma_start3A_2181 : memref<1x!tpu.dma_semaphore, #tpu.memory_space<semaphore_mem>> -> memref<!tpu.dma_semaphore, #tpu.memory_space<semaphore_mem>>
    tpu.enqueue_indirect_dma source(%dma_start3A_2180 : memref<2000000x16xf32, #tpu.memory_space<hbm>>) target(%dma_start3A_2174 : memref<1600x16xf32, #tpu.memory_space<vmem>>) offsets(%dma_start3A_2177 : memref<1600xi32, #tpu.memory_space<vmem>>) semaphore(%dma_start3A_2182 : memref<!tpu.dma_semaphore, #tpu.memory_space<semaphore_mem>>)
    %dma_wait3A_2183 = arith.constant 2 : i32
    %dma_wait3A_2184 = arith.constant 2 : i32
    %dma_wait3A_2185 = arith.constant 2 : i32
    %dma_wait3A_2186 = arith.constant 0 : i32
    %dma_wait3A_2187 = arith.constant 0 : i32
    %dma_wait3A_2188 = tpu.memref_slice %arg7[%dma_wait3A_2184, %dma_wait3A_2186, %dma_wait3A_2187] : memref<3x1600x16xf32, #tpu.memory_space<vmem>> -> memref<1x1600x16xf32, #tpu.memory_space<vmem>>
    %dma_wait3A_2189 = tpu.memref_squeeze %dma_wait3A_2188 : memref<1x1600x16xf32, #tpu.memory_space<vmem>> -> memref<1600x16xf32, #tpu.memory_space<vmem>>
    %dma_wait3A_2190 = arith.constant 0 : i32
    %dma_wait3A_2191 = tpu.memref_slice %arg6[%dma_wait3A_2183, %dma_wait3A_2190] : memref<3x1600xi32, #tpu.memory_space<vmem>> -> memref<1x1600xi32, #tpu.memory_space<vmem>>
    %dma_wait3A_2192 = tpu.memref_squeeze %dma_wait3A_2191 : memref<1x1600xi32, #tpu.memory_space<vmem>> -> memref<1600xi32, #tpu.memory_space<vmem>>
    %dma_wait3A_2193 = arith.constant 0 : i32
    %dma_wait3A_2194 = arith.constant 0 : i32
    %dma_wait3A_2195 = tpu.memref_slice %arg3[%dma_wait3A_2193, %dma_wait3A_2194] : memref<2000000x16xf32, #tpu.memory_space<hbm>> -> memref<2000000x16xf32, #tpu.memory_space<hbm>>
    %dma_wait3A_2196 = tpu.memref_slice %arg8[%dma_wait3A_2185] : memref<3x!tpu.dma_semaphore, #tpu.memory_space<semaphore_mem>> -> memref<1x!tpu.dma_semaphore, #tpu.memory_space<semaphore_mem>>
    %dma_wait3A_2197 = tpu.memref_squeeze %dma_wait3A_2196 : memref<1x!tpu.dma_semaphore, #tpu.memory_space<semaphore_mem>> -> memref<!tpu.dma_semaphore, #tpu.memory_space<semaphore_mem>>
    tpu.wait_indirect_dma semaphore(%dma_wait3A_2197 : memref<!tpu.dma_semaphore, #tpu.memory_space<semaphore_mem>>) src(%dma_wait3A_2195 : memref<2000000x16xf32, #tpu.memory_space<hbm>>) dst(%dma_wait3A_2189 : memref<1600x16xf32, #tpu.memory_space<vmem>>)
    %add3A_2198 = arith.constant 23200 : i32
    %add3A_2199 = arith.addi %mul3A_2, %add3A_2198 : i32
    %mul3A_2200 = arith.constant 2 : i32
    %mul3A_2201 = arith.muli %add3A_2199, %mul3A_2200 : i32
    %dma_start3A_2202 = arith.constant 2 : i32
    %dma_start3A_2203 = arith.constant 2 : i32
    %dma_start3A_2204 = arith.constant 0 : i32
    %dma_start3A_2205 = arith.constant 0 : i32
    %dma_start3A_2206 = tpu.memref_slice %arg7[%dma_start3A_2202, %dma_start3A_2204, %dma_start3A_2205] : memref<3x1600x16xf32, #tpu.memory_space<vmem>> -> memref<1x1600x16xf32, #tpu.memory_space<vmem>>
    %dma_start3A_2207 = tpu.memref_squeeze %dma_start3A_2206 : memref<1x1600x16xf32, #tpu.memory_space<vmem>> -> memref<1600x16xf32, #tpu.memory_space<vmem>>
    %dma_start3A_2208 = arith.constant 0 : i32
    %dma_start3A_2209 = tpu.memref_slice %arg4[%mul3A_2201, %dma_start3A_2208] : memref<1638400x16xf32, #tpu.memory_space<hbm>> -> memref<1600x16xf32, #tpu.memory_space<hbm>>
    %dma_start3A_2210 = tpu.memref_slice %arg9[%dma_start3A_2203] : memref<3x!tpu.dma_semaphore, #tpu.memory_space<semaphore_mem>> -> memref<1x!tpu.dma_semaphore, #tpu.memory_space<semaphore_mem>>
    %dma_start3A_2211 = tpu.memref_squeeze %dma_start3A_2210 : memref<1x!tpu.dma_semaphore, #tpu.memory_space<semaphore_mem>> -> memref<!tpu.dma_semaphore, #tpu.memory_space<semaphore_mem>>
    %dma_start3A_2212 = arith.constant 0 : i32
    %dma_start3A_2213 = tpu.memref_slice %arg4[%mul3A_2201, %dma_start3A_2212] : memref<1638400x16xf32, #tpu.memory_space<hbm>> -> memref<1600x16xf32, #tpu.memory_space<hbm>>
    %dma_start3A_2214 = arith.constant 0 : i32
    %dma_start3A_2215 = arith.constant 0 : i32
    %dma_start3A_2216 = tpu.memref_slice %arg7[%dma_start3A_2202, %dma_start3A_2214, %dma_start3A_2215] : memref<3x1600x16xf32, #tpu.memory_space<vmem>> -> memref<1x1600x16xf32, #tpu.memory_space<vmem>>
    %dma_start3A_2217 = tpu.memref_squeeze %dma_start3A_2216 : memref<1x1600x16xf32, #tpu.memory_space<vmem>> -> memref<1600x16xf32, #tpu.memory_space<vmem>>
    tpu.enqueue_dma source(%dma_start3A_2217 : memref<1600x16xf32, #tpu.memory_space<vmem>>) target(%dma_start3A_2213 : memref<1600x16xf32, #tpu.memory_space<hbm>>) target_semaphore(%dma_start3A_2211 : memref<!tpu.dma_semaphore, #tpu.memory_space<semaphore_mem>>)
    %dma_wait3A_2218 = arith.constant 0 : i32
    %dma_wait3A_2219 = arith.constant 0 : i32
    %dma_wait3A_2220 = arith.constant 0 : i32
    %dma_wait3A_2221 = arith.constant 0 : i32
    %dma_wait3A_2222 = arith.constant 0 : i32
    %dma_wait3A_2223 = tpu.memref_slice %arg7[%dma_wait3A_2219, %dma_wait3A_2221, %dma_wait3A_2222] : memref<3x1600x16xf32, #tpu.memory_space<vmem>> -> memref<1x1600x16xf32, #tpu.memory_space<vmem>>
    %dma_wait3A_2224 = tpu.memref_squeeze %dma_wait3A_2223 : memref<1x1600x16xf32, #tpu.memory_space<vmem>> -> memref<1600x16xf32, #tpu.memory_space<vmem>>
    %dma_wait3A_2225 = arith.constant 0 : i32
    %dma_wait3A_2226 = tpu.memref_slice %arg6[%dma_wait3A_2218, %dma_wait3A_2225] : memref<3x1600xi32, #tpu.memory_space<vmem>> -> memref<1x1600xi32, #tpu.memory_space<vmem>>
    %dma_wait3A_2227 = tpu.memref_squeeze %dma_wait3A_2226 : memref<1x1600xi32, #tpu.memory_space<vmem>> -> memref<1600xi32, #tpu.memory_space<vmem>>
    %dma_wait3A_2228 = arith.constant 0 : i32
    %dma_wait3A_2229 = arith.constant 0 : i32
    %dma_wait3A_2230 = tpu.memref_slice %arg3[%dma_wait3A_2228, %dma_wait3A_2229] : memref<2000000x16xf32, #tpu.memory_space<hbm>> -> memref<2000000x16xf32, #tpu.memory_space<hbm>>
    %dma_wait3A_2231 = tpu.memref_slice %arg8[%dma_wait3A_2220] : memref<3x!tpu.dma_semaphore, #tpu.memory_space<semaphore_mem>> -> memref<1x!tpu.dma_semaphore, #tpu.memory_space<semaphore_mem>>
    %dma_wait3A_2232 = tpu.memref_squeeze %dma_wait3A_2231 : memref<1x!tpu.dma_semaphore, #tpu.memory_space<semaphore_mem>> -> memref<!tpu.dma_semaphore, #tpu.memory_space<semaphore_mem>>
    tpu.wait_indirect_dma semaphore(%dma_wait3A_2232 : memref<!tpu.dma_semaphore, #tpu.memory_space<semaphore_mem>>) src(%dma_wait3A_2230 : memref<2000000x16xf32, #tpu.memory_space<hbm>>) dst(%dma_wait3A_2224 : memref<1600x16xf32, #tpu.memory_space<vmem>>)
    %add3A_2233 = arith.constant 24000 : i32
    %add3A_2234 = arith.addi %mul3A_2, %add3A_2233 : i32
    %mul3A_2235 = arith.constant 2 : i32
    %mul3A_2236 = arith.muli %add3A_2234, %mul3A_2235 : i32
    %dma_start3A_2237 = arith.constant 0 : i32
    %dma_start3A_2238 = arith.constant 0 : i32
    %dma_start3A_2239 = arith.constant 0 : i32
    %dma_start3A_2240 = arith.constant 0 : i32
    %dma_start3A_2241 = tpu.memref_slice %arg7[%dma_start3A_2237, %dma_start3A_2239, %dma_start3A_2240] : memref<3x1600x16xf32, #tpu.memory_space<vmem>> -> memref<1x1600x16xf32, #tpu.memory_space<vmem>>
    %dma_start3A_2242 = tpu.memref_squeeze %dma_start3A_2241 : memref<1x1600x16xf32, #tpu.memory_space<vmem>> -> memref<1600x16xf32, #tpu.memory_space<vmem>>
    %dma_start3A_2243 = arith.constant 0 : i32
    %dma_start3A_2244 = tpu.memref_slice %arg4[%mul3A_2236, %dma_start3A_2243] : memref<1638400x16xf32, #tpu.memory_space<hbm>> -> memref<1600x16xf32, #tpu.memory_space<hbm>>
    %dma_start3A_2245 = tpu.memref_slice %arg9[%dma_start3A_2238] : memref<3x!tpu.dma_semaphore, #tpu.memory_space<semaphore_mem>> -> memref<1x!tpu.dma_semaphore, #tpu.memory_space<semaphore_mem>>
    %dma_start3A_2246 = tpu.memref_squeeze %dma_start3A_2245 : memref<1x!tpu.dma_semaphore, #tpu.memory_space<semaphore_mem>> -> memref<!tpu.dma_semaphore, #tpu.memory_space<semaphore_mem>>
    %dma_start3A_2247 = arith.constant 0 : i32
    %dma_start3A_2248 = tpu.memref_slice %arg4[%mul3A_2236, %dma_start3A_2247] : memref<1638400x16xf32, #tpu.memory_space<hbm>> -> memref<1600x16xf32, #tpu.memory_space<hbm>>
    %dma_start3A_2249 = arith.constant 0 : i32
    %dma_start3A_2250 = arith.constant 0 : i32
    %dma_start3A_2251 = tpu.memref_slice %arg7[%dma_start3A_2237, %dma_start3A_2249, %dma_start3A_2250] : memref<3x1600x16xf32, #tpu.memory_space<vmem>> -> memref<1x1600x16xf32, #tpu.memory_space<vmem>>
    %dma_start3A_2252 = tpu.memref_squeeze %dma_start3A_2251 : memref<1x1600x16xf32, #tpu.memory_space<vmem>> -> memref<1600x16xf32, #tpu.memory_space<vmem>>
    tpu.enqueue_dma source(%dma_start3A_2252 : memref<1600x16xf32, #tpu.memory_space<vmem>>) target(%dma_start3A_2248 : memref<1600x16xf32, #tpu.memory_space<hbm>>) target_semaphore(%dma_start3A_2246 : memref<!tpu.dma_semaphore, #tpu.memory_space<semaphore_mem>>)
    %dma_wait3A_2253 = arith.constant 1 : i32
    %dma_wait3A_2254 = arith.constant 1 : i32
    %dma_wait3A_2255 = arith.constant 1 : i32
    %dma_wait3A_2256 = arith.constant 0 : i32
    %dma_wait3A_2257 = arith.constant 0 : i32
    %dma_wait3A_2258 = tpu.memref_slice %arg7[%dma_wait3A_2254, %dma_wait3A_2256, %dma_wait3A_2257] : memref<3x1600x16xf32, #tpu.memory_space<vmem>> -> memref<1x1600x16xf32, #tpu.memory_space<vmem>>
    %dma_wait3A_2259 = tpu.memref_squeeze %dma_wait3A_2258 : memref<1x1600x16xf32, #tpu.memory_space<vmem>> -> memref<1600x16xf32, #tpu.memory_space<vmem>>
    %dma_wait3A_2260 = arith.constant 0 : i32
    %dma_wait3A_2261 = tpu.memref_slice %arg6[%dma_wait3A_2253, %dma_wait3A_2260] : memref<3x1600xi32, #tpu.memory_space<vmem>> -> memref<1x1600xi32, #tpu.memory_space<vmem>>
    %dma_wait3A_2262 = tpu.memref_squeeze %dma_wait3A_2261 : memref<1x1600xi32, #tpu.memory_space<vmem>> -> memref<1600xi32, #tpu.memory_space<vmem>>
    %dma_wait3A_2263 = arith.constant 0 : i32
    %dma_wait3A_2264 = arith.constant 0 : i32
    %dma_wait3A_2265 = tpu.memref_slice %arg3[%dma_wait3A_2263, %dma_wait3A_2264] : memref<2000000x16xf32, #tpu.memory_space<hbm>> -> memref<2000000x16xf32, #tpu.memory_space<hbm>>
    %dma_wait3A_2266 = tpu.memref_slice %arg8[%dma_wait3A_2255] : memref<3x!tpu.dma_semaphore, #tpu.memory_space<semaphore_mem>> -> memref<1x!tpu.dma_semaphore, #tpu.memory_space<semaphore_mem>>
    %dma_wait3A_2267 = tpu.memref_squeeze %dma_wait3A_2266 : memref<1x!tpu.dma_semaphore, #tpu.memory_space<semaphore_mem>> -> memref<!tpu.dma_semaphore, #tpu.memory_space<semaphore_mem>>
    tpu.wait_indirect_dma semaphore(%dma_wait3A_2267 : memref<!tpu.dma_semaphore, #tpu.memory_space<semaphore_mem>>) src(%dma_wait3A_2265 : memref<2000000x16xf32, #tpu.memory_space<hbm>>) dst(%dma_wait3A_2259 : memref<1600x16xf32, #tpu.memory_space<vmem>>)
    %add3A_2268 = arith.constant 24800 : i32
    %add3A_2269 = arith.addi %mul3A_2, %add3A_2268 : i32
    %mul3A_2270 = arith.constant 2 : i32
    %mul3A_2271 = arith.muli %add3A_2269, %mul3A_2270 : i32
    %dma_start3A_2272 = arith.constant 1 : i32
    %dma_start3A_2273 = arith.constant 1 : i32
    %dma_start3A_2274 = arith.constant 0 : i32
    %dma_start3A_2275 = arith.constant 0 : i32
    %dma_start3A_2276 = tpu.memref_slice %arg7[%dma_start3A_2272, %dma_start3A_2274, %dma_start3A_2275] : memref<3x1600x16xf32, #tpu.memory_space<vmem>> -> memref<1x1600x16xf32, #tpu.memory_space<vmem>>
    %dma_start3A_2277 = tpu.memref_squeeze %dma_start3A_2276 : memref<1x1600x16xf32, #tpu.memory_space<vmem>> -> memref<1600x16xf32, #tpu.memory_space<vmem>>
    %dma_start3A_2278 = arith.constant 0 : i32
    %dma_start3A_2279 = tpu.memref_slice %arg4[%mul3A_2271, %dma_start3A_2278] : memref<1638400x16xf32, #tpu.memory_space<hbm>> -> memref<1600x16xf32, #tpu.memory_space<hbm>>
    %dma_start3A_2280 = tpu.memref_slice %arg9[%dma_start3A_2273] : memref<3x!tpu.dma_semaphore, #tpu.memory_space<semaphore_mem>> -> memref<1x!tpu.dma_semaphore, #tpu.memory_space<semaphore_mem>>
    %dma_start3A_2281 = tpu.memref_squeeze %dma_start3A_2280 : memref<1x!tpu.dma_semaphore, #tpu.memory_space<semaphore_mem>> -> memref<!tpu.dma_semaphore, #tpu.memory_space<semaphore_mem>>
    %dma_start3A_2282 = arith.constant 0 : i32
    %dma_start3A_2283 = tpu.memref_slice %arg4[%mul3A_2271, %dma_start3A_2282] : memref<1638400x16xf32, #tpu.memory_space<hbm>> -> memref<1600x16xf32, #tpu.memory_space<hbm>>
    %dma_start3A_2284 = arith.constant 0 : i32
    %dma_start3A_2285 = arith.constant 0 : i32
    %dma_start3A_2286 = tpu.memref_slice %arg7[%dma_start3A_2272, %dma_start3A_2284, %dma_start3A_2285] : memref<3x1600x16xf32, #tpu.memory_space<vmem>> -> memref<1x1600x16xf32, #tpu.memory_space<vmem>>
    %dma_start3A_2287 = tpu.memref_squeeze %dma_start3A_2286 : memref<1x1600x16xf32, #tpu.memory_space<vmem>> -> memref<1600x16xf32, #tpu.memory_space<vmem>>
    tpu.enqueue_dma source(%dma_start3A_2287 : memref<1600x16xf32, #tpu.memory_space<vmem>>) target(%dma_start3A_2283 : memref<1600x16xf32, #tpu.memory_space<hbm>>) target_semaphore(%dma_start3A_2281 : memref<!tpu.dma_semaphore, #tpu.memory_space<semaphore_mem>>)
    %dma_wait3A_2288 = arith.constant 2 : i32
    %dma_wait3A_2289 = arith.constant 2 : i32
    %dma_wait3A_2290 = arith.constant 0 : i32
    %dma_wait3A_2291 = arith.constant 0 : i32
    %dma_wait3A_2292 = tpu.memref_slice %arg7[%dma_wait3A_2288, %dma_wait3A_2290, %dma_wait3A_2291] : memref<3x1600x16xf32, #tpu.memory_space<vmem>> -> memref<1x1600x16xf32, #tpu.memory_space<vmem>>
    %dma_wait3A_2293 = tpu.memref_squeeze %dma_wait3A_2292 : memref<1x1600x16xf32, #tpu.memory_space<vmem>> -> memref<1600x16xf32, #tpu.memory_space<vmem>>
    %dma_wait3A_2294 = arith.constant 0 : i32
    %dma_wait3A_2295 = tpu.memref_slice %arg4[%mul3A_2201, %dma_wait3A_2294] : memref<1638400x16xf32, #tpu.memory_space<hbm>> -> memref<1600x16xf32, #tpu.memory_space<hbm>>
    %dma_wait3A_2296 = tpu.memref_slice %arg9[%dma_wait3A_2289] : memref<3x!tpu.dma_semaphore, #tpu.memory_space<semaphore_mem>> -> memref<1x!tpu.dma_semaphore, #tpu.memory_space<semaphore_mem>>
    %dma_wait3A_2297 = tpu.memref_squeeze %dma_wait3A_2296 : memref<1x!tpu.dma_semaphore, #tpu.memory_space<semaphore_mem>> -> memref<!tpu.dma_semaphore, #tpu.memory_space<semaphore_mem>>
    %dma_wait3A_2298 = arith.constant 0 : i32
    %dma_wait3A_2299 = tpu.memref_slice %arg4[%mul3A_2201, %dma_wait3A_2298] : memref<1638400x16xf32, #tpu.memory_space<hbm>> -> memref<1600x16xf32, #tpu.memory_space<hbm>>
    %dma_wait3A_2300 = arith.constant 0 : i32
    %dma_wait3A_2301 = arith.constant 0 : i32
    %dma_wait3A_2302 = tpu.memref_slice %arg7[%dma_wait3A_2288, %dma_wait3A_2300, %dma_wait3A_2301] : memref<3x1600x16xf32, #tpu.memory_space<vmem>> -> memref<1x1600x16xf32, #tpu.memory_space<vmem>>
    %dma_wait3A_2303 = tpu.memref_squeeze %dma_wait3A_2302 : memref<1x1600x16xf32, #tpu.memory_space<vmem>> -> memref<1600x16xf32, #tpu.memory_space<vmem>>
    tpu.wait_dma2 semaphore(%dma_wait3A_2297 : memref<!tpu.dma_semaphore, #tpu.memory_space<semaphore_mem>>) src(%dma_wait3A_2303 : memref<1600x16xf32, #tpu.memory_space<vmem>>) dst(%dma_wait3A_2299 : memref<1600x16xf32, #tpu.memory_space<hbm>>)
    %dma_wait3A_2304 = arith.constant 0 : i32
    %dma_wait3A_2305 = arith.constant 0 : i32
    %dma_wait3A_2306 = arith.constant 0 : i32
    %dma_wait3A_2307 = arith.constant 0 : i32
    %dma_wait3A_2308 = tpu.memref_slice %arg7[%dma_wait3A_2304, %dma_wait3A_2306, %dma_wait3A_2307] : memref<3x1600x16xf32, #tpu.memory_space<vmem>> -> memref<1x1600x16xf32, #tpu.memory_space<vmem>>
    %dma_wait3A_2309 = tpu.memref_squeeze %dma_wait3A_2308 : memref<1x1600x16xf32, #tpu.memory_space<vmem>> -> memref<1600x16xf32, #tpu.memory_space<vmem>>
    %dma_wait3A_2310 = arith.constant 0 : i32
    %dma_wait3A_2311 = tpu.memref_slice %arg4[%mul3A_2236, %dma_wait3A_2310] : memref<1638400x16xf32, #tpu.memory_space<hbm>> -> memref<1600x16xf32, #tpu.memory_space<hbm>>
    %dma_wait3A_2312 = tpu.memref_slice %arg9[%dma_wait3A_2305] : memref<3x!tpu.dma_semaphore, #tpu.memory_space<semaphore_mem>> -> memref<1x!tpu.dma_semaphore, #tpu.memory_space<semaphore_mem>>
    %dma_wait3A_2313 = tpu.memref_squeeze %dma_wait3A_2312 : memref<1x!tpu.dma_semaphore, #tpu.memory_space<semaphore_mem>> -> memref<!tpu.dma_semaphore, #tpu.memory_space<semaphore_mem>>
    %dma_wait3A_2314 = arith.constant 0 : i32
    %dma_wait3A_2315 = tpu.memref_slice %arg4[%mul3A_2236, %dma_wait3A_2314] : memref<1638400x16xf32, #tpu.memory_space<hbm>> -> memref<1600x16xf32, #tpu.memory_space<hbm>>
    %dma_wait3A_2316 = arith.constant 0 : i32
    %dma_wait3A_2317 = arith.constant 0 : i32
    %dma_wait3A_2318 = tpu.memref_slice %arg7[%dma_wait3A_2304, %dma_wait3A_2316, %dma_wait3A_2317] : memref<3x1600x16xf32, #tpu.memory_space<vmem>> -> memref<1x1600x16xf32, #tpu.memory_space<vmem>>
    %dma_wait3A_2319 = tpu.memref_squeeze %dma_wait3A_2318 : memref<1x1600x16xf32, #tpu.memory_space<vmem>> -> memref<1600x16xf32, #tpu.memory_space<vmem>>
    tpu.wait_dma2 semaphore(%dma_wait3A_2313 : memref<!tpu.dma_semaphore, #tpu.memory_space<semaphore_mem>>) src(%dma_wait3A_2319 : memref<1600x16xf32, #tpu.memory_space<vmem>>) dst(%dma_wait3A_2315 : memref<1600x16xf32, #tpu.memory_space<hbm>>)
    %dma_wait3A_2320 = arith.constant 1 : i32
    %dma_wait3A_2321 = arith.constant 1 : i32
    %dma_wait3A_2322 = arith.constant 0 : i32
    %dma_wait3A_2323 = arith.constant 0 : i32
    %dma_wait3A_2324 = tpu.memref_slice %arg7[%dma_wait3A_2320, %dma_wait3A_2322, %dma_wait3A_2323] : memref<3x1600x16xf32, #tpu.memory_space<vmem>> -> memref<1x1600x16xf32, #tpu.memory_space<vmem>>
    %dma_wait3A_2325 = tpu.memref_squeeze %dma_wait3A_2324 : memref<1x1600x16xf32, #tpu.memory_space<vmem>> -> memref<1600x16xf32, #tpu.memory_space<vmem>>
    %dma_wait3A_2326 = arith.constant 0 : i32
    %dma_wait3A_2327 = tpu.memref_slice %arg4[%mul3A_2271, %dma_wait3A_2326] : memref<1638400x16xf32, #tpu.memory_space<hbm>> -> memref<1600x16xf32, #tpu.memory_space<hbm>>
    %dma_wait3A_2328 = tpu.memref_slice %arg9[%dma_wait3A_2321] : memref<3x!tpu.dma_semaphore, #tpu.memory_space<semaphore_mem>> -> memref<1x!tpu.dma_semaphore, #tpu.memory_space<semaphore_mem>>
    %dma_wait3A_2329 = tpu.memref_squeeze %dma_wait3A_2328 : memref<1x!tpu.dma_semaphore, #tpu.memory_space<semaphore_mem>> -> memref<!tpu.dma_semaphore, #tpu.memory_space<semaphore_mem>>
    %dma_wait3A_2330 = arith.constant 0 : i32
    %dma_wait3A_2331 = tpu.memref_slice %arg4[%mul3A_2271, %dma_wait3A_2330] : memref<1638400x16xf32, #tpu.memory_space<hbm>> -> memref<1600x16xf32, #tpu.memory_space<hbm>>
    %dma_wait3A_2332 = arith.constant 0 : i32
    %dma_wait3A_2333 = arith.constant 0 : i32
    %dma_wait3A_2334 = tpu.memref_slice %arg7[%dma_wait3A_2320, %dma_wait3A_2332, %dma_wait3A_2333] : memref<3x1600x16xf32, #tpu.memory_space<vmem>> -> memref<1x1600x16xf32, #tpu.memory_space<vmem>>
    %dma_wait3A_2335 = tpu.memref_squeeze %dma_wait3A_2334 : memref<1x1600x16xf32, #tpu.memory_space<vmem>> -> memref<1600x16xf32, #tpu.memory_space<vmem>>
    tpu.wait_dma2 semaphore(%dma_wait3A_2329 : memref<!tpu.dma_semaphore, #tpu.memory_space<semaphore_mem>>) src(%dma_wait3A_2335 : memref<1600x16xf32, #tpu.memory_space<vmem>>) dst(%dma_wait3A_2331 : memref<1600x16xf32, #tpu.memory_space<hbm>>)
    return
  }
}

</mosaic_0001>

<sc_bundles>
// kernel: kernel.3.cloned.1.call-start
scs
__scs_entry_jumppad:
0x0: {  	(pc) =	sbr.rel $0x88, $3  }
0x1: {  	(tag) =	ssettag $0x0;
	lr =	simm.s32 $0x1  }
0x2: {  	[smem:$0x3F9F] =	sst lr;
	_ =	strace $0xD0000000  }
0x3: {  	_ = 	snop  }
0x4: {  	_ = 	snop  }
0x5: {  	_ = 	snop  }
0x6: {  	_ = 	snop  }
0x7: {  	_ = 	snop  }
__scs_overlays_trampoline_lowered:
0x8: {  	[smem:$0x3FAE] =	sst s0  }
0x9: {  	[smem:$0x3FAF] =	sst s1  }
0xa: {  	[smem:$0x3FB0] =	sst s2  }
0xb: {  	[smem:$0x3FB1] =	sst s3  }
0xc: {  	[smem:$0x3FB2] =	sst s4  }
0xd: {  	[smem:$0x3FB3] =	sst s5  }
0xe: {  	[smem:$0x3FB4] =	sst s6  }
0xf: {  	[smem:$0x3FB5] =	sst s7  }
0x10: {  	[smem:$0x3FB6] =	sst s8  }
0x11: {  	[smem:$0x3FB7] =	sst s9;
	s0 =	simm.s32 @!p0 $0x0  }
0x12: {  	s1 =	sld [smem:$0x3F9D];
	s0 =	simm.s32 @p0 $0x1  }
0x13: {  	[smem:$0x3FB8] =	sst s0;
	s0 =	simm.s32 @!p1 $0x0  }
0x14: {  	s2 =	sld [smem:$0x3F9C];
	s0 =	simm.s32 @p1 $0x1  }
0x15: {  	[smem:$0x3FB9] =	sst s0;
	s0 =	simm.s32 @!p2 $0x0  }
0x16: {  	s3 =	sld [smem:$0x3FDB];
	s0 =	simm.s32 @p2 $0x1  }
0x17: {  	s4 =	simm.s32 $0x1BF5;
	[smem:$0x3FBB] =	sst s0  }
0x18: {  	s0 =	sld [smem:$0x3F9E];
	_ =	swait.ge [sflag:s4], $0x0  }
0x19: {  	s7 =	sld [smem:$0x3F9F]  }
0x1a: {  	s8 =	sadd.s32 $0xFFFFE003, lr  }
0x1b: {  	s9 =	sadd.s32 $0xFFFFFEF7, lr;
	s5 =	simm.s32 $0xFFFFFFFF;
	p2 =	slt.u32 s8, $0xFFFFF086  }
0x1c: {  	p1 =	slt.u32 s9, $0xF7A;
	s5 =	simm.s32 @!p2 $0x0  }
0x1d: {  	s5 =	simm.s32 @p1 $0x1;
	p0 =	seq.s32 s7, s2  }
0x1e: {  	s7 =	smul.u32 @!p0 $0xF7A, s2;
	p2 =	seq.s32 @!p0 s5, $0x0  }
0x1f: {  	s9 =	smul.u32 $0xF7A, s1;
	s8 =	simm.s32 @!p0 $0x1BF5;
	p2 =	por !p2, p0  }
0x20: {  	[sflag:s8] =	ssyncset.s32 @!p0 $0xFFFFF086;
	s6 =	sadd.s32 @!p0 s3, s7;
	s7 =	simm.s32 @!p0 $0x108  }
0x21: {  	s3 =	sadd.s32 s3, s9;
	s6 =	sadd.s32 @!p0 $0x88, s6;
	s7 =	simm.s32 @p2 $0x1082  }
0x22: {  	[simem:s7], [sflag:s8] =	dma.local @!p0 [hbm:s6], $0xF7A  }
0x23: {  	s9 =	sor.u32 $0xD0000000, s2;
	s6 =	simm.s32 $0x108;
	_ =	swait.ge @!p0 [sflag:s8], $0x0  }
0x24: {  	s3 =	sadd.s32 $0x88, s3;
	s6 =	simm.s32 @!p1 $0x1082;
	[sflag:s4] =	ssyncset.s32 $0xFFFFF086  }
0x25: {  	[simem:s6], [sflag:s4] =	dma.local [hbm:s3], $0xF7A  }
0x26: {  	[smem:$0x3F9F] =	sst s1;
	(tag) =	ssettag s2;
	_ =	strace s9  }
0x27: {  	s1 =	sld [smem:$0x3FAF]  }
0x28: {  	s2 =	sld [smem:$0x3FB0]  }
0x29: {  	s4 =	sld [smem:$0x3FB2]  }
0x2a: {  	p0 =	seq.s32 s5, $0x0;
	s5 =	sld [smem:$0x3FB3]  }
0x2b: {  	s6 =	sld [smem:$0x3FB4]  }
0x2c: {  	s7 =	sld [smem:$0x3FB5]  }
0x2d: {  	s3 =	simm.s32 $0x108;
	s8 =	sld [smem:$0x3FB6]  }
0x2e: {  	s3 =	simm.s32 @!p0 $0x1082;
	s9 =	sld [smem:$0x3FB7]  }
0x2f: {  	lr =	sadd.s32 s0, s3;
	s0 =	sld [smem:$0x3FAE]  }
0x30: {  	s3 =	sld [smem:$0x3FB1]  }
0x31: {  	[smem:$0x3FBA] =	sst s10  }
0x32: {  	s10 =	sld [smem:$0x3FB8];
	_ =	sdelay $0x3  }
0x33: {  	p0 =	seq.s32 s10, $0x1;
	s10 =	sld [smem:$0x3FBA];
	_ =	sdelay $0x3  }
0x34: {  	[smem:$0x3FBA] =	sst s10  }
0x35: {  	s10 =	sld [smem:$0x3FB9];
	_ =	sdelay $0x3  }
0x36: {  	p1 =	seq.s32 s10, $0x1;
	s10 =	sld [smem:$0x3FBA];
	_ =	sdelay $0x3  }
0x37: {  	[smem:$0x3FBA] =	sst s10  }
0x38: {  	s10 =	sld [smem:$0x3FBB]  }
0x39: {  	_ = 	snop;
	(pc) =	sbr.ind lr, $3  }
0x3a: {  	_ = 	snop  }
0x3b: {  	_ = 	snop  }
0x3c: {  	p2 =	seq.s32 s10, $0x1;
	s10 =	sld [smem:$0x3FBA]  }
0x3d: {  	_ =	shalt  }
0x3e: {  	_ =	shalt  }
0x3f: {  	_ =	shalt  }
0x40: {  	_ =	shalt  }
0x41: {  	_ =	shalt  }
0x42: {  	_ =	shalt  }
0x43: {  	_ =	shalt  }
0x44: {  	_ =	shalt  }
0x45: {  	_ =	shalt  }
0x46: {  	_ =	shalt  }
0x47: {  	_ =	shalt  }
0x48: {  	_ =	shalt  }
0x49: {  	_ =	shalt  }
0x4a: {  	_ =	shalt  }
0x4b: {  	_ =	shalt  }
0x4c: {  	_ =	shalt  }
0x4d: {  	_ =	shalt  }
0x4e: {  	_ =	shalt  }
0x4f: {  	_ =	shalt  }
0x50: {  	_ =	shalt  }
0x51: {  	_ =	shalt  }
0x52: {  	_ =	shalt  }
0x53: {  	_ =	shalt  }
0x54: {  	_ =	shalt  }
0x55: {  	_ =	shalt  }
0x56: {  	_ =	shalt  }
0x57: {  	_ =	shalt  }
0x58: {  	_ =	shalt  }
0x59: {  	_ =	shalt  }
0x5a: {  	_ =	shalt  }
0x5b: {  	_ =	shalt  }
0x5c: {  	_ =	shalt  }
0x5d: {  	_ =	shalt  }
0x5e: {  	_ =	shalt  }
0x5f: {  	_ =	shalt  }
0x60: {  	_ =	shalt  }
0x61: {  	_ =	shalt  }
0x62: {  	_ =	shalt  }
0x63: {  	_ =	shalt  }
0x64: {  	_ =	shalt  }
0x65: {  	_ =	shalt  }
0x66: {  	_ =	shalt  }
0x67: {  	_ =	shalt  }
0x68: {  	_ =	shalt  }
0x69: {  	_ =	shalt  }
0x6a: {  	_ =	shalt  }
0x6b: {  	_ =	shalt  }
0x6c: {  	_ =	shalt  }
0x6d: {  	_ =	shalt  }
0x6e: {  	_ =	shalt  }
0x6f: {  	_ =	shalt  }
0x70: {  	_ =	shalt  }
0x71: {  	_ =	shalt  }
0x72: {  	_ =	shalt  }
0x73: {  	_ =	shalt  }
0x74: {  	_ =	shalt  }
0x75: {  	_ =	shalt  }
0x76: {  	_ =	shalt  }
0x77: {  	_ =	shalt  }
0x78: {  	_ =	shalt  }
0x79: {  	_ =	shalt  }
0x7a: {  	_ =	shalt  }
0x7b: {  	_ =	shalt  }
0x7c: {  	_ =	shalt  }
0x7d: {  	_ =	shalt  }
0x7e: {  	_ =	shalt  }
0x7f: {  	_ =	shalt  }
0x80: {  	_ =	shalt  }
0x81: {  	_ =	shalt  }
0x82: {  	_ =	shalt  }
0x83: {  	_ =	shalt  }
0x84: {  	_ =	shalt  }
0x85: {  	_ =	shalt  }
0x86: {  	_ =	shalt  }
0x87: {  	_ =	shalt  }
.Lfunc_end0:
.L_simem_size_0:
called_computation.1_lowered:
.L_overlay_start_0:
0x88: {  	s2 =	sld [smem:$0x3FD9]  }
0x89: {  	s3 =	sld [smem:$0x3FFE];
	_ =	sdelay $0x1  }
0x8a: {  	s1 =	srdreg.scid  }
0x8b: {  	s0 =	sand.u32 $0x1, s1  }
0x8c: {  	s17 =	sshll.u32 s0, $0xA;
	s2 =	sadd.s32 s3, s2  }
0x8d: {  	s2 =	sadd.s32 s2, s17  }
0x8e: {  	[smem:$0x3FC6] =	sst s2  }
0x8f: {  	_ = 	snop  }
0x90: {  	s2 =	sld [smem:$0x3FD0];
	(tm) =	ssettm $0x1  }
0x91: {  	s18 =	sld [smem:$0x3FFB];
	_ =	sdelay $0x3  }
0x92: {  	_ =	strace s18  }
0x93: {  	s3 =	sld [smem:$0x3FFC];
	_ =	sdelay $0x3  }
0x94: {  	_ =	strace s3  }
0x95: {  	s3 =	sld [smem:$0x3FFD];
	_ =	sdelay $0x3  }
0x96: {  	_ =	strace s3  }
0x97: {  	_ =	strace $0x8FFFFFFF  }
0x98: {  	s19 =	sld [smem:$0x3FDB];
	_ =	sdelay $0x1  }
0x99: {  	s4 =	simm.s32 $_scs_section_size  }
0x9a: {  	s5 =	simm.s32 $_size__tile_overlayer_lowered;
	s6 =	simm.s32 $_tile_overlayer_lowered  }
0x9b: {  	s22 =	simm.s32 $0x1BFF;
	s21 =	sshll.u32 s6, $0x1;
	s3 =	sadd.s32 s4, s19  }
0x9c: {  	s7 =	simm.s32 $0x0;
	s20 =	sshll.u32 s5, $0x1;
	s5 =	sadd.s32 s21, s3  }
0x9d: {  	[timem:s7], [sflag:s22] =	dma.local [hbm:s5], s20  }
0x9e: {  	_ =	swait.ge [sflag:s22], s20  }
0x9f: {  	s4 =	ssub.s32 $0x0, s20;
	[sflag:s22] =	ssyncset.done $0x0  }
0xa0: {  	[sflag:s22] =	ssyncadd.s32 s4;
	_ =	sdelay $0x1  }
0xa1: {  	s23 =	simm.s32 $0x1B8B  }
0xa2: {  	_ =	swait.ge [sflag:s23], $0x1  }
0xa3: {  	[sflag:s23] =	ssyncset.done $0x0  }
0xa4: {  	s25 =	simm.s32 $0x1B8E;
	s24 =	sld [smem:$0x3FFE];
	[sflag:s23] =	ssyncadd.s32 $0xFFFFFFFF  }
0xa5: {  	s26 =	simm.s32 $execute0_lowered;
	[smem:$0x3FD2] =	sst s25  }
0xa6: {  	s5 =	sshll.u32 s26, $0x1;
	_ =	strace $0x80000046;
	[dreg:$0x1] =	wrdreg $0xFFFFFFFF  }
0xa7: {  	s28 =	simm.s32 $_size_execute0_lowered;
	s3 =	sadd.s32 s3, s5;
	[dreg:$0x0] =	wrdreg $0x0  }
0xa8: {  	s5 =	sshll.u32 s28, $0x1;
	[dreg:$0x2] =	wrdreg s3  }
0xa9: {  	[dreg:$0x3] =	wrdreg s5  }
0xaa: {  	[dreg:$0x4] =	wrdreg $0xC0  }
0xab: {  	_ =	task [dreg:s7], $0x5FFFF  }
0xac: {  	[dreg:$0x1] =	wrdreg $0xFFFFFFFF  }
0xad: {  	[dreg:$0x0] =	wrdreg $0x60  }
0xae: {  	[dreg:$0x2] =	wrdreg s24  }
0xaf: {  	[dreg:$0x3] =	wrdreg s2  }
0xb0: {  	[dreg:$0x4] =	wrdreg $0x9  }
0xb1: {  	_ =	task.clear_ibuf [dreg:s7], $0x5FFFF;
	_ =	strace $0x90000046  }
0xb2: {  	s29 =	simm.s32 $0x9;
	_ =	strace $0x80000048  }
0xb3: {  	_ =	swait.ge [sflag:s29], $0x1  }
0xb4: {  	[sflag:s29] =	ssyncadd.s32 $0xFFFFFFFF  }
0xb5: {  	_ =	strace $0x90000048  }
0xb6: {  	_ =	sfence  }
0xb7: {  	s30 =	sld [smem:$0x0];
	_ =	sdelay $0x2  }
0xb8: {  	s31 =	sshll.u32 s1, $0xD;
	s1 =	sshrl.u32 s1, $0x2  }
0xb9: {  	s3 =	sand.u32 $0x4000, s31;
	s1 =	sadd.s32 s1, s30  }
0xba: {  	s0 =	sor.u32 s3, s0;
	s1 =	sshll.u32 s1, $0x11  }
0xbb: {  	s0 =	sor.u32 s1, s0  }
0xbc: {  	s0 =	sadd.s32 $0x8F2B, s0  }
0xbd: {  	[sflag:s0] =	ssyncadd.remote.s32 $0x1  }
0xbe: {  	_ =	sfence.sel $0xFFFF  }
0xbf: {  	[dreg:$0x0] =	wrdreg $0xFFFFFFFF;
	(pc) =	sbr.abs _section_cstart, $3  }
0xc0: {  	[dreg:$0x1] =	wrdreg $0xFFFFFFFF  }
0xc1: {  	_ =	task.clear_ibuf [dreg:s7], $0x2FFFF;
	_ =	strace $0x9FFFFFFF  }
0xc2: {  	(tm) =	ssettm $0x7FFFFFFF  }
0xc3: {  	_ =	shalt  }
tec
execute0_lowered:
.L_overlay_start_1:
0x0: {  	(tag) =	ssettag $0x1  }
0x1: {  	s1 =	srdreg.scid;
	s2 =	stileid.u32  }
0x2: {  	s1 =	sand.u32 $0x1, s1;
	s3 =	sshll.u32 s2, $0x1  }
0x3: {  	s5 =	sor.u32 s1, s3  }
0x4: {  	s0 =	rddreg [dreg:$0x0];
	s2 =	simm.s32 $0x0;
	s3 =	smul.u32 $0xC80, s5  }
0x5: {  	[smem:$0x7FF] =	sst s2;
	s6 =	smul.u32 $0xC8000, s5  }
0x6: {  	s4 =	rddreg [dreg:$0x1];
	s25 =	ssub.s32 $0x2, s1;
	_ =	strace $0x80000047  }
0x7: {  	s1 =	sshrl.u32 s25, $0x1;
	s7 =	sadd.s32 s3, s0;
	s6 =	sshrl.u32 s6, $0x3  }
0x8: {  	s5 =	smul.u32 $0x19000, s5;
	s26 =	sadd.s32 $0xA00, s7;
	s7 =	sadd.s32 s4, s6  }
0x9: {  	s8 =	ssub.s32 s25, s1;
	[dreg:$0x3] =	wrdreg s26;
	s1 =	sadd.s32 $0x1900, s7  }
0xa: {  	s5 =	sadd.s32 s4, s5;
	s4 =	sadd.s32 $0x2580, s7;
	[dreg:$0x4] =	wrdreg s1  }
0xb: {  	s6 =	sadd.s32 $0x3200, s7;
	[dreg:$0x5] =	wrdreg s4  }
0xc: {  	s9 =	sadd.s32 $0x3E80, s7;
	[dreg:$0x6] =	wrdreg s6  }
0xd: {  	s10 =	sadd.s32 $0x4B00, s7;
	[dreg:$0x7] =	wrdreg s9  }
0xe: {  	s11 =	sadd.s32 $0x5780, s7;
	[dreg:$0x8] =	wrdreg s10  }
0xf: {  	s12 =	sadd.s32 $0x6400, s7;
	[dreg:$0x9] =	wrdreg s11  }
0x10: {  	s13 =	sadd.s32 $0x7080, s7;
	[dreg:$0xa] =	wrdreg s12  }
0x11: {  	s14 =	sadd.s32 $0x7D00, s7;
	[dreg:$0xb] =	wrdreg s13  }
0x12: {  	s15 =	sadd.s32 $0x8980, s7;
	[dreg:$0xc] =	wrdreg s14  }
0x13: {  	s16 =	sadd.s32 $0x9600, s7;
	[dreg:$0xd] =	wrdreg s15  }
0x14: {  	s17 =	sadd.s32 $0xA280, s7;
	[dreg:$0xe] =	wrdreg s16  }
0x15: {  	s18 =	sadd.s32 $0xAF00, s7;
	[dreg:$0xf] =	wrdreg s17  }
0x16: {  	s19 =	sadd.s32 $0xBB80, s7;
	[dreg:$0x10] =	wrdreg s18  }
0x17: {  	s3 =	sadd.s32 $0xF42E00, s0;
	s20 =	sadd.s32 $0xC800, s7;
	[dreg:$0x11] =	wrdreg s19  }
0x18: {  	s8 =	smax.u32 s8, $0x1;
	s21 =	sadd.s32 $0xD480, s7;
	[dreg:$0x12] =	wrdreg s20  }
0x19: {  	s22 =	sadd.s32 $0xE100, s7;
	s23 =	sadd.s32 $0xED80, s7;
	[dreg:$0x13] =	wrdreg s21  }
0x1a: {  	s24 =	sadd.s32 $0xFA00, s7;
	s25 =	sadd.s32 $0x10680, s7;
	[dreg:$0x14] =	wrdreg s22  }
0x1b: {  	s26 =	sadd.s32 $0x11300, s7;
	s28 =	sadd.s32 $0x11F80, s7;
	[dreg:$0x15] =	wrdreg s23  }
0x1c: {  	s29 =	sadd.s32 $0x12C00, s7;
	s30 =	sadd.s32 $0x13880, s7;
	[dreg:$0x16] =	wrdreg s24  }
0x1d: {  	s31 =	sadd.s32 $0x14500, s7;
	s0 =	sadd.s32 $0x15E00, s7;
	[dreg:$0x17] =	wrdreg s25  }
0x1e: {  	[dreg:$0x18] =	wrdreg s26;
	s1 =	sadd.s32 $0x15180, s7;
	s4 =	sadd.s32 $0x16A80, s7  }
0x1f: {  	s6 =	sadd.s32 $0x17700, s7;
	s7 =	sadd.s32 $0x18380, s7;
	s9 =	sadd.s32 $0xC80, s5  }
0x20: {  	s10 =	simm.s32 $0x7;
	s11 =	simm.s32 $0x6400;
	s12 =	simm.s32 $0x640  }
0x21: {  	s13 =	simm.s32 $0x76C0;
	s14 =	simm.s32 $0x6A40;
	s15 =	simm.s32 $0xDAC0  }
0x22: {  	s16 =	simm.s32 $0x7080;
	s17 =	simm.s32 $0x13EC0;
	s18 =	simm.s32 $0x1  }
0x23: {  	v0 =	vlaneseq.u32;
	s19 =	simm.s32 $0x4;
	s20 =	simm.s32 $0x2;
	s21 =	simm.s32 $0x5  }
0x24: {  	v0 =	vmul.u32 $0x2, v0;
	s22 =	simm.s32 $0x3;
	s23 =	simm.s32 $0x6;
	s24 =	simm.s32 $0x0  }
.LBB2_1:
0x25: {  	s25 =	rddreg [dreg:$0x3]  }
0x26: {  	[tilespmem:s2], [sflag:$0x7] =	stream.linear.gather [hbm4b:s25+s2], $0x6400, $0x38;
	[tilespmem:$0x1A2C0] =	vst v63  }
0x27: {  	_ =	swait.ge [sflag:s10], $0x6400  }
0x28: {  	[sflag:s10] =	ssyncset.done $0x0  }
0x29: {  	v1 =	vmov s2;
	s26 =	simm.s32 $0x10;
	s25 =	simm.s32 $0x0;
	[sflag:s10] =	ssyncadd.s32 $0xFFFF9C00  }
.LBB2_2:
0x2a: {  	p0 =	sne.s32 s26, $0x310;
	v2 =	vld [tilespmem:s25+$0x0];
	v1 =	vshll.u32 v1, $0x1  }
0x2b: {  	v1 =	vor.u32 v0, v1  }
0x2c: {  	v3 =	vor.u32 $0x1, v1  }
.Ltmp0:
0x2d: {  	(pc) =	sbr.rel @p0 .LBB2_2-.Ltmp0, $4  }
0x2e: {  	_ = 	snop  }
0x2f: {  	v2 =	vshll.u32 v2, $0x1  }
0x30: {  	[tilespmem:v1+s11+$0x0] =	vst.idx.msk $0xffff, v2;
	v2 =	vor.u32 $0x1, v2  }
0x31: {  	s25 =	sadd.s32 $0x10, s25;
	v1 =	vmov s26;
	s26 =	sadd.s32 $0x10, s26;
	[tilespmem:v3+s11+$0x0] =	vst.idx.msk $0xffff, v2  }
0x32: {  	v2 =	vld [tilespmem:s25+$0x0];
	v1 =	vshll.u32 v1, $0x1  }
0x33: {  	v1 =	vor.u32 v0, v1  }
0x34: {  	v3 =	vor.u32 $0x1, v1;
	_ =	sdelay $0x2  }
0x35: {  	v2 =	vshll.u32 v2, $0x1  }
0x36: {  	s26 =	simm.s32 $0x0;
	[tilespmem:v1+s11+$0x0] =	vst.idx.msk $0xffff, v2;
	v1 =	vor.u32 $0x1, v2  }
0x37: {  	s25 =	simm.s32 $0x320;
	[tilespmem:v3+s11+$0x0] =	vst.idx.msk $0xffff, v1;
	v1 =	vmov s26;
	s26 =	simm.s32 $0x10  }
0x38: {  	[tilespmem:s13], [sflag:$0x1] =	stream.indirect.gather [hbm4b:s3+s12], $0x10, s11, s12, $0xb8;
	[tilespmem:$0x1A2C0] =	vst v63  }
.LBB2_4:
0x39: {  	p0 =	sne.s32 s26, $0x310;
	v2 =	vld [tilespmem:s25+$0x0];
	v1 =	vshll.u32 v1, $0x1  }
0x3a: {  	v1 =	vor.u32 v0, v1  }
0x3b: {  	v3 =	vor.u32 $0x1, v1  }
.Ltmp1:
0x3c: {  	(pc) =	sbr.rel @p0 .LBB2_4-.Ltmp1, $4  }
0x3d: {  	_ = 	snop  }
0x3e: {  	v2 =	vshll.u32 v2, $0x1  }
0x3f: {  	[tilespmem:v1+s14+$0x0] =	vst.idx.msk $0xffff, v2;
	v2 =	vor.u32 $0x1, v2  }
0x40: {  	s25 =	sadd.s32 $0x10, s25;
	v1 =	vmov s26;
	s26 =	sadd.s32 $0x10, s26;
	[tilespmem:v3+s14+$0x0] =	vst.idx.msk $0xffff, v2  }
0x41: {  	v2 =	vld [tilespmem:s25+$0x0];
	v1 =	vshll.u32 v1, $0x1  }
0x42: {  	v1 =	vor.u32 v0, v1  }
0x43: {  	v3 =	vor.u32 $0x1, v1;
	_ =	sdelay $0x2  }
0x44: {  	v2 =	vshll.u32 v2, $0x1  }
0x45: {  	s26 =	simm.s32 $0x0;
	[tilespmem:v1+s14+$0x0] =	vst.idx.msk $0xffff, v2;
	v1 =	vor.u32 $0x1, v2  }
0x46: {  	s25 =	simm.s32 $0x640;
	[tilespmem:v3+s14+$0x0] =	vst.idx.msk $0xffff, v1;
	v1 =	vmov s26;
	s26 =	simm.s32 $0x10  }
0x47: {  	[tilespmem:s15], [sflag:$0x2] =	stream.indirect.gather [hbm4b:s3+s25], $0x10, s14, s25, $0xb8;
	[tilespmem:$0x1A2C0] =	vst v63  }
.LBB2_6:
0x48: {  	p0 =	sne.s32 s26, $0x310;
	v2 =	vld [tilespmem:s25+$0x0];
	v1 =	vshll.u32 v1, $0x1  }
0x49: {  	v1 =	vor.u32 v0, v1  }
0x4a: {  	v3 =	vor.u32 $0x1, v1  }
.Ltmp2:
0x4b: {  	(pc) =	sbr.rel @p0 .LBB2_6-.Ltmp2, $4  }
0x4c: {  	_ = 	snop  }
0x4d: {  	v2 =	vshll.u32 v2, $0x1  }
0x4e: {  	[tilespmem:v1+s16+$0x0] =	vst.idx.msk $0xffff, v2;
	v2 =	vor.u32 $0x1, v2  }
0x4f: {  	s25 =	sadd.s32 $0x10, s25;
	v1 =	vmov s26;
	s26 =	sadd.s32 $0x10, s26;
	[tilespmem:v3+s16+$0x0] =	vst.idx.msk $0xffff, v2  }
0x50: {  	v2 =	vld [tilespmem:s25+$0x0];
	v1 =	vshll.u32 v1, $0x1  }
0x51: {  	v1 =	vor.u32 v0, v1  }
0x52: {  	v3 =	vor.u32 $0x1, v1;
	_ =	sdelay $0x2  }
0x53: {  	v2 =	vshll.u32 v2, $0x1  }
0x54: {  	[tilespmem:v1+s16+$0x0] =	vst.idx.msk $0xffff, v2;
	v1 =	vor.u32 $0x1, v2  }
0x55: {  	[tilespmem:v3+s16+$0x0] =	vst.idx.msk $0xffff, v1  }
0x56: {  	[tilespmem:s17], [sflag:$0x3] =	stream.indirect.gather [hbm4b:s3+s12], $0x10, s16, s12, $0xb8;
	[tilespmem:$0x1A2C0] =	vst v63  }
0x57: {  	_ =	swait.ge [sflag:s18], $0x6400  }
0x58: {  	[sflag:s18] =	ssyncset.done $0x0  }
0x59: {  	s26 =	simm.s32 $0x0;
	[sflag:s18] =	ssyncadd.s32 $0xFFFF9C00  }
0x5a: {  	[hbm4b:s5+s26] =	stream.linear.scatter [tilespmem:s13], [sflag:$0x4], $0x6400, $0x38;
	[tilespmem:$0x1A2C0] =	vst v63  }
0x5b: {  	_ =	swait.ge [sflag:s19], $0x6400  }
0x5c: {  	[sflag:s19] =	ssyncset.done $0x0  }
0x5d: {  	s25 =	simm.s32 $0x960;
	v1 =	vmov s26;
	s26 =	simm.s32 $0x10;
	[sflag:s19] =	ssyncadd.s32 $0xFFFF9C00  }
.LBB2_8:
0x5e: {  	p0 =	sne.s32 s26, $0x310;
	v2 =	vld [tilespmem:s25+$0x0];
	v1 =	vshll.u32 v1, $0x1  }
0x5f: {  	v1 =	vor.u32 v0, v1  }
0x60: {  	v3 =	vor.u32 $0x1, v1  }
.Ltmp3:
0x61: {  	(pc) =	sbr.rel @p0 .LBB2_8-.Ltmp3, $4  }
0x62: {  	_ = 	snop  }
0x63: {  	v2 =	vshll.u32 v2, $0x1  }
0x64: {  	[tilespmem:v1+s11+$0x0] =	vst.idx.msk $0xffff, v2;
	v2 =	vor.u32 $0x1, v2  }
0x65: {  	s25 =	sadd.s32 $0x10, s25;
	v1 =	vmov s26;
	s26 =	sadd.s32 $0x10, s26;
	[tilespmem:v3+s11+$0x0] =	vst.idx.msk $0xffff, v2  }
0x66: {  	v2 =	vld [tilespmem:s25+$0x0];
	v1 =	vshll.u32 v1, $0x1  }
0x67: {  	v1 =	vor.u32 v0, v1  }
0x68: {  	v3 =	vor.u32 $0x1, v1;
	_ =	sdelay $0x2  }
0x69: {  	v2 =	vshll.u32 v2, $0x1  }
0x6a: {  	[tilespmem:v1+s11+$0x0] =	vst.idx.msk $0xffff, v2;
	v1 =	vor.u32 $0x1, v2  }
0x6b: {  	[tilespmem:v3+s11+$0x0] =	vst.idx.msk $0xffff, v1  }
0x6c: {  	[tilespmem:s13], [sflag:$0x1] =	stream.indirect.gather [hbm4b:s3+s12], $0x10, s11, s12, $0xb8;
	[tilespmem:$0x1A2C0] =	vst v63  }
0x6d: {  	_ =	swait.ge [sflag:s20], $0x6400  }
0x6e: {  	[sflag:s20] =	ssyncset.done $0x0  }
0x6f: {  	s26 =	simm.s32 $0x0;
	[sflag:s20] =	ssyncadd.s32 $0xFFFF9C00  }
0x70: {  	[hbm4b:s9+s26] =	stream.linear.scatter [tilespmem:s15], [sflag:$0x5], $0x6400, $0x38;
	[tilespmem:$0x1A2C0] =	vst v63  }
0x71: {  	_ =	swait.ge [sflag:s21], $0x6400  }
0x72: {  	[sflag:s21] =	ssyncset.done $0x0  }
0x73: {  	s25 =	simm.s32 $0xC80;
	v1 =	vmov s26;
	s26 =	simm.s32 $0x10;
	[sflag:s21] =	ssyncadd.s32 $0xFFFF9C00  }
.LBB2_10:
0x74: {  	p0 =	sne.s32 s26, $0x310;
	v2 =	vld [tilespmem:s25+$0x0];
	v1 =	vshll.u32 v1, $0x1  }
0x75: {  	v1 =	vor.u32 v0, v1  }
0x76: {  	v3 =	vor.u32 $0x1, v1  }
.Ltmp4:
0x77: {  	(pc) =	sbr.rel @p0 .LBB2_10-.Ltmp4, $4  }
0x78: {  	_ = 	snop  }
0x79: {  	v2 =	vshll.u32 v2, $0x1  }
0x7a: {  	[tilespmem:v1+s14+$0x0] =	vst.idx.msk $0xffff, v2;
	v2 =	vor.u32 $0x1, v2  }
0x7b: {  	s25 =	sadd.s32 $0x10, s25;
	v1 =	vmov s26;
	s26 =	sadd.s32 $0x10, s26;
	[tilespmem:v3+s14+$0x0] =	vst.idx.msk $0xffff, v2  }
0x7c: {  	v2 =	vld [tilespmem:s25+$0x0];
	v1 =	vshll.u32 v1, $0x1  }
0x7d: {  	v1 =	vor.u32 v0, v1  }
0x7e: {  	v3 =	vor.u32 $0x1, v1;
	_ =	sdelay $0x2  }
0x7f: {  	v2 =	vshll.u32 v2, $0x1  }
0x80: {  	[tilespmem:v1+s14+$0x0] =	vst.idx.msk $0xffff, v2;
	v1 =	vor.u32 $0x1, v2  }
0x81: {  	[tilespmem:v3+s14+$0x0] =	vst.idx.msk $0xffff, v1  }
0x82: {  	[tilespmem:s15], [sflag:$0x2] =	stream.indirect.gather [hbm4b:s3+s12], $0x10, s14, s12, $0xb8;
	[tilespmem:$0x1A2C0] =	vst v63  }
0x83: {  	_ =	swait.ge [sflag:s22], $0x6400  }
0x84: {  	[sflag:s22] =	ssyncset.done $0x0  }
0x85: {  	s26 =	simm.s32 $0x0;
	s25 =	rddreg [dreg:$0x4];
	[sflag:s22] =	ssyncadd.s32 $0xFFFF9C00  }
0x86: {  	[hbm4b:s25+s26] =	stream.linear.scatter [tilespmem:s17], [sflag:$0x6], $0x6400, $0x38;
	[tilespmem:$0x1A2C0] =	vst v63  }
0x87: {  	_ =	swait.ge [sflag:s23], $0x6400  }
0x88: {  	[sflag:s23] =	ssyncset.done $0x0  }
0x89: {  	v1 =	vmov s26;
	s25 =	simm.s32 $0xFA0;
	s26 =	simm.s32 $0x10;
	[sflag:s23] =	ssyncadd.s32 $0xFFFF9C00  }
.LBB2_12:
0x8a: {  	p0 =	sne.s32 s26, $0x310;
	v2 =	vld [tilespmem:s25+$0x0];
	v1 =	vshll.u32 v1, $0x1  }
0x8b: {  	v1 =	vor.u32 v0, v1  }
0x8c: {  	v3 =	vor.u32 $0x1, v1  }
.Ltmp5:
0x8d: {  	(pc) =	sbr.rel @p0 .LBB2_12-.Ltmp5, $4  }
0x8e: {  	_ = 	snop  }
0x8f: {  	v2 =	vshll.u32 v2, $0x1  }
0x90: {  	[tilespmem:v1+s16+$0x0] =	vst.idx.msk $0xffff, v2;
	v2 =	vor.u32 $0x1, v2  }
0x91: {  	s25 =	sadd.s32 $0x10, s25;
	v1 =	vmov s26;
	s26 =	sadd.s32 $0x10, s26;
	[tilespmem:v3+s16+$0x0] =	vst.idx.msk $0xffff, v2  }
0x92: {  	v2 =	vld [tilespmem:s25+$0x0];
	v1 =	vshll.u32 v1, $0x1  }
0x93: {  	v1 =	vor.u32 v0, v1  }
0x94: {  	v3 =	vor.u32 $0x1, v1;
	_ =	sdelay $0x2  }
0x95: {  	v2 =	vshll.u32 v2, $0x1  }
0x96: {  	[tilespmem:v1+s16+$0x0] =	vst.idx.msk $0xffff, v2;
	v1 =	vor.u32 $0x1, v2  }
0x97: {  	[tilespmem:v3+s16+$0x0] =	vst.idx.msk $0xffff, v1  }
0x98: {  	[tilespmem:s17], [sflag:$0x3] =	stream.indirect.gather [hbm4b:s3+s12], $0x10, s16, s12, $0xb8;
	[tilespmem:$0x1A2C0] =	vst v63  }
0x99: {  	_ =	swait.ge [sflag:s18], $0x6400  }
0x9a: {  	[sflag:s18] =	ssyncset.done $0x0  }
0x9b: {  	s26 =	simm.s32 $0x0;
	s25 =	rddreg [dreg:$0x5];
	[sflag:s18] =	ssyncadd.s32 $0xFFFF9C00  }
0x9c: {  	[hbm4b:s25+s26] =	stream.linear.scatter [tilespmem:s13], [sflag:$0x4], $0x6400, $0x38;
	[tilespmem:$0x1A2C0] =	vst v63  }
0x9d: {  	_ =	swait.ge [sflag:s19], $0x6400  }
0x9e: {  	[sflag:s19] =	ssyncset.done $0x0  }
0x9f: {  	v1 =	vmov s26;
	s25 =	simm.s32 $0x12C0;
	s26 =	simm.s32 $0x10;
	[sflag:s19] =	ssyncadd.s32 $0xFFFF9C00  }
.LBB2_14:
0xa0: {  	p0 =	sne.s32 s26, $0x310;
	v2 =	vld [tilespmem:s25+$0x0];
	v1 =	vshll.u32 v1, $0x1  }
0xa1: {  	v1 =	vor.u32 v0, v1  }
0xa2: {  	v3 =	vor.u32 $0x1, v1  }
.Ltmp6:
0xa3: {  	(pc) =	sbr.rel @p0 .LBB2_14-.Ltmp6, $4  }
0xa4: {  	_ = 	snop  }
0xa5: {  	v2 =	vshll.u32 v2, $0x1  }
0xa6: {  	[tilespmem:v1+s11+$0x0] =	vst.idx.msk $0xffff, v2;
	v2 =	vor.u32 $0x1, v2  }
0xa7: {  	s25 =	sadd.s32 $0x10, s25;
	v1 =	vmov s26;
	s26 =	sadd.s32 $0x10, s26;
	[tilespmem:v3+s11+$0x0] =	vst.idx.msk $0xffff, v2  }
0xa8: {  	v2 =	vld [tilespmem:s25+$0x0];
	v1 =	vshll.u32 v1, $0x1  }
0xa9: {  	v1 =	vor.u32 v0, v1  }
0xaa: {  	v3 =	vor.u32 $0x1, v1;
	_ =	sdelay $0x2  }
0xab: {  	v2 =	vshll.u32 v2, $0x1  }
0xac: {  	[tilespmem:v1+s11+$0x0] =	vst.idx.msk $0xffff, v2;
	v1 =	vor.u32 $0x1, v2  }
0xad: {  	[tilespmem:v3+s11+$0x0] =	vst.idx.msk $0xffff, v1  }
0xae: {  	[tilespmem:s13], [sflag:$0x1] =	stream.indirect.gather [hbm4b:s3+s12], $0x10, s11, s12, $0xb8;
	[tilespmem:$0x1A2C0] =	vst v63  }
0xaf: {  	_ =	swait.ge [sflag:s20], $0x6400  }
0xb0: {  	[sflag:s20] =	ssyncset.done $0x0  }
0xb1: {  	s26 =	simm.s32 $0x0;
	s25 =	rddreg [dreg:$0x6];
	[sflag:s20] =	ssyncadd.s32 $0xFFFF9C00  }
0xb2: {  	[hbm4b:s25+s26] =	stream.linear.scatter [tilespmem:s15], [sflag:$0x5], $0x6400, $0x38;
	[tilespmem:$0x1A2C0] =	vst v63  }
0xb3: {  	_ =	swait.ge [sflag:s21], $0x6400  }
0xb4: {  	[sflag:s21] =	ssyncset.done $0x0  }
0xb5: {  	v1 =	vmov s26;
	s25 =	simm.s32 $0x15E0;
	s26 =	simm.s32 $0x10;
	[sflag:s21] =	ssyncadd.s32 $0xFFFF9C00  }
.LBB2_16:
0xb6: {  	p0 =	sne.s32 s26, $0x310;
	v2 =	vld [tilespmem:s25+$0x0];
	v1 =	vshll.u32 v1, $0x1  }
0xb7: {  	v1 =	vor.u32 v0, v1  }
0xb8: {  	v3 =	vor.u32 $0x1, v1  }
.Ltmp7:
0xb9: {  	(pc) =	sbr.rel @p0 .LBB2_16-.Ltmp7, $4  }
0xba: {  	_ = 	snop  }
0xbb: {  	v2 =	vshll.u32 v2, $0x1  }
0xbc: {  	[tilespmem:v1+s14+$0x0] =	vst.idx.msk $0xffff, v2;
	v2 =	vor.u32 $0x1, v2  }
0xbd: {  	s25 =	sadd.s32 $0x10, s25;
	v1 =	vmov s26;
	s26 =	sadd.s32 $0x10, s26;
	[tilespmem:v3+s14+$0x0] =	vst.idx.msk $0xffff, v2  }
0xbe: {  	v2 =	vld [tilespmem:s25+$0x0];
	v1 =	vshll.u32 v1, $0x1  }
0xbf: {  	v1 =	vor.u32 v0, v1  }
0xc0: {  	v3 =	vor.u32 $0x1, v1;
	_ =	sdelay $0x2  }
0xc1: {  	v2 =	vshll.u32 v2, $0x1  }
0xc2: {  	[tilespmem:v1+s14+$0x0] =	vst.idx.msk $0xffff, v2;
	v1 =	vor.u32 $0x1, v2  }
0xc3: {  	[tilespmem:v3+s14+$0x0] =	vst.idx.msk $0xffff, v1  }
0xc4: {  	[tilespmem:s15], [sflag:$0x2] =	stream.indirect.gather [hbm4b:s3+s12], $0x10, s14, s12, $0xb8;
	[tilespmem:$0x1A2C0] =	vst v63  }
0xc5: {  	_ =	swait.ge [sflag:s22], $0x6400  }
0xc6: {  	[sflag:s22] =	ssyncset.done $0x0  }
0xc7: {  	s26 =	simm.s32 $0x0;
	s25 =	rddreg [dreg:$0x7];
	[sflag:s22] =	ssyncadd.s32 $0xFFFF9C00  }
0xc8: {  	[hbm4b:s25+s26] =	stream.linear.scatter [tilespmem:s17], [sflag:$0x6], $0x6400, $0x38;
	[tilespmem:$0x1A2C0] =	vst v63  }
0xc9: {  	_ =	swait.ge [sflag:s23], $0x6400  }
0xca: {  	[sflag:s23] =	ssyncset.done $0x0  }
0xcb: {  	v1 =	vmov s26;
	s25 =	simm.s32 $0x1900;
	s26 =	simm.s32 $0x10;
	[sflag:s23] =	ssyncadd.s32 $0xFFFF9C00  }
.LBB2_18:
0xcc: {  	p0 =	sne.s32 s26, $0x310;
	v2 =	vld [tilespmem:s25+$0x0];
	v1 =	vshll.u32 v1, $0x1  }
0xcd: {  	v1 =	vor.u32 v0, v1  }
0xce: {  	v3 =	vor.u32 $0x1, v1  }
.Ltmp8:
0xcf: {  	(pc) =	sbr.rel @p0 .LBB2_18-.Ltmp8, $4  }
0xd0: {  	_ = 	snop  }
0xd1: {  	v2 =	vshll.u32 v2, $0x1  }
0xd2: {  	[tilespmem:v1+s16+$0x0] =	vst.idx.msk $0xffff, v2;
	v2 =	vor.u32 $0x1, v2  }
0xd3: {  	s25 =	sadd.s32 $0x10, s25;
	v1 =	vmov s26;
	s26 =	sadd.s32 $0x10, s26;
	[tilespmem:v3+s16+$0x0] =	vst.idx.msk $0xffff, v2  }
0xd4: {  	v2 =	vld [tilespmem:s25+$0x0];
	v1 =	vshll.u32 v1, $0x1  }
0xd5: {  	v1 =	vor.u32 v0, v1  }
0xd6: {  	v3 =	vor.u32 $0x1, v1;
	_ =	sdelay $0x2  }
0xd7: {  	v2 =	vshll.u32 v2, $0x1  }
0xd8: {  	[tilespmem:v1+s16+$0x0] =	vst.idx.msk $0xffff, v2;
	v1 =	vor.u32 $0x1, v2  }
0xd9: {  	[tilespmem:v3+s16+$0x0] =	vst.idx.msk $0xffff, v1  }
0xda: {  	[tilespmem:s17], [sflag:$0x3] =	stream.indirect.gather [hbm4b:s3+s12], $0x10, s16, s12, $0xb8;
	[tilespmem:$0x1A2C0] =	vst v63  }
0xdb: {  	_ =	swait.ge [sflag:s18], $0x6400  }
0xdc: {  	[sflag:s18] =	ssyncset.done $0x0  }
0xdd: {  	s26 =	simm.s32 $0x0;
	s25 =	rddreg [dreg:$0x8];
	[sflag:s18] =	ssyncadd.s32 $0xFFFF9C00  }
0xde: {  	[hbm4b:s25+s26] =	stream.linear.scatter [tilespmem:s13], [sflag:$0x4], $0x6400, $0x38;
	[tilespmem:$0x1A2C0] =	vst v63  }
0xdf: {  	_ =	swait.ge [sflag:s19], $0x6400  }
0xe0: {  	[sflag:s19] =	ssyncset.done $0x0  }
0xe1: {  	v1 =	vmov s26;
	s25 =	simm.s32 $0x1C20;
	s26 =	simm.s32 $0x10;
	[sflag:s19] =	ssyncadd.s32 $0xFFFF9C00  }
.LBB2_20:
0xe2: {  	p0 =	sne.s32 s26, $0x310;
	v2 =	vld [tilespmem:s25+$0x0];
	v1 =	vshll.u32 v1, $0x1  }
0xe3: {  	v1 =	vor.u32 v0, v1  }
0xe4: {  	v3 =	vor.u32 $0x1, v1  }
.Ltmp9:
0xe5: {  	(pc) =	sbr.rel @p0 .LBB2_20-.Ltmp9, $4  }
0xe6: {  	_ = 	snop  }
0xe7: {  	v2 =	vshll.u32 v2, $0x1  }
0xe8: {  	[tilespmem:v1+s11+$0x0] =	vst.idx.msk $0xffff, v2;
	v2 =	vor.u32 $0x1, v2  }
0xe9: {  	s25 =	sadd.s32 $0x10, s25;
	v1 =	vmov s26;
	s26 =	sadd.s32 $0x10, s26;
	[tilespmem:v3+s11+$0x0] =	vst.idx.msk $0xffff, v2  }
0xea: {  	v2 =	vld [tilespmem:s25+$0x0];
	v1 =	vshll.u32 v1, $0x1  }
0xeb: {  	v1 =	vor.u32 v0, v1  }
0xec: {  	v3 =	vor.u32 $0x1, v1;
	_ =	sdelay $0x2  }
0xed: {  	v2 =	vshll.u32 v2, $0x1  }
0xee: {  	[tilespmem:v1+s11+$0x0] =	vst.idx.msk $0xffff, v2;
	v1 =	vor.u32 $0x1, v2  }
0xef: {  	[tilespmem:v3+s11+$0x0] =	vst.idx.msk $0xffff, v1  }
0xf0: {  	[tilespmem:s13], [sflag:$0x1] =	stream.indirect.gather [hbm4b:s3+s12], $0x10, s11, s12, $0xb8;
	[tilespmem:$0x1A2C0] =	vst v63  }
0xf1: {  	_ =	swait.ge [sflag:s20], $0x6400  }
0xf2: {  	[sflag:s20] =	ssyncset.done $0x0  }
0xf3: {  	s26 =	simm.s32 $0x0;
	s25 =	rddreg [dreg:$0x9];
	[sflag:s20] =	ssyncadd.s32 $0xFFFF9C00  }
0xf4: {  	[hbm4b:s25+s26] =	stream.linear.scatter [tilespmem:s15], [sflag:$0x5], $0x6400, $0x38;
	[tilespmem:$0x1A2C0] =	vst v63  }
0xf5: {  	_ =	swait.ge [sflag:s21], $0x6400  }
0xf6: {  	[sflag:s21] =	ssyncset.done $0x0  }
0xf7: {  	v1 =	vmov s26;
	s25 =	simm.s32 $0x1F40;
	s26 =	simm.s32 $0x10;
	[sflag:s21] =	ssyncadd.s32 $0xFFFF9C00  }
.LBB2_22:
0xf8: {  	p0 =	sne.s32 s26, $0x310;
	v2 =	vld [tilespmem:s25+$0x0];
	v1 =	vshll.u32 v1, $0x1  }
0xf9: {  	v1 =	vor.u32 v0, v1  }
0xfa: {  	v3 =	vor.u32 $0x1, v1  }
.Ltmp10:
0xfb: {  	(pc) =	sbr.rel @p0 .LBB2_22-.Ltmp10, $4  }
0xfc: {  	_ = 	snop  }
0xfd: {  	v2 =	vshll.u32 v2, $0x1  }
0xfe: {  	[tilespmem:v1+s14+$0x0] =	vst.idx.msk $0xffff, v2;
	v2 =	vor.u32 $0x1, v2  }
0xff: {  	s25 =	sadd.s32 $0x10, s25;
	v1 =	vmov s26;
	s26 =	sadd.s32 $0x10, s26;
	[tilespmem:v3+s14+$0x0] =	vst.idx.msk $0xffff, v2  }
0x100: {  	v2 =	vld [tilespmem:s25+$0x0];
	v1 =	vshll.u32 v1, $0x1  }
0x101: {  	v1 =	vor.u32 v0, v1  }
0x102: {  	v3 =	vor.u32 $0x1, v1;
	_ =	sdelay $0x2  }
0x103: {  	v2 =	vshll.u32 v2, $0x1  }
0x104: {  	[tilespmem:v1+s14+$0x0] =	vst.idx.msk $0xffff, v2;
	v1 =	vor.u32 $0x1, v2  }
0x105: {  	[tilespmem:v3+s14+$0x0] =	vst.idx.msk $0xffff, v1  }
0x106: {  	[tilespmem:s15], [sflag:$0x2] =	stream.indirect.gather [hbm4b:s3+s12], $0x10, s14, s12, $0xb8;
	[tilespmem:$0x1A2C0] =	vst v63  }
0x107: {  	_ =	swait.ge [sflag:s22], $0x6400  }
0x108: {  	[sflag:s22] =	ssyncset.done $0x0  }
0x109: {  	s26 =	simm.s32 $0x0;
	s25 =	rddreg [dreg:$0xa];
	[sflag:s22] =	ssyncadd.s32 $0xFFFF9C00  }
0x10a: {  	[hbm4b:s25+s26] =	stream.linear.scatter [tilespmem:s17], [sflag:$0x6], $0x6400, $0x38;
	[tilespmem:$0x1A2C0] =	vst v63  }
0x10b: {  	_ =	swait.ge [sflag:s23], $0x6400  }
0x10c: {  	[sflag:s23] =	ssyncset.done $0x0  }
0x10d: {  	v1 =	vmov s26;
	s25 =	simm.s32 $0x2260;
	s26 =	simm.s32 $0x10;
	[sflag:s23] =	ssyncadd.s32 $0xFFFF9C00  }
.LBB2_24:
0x10e: {  	p0 =	sne.s32 s26, $0x310;
	v2 =	vld [tilespmem:s25+$0x0];
	v1 =	vshll.u32 v1, $0x1  }
0x10f: {  	v1 =	vor.u32 v0, v1  }
0x110: {  	v3 =	vor.u32 $0x1, v1  }
.Ltmp11:
0x111: {  	(pc) =	sbr.rel @p0 .LBB2_24-.Ltmp11, $4  }
0x112: {  	_ = 	snop  }
0x113: {  	v2 =	vshll.u32 v2, $0x1  }
0x114: {  	[tilespmem:v1+s16+$0x0] =	vst.idx.msk $0xffff, v2;
	v2 =	vor.u32 $0x1, v2  }
0x115: {  	s25 =	sadd.s32 $0x10, s25;
	v1 =	vmov s26;
	s26 =	sadd.s32 $0x10, s26;
	[tilespmem:v3+s16+$0x0] =	vst.idx.msk $0xffff, v2  }
0x116: {  	v2 =	vld [tilespmem:s25+$0x0];
	v1 =	vshll.u32 v1, $0x1  }
0x117: {  	v1 =	vor.u32 v0, v1  }
0x118: {  	v3 =	vor.u32 $0x1, v1;
	_ =	sdelay $0x2  }
0x119: {  	v2 =	vshll.u32 v2, $0x1  }
0x11a: {  	[tilespmem:v1+s16+$0x0] =	vst.idx.msk $0xffff, v2;
	v1 =	vor.u32 $0x1, v2  }
0x11b: {  	[tilespmem:v3+s16+$0x0] =	vst.idx.msk $0xffff, v1  }
0x11c: {  	[tilespmem:s17], [sflag:$0x3] =	stream.indirect.gather [hbm4b:s3+s12], $0x10, s16, s12, $0xb8;
	[tilespmem:$0x1A2C0] =	vst v63  }
0x11d: {  	_ =	swait.ge [sflag:s18], $0x6400  }
0x11e: {  	[sflag:s18] =	ssyncset.done $0x0  }
0x11f: {  	s26 =	simm.s32 $0x0;
	s25 =	rddreg [dreg:$0xb];
	[sflag:s18] =	ssyncadd.s32 $0xFFFF9C00  }
0x120: {  	[hbm4b:s25+s26] =	stream.linear.scatter [tilespmem:s13], [sflag:$0x4], $0x6400, $0x38;
	[tilespmem:$0x1A2C0] =	vst v63  }
0x121: {  	_ =	swait.ge [sflag:s19], $0x6400  }
0x122: {  	[sflag:s19] =	ssyncset.done $0x0  }
0x123: {  	v1 =	vmov s26;
	s25 =	simm.s32 $0x2580;
	s26 =	simm.s32 $0x10;
	[sflag:s19] =	ssyncadd.s32 $0xFFFF9C00  }
.LBB2_26:
0x124: {  	p0 =	sne.s32 s26, $0x310;
	v2 =	vld [tilespmem:s25+$0x0];
	v1 =	vshll.u32 v1, $0x1  }
0x125: {  	v1 =	vor.u32 v0, v1  }
0x126: {  	v3 =	vor.u32 $0x1, v1  }
.Ltmp12:
0x127: {  	(pc) =	sbr.rel @p0 .LBB2_26-.Ltmp12, $4  }
0x128: {  	_ = 	snop  }
0x129: {  	v2 =	vshll.u32 v2, $0x1  }
0x12a: {  	[tilespmem:v1+s11+$0x0] =	vst.idx.msk $0xffff, v2;
	v2 =	vor.u32 $0x1, v2  }
0x12b: {  	s25 =	sadd.s32 $0x10, s25;
	v1 =	vmov s26;
	s26 =	sadd.s32 $0x10, s26;
	[tilespmem:v3+s11+$0x0] =	vst.idx.msk $0xffff, v2  }
0x12c: {  	v2 =	vld [tilespmem:s25+$0x0];
	v1 =	vshll.u32 v1, $0x1  }
0x12d: {  	v1 =	vor.u32 v0, v1  }
0x12e: {  	v3 =	vor.u32 $0x1, v1;
	_ =	sdelay $0x2  }
0x12f: {  	v2 =	vshll.u32 v2, $0x1  }
0x130: {  	[tilespmem:v1+s11+$0x0] =	vst.idx.msk $0xffff, v2;
	v1 =	vor.u32 $0x1, v2  }
0x131: {  	[tilespmem:v3+s11+$0x0] =	vst.idx.msk $0xffff, v1  }
0x132: {  	[tilespmem:s13], [sflag:$0x1] =	stream.indirect.gather [hbm4b:s3+s12], $0x10, s11, s12, $0xb8;
	[tilespmem:$0x1A2C0] =	vst v63  }
0x133: {  	_ =	swait.ge [sflag:s20], $0x6400  }
0x134: {  	[sflag:s20] =	ssyncset.done $0x0  }
0x135: {  	s26 =	simm.s32 $0x0;
	s25 =	rddreg [dreg:$0xc];
	[sflag:s20] =	ssyncadd.s32 $0xFFFF9C00  }
0x136: {  	[hbm4b:s25+s26] =	stream.linear.scatter [tilespmem:s15], [sflag:$0x5], $0x6400, $0x38;
	[tilespmem:$0x1A2C0] =	vst v63  }
0x137: {  	_ =	swait.ge [sflag:s21], $0x6400  }
0x138: {  	[sflag:s21] =	ssyncset.done $0x0  }
0x139: {  	v1 =	vmov s26;
	s25 =	simm.s32 $0x28A0;
	s26 =	simm.s32 $0x10;
	[sflag:s21] =	ssyncadd.s32 $0xFFFF9C00  }
.LBB2_28:
0x13a: {  	p0 =	sne.s32 s26, $0x310;
	v2 =	vld [tilespmem:s25+$0x0];
	v1 =	vshll.u32 v1, $0x1  }
0x13b: {  	v1 =	vor.u32 v0, v1  }
0x13c: {  	v3 =	vor.u32 $0x1, v1  }
.Ltmp13:
0x13d: {  	(pc) =	sbr.rel @p0 .LBB2_28-.Ltmp13, $4  }
0x13e: {  	_ = 	snop  }
0x13f: {  	v2 =	vshll.u32 v2, $0x1  }
0x140: {  	[tilespmem:v1+s14+$0x0] =	vst.idx.msk $0xffff, v2;
	v2 =	vor.u32 $0x1, v2  }
0x141: {  	s25 =	sadd.s32 $0x10, s25;
	v1 =	vmov s26;
	s26 =	sadd.s32 $0x10, s26;
	[tilespmem:v3+s14+$0x0] =	vst.idx.msk $0xffff, v2  }
0x142: {  	v2 =	vld [tilespmem:s25+$0x0];
	v1 =	vshll.u32 v1, $0x1  }
0x143: {  	v1 =	vor.u32 v0, v1  }
0x144: {  	v3 =	vor.u32 $0x1, v1;
	_ =	sdelay $0x2  }
0x145: {  	v2 =	vshll.u32 v2, $0x1  }
0x146: {  	[tilespmem:v1+s14+$0x0] =	vst.idx.msk $0xffff, v2;
	v1 =	vor.u32 $0x1, v2  }
0x147: {  	[tilespmem:v3+s14+$0x0] =	vst.idx.msk $0xffff, v1  }
0x148: {  	[tilespmem:s15], [sflag:$0x2] =	stream.indirect.gather [hbm4b:s3+s12], $0x10, s14, s12, $0xb8;
	[tilespmem:$0x1A2C0] =	vst v63  }
0x149: {  	_ =	swait.ge [sflag:s22], $0x6400  }
0x14a: {  	[sflag:s22] =	ssyncset.done $0x0  }
0x14b: {  	s26 =	simm.s32 $0x0;
	s25 =	rddreg [dreg:$0xd];
	[sflag:s22] =	ssyncadd.s32 $0xFFFF9C00  }
0x14c: {  	[hbm4b:s25+s26] =	stream.linear.scatter [tilespmem:s17], [sflag:$0x6], $0x6400, $0x38;
	[tilespmem:$0x1A2C0] =	vst v63  }
0x14d: {  	_ =	swait.ge [sflag:s23], $0x6400  }
0x14e: {  	[sflag:s23] =	ssyncset.done $0x0  }
0x14f: {  	v1 =	vmov s26;
	s25 =	simm.s32 $0x2BC0;
	s26 =	simm.s32 $0x10;
	[sflag:s23] =	ssyncadd.s32 $0xFFFF9C00  }
.LBB2_30:
0x150: {  	p0 =	sne.s32 s26, $0x310;
	v2 =	vld [tilespmem:s25+$0x0];
	v1 =	vshll.u32 v1, $0x1  }
0x151: {  	v1 =	vor.u32 v0, v1  }
0x152: {  	v3 =	vor.u32 $0x1, v1  }
.Ltmp14:
0x153: {  	(pc) =	sbr.rel @p0 .LBB2_30-.Ltmp14, $4  }
0x154: {  	_ = 	snop  }
0x155: {  	v2 =	vshll.u32 v2, $0x1  }
0x156: {  	[tilespmem:v1+s16+$0x0] =	vst.idx.msk $0xffff, v2;
	v2 =	vor.u32 $0x1, v2  }
0x157: {  	s25 =	sadd.s32 $0x10, s25;
	v1 =	vmov s26;
	s26 =	sadd.s32 $0x10, s26;
	[tilespmem:v3+s16+$0x0] =	vst.idx.msk $0xffff, v2  }
0x158: {  	v2 =	vld [tilespmem:s25+$0x0];
	v1 =	vshll.u32 v1, $0x1  }
0x159: {  	v1 =	vor.u32 v0, v1  }
0x15a: {  	v3 =	vor.u32 $0x1, v1;
	_ =	sdelay $0x2  }
0x15b: {  	v2 =	vshll.u32 v2, $0x1  }
0x15c: {  	[tilespmem:v1+s16+$0x0] =	vst.idx.msk $0xffff, v2;
	v1 =	vor.u32 $0x1, v2  }
0x15d: {  	[tilespmem:v3+s16+$0x0] =	vst.idx.msk $0xffff, v1  }
0x15e: {  	[tilespmem:s17], [sflag:$0x3] =	stream.indirect.gather [hbm4b:s3+s12], $0x10, s16, s12, $0xb8;
	[tilespmem:$0x1A2C0] =	vst v63  }
0x15f: {  	_ =	swait.ge [sflag:s18], $0x6400  }
0x160: {  	[sflag:s18] =	ssyncset.done $0x0  }
0x161: {  	s26 =	simm.s32 $0x0;
	s25 =	rddreg [dreg:$0xe];
	[sflag:s18] =	ssyncadd.s32 $0xFFFF9C00  }
0x162: {  	[hbm4b:s25+s26] =	stream.linear.scatter [tilespmem:s13], [sflag:$0x4], $0x6400, $0x38;
	[tilespmem:$0x1A2C0] =	vst v63  }
0x163: {  	_ =	swait.ge [sflag:s19], $0x6400  }
0x164: {  	[sflag:s19] =	ssyncset.done $0x0  }
0x165: {  	v1 =	vmov s26;
	s25 =	simm.s32 $0x2EE0;
	s26 =	simm.s32 $0x10;
	[sflag:s19] =	ssyncadd.s32 $0xFFFF9C00  }
.LBB2_32:
0x166: {  	p0 =	sne.s32 s26, $0x310;
	v2 =	vld [tilespmem:s25+$0x0];
	v1 =	vshll.u32 v1, $0x1  }
0x167: {  	v1 =	vor.u32 v0, v1  }
0x168: {  	v3 =	vor.u32 $0x1, v1  }
.Ltmp15:
0x169: {  	(pc) =	sbr.rel @p0 .LBB2_32-.Ltmp15, $4  }
0x16a: {  	_ = 	snop  }
0x16b: {  	v2 =	vshll.u32 v2, $0x1  }
0x16c: {  	[tilespmem:v1+s11+$0x0] =	vst.idx.msk $0xffff, v2;
	v2 =	vor.u32 $0x1, v2  }
0x16d: {  	s25 =	sadd.s32 $0x10, s25;
	v1 =	vmov s26;
	s26 =	sadd.s32 $0x10, s26;
	[tilespmem:v3+s11+$0x0] =	vst.idx.msk $0xffff, v2  }
0x16e: {  	v2 =	vld [tilespmem:s25+$0x0];
	v1 =	vshll.u32 v1, $0x1  }
0x16f: {  	v1 =	vor.u32 v0, v1  }
0x170: {  	v3 =	vor.u32 $0x1, v1;
	_ =	sdelay $0x2  }
0x171: {  	v2 =	vshll.u32 v2, $0x1  }
0x172: {  	[tilespmem:v1+s11+$0x0] =	vst.idx.msk $0xffff, v2;
	v1 =	vor.u32 $0x1, v2  }
0x173: {  	[tilespmem:v3+s11+$0x0] =	vst.idx.msk $0xffff, v1  }
0x174: {  	[tilespmem:s13], [sflag:$0x1] =	stream.indirect.gather [hbm4b:s3+s12], $0x10, s11, s12, $0xb8;
	[tilespmem:$0x1A2C0] =	vst v63  }
0x175: {  	_ =	swait.ge [sflag:s20], $0x6400  }
0x176: {  	[sflag:s20] =	ssyncset.done $0x0  }
0x177: {  	s26 =	simm.s32 $0x0;
	s25 =	rddreg [dreg:$0xf];
	[sflag:s20] =	ssyncadd.s32 $0xFFFF9C00  }
0x178: {  	[hbm4b:s25+s26] =	stream.linear.scatter [tilespmem:s15], [sflag:$0x5], $0x6400, $0x38;
	[tilespmem:$0x1A2C0] =	vst v63  }
0x179: {  	_ =	swait.ge [sflag:s21], $0x6400  }
0x17a: {  	[sflag:s21] =	ssyncset.done $0x0  }
0x17b: {  	v1 =	vmov s26;
	s25 =	simm.s32 $0x3200;
	s26 =	simm.s32 $0x10;
	[sflag:s21] =	ssyncadd.s32 $0xFFFF9C00  }
.LBB2_34:
0x17c: {  	p0 =	sne.s32 s26, $0x310;
	v2 =	vld [tilespmem:s25+$0x0];
	v1 =	vshll.u32 v1, $0x1  }
0x17d: {  	v1 =	vor.u32 v0, v1  }
0x17e: {  	v3 =	vor.u32 $0x1, v1  }
.Ltmp16:
0x17f: {  	(pc) =	sbr.rel @p0 .LBB2_34-.Ltmp16, $4  }
0x180: {  	_ = 	snop  }
0x181: {  	v2 =	vshll.u32 v2, $0x1  }
0x182: {  	[tilespmem:v1+s14+$0x0] =	vst.idx.msk $0xffff, v2;
	v2 =	vor.u32 $0x1, v2  }
0x183: {  	s25 =	sadd.s32 $0x10, s25;
	v1 =	vmov s26;
	s26 =	sadd.s32 $0x10, s26;
	[tilespmem:v3+s14+$0x0] =	vst.idx.msk $0xffff, v2  }
0x184: {  	v2 =	vld [tilespmem:s25+$0x0];
	v1 =	vshll.u32 v1, $0x1  }
0x185: {  	v1 =	vor.u32 v0, v1  }
0x186: {  	v3 =	vor.u32 $0x1, v1;
	_ =	sdelay $0x2  }
0x187: {  	v2 =	vshll.u32 v2, $0x1  }
0x188: {  	[tilespmem:v1+s14+$0x0] =	vst.idx.msk $0xffff, v2;
	v1 =	vor.u32 $0x1, v2  }
0x189: {  	[tilespmem:v3+s14+$0x0] =	vst.idx.msk $0xffff, v1  }
0x18a: {  	[tilespmem:s15], [sflag:$0x2] =	stream.indirect.gather [hbm4b:s3+s12], $0x10, s14, s12, $0xb8;
	[tilespmem:$0x1A2C0] =	vst v63  }
0x18b: {  	_ =	swait.ge [sflag:s22], $0x6400  }
0x18c: {  	[sflag:s22] =	ssyncset.done $0x0  }
0x18d: {  	s26 =	simm.s32 $0x0;
	s25 =	rddreg [dreg:$0x10];
	[sflag:s22] =	ssyncadd.s32 $0xFFFF9C00  }
0x18e: {  	[hbm4b:s25+s26] =	stream.linear.scatter [tilespmem:s17], [sflag:$0x6], $0x6400, $0x38;
	[tilespmem:$0x1A2C0] =	vst v63  }
0x18f: {  	_ =	swait.ge [sflag:s23], $0x6400  }
0x190: {  	[sflag:s23] =	ssyncset.done $0x0  }
0x191: {  	v1 =	vmov s26;
	s25 =	simm.s32 $0x3520;
	s26 =	simm.s32 $0x10;
	[sflag:s23] =	ssyncadd.s32 $0xFFFF9C00  }
.LBB2_36:
0x192: {  	p0 =	sne.s32 s26, $0x310;
	v2 =	vld [tilespmem:s25+$0x0];
	v1 =	vshll.u32 v1, $0x1  }
0x193: {  	v1 =	vor.u32 v0, v1  }
0x194: {  	v3 =	vor.u32 $0x1, v1  }
.Ltmp17:
0x195: {  	(pc) =	sbr.rel @p0 .LBB2_36-.Ltmp17, $4  }
0x196: {  	_ = 	snop  }
0x197: {  	v2 =	vshll.u32 v2, $0x1  }
0x198: {  	[tilespmem:v1+s16+$0x0] =	vst.idx.msk $0xffff, v2;
	v2 =	vor.u32 $0x1, v2  }
0x199: {  	s25 =	sadd.s32 $0x10, s25;
	v1 =	vmov s26;
	s26 =	sadd.s32 $0x10, s26;
	[tilespmem:v3+s16+$0x0] =	vst.idx.msk $0xffff, v2  }
0x19a: {  	v2 =	vld [tilespmem:s25+$0x0];
	v1 =	vshll.u32 v1, $0x1  }
0x19b: {  	v1 =	vor.u32 v0, v1  }
0x19c: {  	v3 =	vor.u32 $0x1, v1;
	_ =	sdelay $0x2  }
0x19d: {  	v2 =	vshll.u32 v2, $0x1  }
0x19e: {  	[tilespmem:v1+s16+$0x0] =	vst.idx.msk $0xffff, v2;
	v1 =	vor.u32 $0x1, v2  }
0x19f: {  	[tilespmem:v3+s16+$0x0] =	vst.idx.msk $0xffff, v1  }
0x1a0: {  	[tilespmem:s17], [sflag:$0x3] =	stream.indirect.gather [hbm4b:s3+s12], $0x10, s16, s12, $0xb8;
	[tilespmem:$0x1A2C0] =	vst v63  }
0x1a1: {  	_ =	swait.ge [sflag:s18], $0x6400  }
0x1a2: {  	[sflag:s18] =	ssyncset.done $0x0  }
0x1a3: {  	s26 =	simm.s32 $0x0;
	s25 =	rddreg [dreg:$0x11];
	[sflag:s18] =	ssyncadd.s32 $0xFFFF9C00  }
0x1a4: {  	[hbm4b:s25+s26] =	stream.linear.scatter [tilespmem:s13], [sflag:$0x4], $0x6400, $0x38;
	[tilespmem:$0x1A2C0] =	vst v63  }
0x1a5: {  	_ =	swait.ge [sflag:s19], $0x6400  }
0x1a6: {  	[sflag:s19] =	ssyncset.done $0x0  }
0x1a7: {  	v1 =	vmov s26;
	s25 =	simm.s32 $0x3840;
	s26 =	simm.s32 $0x10;
	[sflag:s19] =	ssyncadd.s32 $0xFFFF9C00  }
.LBB2_38:
0x1a8: {  	p0 =	sne.s32 s26, $0x310;
	v2 =	vld [tilespmem:s25+$0x0];
	v1 =	vshll.u32 v1, $0x1  }
0x1a9: {  	v1 =	vor.u32 v0, v1  }
0x1aa: {  	v3 =	vor.u32 $0x1, v1  }
.Ltmp18:
0x1ab: {  	(pc) =	sbr.rel @p0 .LBB2_38-.Ltmp18, $4  }
0x1ac: {  	_ = 	snop  }
0x1ad: {  	v2 =	vshll.u32 v2, $0x1  }
0x1ae: {  	[tilespmem:v1+s11+$0x0] =	vst.idx.msk $0xffff, v2;
	v2 =	vor.u32 $0x1, v2  }
0x1af: {  	s25 =	sadd.s32 $0x10, s25;
	v1 =	vmov s26;
	s26 =	sadd.s32 $0x10, s26;
	[tilespmem:v3+s11+$0x0] =	vst.idx.msk $0xffff, v2  }
0x1b0: {  	v2 =	vld [tilespmem:s25+$0x0];
	v1 =	vshll.u32 v1, $0x1  }
0x1b1: {  	v1 =	vor.u32 v0, v1  }
0x1b2: {  	v3 =	vor.u32 $0x1, v1;
	_ =	sdelay $0x2  }
0x1b3: {  	v2 =	vshll.u32 v2, $0x1  }
0x1b4: {  	[tilespmem:v1+s11+$0x0] =	vst.idx.msk $0xffff, v2;
	v1 =	vor.u32 $0x1, v2  }
0x1b5: {  	[tilespmem:v3+s11+$0x0] =	vst.idx.msk $0xffff, v1  }
0x1b6: {  	[tilespmem:s13], [sflag:$0x1] =	stream.indirect.gather [hbm4b:s3+s12], $0x10, s11, s12, $0xb8;
	[tilespmem:$0x1A2C0] =	vst v63  }
0x1b7: {  	_ =	swait.ge [sflag:s20], $0x6400  }
0x1b8: {  	[sflag:s20] =	ssyncset.done $0x0  }
0x1b9: {  	s26 =	simm.s32 $0x0;
	s25 =	rddreg [dreg:$0x12];
	[sflag:s20] =	ssyncadd.s32 $0xFFFF9C00  }
0x1ba: {  	[hbm4b:s25+s26] =	stream.linear.scatter [tilespmem:s15], [sflag:$0x5], $0x6400, $0x38;
	[tilespmem:$0x1A2C0] =	vst v63  }
0x1bb: {  	_ =	swait.ge [sflag:s21], $0x6400  }
0x1bc: {  	[sflag:s21] =	ssyncset.done $0x0  }
0x1bd: {  	v1 =	vmov s26;
	s25 =	simm.s32 $0x3B60;
	s26 =	simm.s32 $0x10;
	[sflag:s21] =	ssyncadd.s32 $0xFFFF9C00  }
.LBB2_40:
0x1be: {  	p0 =	sne.s32 s26, $0x310;
	v2 =	vld [tilespmem:s25+$0x0];
	v1 =	vshll.u32 v1, $0x1  }
0x1bf: {  	v1 =	vor.u32 v0, v1  }
0x1c0: {  	v3 =	vor.u32 $0x1, v1  }
.Ltmp19:
0x1c1: {  	(pc) =	sbr.rel @p0 .LBB2_40-.Ltmp19, $4  }
0x1c2: {  	_ = 	snop  }
0x1c3: {  	v2 =	vshll.u32 v2, $0x1  }
0x1c4: {  	[tilespmem:v1+s14+$0x0] =	vst.idx.msk $0xffff, v2;
	v2 =	vor.u32 $0x1, v2  }
0x1c5: {  	s25 =	sadd.s32 $0x10, s25;
	v1 =	vmov s26;
	s26 =	sadd.s32 $0x10, s26;
	[tilespmem:v3+s14+$0x0] =	vst.idx.msk $0xffff, v2  }
0x1c6: {  	v2 =	vld [tilespmem:s25+$0x0];
	v1 =	vshll.u32 v1, $0x1  }
0x1c7: {  	v1 =	vor.u32 v0, v1  }
0x1c8: {  	v3 =	vor.u32 $0x1, v1;
	_ =	sdelay $0x2  }
0x1c9: {  	v2 =	vshll.u32 v2, $0x1  }
0x1ca: {  	[tilespmem:v1+s14+$0x0] =	vst.idx.msk $0xffff, v2;
	v1 =	vor.u32 $0x1, v2  }
0x1cb: {  	[tilespmem:v3+s14+$0x0] =	vst.idx.msk $0xffff, v1  }
0x1cc: {  	[tilespmem:s15], [sflag:$0x2] =	stream.indirect.gather [hbm4b:s3+s12], $0x10, s14, s12, $0xb8;
	[tilespmem:$0x1A2C0] =	vst v63  }
0x1cd: {  	_ =	swait.ge [sflag:s22], $0x6400  }
0x1ce: {  	[sflag:s22] =	ssyncset.done $0x0  }
0x1cf: {  	s26 =	simm.s32 $0x0;
	s25 =	rddreg [dreg:$0x13];
	[sflag:s22] =	ssyncadd.s32 $0xFFFF9C00  }
0x1d0: {  	[hbm4b:s25+s26] =	stream.linear.scatter [tilespmem:s17], [sflag:$0x6], $0x6400, $0x38;
	[tilespmem:$0x1A2C0] =	vst v63  }
0x1d1: {  	_ =	swait.ge [sflag:s23], $0x6400  }
0x1d2: {  	[sflag:s23] =	ssyncset.done $0x0  }
0x1d3: {  	v1 =	vmov s26;
	s25 =	simm.s32 $0x3E80;
	s26 =	simm.s32 $0x10;
	[sflag:s23] =	ssyncadd.s32 $0xFFFF9C00  }
.LBB2_42:
0x1d4: {  	p0 =	sne.s32 s26, $0x310;
	v2 =	vld [tilespmem:s25+$0x0];
	v1 =	vshll.u32 v1, $0x1  }
0x1d5: {  	v1 =	vor.u32 v0, v1  }
0x1d6: {  	v3 =	vor.u32 $0x1, v1  }
.Ltmp20:
0x1d7: {  	(pc) =	sbr.rel @p0 .LBB2_42-.Ltmp20, $4  }
0x1d8: {  	_ = 	snop  }
0x1d9: {  	v2 =	vshll.u32 v2, $0x1  }
0x1da: {  	[tilespmem:v1+s16+$0x0] =	vst.idx.msk $0xffff, v2;
	v2 =	vor.u32 $0x1, v2  }
0x1db: {  	s25 =	sadd.s32 $0x10, s25;
	v1 =	vmov s26;
	s26 =	sadd.s32 $0x10, s26;
	[tilespmem:v3+s16+$0x0] =	vst.idx.msk $0xffff, v2  }
0x1dc: {  	v2 =	vld [tilespmem:s25+$0x0];
	v1 =	vshll.u32 v1, $0x1  }
0x1dd: {  	v1 =	vor.u32 v0, v1  }
0x1de: {  	v3 =	vor.u32 $0x1, v1;
	_ =	sdelay $0x2  }
0x1df: {  	v2 =	vshll.u32 v2, $0x1  }
0x1e0: {  	[tilespmem:v1+s16+$0x0] =	vst.idx.msk $0xffff, v2;
	v1 =	vor.u32 $0x1, v2  }
0x1e1: {  	[tilespmem:v3+s16+$0x0] =	vst.idx.msk $0xffff, v1  }
0x1e2: {  	[tilespmem:s17], [sflag:$0x3] =	stream.indirect.gather [hbm4b:s3+s12], $0x10, s16, s12, $0xb8;
	[tilespmem:$0x1A2C0] =	vst v63  }
0x1e3: {  	_ =	swait.ge [sflag:s18], $0x6400  }
0x1e4: {  	[sflag:s18] =	ssyncset.done $0x0  }
0x1e5: {  	s26 =	simm.s32 $0x0;
	s25 =	rddreg [dreg:$0x14];
	[sflag:s18] =	ssyncadd.s32 $0xFFFF9C00  }
0x1e6: {  	[hbm4b:s25+s26] =	stream.linear.scatter [tilespmem:s13], [sflag:$0x4], $0x6400, $0x38;
	[tilespmem:$0x1A2C0] =	vst v63  }
0x1e7: {  	_ =	swait.ge [sflag:s19], $0x6400  }
0x1e8: {  	[sflag:s19] =	ssyncset.done $0x0  }
0x1e9: {  	v1 =	vmov s26;
	s25 =	simm.s32 $0x41A0;
	s26 =	simm.s32 $0x10;
	[sflag:s19] =	ssyncadd.s32 $0xFFFF9C00  }
.LBB2_44:
0x1ea: {  	p0 =	sne.s32 s26, $0x310;
	v2 =	vld [tilespmem:s25+$0x0];
	v1 =	vshll.u32 v1, $0x1  }
0x1eb: {  	v1 =	vor.u32 v0, v1  }
0x1ec: {  	v3 =	vor.u32 $0x1, v1  }
.Ltmp21:
0x1ed: {  	(pc) =	sbr.rel @p0 .LBB2_44-.Ltmp21, $4  }
0x1ee: {  	_ = 	snop  }
0x1ef: {  	v2 =	vshll.u32 v2, $0x1  }
0x1f0: {  	[tilespmem:v1+s11+$0x0] =	vst.idx.msk $0xffff, v2;
	v2 =	vor.u32 $0x1, v2  }
0x1f1: {  	s25 =	sadd.s32 $0x10, s25;
	v1 =	vmov s26;
	s26 =	sadd.s32 $0x10, s26;
	[tilespmem:v3+s11+$0x0] =	vst.idx.msk $0xffff, v2  }
0x1f2: {  	v2 =	vld [tilespmem:s25+$0x0];
	v1 =	vshll.u32 v1, $0x1  }
0x1f3: {  	v1 =	vor.u32 v0, v1  }
0x1f4: {  	v3 =	vor.u32 $0x1, v1;
	_ =	sdelay $0x2  }
0x1f5: {  	v2 =	vshll.u32 v2, $0x1  }
0x1f6: {  	[tilespmem:v1+s11+$0x0] =	vst.idx.msk $0xffff, v2;
	v1 =	vor.u32 $0x1, v2  }
0x1f7: {  	[tilespmem:v3+s11+$0x0] =	vst.idx.msk $0xffff, v1  }
0x1f8: {  	[tilespmem:s13], [sflag:$0x1] =	stream.indirect.gather [hbm4b:s3+s12], $0x10, s11, s12, $0xb8;
	[tilespmem:$0x1A2C0] =	vst v63  }
0x1f9: {  	_ =	swait.ge [sflag:s20], $0x6400  }
0x1fa: {  	[sflag:s20] =	ssyncset.done $0x0  }
0x1fb: {  	s26 =	simm.s32 $0x0;
	s25 =	rddreg [dreg:$0x15];
	[sflag:s20] =	ssyncadd.s32 $0xFFFF9C00  }
0x1fc: {  	[hbm4b:s25+s26] =	stream.linear.scatter [tilespmem:s15], [sflag:$0x5], $0x6400, $0x38;
	[tilespmem:$0x1A2C0] =	vst v63  }
0x1fd: {  	_ =	swait.ge [sflag:s21], $0x6400  }
0x1fe: {  	[sflag:s21] =	ssyncset.done $0x0  }
0x1ff: {  	v1 =	vmov s26;
	s25 =	simm.s32 $0x44C0;
	s26 =	simm.s32 $0x10;
	[sflag:s21] =	ssyncadd.s32 $0xFFFF9C00  }
.LBB2_46:
0x200: {  	p0 =	sne.s32 s26, $0x310;
	v2 =	vld [tilespmem:s25+$0x0];
	v1 =	vshll.u32 v1, $0x1  }
0x201: {  	v1 =	vor.u32 v0, v1  }
0x202: {  	v3 =	vor.u32 $0x1, v1  }
.Ltmp22:
0x203: {  	(pc) =	sbr.rel @p0 .LBB2_46-.Ltmp22, $4  }
0x204: {  	_ = 	snop  }
0x205: {  	v2 =	vshll.u32 v2, $0x1  }
0x206: {  	[tilespmem:v1+s14+$0x0] =	vst.idx.msk $0xffff, v2;
	v2 =	vor.u32 $0x1, v2  }
0x207: {  	s25 =	sadd.s32 $0x10, s25;
	v1 =	vmov s26;
	s26 =	sadd.s32 $0x10, s26;
	[tilespmem:v3+s14+$0x0] =	vst.idx.msk $0xffff, v2  }
0x208: {  	v2 =	vld [tilespmem:s25+$0x0];
	v1 =	vshll.u32 v1, $0x1  }
0x209: {  	v1 =	vor.u32 v0, v1  }
0x20a: {  	v3 =	vor.u32 $0x1, v1;
	_ =	sdelay $0x2  }
0x20b: {  	v2 =	vshll.u32 v2, $0x1  }
0x20c: {  	[tilespmem:v1+s14+$0x0] =	vst.idx.msk $0xffff, v2;
	v1 =	vor.u32 $0x1, v2  }
0x20d: {  	[tilespmem:v3+s14+$0x0] =	vst.idx.msk $0xffff, v1  }
0x20e: {  	[tilespmem:s15], [sflag:$0x2] =	stream.indirect.gather [hbm4b:s3+s12], $0x10, s14, s12, $0xb8;
	[tilespmem:$0x1A2C0] =	vst v63  }
0x20f: {  	_ =	swait.ge [sflag:s22], $0x6400  }
0x210: {  	[sflag:s22] =	ssyncset.done $0x0  }
0x211: {  	s26 =	simm.s32 $0x0;
	s25 =	rddreg [dreg:$0x16];
	[sflag:s22] =	ssyncadd.s32 $0xFFFF9C00  }
0x212: {  	[hbm4b:s25+s26] =	stream.linear.scatter [tilespmem:s17], [sflag:$0x6], $0x6400, $0x38;
	[tilespmem:$0x1A2C0] =	vst v63  }
0x213: {  	_ =	swait.ge [sflag:s23], $0x6400  }
0x214: {  	[sflag:s23] =	ssyncset.done $0x0  }
0x215: {  	v1 =	vmov s26;
	s25 =	simm.s32 $0x47E0;
	s26 =	simm.s32 $0x10;
	[sflag:s23] =	ssyncadd.s32 $0xFFFF9C00  }
.LBB2_48:
0x216: {  	p0 =	sne.s32 s26, $0x310;
	v2 =	vld [tilespmem:s25+$0x0];
	v1 =	vshll.u32 v1, $0x1  }
0x217: {  	v1 =	vor.u32 v0, v1  }
0x218: {  	v3 =	vor.u32 $0x1, v1  }
.Ltmp23:
0x219: {  	(pc) =	sbr.rel @p0 .LBB2_48-.Ltmp23, $4  }
0x21a: {  	_ = 	snop  }
0x21b: {  	v2 =	vshll.u32 v2, $0x1  }
0x21c: {  	[tilespmem:v1+s16+$0x0] =	vst.idx.msk $0xffff, v2;
	v2 =	vor.u32 $0x1, v2  }
0x21d: {  	s25 =	sadd.s32 $0x10, s25;
	v1 =	vmov s26;
	s26 =	sadd.s32 $0x10, s26;
	[tilespmem:v3+s16+$0x0] =	vst.idx.msk $0xffff, v2  }
0x21e: {  	v2 =	vld [tilespmem:s25+$0x0];
	v1 =	vshll.u32 v1, $0x1  }
0x21f: {  	v1 =	vor.u32 v0, v1  }
0x220: {  	v3 =	vor.u32 $0x1, v1;
	_ =	sdelay $0x2  }
0x221: {  	v2 =	vshll.u32 v2, $0x1  }
0x222: {  	[tilespmem:v1+s16+$0x0] =	vst.idx.msk $0xffff, v2;
	v1 =	vor.u32 $0x1, v2  }
0x223: {  	[tilespmem:v3+s16+$0x0] =	vst.idx.msk $0xffff, v1  }
0x224: {  	[tilespmem:s17], [sflag:$0x3] =	stream.indirect.gather [hbm4b:s3+s12], $0x10, s16, s12, $0xb8;
	[tilespmem:$0x1A2C0] =	vst v63  }
0x225: {  	_ =	swait.ge [sflag:s18], $0x6400  }
0x226: {  	[sflag:s18] =	ssyncset.done $0x0  }
0x227: {  	s26 =	simm.s32 $0x0;
	s25 =	rddreg [dreg:$0x17];
	[sflag:s18] =	ssyncadd.s32 $0xFFFF9C00  }
0x228: {  	[hbm4b:s25+s26] =	stream.linear.scatter [tilespmem:s13], [sflag:$0x4], $0x6400, $0x38;
	[tilespmem:$0x1A2C0] =	vst v63  }
0x229: {  	_ =	swait.ge [sflag:s19], $0x6400  }
0x22a: {  	[sflag:s19] =	ssyncset.done $0x0  }
0x22b: {  	v1 =	vmov s26;
	s25 =	simm.s32 $0x4B00;
	s26 =	simm.s32 $0x10;
	[sflag:s19] =	ssyncadd.s32 $0xFFFF9C00  }
.LBB2_50:
0x22c: {  	p0 =	sne.s32 s26, $0x310;
	v2 =	vld [tilespmem:s25+$0x0];
	v1 =	vshll.u32 v1, $0x1  }
0x22d: {  	v1 =	vor.u32 v0, v1  }
0x22e: {  	v3 =	vor.u32 $0x1, v1  }
.Ltmp24:
0x22f: {  	(pc) =	sbr.rel @p0 .LBB2_50-.Ltmp24, $4  }
0x230: {  	_ = 	snop  }
0x231: {  	v2 =	vshll.u32 v2, $0x1  }
0x232: {  	[tilespmem:v1+s11+$0x0] =	vst.idx.msk $0xffff, v2;
	v2 =	vor.u32 $0x1, v2  }
0x233: {  	s25 =	sadd.s32 $0x10, s25;
	v1 =	vmov s26;
	s26 =	sadd.s32 $0x10, s26;
	[tilespmem:v3+s11+$0x0] =	vst.idx.msk $0xffff, v2  }
0x234: {  	v2 =	vld [tilespmem:s25+$0x0];
	v1 =	vshll.u32 v1, $0x1  }
0x235: {  	v1 =	vor.u32 v0, v1  }
0x236: {  	v3 =	vor.u32 $0x1, v1;
	_ =	sdelay $0x2  }
0x237: {  	v2 =	vshll.u32 v2, $0x1  }
0x238: {  	[tilespmem:v1+s11+$0x0] =	vst.idx.msk $0xffff, v2;
	v1 =	vor.u32 $0x1, v2  }
0x239: {  	[tilespmem:v3+s11+$0x0] =	vst.idx.msk $0xffff, v1  }
0x23a: {  	[tilespmem:s13], [sflag:$0x1] =	stream.indirect.gather [hbm4b:s3+s12], $0x10, s11, s12, $0xb8;
	[tilespmem:$0x1A2C0] =	vst v63  }
0x23b: {  	_ =	swait.ge [sflag:s20], $0x6400  }
0x23c: {  	[sflag:s20] =	ssyncset.done $0x0  }
0x23d: {  	s26 =	simm.s32 $0x0;
	s25 =	rddreg [dreg:$0x18];
	[sflag:s20] =	ssyncadd.s32 $0xFFFF9C00  }
0x23e: {  	[hbm4b:s25+s26] =	stream.linear.scatter [tilespmem:s15], [sflag:$0x5], $0x6400, $0x38;
	[tilespmem:$0x1A2C0] =	vst v63  }
0x23f: {  	_ =	swait.ge [sflag:s21], $0x6400  }
0x240: {  	[sflag:s21] =	ssyncset.done $0x0  }
0x241: {  	v1 =	vmov s26;
	s25 =	simm.s32 $0x4E20;
	s26 =	simm.s32 $0x10;
	[sflag:s21] =	ssyncadd.s32 $0xFFFF9C00  }
.LBB2_52:
0x242: {  	p0 =	sne.s32 s26, $0x310;
	v2 =	vld [tilespmem:s25+$0x0];
	v1 =	vshll.u32 v1, $0x1  }
0x243: {  	v1 =	vor.u32 v0, v1  }
0x244: {  	v3 =	vor.u32 $0x1, v1  }
.Ltmp25:
0x245: {  	(pc) =	sbr.rel @p0 .LBB2_52-.Ltmp25, $4  }
0x246: {  	_ = 	snop  }
0x247: {  	v2 =	vshll.u32 v2, $0x1  }
0x248: {  	[tilespmem:v1+s14+$0x0] =	vst.idx.msk $0xffff, v2;
	v2 =	vor.u32 $0x1, v2  }
0x249: {  	s25 =	sadd.s32 $0x10, s25;
	v1 =	vmov s26;
	s26 =	sadd.s32 $0x10, s26;
	[tilespmem:v3+s14+$0x0] =	vst.idx.msk $0xffff, v2  }
0x24a: {  	v2 =	vld [tilespmem:s25+$0x0];
	v1 =	vshll.u32 v1, $0x1  }
0x24b: {  	v1 =	vor.u32 v0, v1  }
0x24c: {  	v3 =	vor.u32 $0x1, v1;
	_ =	sdelay $0x2  }
0x24d: {  	v2 =	vshll.u32 v2, $0x1  }
0x24e: {  	[tilespmem:v1+s14+$0x0] =	vst.idx.msk $0xffff, v2;
	v1 =	vor.u32 $0x1, v2  }
0x24f: {  	[tilespmem:v3+s14+$0x0] =	vst.idx.msk $0xffff, v1  }
0x250: {  	[tilespmem:s15], [sflag:$0x2] =	stream.indirect.gather [hbm4b:s3+s12], $0x10, s14, s12, $0xb8;
	[tilespmem:$0x1A2C0] =	vst v63  }
0x251: {  	_ =	swait.ge [sflag:s22], $0x6400  }
0x252: {  	[sflag:s22] =	ssyncset.done $0x0  }
0x253: {  	s26 =	simm.s32 $0x0;
	[sflag:s22] =	ssyncadd.s32 $0xFFFF9C00  }
0x254: {  	[hbm4b:s28+s26] =	stream.linear.scatter [tilespmem:s17], [sflag:$0x6], $0x6400, $0x38;
	[tilespmem:$0x1A2C0] =	vst v63  }
0x255: {  	_ =	swait.ge [sflag:s23], $0x6400  }
0x256: {  	[sflag:s23] =	ssyncset.done $0x0  }
0x257: {  	s25 =	simm.s32 $0x5140;
	v1 =	vmov s26;
	s26 =	simm.s32 $0x10;
	[sflag:s23] =	ssyncadd.s32 $0xFFFF9C00  }
.LBB2_54:
0x258: {  	p0 =	sne.s32 s26, $0x310;
	v2 =	vld [tilespmem:s25+$0x0];
	v1 =	vshll.u32 v1, $0x1  }
0x259: {  	v1 =	vor.u32 v0, v1  }
0x25a: {  	v3 =	vor.u32 $0x1, v1  }
.Ltmp26:
0x25b: {  	(pc) =	sbr.rel @p0 .LBB2_54-.Ltmp26, $4  }
0x25c: {  	_ = 	snop  }
0x25d: {  	v2 =	vshll.u32 v2, $0x1  }
0x25e: {  	[tilespmem:v1+s16+$0x0] =	vst.idx.msk $0xffff, v2;
	v2 =	vor.u32 $0x1, v2  }
0x25f: {  	s25 =	sadd.s32 $0x10, s25;
	v1 =	vmov s26;
	s26 =	sadd.s32 $0x10, s26;
	[tilespmem:v3+s16+$0x0] =	vst.idx.msk $0xffff, v2  }
0x260: {  	v2 =	vld [tilespmem:s25+$0x0];
	v1 =	vshll.u32 v1, $0x1  }
0x261: {  	v1 =	vor.u32 v0, v1  }
0x262: {  	v3 =	vor.u32 $0x1, v1;
	_ =	sdelay $0x2  }
0x263: {  	v2 =	vshll.u32 v2, $0x1  }
0x264: {  	[tilespmem:v1+s16+$0x0] =	vst.idx.msk $0xffff, v2;
	v1 =	vor.u32 $0x1, v2  }
0x265: {  	[tilespmem:v3+s16+$0x0] =	vst.idx.msk $0xffff, v1  }
0x266: {  	[tilespmem:s17], [sflag:$0x3] =	stream.indirect.gather [hbm4b:s3+s12], $0x10, s16, s12, $0xb8;
	[tilespmem:$0x1A2C0] =	vst v63  }
0x267: {  	_ =	swait.ge [sflag:s18], $0x6400  }
0x268: {  	[sflag:s18] =	ssyncset.done $0x0  }
0x269: {  	s26 =	simm.s32 $0x0;
	[sflag:s18] =	ssyncadd.s32 $0xFFFF9C00  }
0x26a: {  	[hbm4b:s29+s26] =	stream.linear.scatter [tilespmem:s13], [sflag:$0x4], $0x6400, $0x38;
	[tilespmem:$0x1A2C0] =	vst v63  }
0x26b: {  	_ =	swait.ge [sflag:s19], $0x6400  }
0x26c: {  	[sflag:s19] =	ssyncset.done $0x0  }
0x26d: {  	s25 =	simm.s32 $0x5460;
	v1 =	vmov s26;
	s26 =	simm.s32 $0x10;
	[sflag:s19] =	ssyncadd.s32 $0xFFFF9C00  }
.LBB2_56:
0x26e: {  	p0 =	sne.s32 s26, $0x310;
	v2 =	vld [tilespmem:s25+$0x0];
	v1 =	vshll.u32 v1, $0x1  }
0x26f: {  	v1 =	vor.u32 v0, v1  }
0x270: {  	v3 =	vor.u32 $0x1, v1  }
.Ltmp27:
0x271: {  	(pc) =	sbr.rel @p0 .LBB2_56-.Ltmp27, $4  }
0x272: {  	_ = 	snop  }
0x273: {  	v2 =	vshll.u32 v2, $0x1  }
0x274: {  	[tilespmem:v1+s11+$0x0] =	vst.idx.msk $0xffff, v2;
	v2 =	vor.u32 $0x1, v2  }
0x275: {  	s25 =	sadd.s32 $0x10, s25;
	v1 =	vmov s26;
	s26 =	sadd.s32 $0x10, s26;
	[tilespmem:v3+s11+$0x0] =	vst.idx.msk $0xffff, v2  }
0x276: {  	v2 =	vld [tilespmem:s25+$0x0];
	v1 =	vshll.u32 v1, $0x1  }
0x277: {  	v1 =	vor.u32 v0, v1  }
0x278: {  	v3 =	vor.u32 $0x1, v1;
	_ =	sdelay $0x2  }
0x279: {  	v2 =	vshll.u32 v2, $0x1  }
0x27a: {  	[tilespmem:v1+s11+$0x0] =	vst.idx.msk $0xffff, v2;
	v1 =	vor.u32 $0x1, v2  }
0x27b: {  	[tilespmem:v3+s11+$0x0] =	vst.idx.msk $0xffff, v1  }
0x27c: {  	[tilespmem:s13], [sflag:$0x1] =	stream.indirect.gather [hbm4b:s3+s12], $0x10, s11, s12, $0xb8;
	[tilespmem:$0x1A2C0] =	vst v63  }
0x27d: {  	_ =	swait.ge [sflag:s20], $0x6400  }
0x27e: {  	[sflag:s20] =	ssyncset.done $0x0  }
0x27f: {  	s26 =	simm.s32 $0x0;
	[sflag:s20] =	ssyncadd.s32 $0xFFFF9C00  }
0x280: {  	[hbm4b:s30+s26] =	stream.linear.scatter [tilespmem:s15], [sflag:$0x5], $0x6400, $0x38;
	[tilespmem:$0x1A2C0] =	vst v63  }
0x281: {  	_ =	swait.ge [sflag:s21], $0x6400  }
0x282: {  	[sflag:s21] =	ssyncset.done $0x0  }
0x283: {  	s25 =	simm.s32 $0x5780;
	v1 =	vmov s26;
	s26 =	simm.s32 $0x10;
	[sflag:s21] =	ssyncadd.s32 $0xFFFF9C00  }
.LBB2_58:
0x284: {  	p0 =	sne.s32 s26, $0x310;
	v2 =	vld [tilespmem:s25+$0x0];
	v1 =	vshll.u32 v1, $0x1  }
0x285: {  	v1 =	vor.u32 v0, v1  }
0x286: {  	v3 =	vor.u32 $0x1, v1  }
.Ltmp28:
0x287: {  	(pc) =	sbr.rel @p0 .LBB2_58-.Ltmp28, $4  }
0x288: {  	_ = 	snop  }
0x289: {  	v2 =	vshll.u32 v2, $0x1  }
0x28a: {  	[tilespmem:v1+s14+$0x0] =	vst.idx.msk $0xffff, v2;
	v2 =	vor.u32 $0x1, v2  }
0x28b: {  	s25 =	sadd.s32 $0x10, s25;
	v1 =	vmov s26;
	s26 =	sadd.s32 $0x10, s26;
	[tilespmem:v3+s14+$0x0] =	vst.idx.msk $0xffff, v2  }
0x28c: {  	v2 =	vld [tilespmem:s25+$0x0];
	v1 =	vshll.u32 v1, $0x1  }
0x28d: {  	v1 =	vor.u32 v0, v1  }
0x28e: {  	v3 =	vor.u32 $0x1, v1;
	_ =	sdelay $0x2  }
0x28f: {  	v2 =	vshll.u32 v2, $0x1  }
0x290: {  	[tilespmem:v1+s14+$0x0] =	vst.idx.msk $0xffff, v2;
	v1 =	vor.u32 $0x1, v2  }
0x291: {  	[tilespmem:v3+s14+$0x0] =	vst.idx.msk $0xffff, v1  }
0x292: {  	[tilespmem:s15], [sflag:$0x2] =	stream.indirect.gather [hbm4b:s3+s12], $0x10, s14, s12, $0xb8;
	[tilespmem:$0x1A2C0] =	vst v63  }
0x293: {  	_ =	swait.ge [sflag:s22], $0x6400  }
0x294: {  	[sflag:s22] =	ssyncset.done $0x0  }
0x295: {  	s26 =	simm.s32 $0x0;
	[sflag:s22] =	ssyncadd.s32 $0xFFFF9C00  }
0x296: {  	[hbm4b:s31+s26] =	stream.linear.scatter [tilespmem:s17], [sflag:$0x6], $0x6400, $0x38;
	[tilespmem:$0x1A2C0] =	vst v63  }
0x297: {  	_ =	swait.ge [sflag:s23], $0x6400  }
0x298: {  	[sflag:s23] =	ssyncset.done $0x0  }
0x299: {  	s25 =	simm.s32 $0x5AA0;
	v1 =	vmov s26;
	s26 =	simm.s32 $0x10;
	[sflag:s23] =	ssyncadd.s32 $0xFFFF9C00  }
.LBB2_60:
0x29a: {  	p0 =	sne.s32 s26, $0x310;
	v2 =	vld [tilespmem:s25+$0x0];
	v1 =	vshll.u32 v1, $0x1  }
0x29b: {  	v1 =	vor.u32 v0, v1  }
0x29c: {  	v3 =	vor.u32 $0x1, v1  }
.Ltmp29:
0x29d: {  	(pc) =	sbr.rel @p0 .LBB2_60-.Ltmp29, $4  }
0x29e: {  	_ = 	snop  }
0x29f: {  	v2 =	vshll.u32 v2, $0x1  }
0x2a0: {  	[tilespmem:v1+s16+$0x0] =	vst.idx.msk $0xffff, v2;
	v2 =	vor.u32 $0x1, v2  }
0x2a1: {  	s25 =	sadd.s32 $0x10, s25;
	v1 =	vmov s26;
	s26 =	sadd.s32 $0x10, s26;
	[tilespmem:v3+s16+$0x0] =	vst.idx.msk $0xffff, v2  }
0x2a2: {  	v2 =	vld [tilespmem:s25+$0x0];
	v1 =	vshll.u32 v1, $0x1  }
0x2a3: {  	v1 =	vor.u32 v0, v1  }
0x2a4: {  	v3 =	vor.u32 $0x1, v1;
	_ =	sdelay $0x2  }
0x2a5: {  	v2 =	vshll.u32 v2, $0x1  }
0x2a6: {  	[tilespmem:v1+s16+$0x0] =	vst.idx.msk $0xffff, v2;
	v1 =	vor.u32 $0x1, v2  }
0x2a7: {  	[tilespmem:v3+s16+$0x0] =	vst.idx.msk $0xffff, v1  }
0x2a8: {  	[tilespmem:s17], [sflag:$0x3] =	stream.indirect.gather [hbm4b:s3+s12], $0x10, s16, s12, $0xb8;
	[tilespmem:$0x1A2C0] =	vst v63  }
0x2a9: {  	_ =	swait.ge [sflag:s18], $0x6400  }
0x2aa: {  	[sflag:s18] =	ssyncset.done $0x0  }
0x2ab: {  	s26 =	simm.s32 $0x0;
	[sflag:s18] =	ssyncadd.s32 $0xFFFF9C00  }
0x2ac: {  	[hbm4b:s1+s26] =	stream.linear.scatter [tilespmem:s13], [sflag:$0x4], $0x6400, $0x38;
	[tilespmem:$0x1A2C0] =	vst v63  }
0x2ad: {  	_ =	swait.ge [sflag:s19], $0x6400  }
0x2ae: {  	[sflag:s19] =	ssyncset.done $0x0  }
0x2af: {  	s25 =	simm.s32 $0x5DC0;
	v1 =	vmov s26;
	s26 =	simm.s32 $0x10;
	[sflag:s19] =	ssyncadd.s32 $0xFFFF9C00  }
.LBB2_62:
0x2b0: {  	p0 =	sne.s32 s26, $0x310;
	v2 =	vld [tilespmem:s25+$0x0];
	v1 =	vshll.u32 v1, $0x1  }
0x2b1: {  	v1 =	vor.u32 v0, v1  }
0x2b2: {  	v3 =	vor.u32 $0x1, v1  }
.Ltmp30:
0x2b3: {  	(pc) =	sbr.rel @p0 .LBB2_62-.Ltmp30, $4  }
0x2b4: {  	_ = 	snop  }
0x2b5: {  	v2 =	vshll.u32 v2, $0x1  }
0x2b6: {  	[tilespmem:v1+s11+$0x0] =	vst.idx.msk $0xffff, v2;
	v2 =	vor.u32 $0x1, v2  }
0x2b7: {  	s25 =	sadd.s32 $0x10, s25;
	v1 =	vmov s26;
	s26 =	sadd.s32 $0x10, s26;
	[tilespmem:v3+s11+$0x0] =	vst.idx.msk $0xffff, v2  }
0x2b8: {  	v2 =	vld [tilespmem:s25+$0x0];
	v1 =	vshll.u32 v1, $0x1  }
0x2b9: {  	v1 =	vor.u32 v0, v1  }
0x2ba: {  	v3 =	vor.u32 $0x1, v1;
	_ =	sdelay $0x2  }
0x2bb: {  	v2 =	vshll.u32 v2, $0x1  }
0x2bc: {  	[tilespmem:v1+s11+$0x0] =	vst.idx.msk $0xffff, v2;
	v1 =	vor.u32 $0x1, v2  }
0x2bd: {  	[tilespmem:v3+s11+$0x0] =	vst.idx.msk $0xffff, v1  }
0x2be: {  	[tilespmem:s13], [sflag:$0x1] =	stream.indirect.gather [hbm4b:s3+s12], $0x10, s11, s12, $0xb8;
	[tilespmem:$0x1A2C0] =	vst v63  }
0x2bf: {  	_ =	swait.ge [sflag:s20], $0x6400  }
0x2c0: {  	[sflag:s20] =	ssyncset.done $0x0  }
0x2c1: {  	s26 =	simm.s32 $0x0;
	[sflag:s20] =	ssyncadd.s32 $0xFFFF9C00  }
0x2c2: {  	[hbm4b:s0+s26] =	stream.linear.scatter [tilespmem:s15], [sflag:$0x5], $0x6400, $0x38;
	[tilespmem:$0x1A2C0] =	vst v63  }
0x2c3: {  	_ =	swait.ge [sflag:s21], $0x6400  }
0x2c4: {  	[sflag:s21] =	ssyncset.done $0x0  }
0x2c5: {  	s25 =	simm.s32 $0x60E0;
	v1 =	vmov s26;
	s26 =	simm.s32 $0x10;
	[sflag:s21] =	ssyncadd.s32 $0xFFFF9C00  }
.LBB2_64:
0x2c6: {  	p0 =	sne.s32 s26, $0x310;
	v2 =	vld [tilespmem:s25+$0x0];
	v1 =	vshll.u32 v1, $0x1  }
0x2c7: {  	v1 =	vor.u32 v0, v1  }
0x2c8: {  	v3 =	vor.u32 $0x1, v1  }
.Ltmp31:
0x2c9: {  	(pc) =	sbr.rel @p0 .LBB2_64-.Ltmp31, $4  }
0x2ca: {  	_ = 	snop  }
0x2cb: {  	v2 =	vshll.u32 v2, $0x1  }
0x2cc: {  	[tilespmem:v1+s14+$0x0] =	vst.idx.msk $0xffff, v2;
	v2 =	vor.u32 $0x1, v2  }
0x2cd: {  	s25 =	sadd.s32 $0x10, s25;
	v1 =	vmov s26;
	s26 =	sadd.s32 $0x10, s26;
	[tilespmem:v3+s14+$0x0] =	vst.idx.msk $0xffff, v2  }
0x2ce: {  	v2 =	vld [tilespmem:s25+$0x0];
	v1 =	vshll.u32 v1, $0x1  }
0x2cf: {  	v1 =	vor.u32 v0, v1  }
0x2d0: {  	v3 =	vor.u32 $0x1, v1;
	_ =	sdelay $0x2  }
0x2d1: {  	v2 =	vshll.u32 v2, $0x1  }
0x2d2: {  	[tilespmem:v1+s14+$0x0] =	vst.idx.msk $0xffff, v2;
	v1 =	vor.u32 $0x1, v2  }
0x2d3: {  	[tilespmem:v3+s14+$0x0] =	vst.idx.msk $0xffff, v1  }
0x2d4: {  	[tilespmem:s15], [sflag:$0x2] =	stream.indirect.gather [hbm4b:s3+s12], $0x10, s14, s12, $0xb8;
	[tilespmem:$0x1A2C0] =	vst v63  }
0x2d5: {  	_ =	swait.ge [sflag:s22], $0x6400  }
0x2d6: {  	[sflag:s22] =	ssyncset.done $0x0  }
0x2d7: {  	[sflag:s22] =	ssyncadd.s32 $0xFFFF9C00  }
0x2d8: {  	[hbm4b:s4+s2] =	stream.linear.scatter [tilespmem:s17], [sflag:$0x6], $0x6400, $0x38;
	[tilespmem:$0x1A2C0] =	vst v63  }
0x2d9: {  	_ =	swait.ge [sflag:s18], $0x6400  }
0x2da: {  	[sflag:s18] =	ssyncset.done $0x0  }
0x2db: {  	[sflag:s18] =	ssyncadd.s32 $0xFFFF9C00  }
0x2dc: {  	[hbm4b:s6+s2] =	stream.linear.scatter [tilespmem:s13], [sflag:$0x4], $0x6400, $0x38;
	[tilespmem:$0x1A2C0] =	vst v63  }
0x2dd: {  	_ =	swait.ge [sflag:s20], $0x6400  }
0x2de: {  	[sflag:s20] =	ssyncset.done $0x0  }
0x2df: {  	[sflag:s20] =	ssyncadd.s32 $0xFFFF9C00  }
0x2e0: {  	[hbm4b:s7+s2] =	stream.linear.scatter [tilespmem:s15], [sflag:$0x5], $0x6400, $0x38;
	[tilespmem:$0x1A2C0] =	vst v63  }
0x2e1: {  	_ =	swait.ge [sflag:s23], $0x6400  }
0x2e2: {  	[sflag:s23] =	ssyncset.done $0x0  }
0x2e3: {  	s24 =	sadd.s32 $0x1, s24;
	[sflag:s23] =	ssyncadd.s32 $0xFFFF9C00  }
0x2e4: {  	p0 =	sne.s32 s24, s8;
	_ =	swait.ge [sflag:s19], $0x6400  }
.Ltmp32:
0x2e5: {  	[sflag:s19] =	ssyncset.done $0x0;
	(pc) =	sbr.rel @p0 .LBB2_1-.Ltmp32, $4  }
0x2e6: {  	[sflag:s19] =	ssyncadd.s32 $0xFFFF9C00  }
0x2e7: {  	_ =	swait.ge [sflag:s21], $0x6400  }
0x2e8: {  	[sflag:s21] =	ssyncset.done $0x0  }
0x2e9: {  	[sflag:s21] =	ssyncadd.s32 $0xFFFF9C00  }
0x2ea: {  	_ =	sfence.sel $0x180000  }
0x2eb: {  	[bflag:$0x0] =	sbarrier.arrive $0xFFFF  }
0x2ec: {  	_ =	strace $0x90000047  }
0x2ed: {  	s0 =	stileid.u32;
	[bflag:$0x2] =	sbarrier.arrive $0xFFFF  }
0x2ee: {  	p0 =	sne.s32 s0, $0x0;
	s0 =	rddreg [dreg:$0x2]  }
0x2ef: {  	s0 =	sadd.s32 @!p0 $0x100000, s0  }
0x2f0: {  	[sflag:s0] =	ssyncadd.tile.s32 @!p0 $0x1;
	_ =	shalt  }
.Lfunc_end2:
_tile_overlayer_lowered:
.L_overlay_start_2:
0x2f1: {  	(tag) =	ssettag $0x2  }
0x2f2: {  	s0 =	rddreg [dreg:$0x0];
	s2 =	stileid.u32  }
0x2f3: {  	s1 =	rddreg [dreg:$0x1];
	p0 =	sne.s32 s2, $0x0  }
0x2f4: {  	s3 =	rddreg [dreg:$0x2];
	[bflag:$0x3] =	sbarrier.arrive $0xFFFF;
	s2 =	simm.s32 @!p0 $0x1C07  }
0x2f5: {  	[timem:s3], [sflag:s2] =	dma.local @!p0 [hbm:s0], s1  }
0x2f6: {  	s0 =	simm.s32 @!p0 $0x7  }
0x2f7: {  	_ =	swait.ge @!p0 [sflag:s0], s1  }
0x2f8: {  	s1 =	ssub.s32 @!p0 $0x0, s1;
	[sflag:s0] =	ssyncset.done @!p0 $0x0  }
0x2f9: {  	[sflag:s0] =	ssyncadd.s32 @!p0 s1  }
0x2fa: {  	[bflag:$0x3] =	sbarrier.arrive $0xFFFF  }
0x2fb: {  	_ =	shalt  }

// kernel: sparse-core-data-format-call.cloned.1.call-start
scs
called_computation_lowered:
.L_overlay_start_0:
0x0: {  	s2 =	sld [smem:$0x3FD9]  }
0x1: {  	s3 =	sld [smem:$0x3FFE];
	_ =	sdelay $0x1  }
0x2: {  	s1 =	srdreg.scid  }
0x3: {  	s0 =	sand.u32 $0x1, s1  }
0x4: {  	s18 =	sshll.u32 s0, $0xA;
	s2 =	sadd.s32 s3, s2  }
0x5: {  	s2 =	sadd.s32 s2, s18  }
0x6: {  	[smem:$0x3FC6] =	sst s2  }
0x7: {  	_ = 	snop  }
0x8: {  	s2 =	sld [smem:$0x3FD0];
	(tm) =	ssettm $0x1  }
0x9: {  	s19 =	sld [smem:$0x3FFB];
	_ =	sdelay $0x3  }
0xa: {  	_ =	strace s19  }
0xb: {  	s3 =	sld [smem:$0x3FFC];
	_ =	sdelay $0x3  }
0xc: {  	_ =	strace s3  }
0xd: {  	s3 =	sld [smem:$0x3FFD];
	_ =	sdelay $0x3  }
0xe: {  	_ =	strace s3  }
0xf: {  	_ =	strace $0x8FFFFFFF  }
0x10: {  	s20 =	sld [smem:$0x3FDB];
	_ =	sdelay $0x1  }
0x11: {  	s4 =	simm.s32 $_scs_section_size  }
0x12: {  	s5 =	simm.s32 $_size__tile_overlayer_lowered;
	s6 =	simm.s32 $_tile_overlayer_lowered  }
0x13: {  	s23 =	simm.s32 $0x1BFF;
	s22 =	sshll.u32 s6, $0x1;
	s3 =	sadd.s32 s4, s20  }
0x14: {  	s7 =	simm.s32 $0x0;
	s21 =	sshll.u32 s5, $0x1;
	s5 =	sadd.s32 s22, s3  }
0x15: {  	[timem:s7], [sflag:s23] =	dma.local [hbm:s5], s21  }
0x16: {  	_ =	swait.ge [sflag:s23], s21  }
0x17: {  	s4 =	ssub.s32 $0x0, s21;
	[sflag:s23] =	ssyncset.done $0x0  }
0x18: {  	[sflag:s23] =	ssyncadd.s32 s4;
	_ =	sdelay $0x1  }
0x19: {  	s24 =	simm.s32 $0x1B8B  }
0x1a: {  	_ =	swait.ge [sflag:s24], $0x1  }
0x1b: {  	[sflag:s24] =	ssyncset.done $0x0  }
0x1c: {  	s26 =	simm.s32 $0x1B8E;
	s25 =	sld [smem:$0x3FFE];
	[sflag:s24] =	ssyncadd.s32 $0xFFFFFFFF  }
0x1d: {  	s27 =	simm.s32 $execute0_lowered;
	[smem:$0x3FD2] =	sst s26  }
0x1e: {  	s5 =	sshll.u32 s27, $0x1;
	_ =	strace $0x80000049;
	[dreg:$0x1] =	wrdreg $0xFFFFFFFF  }
0x1f: {  	s28 =	simm.s32 $_size_execute0_lowered;
	s3 =	sadd.s32 s3, s5;
	[dreg:$0x0] =	wrdreg $0x0  }
0x20: {  	s5 =	sshll.u32 s28, $0x1;
	[dreg:$0x2] =	wrdreg s3  }
0x21: {  	[dreg:$0x3] =	wrdreg s5  }
0x22: {  	[dreg:$0x4] =	wrdreg $0xC0  }
0x23: {  	_ =	task [dreg:s7], $0x5FFFF  }
0x24: {  	[dreg:$0x1] =	wrdreg $0xFFFFFFFF  }
0x25: {  	[dreg:$0x0] =	wrdreg $0x60  }
0x26: {  	[dreg:$0x2] =	wrdreg s25  }
0x27: {  	[dreg:$0x3] =	wrdreg s2  }
0x28: {  	[dreg:$0x4] =	wrdreg $0x9  }
0x29: {  	_ =	task.clear_ibuf [dreg:s7], $0x5FFFF;
	_ =	strace $0x90000049  }
0x2a: {  	s29 =	simm.s32 $0x9;
	_ =	strace $0x8000004B  }
0x2b: {  	_ =	swait.ge [sflag:s29], $0x1  }
0x2c: {  	[sflag:s29] =	ssyncadd.s32 $0xFFFFFFFF  }
0x2d: {  	_ =	strace $0x9000004B  }
0x2e: {  	_ =	sfence  }
0x2f: {  	s30 =	sld [smem:$0x0];
	_ =	sdelay $0x2  }
0x30: {  	s31 =	sshll.u32 s1, $0xD;
	s1 =	sshrl.u32 s1, $0x2  }
0x31: {  	s3 =	sand.u32 $0x4000, s31;
	s1 =	sadd.s32 s1, s30  }
0x32: {  	s0 =	sor.u32 s3, s0;
	s1 =	sshll.u32 s1, $0x11  }
0x33: {  	s0 =	sor.u32 s1, s0  }
0x34: {  	s0 =	sadd.s32 $0x8F2B, s0  }
0x35: {  	[sflag:s0] =	ssyncadd.remote.s32 $0x1  }
0x36: {  	_ =	sfence.sel $0xFFFF  }
0x37: {  	[dreg:$0x0] =	wrdreg $0xFFFFFFFF;
	(pc) =	sbr.abs _section_cstart, $3  }
0x38: {  	[dreg:$0x1] =	wrdreg $0xFFFFFFFF  }
0x39: {  	_ =	task.clear_ibuf [dreg:s7], $0x2FFFF;
	_ =	strace $0x9FFFFFFF  }
0x3a: {  	(tm) =	ssettm $0x7FFFFFFF  }
0x3b: {  	_ =	shalt  }
tec
execute0_lowered:
.L_overlay_start_1:
0x0: {  	(tag) =	ssettag $0x1  }
0x1: {  	s0 =	srdreg.scid  }
0x2: {  	s1 =	sshll.u32 s0, $0x4  }
0x3: {  	s0 =	stileid.u32;
	s1 =	sand.u32 $0x10, s1  }
0x4: {  	s1 =	sor.u32 s0, s1  }
0x5: {  	s6 =	rddreg [dreg:$0x0];
	s4 =	simm.s32 $0x1;
	s2 =	sshll.u32 s1, $0x7  }
0x6: {  	s7 =	simm.s32 $0x2;
	s12 =	simm.s32 $0x0;
	s1 =	ssub.s32 $0x4000, s2  }
0x7: {  	s8 =	simm.s32 $0x20000;
	s13 =	simm.s32 $0x0;
	s3 =	sand.u32 $0xF80, s1  }
0x8: {  	s9 =	simm.s32 $0x0;
	s5 =	sshrl.u32 s1, $0xC;
	p0 =	sne.s32 s3, $0x0  }
.Ltmp0:
0x9: {  	s1 =	rddreg [dreg:$0x2];
	s4 =	simm.s32 @!p0 $0x0;
	(pc) =	sbr.rel .LBB1_1-.Ltmp0, $4  }
0xa: {  	s11 =	simm.s32 $0x0;
	s3 =	rddreg [dreg:$0x1];
	s5 =	sadd.s32 s4, s5  }
0xb: {  	_ =	strace $0x8000004A;
	s4 =	simm.s32 $0x1;
	s5 =	smul.u32 $0x32, s5  }
0xc: {  	s6 =	sadd.s32 $0xA00, s6;
	s10 =	smov.u32 s2;
	[sflag:s4] =	ssyncpa.u1 $0x0  }
0xd: {  	p0 =	por $0x0, $0x0;
	[sflag:s7] =	ssyncpa.u1 $0x0;
	s7 =	sor.u32 $0x1, s5  }
.LBB1_4:
0xe: {  	s16 =	sshll.u32 s13, $0x3;
	s17 =	sand.u32 $0x78, s13  }
0xf: {  	s30 =	sand.u32 $0xF800, s13;
	s12 =	sshll.u32 s12, $0x10;
	s16 =	sand.u32 $0x3C00, s16  }
0x10: {  	s31 =	sand.u32 $0x7, s13;
	s16 =	sor.u32 s17, s16;
	s17 =	sadd.s32 s3, s30  }
0x11: {  	s13 =	sshll.u32 s31, $0x12;
	s16 =	sshrl.u32 s16, $0x3;
	s12 =	sadd.s32 s12, s17  }
0x12: {  	[tilespmem:s15+$0x0 ss:$0x81] =	vst.msk $0xffff, v0;
	s13 =	sor.u32 $0x400, s13;
	s12 =	sadd.s32 s16, s12  }
0x13: {  	[hbm4b:s12+s13] =	stream.strided.scatter [tilespmem:s14], [sflag:$0x2], $0x1000, s8, s13, $0x20;
	[tilespmem:$0x4040] =	vst v63  }
.LBB1_5:
0x14: {  	s14 =	sadd.s32 $0x1, s9  }
0x15: {  	s12 =	sadd.s32 $0x1000, s10;
	s16 =	smov.u32 s10;
	p2 =	sgt.s32 s14, $0x31  }
0x16: {  	s16 =	smov.u32 @p2 s12  }
0x17: {  	s14 =	simm.s32 @p2 $0x0;
	p2 =	sgt.s32 s16, $0x3FFF  }
0x18: {  	s16 =	smov.u32 @p2 s2;
	p2 =	sne.s32 s11, s7  }
.Ltmp1:
0x19: {  	p1 =	slt.u32 s11, $0x2;
	(pc) =	sbr.rel @!p2 .LBB1_6-.Ltmp1, $4  }
0x1a: {  	s15 =	simm.s32 @!p1 $0x2  }
0x1b: {  	s13 =	smov.u32 s10;
	p0 =	por !p0, !p0;
	_ =	swait.ge @!p1 [sflag:s15], $0x1000  }
0x1c: {  	s12 =	smov.u32 s9;
	[sflag:s15] =	ssyncset.done @!p1 $0x0;
	s9 =	smov.u32 s14  }
0x1d: {  	s11 =	sadd.s32 $0x1, s11;
	[sflag:s15] =	ssyncadd.s32 @!p1 $0xFFFFF000;
	s10 =	smov.u32 s16  }
.LBB1_1:
0x1e: {  	p1 =	sge.u32 s11, s5  }
0x1f: {  	s14 =	sand.u32 @!p1 $0x1FFFFFF, s9  }
0x20: {  	s15 =	smulhi.u32 @!p1 $0x4924925, s14;
	_ =	sdelay $0x1  }
0x21: {  	s15 =	smul.u32 @!p1 $0x38, s15  }
0x22: {  	s16 =	sxor.u32 @!p1 $0xFFFFFFFF, s11;
	s17 =	smul.u32 @!p1 $0x380, s10  }
0x23: {  	s31 =	sadd.s32 $0xFFFFFFFF, s11;
	s16 =	sshll.u32 @!p1 s16, $0xC;
	s14 =	ssub.s32 @!p1 s14, s15  }
0x24: {  	s15 =	sand.u32 @!p1 $0x1000, s16;
	s16 =	sadd.s32 @!p1 s6, s17;
	s14 =	sshll.u32 @!p1 s14, $0x4  }
0x25: {  	s17 =	simm.s32 @!p1 $0x1C00;
	s14 =	sadd.s32 @!p1 s14, s16;
	s16 =	simm.s32 @!p1 $0x20  }
0x26: {  	[tilespmem:s15], [sflag:$0x1] =	stream.strided.gather @!p1 [hbm4b:s14+s16], $0x1000, s17, s16, $0x38;
	[tilespmem:$0x4040] =	vst v63  }
0x27: {  	p1 =	sge.u32 s31, s5  }
.Ltmp2:
0x28: {  	_ = 	snop;
	(pc) =	sbr.rel @p1 .LBB1_5-.Ltmp2, $1  }
0x29: {  	_ =	sdelay $0x3  }
0x2a: {  	s14 =	simm.s32 $0x1  }
0x2b: {  	_ =	swait.ge [sflag:s4], $0x1000;
	s14 =	simm.s32 @!p0 $0x0  }
0x2c: {  	[sflag:s4] =	ssyncset.done $0x0;
	s15 =	sshll.u32 s14, $0xC  }
0x2d: {  	[sflag:s4] =	ssyncadd.s32 $0xFFFFF000;
	s18 =	sor.u32 $0x10, s15  }
0x2e: {  	s14 =	smul.u32 $0x4080, s14;
	v1 =	vld [tilespmem:s18+$0x0]  }
0x2f: {  	s30 =	sand.u32 $0x1, s11;
	v0 =	vld [tilespmem:s18+$0xFFFFFFF0]  }
0x30: {  	s15 =	smul.u32 $0x4080, s30;
	s14 =	sshrl.u32 s14, $0x2  }
0x31: {  	s16 =	sor.u32 $0x2000, s14  }
0x32: {  	s31 =	sshrl.u32 s15, $0x2;
	s15 =	sadd.s32 $0x0, s16  }
0x33: {  	s17 =	simm.s32 $0x4;
	s18 =	sadd.s32 $0x20, s18;
	s14 =	sor.u32 $0x2000, s31;
	[tilespmem:s15+$0x810 ss:$0x81] =	vst.msk $0xffff, v1  }
.LBB1_3:
0x34: {  	v1 =	vld [tilespmem:s18+$0x0];
	p1 =	sne.s32 s17, $0x1FC;
	[tilespmem:s15+$0x0 ss:$0x81] =	vst.msk $0xffff, v0;
	s15 =	smov.u32 s17;
	s17 =	sadd.s32 $0x4, s17  }
.Ltmp3:
0x35: {  	v0 =	vld [tilespmem:s18+$0xFFFFFFF0];
	(pc) =	sbr.rel @p1 .LBB1_3-.Ltmp3, $4  }
0x36: {  	_ = 	snop  }
0x37: {  	s15 =	sshra.s32 s15, $0x2  }
0x38: {  	s15 =	sadd.s32 s15, s16  }
0x39: {  	s18 =	sadd.s32 $0x20, s18;
	[tilespmem:s15+$0x810 ss:$0x81] =	vst.msk $0xffff, v1  }
.Ltmp4:
0x3a: {  	_ = 	snop;
	(pc) =	sbr.rel .LBB1_4-.Ltmp4, $1  }
0x3b: {  	_ =	sdelay $0x3  }
.LBB1_6:
0x3c: {  	_ =	sfence.sel $0x180000  }
0x3d: {  	s2 =	simm.s32 $0x1;
	[bflag:$0x0] =	sbarrier.arrive $0xFFFF  }
0x3e: {  	s31 =	simm.s32 $0x2;
	[sflag:s2] =	ssyncpa.u1 $0x1  }
0x3f: {  	[sflag:s31] =	ssyncpa.u1 $0x1  }
0x40: {  	p0 =	sne.s32 s0, $0x0;
	_ =	strace $0x9000004A  }
0x41: {  	s0 =	sadd.s32 @!p0 $0x100000, s1;
	[bflag:$0x2] =	sbarrier.arrive $0xFFFF  }
0x42: {  	[sflag:s0] =	ssyncadd.tile.s32 @!p0 $0x1;
	_ =	shalt  }
.Lfunc_end1:
_tile_overlayer_lowered:
.L_overlay_start_2:
0x43: {  	(tag) =	ssettag $0x2  }
0x44: {  	s0 =	rddreg [dreg:$0x0];
	s2 =	stileid.u32  }
0x45: {  	s1 =	rddreg [dreg:$0x1];
	p0 =	sne.s32 s2, $0x0  }
0x46: {  	s3 =	rddreg [dreg:$0x2];
	[bflag:$0x3] =	sbarrier.arrive $0xFFFF;
	s2 =	simm.s32 @!p0 $0x1C01  }
0x47: {  	[timem:s3], [sflag:s2] =	dma.local @!p0 [hbm:s0], s1  }
0x48: {  	s0 =	simm.s32 @!p0 $0x1  }
0x49: {  	_ =	swait.ge @!p0 [sflag:s0], s1  }
0x4a: {  	s1 =	ssub.s32 @!p0 $0x0, s1;
	[sflag:s0] =	ssyncset.done @!p0 $0x0  }
0x4b: {  	[sflag:s0] =	ssyncadd.s32 @!p0 s1  }
0x4c: {  	[bflag:$0x3] =	sbarrier.arrive $0xFFFF  }
0x4d: {  	_ =	shalt  }

</sc_bundles>
